<compile_context>
chip_gen: v7x
topology: tpu7x:2x2x1
jax: 0.10.2.dev20260603
libtpu: 0.0.44.dev20260713+nightly
codegen_flags: <defaults>
</compile_context>

<pallas_src>
import functools

import jax
import jax.numpy as jnp
from jax import lax
from jax.experimental import pallas as pl
from jax.experimental.pallas import tpu as pltpu
from jax.experimental.pallas import tpu_sc as plsc

NC, NS, LANES = 2, 16, 16
ZR = 16


def _npad(n):
    step = NS * ZR
    return ((n + step - 1) // step) * step


def _sc_mesh():
    return plsc.VectorSubcoreMesh(
        core_axis_name="c", subcore_axis_name="s",
        num_cores=NC, num_subcores=NS)


def _make_deg_kernel(n, e):
    nw = NC * NS
    e_tile = e // nw
    npd = _npad(n)

    @functools.partial(
        pl.kernel,
        out_type=jax.ShapeDtypeStruct((nw, npd), jnp.float32),
        mesh=_sc_mesh(),
        compiler_params=pltpu.CompilerParams(needs_layout_passes=False),
        scratch_types=[
            pltpu.VMEM((e_tile,), jnp.int32),
            pltpu.VMEM((npd,), jnp.float32),
        ])
    def deg_kernel(dst_hbm, out_hbm, idx_v, hist_v):
        c = lax.axis_index("c")
        s = lax.axis_index("s")
        wid = c * NS + s
        base = wid * e_tile
        pltpu.sync_copy(dst_hbm.at[pl.ds(base, e_tile)], idx_v)

        def initz(i, carry):
            hist_v[pl.ds(i * LANES, LANES)] = jnp.zeros((LANES,),
                                                        jnp.float32)
            return carry
        lax.fori_loop(0, npd // LANES, initz, None)
        ones = jnp.ones((LANES,), jnp.float32)

        def body(i, carry):
            idx = idx_v[pl.ds(i * LANES, LANES)]
            plsc.addupdate_scatter(hist_v, [idx], ones)
            return carry
        lax.fori_loop(0, e_tile // LANES, body, None)
        pltpu.sync_copy(hist_v, out_hbm.at[wid])

    return deg_kernel


_NB = 5
_ACH = 40


def _make_agg_kernel(n, e, d):
    e_sc, e_tile = e // NC, e // (NC * NS)
    nch = e_tile // _ACH
    ngroups = nch // _NB
    npd = _npad(n)
    rpt = npd // NS
    nz = rpt // ZR
    nvec = d // LANES

    @functools.partial(
        pl.kernel,
        out_type=jax.ShapeDtypeStruct((NC, npd, d), jnp.float32),
        mesh=_sc_mesh(),
        scratch_types=[
            pltpu.VMEM((e_tile,), jnp.int32),
            [pltpu.VMEM((_ACH,), jnp.int32) for _ in range(_NB)],
            [pltpu.VMEM((_ACH, d), jnp.float32) for _ in range(_NB)],
            pltpu.VMEM((ZR, d), jnp.float32),
            pltpu.VMEM_SHARED((npd, d), jnp.float32),
            pltpu.SemaphoreType.DMA((_NB,)),
            pltpu.SemaphoreType.DMA((_NB,)),
            pltpu.SemaphoreType.DMA,
        ])
    def agg_kernel(y_hbm, src_hbm, dst_hbm, out_hbm,
                   srcall_v, dring, rows, zero_v, acc_sh, dsem, gsem,
                   zsem):
        c = lax.axis_index("c")
        s = lax.axis_index("s")
        base = c * e_sc + s * e_tile

        pltpu.sync_copy(src_hbm.at[pl.ds(base, e_tile)], srcall_v)

        def issue(j, b):
            off = pl.multiple_of(base + j * _ACH, 8)
            pltpu.async_copy(dst_hbm.at[pl.ds(off, _ACH)], dring[b],
                             dsem.at[b])
            idx = srcall_v.at[pl.ds(j * _ACH, _ACH)]
            pltpu.async_copy(y_hbm.at[idx], rows[b], gsem.at[b])

        def drain_and_scatter(j, b):
            off = pl.multiple_of(base + j * _ACH, 8)
            pltpu.make_async_copy(dst_hbm.at[pl.ds(off, _ACH)], dring[b],
                                  dsem.at[b]).wait()
            idx = srcall_v.at[pl.ds(j * _ACH, _ACH)]
            pltpu.make_async_copy(y_hbm.at[idx], rows[b],
                                  gsem.at[b]).wait()
            pltpu.sync_copy(rows[b], acc_sh.at[dring[b]], add=True)

        for b in range(_NB):
            issue(b, b)

        def initz(i, carry):
            for q in range(nvec):
                zero_v[i, pl.ds(q * LANES, LANES)] = (
                    jnp.zeros((LANES,), jnp.float32))
            return carry
        lax.fori_loop(0, ZR, initz, None)

        r0 = s * rpt
        for q in range(nz):
            pltpu.async_copy(zero_v, acc_sh.at[pl.ds(r0 + q * ZR, ZR)],
                             zsem)
        for q in range(nz):
            pltpu.make_async_copy(zero_v,
                                  acc_sh.at[pl.ds(r0 + q * ZR, ZR)],
                                  zsem).wait()
        plsc.subcore_barrier()

        def group(t, carry):
            j0 = t * _NB
            for b in range(_NB):
                drain_and_scatter(j0 + b, b)
                issue(j0 + b + _NB, b)
            return carry
        lax.fori_loop(0, ngroups - 1, group, None)
        for b in range(_NB):
            drain_and_scatter((ngroups - 1) * _NB + b, b)
        for j in range(ngroups * _NB, nch):
            issue(j, 0)
            drain_and_scatter(j, 0)

        plsc.subcore_barrier()
        pltpu.sync_copy(acc_sh.at[pl.ds(r0, rpt)],
                        out_hbm.at[c, pl.ds(r0, rpt)])

    return agg_kernel



_BR = 1024


def _split_body(ei_ref, src_ref, dst_ref):
    ei = ei_ref[...]
    src_ref[...] = ei[0]
    dst_ref[...] = ei[1]


def _split(ei):
    e = ei.shape[1]
    return pl.pallas_call(
        _split_body,
        out_shape=[jax.ShapeDtypeStruct((e,), jnp.int32),
                   jax.ShapeDtypeStruct((e,), jnp.int32)],
    )(ei)


def _mm_body(x_ref, w_ref, o_ref):
    o_ref[...] = jnp.dot(x_ref[...], w_ref[...],
                         preferred_element_type=jnp.float32)


def _matmul(x, w):
    n, k = x.shape
    m = w.shape[1]
    return pl.pallas_call(
        _mm_body,
        grid=(pl.cdiv(n, _BR),),
        in_specs=[pl.BlockSpec((_BR, k), lambda i: (i, 0)),
                  pl.BlockSpec((k, m), lambda i: (0, 0))],
        out_specs=pl.BlockSpec((_BR, m), lambda i: (i, 0)),
        out_shape=jax.ShapeDtypeStruct((n, m), jnp.float32),
    )(x, w)


def _scale_body(xw_ref, degp_ref, y_ref, dinv_ref):
    deg = jnp.sum(degp_ref[...], axis=0).reshape(-1, 1) + 1.0
    dinv = lax.rsqrt(deg)
    dinv_ref[...] = dinv
    y_ref[...] = dinv * xw_ref[...]


def _scale(xw, degp):
    n, m = xw.shape
    npd = degp.shape[1]
    return pl.pallas_call(
        _scale_body,
        grid=(pl.cdiv(npd, _BR),),
        in_specs=[pl.BlockSpec((_BR, m), lambda i: (i, 0)),
                  pl.BlockSpec((NC * NS, _BR), lambda i: (0, i))],
        out_specs=[pl.BlockSpec((_BR, m), lambda i: (i, 0)),
                   pl.BlockSpec((_BR, 1), lambda i: (i, 0))],
        out_shape=[jax.ShapeDtypeStruct((n, m), jnp.float32),
                   jax.ShapeDtypeStruct((npd, 1), jnp.float32)],
    )(xw, degp)


def _mid_body(agg_ref, y1_ref, dinv_ref, b1_ref, o_ref):
    dinv = dinv_ref[...]
    a = agg_ref[...]
    pre = dinv * (a[0] + a[1] + y1_ref[...]) + b1_ref[...]
    o_ref[...] = dinv * jnp.maximum(pre, 0.0)


def _mid(agg1, y1, dinv, b1):
    n, d = y1.shape
    return pl.pallas_call(
        _mid_body,
        grid=(pl.cdiv(n, _BR),),
        in_specs=[pl.BlockSpec((NC, _BR, d), lambda i: (0, i, 0)),
                  pl.BlockSpec((_BR, d), lambda i: (i, 0)),
                  pl.BlockSpec((_BR, 1), lambda i: (i, 0)),
                  pl.BlockSpec((1, d), lambda i: (0, 0))],
        out_specs=pl.BlockSpec((_BR, d), lambda i: (i, 0)),
        out_shape=jax.ShapeDtypeStruct((n, d), jnp.float32),
    )(agg1, y1, dinv, b1)


def _final_body(agg_ref, y2_ref, dinv_ref, w2_ref, b2_ref, o_ref):
    dinv = dinv_ref[...]
    a = agg_ref[...]
    t = a[0] + a[1] + y2_ref[...]
    o_ref[...] = dinv * jnp.dot(t, w2_ref[...],
                                preferred_element_type=jnp.float32) \
        + b2_ref[...]


def _final(agg2, y2, dinv, w2, b2):
    n, d = y2.shape
    m = w2.shape[1]
    return pl.pallas_call(
        _final_body,
        grid=(pl.cdiv(n, _BR),),
        in_specs=[pl.BlockSpec((NC, _BR, d), lambda i: (0, i, 0)),
                  pl.BlockSpec((_BR, d), lambda i: (i, 0)),
                  pl.BlockSpec((_BR, 1), lambda i: (i, 0)),
                  pl.BlockSpec((d, m), lambda i: (0, 0)),
                  pl.BlockSpec((1, m), lambda i: (0, 0))],
        out_specs=pl.BlockSpec((_BR, m), lambda i: (i, 0)),
        out_shape=jax.ShapeDtypeStruct((n, m), jnp.float32),
    )(agg2, y2, dinv, w2, b2)


def kernel(x, edge_index, W1, b1, W2, b2):
    n = x.shape[0]
    e = edge_index.shape[1]
    src, dst = _split(edge_index.astype(jnp.int32))

    degp = _make_deg_kernel(n, e)(dst)
    xw1 = _matmul(x, W1)
    y1, dinv = _scale(xw1, degp)
    agg1 = _make_agg_kernel(n, e, y1.shape[1])(y1, src, dst)
    y2 = _mid(agg1, y1, dinv, b1.reshape(1, -1))
    agg2 = _make_agg_kernel(n, e, y2.shape[1])(y2, src, dst)
    return _final(agg2, y2, dinv, W2, b2.reshape(1, -1))

# --- scband reference (transcript-rebuilt; emitter-appended) ---
"""Pipeline reference for scband-gcn-46076409151713 (READ-ONLY COPY).

The authoritative reference and input builder live on the scoring server;
editing this copy changes nothing except your own understanding.
"""

import jax, jax.numpy as jnp
import numpy as np

N_NODES = 10000
N_EDGES = 320000
D_IN = 128
D_HID = 128
D_OUT = 64

def setup_inputs(seed: int = 0) -> dict:
    key = jax.random.key(seed)
    k1, k2, k3, k4, k5, k6 = jax.random.split(key, 6)
    x = jax.random.normal(k1, (N_NODES, D_IN), dtype=jnp.float32)
    edge_index = jax.random.randint(k2, (2, N_EDGES), 0, N_NODES, dtype=jnp.int64)
    # GCNConv params (glorot-style init)
    s1 = 1.0 / np.sqrt(D_IN)
    s2 = 1.0 / np.sqrt(D_HID)
    W1 = jax.random.uniform(k3, (D_IN, D_HID), dtype=jnp.float32, minval=-s1, maxval=s1)
    b1 = jnp.zeros((D_HID,), dtype=jnp.float32)
    W2 = jax.random.uniform(k4, (D_HID, D_OUT), dtype=jnp.float32, minval=-s2, maxval=s2)
    b2 = jnp.zeros((D_OUT,), dtype=jnp.float32)
    return {"x": x, "edge_index": edge_index, "W1": W1, "b1": b1, "W2": W2, "b2": b2}

def _gcn_conv(x, W, b, src, dst, num_nodes):
    # x' = D^{-1/2} (A + I) D^{-1/2} X W + b  (self-loops already appended to src/dst)
    xw = x @ W
    deg = jnp.zeros((num_nodes,), dtype=xw.dtype).at[dst].add(1.0)
    dinv = jnp.where(deg > 0, jax.lax.rsqrt(jnp.maximum(deg, 1.0)), 0.0)
    norm = dinv[src] * dinv[dst]
    msg = jnp.take(xw, src, axis=0) * norm[:, None]
    out = jnp.zeros((num_nodes, xw.shape[1]), dtype=xw.dtype).at[dst].add(msg)
    return out + b

def reference(x, edge_index, W1, b1, W2, b2):
    num_nodes = x.shape[0]
    loop = jnp.arange(num_nodes, dtype=edge_index.dtype)
    src = jnp.concatenate([edge_index[0], loop])
    dst = jnp.concatenate([edge_index[1], loop])
    # layer 1 + activation (dropout is identity in eval mode)
    h = _gcn_conv(x, W1, b1, src, dst, num_nodes)
    h = jax.nn.relu(h)
    # final layer
    out = _gcn_conv(h, W2, b2, src, dst, num_nodes)
    return out

if __name__ == "__main__":
    import jax
    _d = setup_inputs()
    print(jax.jit(kernel)(*tuple(_d.values())))

</pallas_src>

<mosaic_0001>
#map = affine_map<(d0, d1) -> (0, 0)>
#map1 = affine_map<(d0, d1) -> (0)>
#map2 = affine_map<(d0, d1) -> (0, 0, 0)>
module attributes {stable_mosaic.version = 14 : i64} {
  func.func @agg_kernel(%arg0: i32, %arg1: i32, %arg2: memref<10000x128xf32, #tpu.memory_space<hbm>>, %arg3: memref<320000xi32, #tpu.memory_space<hbm>>, %arg4: memref<320000xi32, #tpu.memory_space<hbm>>, %arg5: memref<2x10240x128xf32, #tpu.memory_space<hbm>>, %arg6: memref<10000xi32, #tpu.memory_space<vmem>>, %arg7: memref<40xi32, #tpu.memory_space<vmem>>, %arg8: memref<40xi32, #tpu.memory_space<vmem>>, %arg9: memref<40xi32, #tpu.memory_space<vmem>>, %arg10: memref<40xi32, #tpu.memory_space<vmem>>, %arg11: memref<40xi32, #tpu.memory_space<vmem>>, %arg12: memref<40x128xf32, #tpu.memory_space<vmem>>, %arg13: memref<40x128xf32, #tpu.memory_space<vmem>>, %arg14: memref<40x128xf32, #tpu.memory_space<vmem>>, %arg15: memref<40x128xf32, #tpu.memory_space<vmem>>, %arg16: memref<40x128xf32, #tpu.memory_space<vmem>>, %arg17: memref<16x128xf32, #tpu.memory_space<vmem>>, %arg18: memref<10240x128xf32, #tpu.memory_space<vmem_shared>>, %arg19: memref<5x!tpu.dma_semaphore, #tpu.memory_space<semaphore_mem>>, %arg20: memref<5x!tpu.dma_semaphore, #tpu.memory_space<semaphore_mem>>, %arg21: memref<!tpu.dma_semaphore, #tpu.memory_space<semaphore_mem>>) attributes {dimension_semantics = [#tpu.dimension_semantics<core_parallel>, #tpu.dimension_semantics<subcore_parallel>], iteration_bounds = array<i64: 2, 16>, scalar_prefetch = 0 : i64, scratch_operands = 16 : i64, tpu.core_type = #tpu.core_type<sc_vector_subcore>, window_params = [{transform_indices = #map}, {transform_indices = #map1}, {transform_indices = #map1}, {transform_indices = #map2}]} {
    %mul3A = arith.constant 160000 : i32
    %mul3A_0 = arith.muli %arg0, %mul3A : i32
    %mul3A_1 = arith.constant 10000 : i32
    %mul3A_2 = arith.muli %arg1, %mul3A_1 : i32
    %add3A = arith.addi %mul3A_0, %mul3A_2 : i32
    "tpu.region"() ({
      %run_scoped3A = tpu.sem_alloc : memref<!tpu.dma_semaphore, #tpu.memory_space<semaphore_mem>>
      %dma_start3A_652 = tpu.memref_slice %arg3[%add3A] : memref<320000xi32, #tpu.memory_space<hbm>> -> memref<10000xi32, #tpu.memory_space<hbm>>
      %dma_start3A_653 = tpu.memref_slice %arg3[%add3A] : memref<320000xi32, #tpu.memory_space<hbm>> -> memref<10000xi32, #tpu.memory_space<hbm>>
      tpu.enqueue_dma source(%dma_start3A_653 : memref<10000xi32, #tpu.memory_space<hbm>>) target(%arg6 : memref<10000xi32, #tpu.memory_space<vmem>>) target_semaphore(%run_scoped3A : memref<!tpu.dma_semaphore, #tpu.memory_space<semaphore_mem>>)
      %dma_wait3A_654 = tpu.memref_slice %arg3[%add3A] : memref<320000xi32, #tpu.memory_space<hbm>> -> memref<10000xi32, #tpu.memory_space<hbm>>
      %dma_wait3A_655 = tpu.memref_slice %arg3[%add3A] : memref<320000xi32, #tpu.memory_space<hbm>> -> memref<10000xi32, #tpu.memory_space<hbm>>
      tpu.wait_dma2 semaphore(%run_scoped3A : memref<!tpu.dma_semaphore, #tpu.memory_space<semaphore_mem>>) src(%dma_wait3A_655 : memref<10000xi32, #tpu.memory_space<hbm>>) dst(%arg6 : memref<10000xi32, #tpu.memory_space<vmem>>)
      tpu.yield
    }) : () -> ()
    %add3A_3 = arith.constant 0 : i32
    %add3A_4 = arith.addi %add3A, %add3A_3 : i32
    %multiple_of3A = tpu.assume_multiple %add3A_4, 8 : i32
    %dma_start3A = arith.constant 0 : i32
    %dma_start3A_5 = tpu.memref_slice %arg4[%multiple_of3A] : memref<320000xi32, #tpu.memory_space<hbm>> -> memref<40xi32, #tpu.memory_space<hbm>>
    %dma_start3A_6 = tpu.memref_slice %arg19[%dma_start3A] : memref<5x!tpu.dma_semaphore, #tpu.memory_space<semaphore_mem>> -> memref<1x!tpu.dma_semaphore, #tpu.memory_space<semaphore_mem>>
    %dma_start3A_7 = tpu.memref_squeeze %dma_start3A_6 : memref<1x!tpu.dma_semaphore, #tpu.memory_space<semaphore_mem>> -> memref<!tpu.dma_semaphore, #tpu.memory_space<semaphore_mem>>
    %dma_start3A_8 = tpu.memref_slice %arg4[%multiple_of3A] : memref<320000xi32, #tpu.memory_space<hbm>> -> memref<40xi32, #tpu.memory_space<hbm>>
    tpu.enqueue_dma source(%dma_start3A_8 : memref<40xi32, #tpu.memory_space<hbm>>) target(%arg7 : memref<40xi32, #tpu.memory_space<vmem>>) target_semaphore(%dma_start3A_7 : memref<!tpu.dma_semaphore, #tpu.memory_space<semaphore_mem>>)
    %dma_start3A_9 = arith.constant 0 : i32
    %dma_start3A_10 = arith.constant 0 : i32
    %dma_start3A_11 = tpu.memref_slice %arg6[%dma_start3A_10] : memref<10000xi32, #tpu.memory_space<vmem>> -> memref<40xi32, #tpu.memory_space<vmem>>
    %dma_start3A_12 = arith.constant 0 : i32
    %dma_start3A_13 = arith.constant 0 : i32
    %dma_start3A_14 = tpu.memref_slice %arg2[%dma_start3A_12, %dma_start3A_13] : memref<10000x128xf32, #tpu.memory_space<hbm>> -> memref<10000x128xf32, #tpu.memory_space<hbm>>
    %dma_start3A_15 = tpu.memref_slice %arg20[%dma_start3A_9] : memref<5x!tpu.dma_semaphore, #tpu.memory_space<semaphore_mem>> -> memref<1x!tpu.dma_semaphore, #tpu.memory_space<semaphore_mem>>
    %dma_start3A_16 = tpu.memref_squeeze %dma_start3A_15 : memref<1x!tpu.dma_semaphore, #tpu.memory_space<semaphore_mem>> -> memref<!tpu.dma_semaphore, #tpu.memory_space<semaphore_mem>>
    tpu.enqueue_indirect_dma source(%dma_start3A_14 : memref<10000x128xf32, #tpu.memory_space<hbm>>) target(%arg12 : memref<40x128xf32, #tpu.memory_space<vmem>>) offsets(%dma_start3A_11 : memref<40xi32, #tpu.memory_space<vmem>>) semaphore(%dma_start3A_16 : memref<!tpu.dma_semaphore, #tpu.memory_space<semaphore_mem>>)
    %add3A_17 = arith.constant 40 : i32
    %add3A_18 = arith.addi %add3A, %add3A_17 : i32
    %multiple_of3A_19 = tpu.assume_multiple %add3A_18, 8 : i32
    %dma_start3A_20 = arith.constant 1 : i32
    %dma_start3A_21 = tpu.memref_slice %arg4[%multiple_of3A_19] : memref<320000xi32, #tpu.memory_space<hbm>> -> memref<40xi32, #tpu.memory_space<hbm>>
    %dma_start3A_22 = tpu.memref_slice %arg19[%dma_start3A_20] : memref<5x!tpu.dma_semaphore, #tpu.memory_space<semaphore_mem>> -> memref<1x!tpu.dma_semaphore, #tpu.memory_space<semaphore_mem>>
    %dma_start3A_23 = tpu.memref_squeeze %dma_start3A_22 : memref<1x!tpu.dma_semaphore, #tpu.memory_space<semaphore_mem>> -> memref<!tpu.dma_semaphore, #tpu.memory_space<semaphore_mem>>
    %dma_start3A_24 = tpu.memref_slice %arg4[%multiple_of3A_19] : memref<320000xi32, #tpu.memory_space<hbm>> -> memref<40xi32, #tpu.memory_space<hbm>>
    tpu.enqueue_dma source(%dma_start3A_24 : memref<40xi32, #tpu.memory_space<hbm>>) target(%arg8 : memref<40xi32, #tpu.memory_space<vmem>>) target_semaphore(%dma_start3A_23 : memref<!tpu.dma_semaphore, #tpu.memory_space<semaphore_mem>>)
    %dma_start3A_25 = arith.constant 1 : i32
    %dma_start3A_26 = arith.constant 40 : i32
    %dma_start3A_27 = tpu.memref_slice %arg6[%dma_start3A_26] : memref<10000xi32, #tpu.memory_space<vmem>> -> memref<40xi32, #tpu.memory_space<vmem>>
    %dma_start3A_28 = arith.constant 0 : i32
    %dma_start3A_29 = arith.constant 0 : i32
    %dma_start3A_30 = tpu.memref_slice %arg2[%dma_start3A_28, %dma_start3A_29] : memref<10000x128xf32, #tpu.memory_space<hbm>> -> memref<10000x128xf32, #tpu.memory_space<hbm>>
    %dma_start3A_31 = tpu.memref_slice %arg20[%dma_start3A_25] : memref<5x!tpu.dma_semaphore, #tpu.memory_space<semaphore_mem>> -> memref<1x!tpu.dma_semaphore, #tpu.memory_space<semaphore_mem>>
    %dma_start3A_32 = tpu.memref_squeeze %dma_start3A_31 : memref<1x!tpu.dma_semaphore, #tpu.memory_space<semaphore_mem>> -> memref<!tpu.dma_semaphore, #tpu.memory_space<semaphore_mem>>
    tpu.enqueue_indirect_dma source(%dma_start3A_30 : memref<10000x128xf32, #tpu.memory_space<hbm>>) target(%arg13 : memref<40x128xf32, #tpu.memory_space<vmem>>) offsets(%dma_start3A_27 : memref<40xi32, #tpu.memory_space<vmem>>) semaphore(%dma_start3A_32 : memref<!tpu.dma_semaphore, #tpu.memory_space<semaphore_mem>>)
    %add3A_33 = arith.constant 80 : i32
    %add3A_34 = arith.addi %add3A, %add3A_33 : i32
    %multiple_of3A_35 = tpu.assume_multiple %add3A_34, 8 : i32
    %dma_start3A_36 = arith.constant 2 : i32
    %dma_start3A_37 = tpu.memref_slice %arg4[%multiple_of3A_35] : memref<320000xi32, #tpu.memory_space<hbm>> -> memref<40xi32, #tpu.memory_space<hbm>>
    %dma_start3A_38 = tpu.memref_slice %arg19[%dma_start3A_36] : memref<5x!tpu.dma_semaphore, #tpu.memory_space<semaphore_mem>> -> memref<1x!tpu.dma_semaphore, #tpu.memory_space<semaphore_mem>>
    %dma_start3A_39 = tpu.memref_squeeze %dma_start3A_38 : memref<1x!tpu.dma_semaphore, #tpu.memory_space<semaphore_mem>> -> memref<!tpu.dma_semaphore, #tpu.memory_space<semaphore_mem>>
    %dma_start3A_40 = tpu.memref_slice %arg4[%multiple_of3A_35] : memref<320000xi32, #tpu.memory_space<hbm>> -> memref<40xi32, #tpu.memory_space<hbm>>
    tpu.enqueue_dma source(%dma_start3A_40 : memref<40xi32, #tpu.memory_space<hbm>>) target(%arg9 : memref<40xi32, #tpu.memory_space<vmem>>) target_semaphore(%dma_start3A_39 : memref<!tpu.dma_semaphore, #tpu.memory_space<semaphore_mem>>)
    %dma_start3A_41 = arith.constant 2 : i32
    %dma_start3A_42 = arith.constant 80 : i32
    %dma_start3A_43 = tpu.memref_slice %arg6[%dma_start3A_42] : memref<10000xi32, #tpu.memory_space<vmem>> -> memref<40xi32, #tpu.memory_space<vmem>>
    %dma_start3A_44 = arith.constant 0 : i32
    %dma_start3A_45 = arith.constant 0 : i32
    %dma_start3A_46 = tpu.memref_slice %arg2[%dma_start3A_44, %dma_start3A_45] : memref<10000x128xf32, #tpu.memory_space<hbm>> -> memref<10000x128xf32, #tpu.memory_space<hbm>>
    %dma_start3A_47 = tpu.memref_slice %arg20[%dma_start3A_41] : memref<5x!tpu.dma_semaphore, #tpu.memory_space<semaphore_mem>> -> memref<1x!tpu.dma_semaphore, #tpu.memory_space<semaphore_mem>>
    %dma_start3A_48 = tpu.memref_squeeze %dma_start3A_47 : memref<1x!tpu.dma_semaphore, #tpu.memory_space<semaphore_mem>> -> memref<!tpu.dma_semaphore, #tpu.memory_space<semaphore_mem>>
    tpu.enqueue_indirect_dma source(%dma_start3A_46 : memref<10000x128xf32, #tpu.memory_space<hbm>>) target(%arg14 : memref<40x128xf32, #tpu.memory_space<vmem>>) offsets(%dma_start3A_43 : memref<40xi32, #tpu.memory_space<vmem>>) semaphore(%dma_start3A_48 : memref<!tpu.dma_semaphore, #tpu.memory_space<semaphore_mem>>)
    %add3A_49 = arith.constant 120 : i32
    %add3A_50 = arith.addi %add3A, %add3A_49 : i32
    %multiple_of3A_51 = tpu.assume_multiple %add3A_50, 8 : i32
    %dma_start3A_52 = arith.constant 3 : i32
    %dma_start3A_53 = tpu.memref_slice %arg4[%multiple_of3A_51] : memref<320000xi32, #tpu.memory_space<hbm>> -> memref<40xi32, #tpu.memory_space<hbm>>
    %dma_start3A_54 = tpu.memref_slice %arg19[%dma_start3A_52] : memref<5x!tpu.dma_semaphore, #tpu.memory_space<semaphore_mem>> -> memref<1x!tpu.dma_semaphore, #tpu.memory_space<semaphore_mem>>
    %dma_start3A_55 = tpu.memref_squeeze %dma_start3A_54 : memref<1x!tpu.dma_semaphore, #tpu.memory_space<semaphore_mem>> -> memref<!tpu.dma_semaphore, #tpu.memory_space<semaphore_mem>>
    %dma_start3A_56 = tpu.memref_slice %arg4[%multiple_of3A_51] : memref<320000xi32, #tpu.memory_space<hbm>> -> memref<40xi32, #tpu.memory_space<hbm>>
    tpu.enqueue_dma source(%dma_start3A_56 : memref<40xi32, #tpu.memory_space<hbm>>) target(%arg10 : memref<40xi32, #tpu.memory_space<vmem>>) target_semaphore(%dma_start3A_55 : memref<!tpu.dma_semaphore, #tpu.memory_space<semaphore_mem>>)
    %dma_start3A_57 = arith.constant 3 : i32
    %dma_start3A_58 = arith.constant 120 : i32
    %dma_start3A_59 = tpu.memref_slice %arg6[%dma_start3A_58] : memref<10000xi32, #tpu.memory_space<vmem>> -> memref<40xi32, #tpu.memory_space<vmem>>
    %dma_start3A_60 = arith.constant 0 : i32
    %dma_start3A_61 = arith.constant 0 : i32
    %dma_start3A_62 = tpu.memref_slice %arg2[%dma_start3A_60, %dma_start3A_61] : memref<10000x128xf32, #tpu.memory_space<hbm>> -> memref<10000x128xf32, #tpu.memory_space<hbm>>
    %dma_start3A_63 = tpu.memref_slice %arg20[%dma_start3A_57] : memref<5x!tpu.dma_semaphore, #tpu.memory_space<semaphore_mem>> -> memref<1x!tpu.dma_semaphore, #tpu.memory_space<semaphore_mem>>
    %dma_start3A_64 = tpu.memref_squeeze %dma_start3A_63 : memref<1x!tpu.dma_semaphore, #tpu.memory_space<semaphore_mem>> -> memref<!tpu.dma_semaphore, #tpu.memory_space<semaphore_mem>>
    tpu.enqueue_indirect_dma source(%dma_start3A_62 : memref<10000x128xf32, #tpu.memory_space<hbm>>) target(%arg15 : memref<40x128xf32, #tpu.memory_space<vmem>>) offsets(%dma_start3A_59 : memref<40xi32, #tpu.memory_space<vmem>>) semaphore(%dma_start3A_64 : memref<!tpu.dma_semaphore, #tpu.memory_space<semaphore_mem>>)
    %add3A_65 = arith.constant 160 : i32
    %add3A_66 = arith.addi %add3A, %add3A_65 : i32
    %multiple_of3A_67 = tpu.assume_multiple %add3A_66, 8 : i32
    %dma_start3A_68 = arith.constant 4 : i32
    %dma_start3A_69 = tpu.memref_slice %arg4[%multiple_of3A_67] : memref<320000xi32, #tpu.memory_space<hbm>> -> memref<40xi32, #tpu.memory_space<hbm>>
    %dma_start3A_70 = tpu.memref_slice %arg19[%dma_start3A_68] : memref<5x!tpu.dma_semaphore, #tpu.memory_space<semaphore_mem>> -> memref<1x!tpu.dma_semaphore, #tpu.memory_space<semaphore_mem>>
    %dma_start3A_71 = tpu.memref_squeeze %dma_start3A_70 : memref<1x!tpu.dma_semaphore, #tpu.memory_space<semaphore_mem>> -> memref<!tpu.dma_semaphore, #tpu.memory_space<semaphore_mem>>
    %dma_start3A_72 = tpu.memref_slice %arg4[%multiple_of3A_67] : memref<320000xi32, #tpu.memory_space<hbm>> -> memref<40xi32, #tpu.memory_space<hbm>>
    tpu.enqueue_dma source(%dma_start3A_72 : memref<40xi32, #tpu.memory_space<hbm>>) target(%arg11 : memref<40xi32, #tpu.memory_space<vmem>>) target_semaphore(%dma_start3A_71 : memref<!tpu.dma_semaphore, #tpu.memory_space<semaphore_mem>>)
    %dma_start3A_73 = arith.constant 4 : i32
    %dma_start3A_74 = arith.constant 160 : i32
    %dma_start3A_75 = tpu.memref_slice %arg6[%dma_start3A_74] : memref<10000xi32, #tpu.memory_space<vmem>> -> memref<40xi32, #tpu.memory_space<vmem>>
    %dma_start3A_76 = arith.constant 0 : i32
    %dma_start3A_77 = arith.constant 0 : i32
    %dma_start3A_78 = tpu.memref_slice %arg2[%dma_start3A_76, %dma_start3A_77] : memref<10000x128xf32, #tpu.memory_space<hbm>> -> memref<10000x128xf32, #tpu.memory_space<hbm>>
    %dma_start3A_79 = tpu.memref_slice %arg20[%dma_start3A_73] : memref<5x!tpu.dma_semaphore, #tpu.memory_space<semaphore_mem>> -> memref<1x!tpu.dma_semaphore, #tpu.memory_space<semaphore_mem>>
    %dma_start3A_80 = tpu.memref_squeeze %dma_start3A_79 : memref<1x!tpu.dma_semaphore, #tpu.memory_space<semaphore_mem>> -> memref<!tpu.dma_semaphore, #tpu.memory_space<semaphore_mem>>
    tpu.enqueue_indirect_dma source(%dma_start3A_78 : memref<10000x128xf32, #tpu.memory_space<hbm>>) target(%arg16 : memref<40x128xf32, #tpu.memory_space<vmem>>) offsets(%dma_start3A_75 : memref<40xi32, #tpu.memory_space<vmem>>) semaphore(%dma_start3A_80 : memref<!tpu.dma_semaphore, #tpu.memory_space<semaphore_mem>>)
    %scan3A = arith.constant 0 : i32
    %scan3A_81 = arith.constant 16 : i32
    %scan3A_82 = arith.addi %scan3A, %scan3A_81 : i32
    %scan3A_83 = arith.constant 1 : i32
    scf.for %scan3A_652 = %scan3A to %scan3A_82 step %scan3A_83  : i32 {
      %broadcast_in_dim3A = arith.constant 0.000000e+00 : f32
      %broadcast_in_dim3A_653 = vector.broadcast %broadcast_in_dim3A : f32 to vector<16xf32>
      %swap3A = arith.index_cast %scan3A_652 : i32 to index
      %swap3A_654 = arith.constant 0 : index
      %swap3A_655 = tpu.vector_load %arg17[%swap3A, %swap3A_654] {strides = array<i32>} : memref<16x128xf32, #tpu.memory_space<vmem>>, vector<1x16xf32>,
      %swap3A_656 = vector.shape_cast %swap3A_655 : vector<1x16xf32> to vector<16xf32>
      %swap3A_657 = vector.shape_cast %broadcast_in_dim3A_653 : vector<16xf32> to vector<1x16xf32>
      tpu.vector_store %arg17[%swap3A, %swap3A_654], %swap3A_657 {strides = array<i32>} : memref<16x128xf32, #tpu.memory_space<vmem>>, vector<1x16xf32>,
      %broadcast_in_dim3A_658 = arith.constant 0.000000e+00 : f32
      %broadcast_in_dim3A_659 = vector.broadcast %broadcast_in_dim3A_658 : f32 to vector<16xf32>
      %swap3A_660 = arith.index_cast %scan3A_652 : i32 to index
      %swap3A_661 = arith.constant 16 : index
      %swap3A_662 = tpu.vector_load %arg17[%swap3A_660, %swap3A_661] {strides = array<i32>} : memref<16x128xf32, #tpu.memory_space<vmem>>, vector<1x16xf32>,
      %swap3A_663 = vector.shape_cast %swap3A_662 : vector<1x16xf32> to vector<16xf32>
      %swap3A_664 = vector.shape_cast %broadcast_in_dim3A_659 : vector<16xf32> to vector<1x16xf32>
      tpu.vector_store %arg17[%swap3A_660, %swap3A_661], %swap3A_664 {strides = array<i32>} : memref<16x128xf32, #tpu.memory_space<vmem>>, vector<1x16xf32>,
      %broadcast_in_dim3A_665 = arith.constant 0.000000e+00 : f32
      %broadcast_in_dim3A_666 = vector.broadcast %broadcast_in_dim3A_665 : f32 to vector<16xf32>
      %swap3A_667 = arith.index_cast %scan3A_652 : i32 to index
      %swap3A_668 = arith.constant 32 : index
      %swap3A_669 = tpu.vector_load %arg17[%swap3A_667, %swap3A_668] {strides = array<i32>} : memref<16x128xf32, #tpu.memory_space<vmem>>, vector<1x16xf32>,
      %swap3A_670 = vector.shape_cast %swap3A_669 : vector<1x16xf32> to vector<16xf32>
      %swap3A_671 = vector.shape_cast %broadcast_in_dim3A_666 : vector<16xf32> to vector<1x16xf32>
      tpu.vector_store %arg17[%swap3A_667, %swap3A_668], %swap3A_671 {strides = array<i32>} : memref<16x128xf32, #tpu.memory_space<vmem>>, vector<1x16xf32>,
      %broadcast_in_dim3A_672 = arith.constant 0.000000e+00 : f32
      %broadcast_in_dim3A_673 = vector.broadcast %broadcast_in_dim3A_672 : f32 to vector<16xf32>
      %swap3A_674 = arith.index_cast %scan3A_652 : i32 to index
      %swap3A_675 = arith.constant 48 : index
      %swap3A_676 = tpu.vector_load %arg17[%swap3A_674, %swap3A_675] {strides = array<i32>} : memref<16x128xf32, #tpu.memory_space<vmem>>, vector<1x16xf32>,
      %swap3A_677 = vector.shape_cast %swap3A_676 : vector<1x16xf32> to vector<16xf32>
      %swap3A_678 = vector.shape_cast %broadcast_in_dim3A_673 : vector<16xf32> to vector<1x16xf32>
      tpu.vector_store %arg17[%swap3A_674, %swap3A_675], %swap3A_678 {strides = array<i32>} : memref<16x128xf32, #tpu.memory_space<vmem>>, vector<1x16xf32>,
      %broadcast_in_dim3A_679 = arith.constant 0.000000e+00 : f32
      %broadcast_in_dim3A_680 = vector.broadcast %broadcast_in_dim3A_679 : f32 to vector<16xf32>
      %swap3A_681 = arith.index_cast %scan3A_652 : i32 to index
      %swap3A_682 = arith.constant 64 : index
      %swap3A_683 = tpu.vector_load %arg17[%swap3A_681, %swap3A_682] {strides = array<i32>} : memref<16x128xf32, #tpu.memory_space<vmem>>, vector<1x16xf32>,
      %swap3A_684 = vector.shape_cast %swap3A_683 : vector<1x16xf32> to vector<16xf32>
      %swap3A_685 = vector.shape_cast %broadcast_in_dim3A_680 : vector<16xf32> to vector<1x16xf32>
      tpu.vector_store %arg17[%swap3A_681, %swap3A_682], %swap3A_685 {strides = array<i32>} : memref<16x128xf32, #tpu.memory_space<vmem>>, vector<1x16xf32>,
      %broadcast_in_dim3A_686 = arith.constant 0.000000e+00 : f32
      %broadcast_in_dim3A_687 = vector.broadcast %broadcast_in_dim3A_686 : f32 to vector<16xf32>
      %swap3A_688 = arith.index_cast %scan3A_652 : i32 to index
      %swap3A_689 = arith.constant 80 : index
      %swap3A_690 = tpu.vector_load %arg17[%swap3A_688, %swap3A_689] {strides = array<i32>} : memref<16x128xf32, #tpu.memory_space<vmem>>, vector<1x16xf32>,
      %swap3A_691 = vector.shape_cast %swap3A_690 : vector<1x16xf32> to vector<16xf32>
      %swap3A_692 = vector.shape_cast %broadcast_in_dim3A_687 : vector<16xf32> to vector<1x16xf32>
      tpu.vector_store %arg17[%swap3A_688, %swap3A_689], %swap3A_692 {strides = array<i32>} : memref<16x128xf32, #tpu.memory_space<vmem>>, vector<1x16xf32>,
      %broadcast_in_dim3A_693 = arith.constant 0.000000e+00 : f32
      %broadcast_in_dim3A_694 = vector.broadcast %broadcast_in_dim3A_693 : f32 to vector<16xf32>
      %swap3A_695 = arith.index_cast %scan3A_652 : i32 to index
      %swap3A_696 = arith.constant 96 : index
      %swap3A_697 = tpu.vector_load %arg17[%swap3A_695, %swap3A_696] {strides = array<i32>} : memref<16x128xf32, #tpu.memory_space<vmem>>, vector<1x16xf32>,
      %swap3A_698 = vector.shape_cast %swap3A_697 : vector<1x16xf32> to vector<16xf32>
      %swap3A_699 = vector.shape_cast %broadcast_in_dim3A_694 : vector<16xf32> to vector<1x16xf32>
      tpu.vector_store %arg17[%swap3A_695, %swap3A_696], %swap3A_699 {strides = array<i32>} : memref<16x128xf32, #tpu.memory_space<vmem>>, vector<1x16xf32>,
      %broadcast_in_dim3A_700 = arith.constant 0.000000e+00 : f32
      %broadcast_in_dim3A_701 = vector.broadcast %broadcast_in_dim3A_700 : f32 to vector<16xf32>
      %swap3A_702 = arith.index_cast %scan3A_652 : i32 to index
      %swap3A_703 = arith.constant 112 : index
      %swap3A_704 = tpu.vector_load %arg17[%swap3A_702, %swap3A_703] {strides = array<i32>} : memref<16x128xf32, #tpu.memory_space<vmem>>, vector<1x16xf32>,
      %swap3A_705 = vector.shape_cast %swap3A_704 : vector<1x16xf32> to vector<16xf32>
      %swap3A_706 = vector.shape_cast %broadcast_in_dim3A_701 : vector<16xf32> to vector<1x16xf32>
      tpu.vector_store %arg17[%swap3A_702, %swap3A_703], %swap3A_706 {strides = array<i32>} : memref<16x128xf32, #tpu.memory_space<vmem>>, vector<1x16xf32>,
    }
    %scan3A_84 = arith.constant 16 : i32
    %mul3A_85 = arith.constant 640 : i32
    %mul3A_86 = arith.muli %arg1, %mul3A_85 : i32
    %add3A_87 = arith.constant 0 : i32
    %add3A_88 = arith.addi %mul3A_86, %add3A_87 : i32
    %dma_start3A_89 = arith.constant 0 : i32
    %dma_start3A_90 = tpu.memref_slice %arg18[%add3A_88, %dma_start3A_89] : memref<10240x128xf32, #tpu.memory_space<vmem_shared>> -> memref<16x128xf32, #tpu.memory_space<vmem_shared>>
    %dma_start3A_91 = arith.constant 0 : i32
    %dma_start3A_92 = tpu.memref_slice %arg18[%add3A_88, %dma_start3A_91] : memref<10240x128xf32, #tpu.memory_space<vmem_shared>> -> memref<16x128xf32, #tpu.memory_space<vmem_shared>>
    tpu.enqueue_dma source(%arg17 : memref<16x128xf32, #tpu.memory_space<vmem>>) target(%dma_start3A_92 : memref<16x128xf32, #tpu.memory_space<vmem_shared>>) target_semaphore(%arg21 : memref<!tpu.dma_semaphore, #tpu.memory_space<semaphore_mem>>)
    %add3A_93 = arith.constant 16 : i32
    %add3A_94 = arith.addi %mul3A_86, %add3A_93 : i32
    %dma_start3A_95 = arith.constant 0 : i32
    %dma_start3A_96 = tpu.memref_slice %arg18[%add3A_94, %dma_start3A_95] : memref<10240x128xf32, #tpu.memory_space<vmem_shared>> -> memref<16x128xf32, #tpu.memory_space<vmem_shared>>
    %dma_start3A_97 = arith.constant 0 : i32
    %dma_start3A_98 = tpu.memref_slice %arg18[%add3A_94, %dma_start3A_97] : memref<10240x128xf32, #tpu.memory_space<vmem_shared>> -> memref<16x128xf32, #tpu.memory_space<vmem_shared>>
    tpu.enqueue_dma source(%arg17 : memref<16x128xf32, #tpu.memory_space<vmem>>) target(%dma_start3A_98 : memref<16x128xf32, #tpu.memory_space<vmem_shared>>) target_semaphore(%arg21 : memref<!tpu.dma_semaphore, #tpu.memory_space<semaphore_mem>>)
    %add3A_99 = arith.constant 32 : i32
    %add3A_100 = arith.addi %mul3A_86, %add3A_99 : i32
    %dma_start3A_101 = arith.constant 0 : i32
    %dma_start3A_102 = tpu.memref_slice %arg18[%add3A_100, %dma_start3A_101] : memref<10240x128xf32, #tpu.memory_space<vmem_shared>> -> memref<16x128xf32, #tpu.memory_space<vmem_shared>>
    %dma_start3A_103 = arith.constant 0 : i32
    %dma_start3A_104 = tpu.memref_slice %arg18[%add3A_100, %dma_start3A_103] : memref<10240x128xf32, #tpu.memory_space<vmem_shared>> -> memref<16x128xf32, #tpu.memory_space<vmem_shared>>
    tpu.enqueue_dma source(%arg17 : memref<16x128xf32, #tpu.memory_space<vmem>>) target(%dma_start3A_104 : memref<16x128xf32, #tpu.memory_space<vmem_shared>>) target_semaphore(%arg21 : memref<!tpu.dma_semaphore, #tpu.memory_space<semaphore_mem>>)
    %add3A_105 = arith.constant 48 : i32
    %add3A_106 = arith.addi %mul3A_86, %add3A_105 : i32
    %dma_start3A_107 = arith.constant 0 : i32
    %dma_start3A_108 = tpu.memref_slice %arg18[%add3A_106, %dma_start3A_107] : memref<10240x128xf32, #tpu.memory_space<vmem_shared>> -> memref<16x128xf32, #tpu.memory_space<vmem_shared>>
    %dma_start3A_109 = arith.constant 0 : i32
    %dma_start3A_110 = tpu.memref_slice %arg18[%add3A_106, %dma_start3A_109] : memref<10240x128xf32, #tpu.memory_space<vmem_shared>> -> memref<16x128xf32, #tpu.memory_space<vmem_shared>>
    tpu.enqueue_dma source(%arg17 : memref<16x128xf32, #tpu.memory_space<vmem>>) target(%dma_start3A_110 : memref<16x128xf32, #tpu.memory_space<vmem_shared>>) target_semaphore(%arg21 : memref<!tpu.dma_semaphore, #tpu.memory_space<semaphore_mem>>)
    %add3A_111 = arith.constant 64 : i32
    %add3A_112 = arith.addi %mul3A_86, %add3A_111 : i32
    %dma_start3A_113 = arith.constant 0 : i32
    %dma_start3A_114 = tpu.memref_slice %arg18[%add3A_112, %dma_start3A_113] : memref<10240x128xf32, #tpu.memory_space<vmem_shared>> -> memref<16x128xf32, #tpu.memory_space<vmem_shared>>
    %dma_start3A_115 = arith.constant 0 : i32
    %dma_start3A_116 = tpu.memref_slice %arg18[%add3A_112, %dma_start3A_115] : memref<10240x128xf32, #tpu.memory_space<vmem_shared>> -> memref<16x128xf32, #tpu.memory_space<vmem_shared>>
    tpu.enqueue_dma source(%arg17 : memref<16x128xf32, #tpu.memory_space<vmem>>) target(%dma_start3A_116 : memref<16x128xf32, #tpu.memory_space<vmem_shared>>) target_semaphore(%arg21 : memref<!tpu.dma_semaphore, #tpu.memory_space<semaphore_mem>>)
    %add3A_117 = arith.constant 80 : i32
    %add3A_118 = arith.addi %mul3A_86, %add3A_117 : i32
    %dma_start3A_119 = arith.constant 0 : i32
    %dma_start3A_120 = tpu.memref_slice %arg18[%add3A_118, %dma_start3A_119] : memref<10240x128xf32, #tpu.memory_space<vmem_shared>> -> memref<16x128xf32, #tpu.memory_space<vmem_shared>>
    %dma_start3A_121 = arith.constant 0 : i32
    %dma_start3A_122 = tpu.memref_slice %arg18[%add3A_118, %dma_start3A_121] : memref<10240x128xf32, #tpu.memory_space<vmem_shared>> -> memref<16x128xf32, #tpu.memory_space<vmem_shared>>
    tpu.enqueue_dma source(%arg17 : memref<16x128xf32, #tpu.memory_space<vmem>>) target(%dma_start3A_122 : memref<16x128xf32, #tpu.memory_space<vmem_shared>>) target_semaphore(%arg21 : memref<!tpu.dma_semaphore, #tpu.memory_space<semaphore_mem>>)
    %add3A_123 = arith.constant 96 : i32
    %add3A_124 = arith.addi %mul3A_86, %add3A_123 : i32
    %dma_start3A_125 = arith.constant 0 : i32
    %dma_start3A_126 = tpu.memref_slice %arg18[%add3A_124, %dma_start3A_125] : memref<10240x128xf32, #tpu.memory_space<vmem_shared>> -> memref<16x128xf32, #tpu.memory_space<vmem_shared>>
    %dma_start3A_127 = arith.constant 0 : i32
    %dma_start3A_128 = tpu.memref_slice %arg18[%add3A_124, %dma_start3A_127] : memref<10240x128xf32, #tpu.memory_space<vmem_shared>> -> memref<16x128xf32, #tpu.memory_space<vmem_shared>>
    tpu.enqueue_dma source(%arg17 : memref<16x128xf32, #tpu.memory_space<vmem>>) target(%dma_start3A_128 : memref<16x128xf32, #tpu.memory_space<vmem_shared>>) target_semaphore(%arg21 : memref<!tpu.dma_semaphore, #tpu.memory_space<semaphore_mem>>)
    %add3A_129 = arith.constant 112 : i32
    %add3A_130 = arith.addi %mul3A_86, %add3A_129 : i32
    %dma_start3A_131 = arith.constant 0 : i32
    %dma_start3A_132 = tpu.memref_slice %arg18[%add3A_130, %dma_start3A_131] : memref<10240x128xf32, #tpu.memory_space<vmem_shared>> -> memref<16x128xf32, #tpu.memory_space<vmem_shared>>
    %dma_start3A_133 = arith.constant 0 : i32
    %dma_start3A_134 = tpu.memref_slice %arg18[%add3A_130, %dma_start3A_133] : memref<10240x128xf32, #tpu.memory_space<vmem_shared>> -> memref<16x128xf32, #tpu.memory_space<vmem_shared>>
    tpu.enqueue_dma source(%arg17 : memref<16x128xf32, #tpu.memory_space<vmem>>) target(%dma_start3A_134 : memref<16x128xf32, #tpu.memory_space<vmem_shared>>) target_semaphore(%arg21 : memref<!tpu.dma_semaphore, #tpu.memory_space<semaphore_mem>>)
    %add3A_135 = arith.constant 128 : i32
    %add3A_136 = arith.addi %mul3A_86, %add3A_135 : i32
    %dma_start3A_137 = arith.constant 0 : i32
    %dma_start3A_138 = tpu.memref_slice %arg18[%add3A_136, %dma_start3A_137] : memref<10240x128xf32, #tpu.memory_space<vmem_shared>> -> memref<16x128xf32, #tpu.memory_space<vmem_shared>>
    %dma_start3A_139 = arith.constant 0 : i32
    %dma_start3A_140 = tpu.memref_slice %arg18[%add3A_136, %dma_start3A_139] : memref<10240x128xf32, #tpu.memory_space<vmem_shared>> -> memref<16x128xf32, #tpu.memory_space<vmem_shared>>
    tpu.enqueue_dma source(%arg17 : memref<16x128xf32, #tpu.memory_space<vmem>>) target(%dma_start3A_140 : memref<16x128xf32, #tpu.memory_space<vmem_shared>>) target_semaphore(%arg21 : memref<!tpu.dma_semaphore, #tpu.memory_space<semaphore_mem>>)
    %add3A_141 = arith.constant 144 : i32
    %add3A_142 = arith.addi %mul3A_86, %add3A_141 : i32
    %dma_start3A_143 = arith.constant 0 : i32
    %dma_start3A_144 = tpu.memref_slice %arg18[%add3A_142, %dma_start3A_143] : memref<10240x128xf32, #tpu.memory_space<vmem_shared>> -> memref<16x128xf32, #tpu.memory_space<vmem_shared>>
    %dma_start3A_145 = arith.constant 0 : i32
    %dma_start3A_146 = tpu.memref_slice %arg18[%add3A_142, %dma_start3A_145] : memref<10240x128xf32, #tpu.memory_space<vmem_shared>> -> memref<16x128xf32, #tpu.memory_space<vmem_shared>>
    tpu.enqueue_dma source(%arg17 : memref<16x128xf32, #tpu.memory_space<vmem>>) target(%dma_start3A_146 : memref<16x128xf32, #tpu.memory_space<vmem_shared>>) target_semaphore(%arg21 : memref<!tpu.dma_semaphore, #tpu.memory_space<semaphore_mem>>)
    %add3A_147 = arith.constant 160 : i32
    %add3A_148 = arith.addi %mul3A_86, %add3A_147 : i32
    %dma_start3A_149 = arith.constant 0 : i32
    %dma_start3A_150 = tpu.memref_slice %arg18[%add3A_148, %dma_start3A_149] : memref<10240x128xf32, #tpu.memory_space<vmem_shared>> -> memref<16x128xf32, #tpu.memory_space<vmem_shared>>
    %dma_start3A_151 = arith.constant 0 : i32
    %dma_start3A_152 = tpu.memref_slice %arg18[%add3A_148, %dma_start3A_151] : memref<10240x128xf32, #tpu.memory_space<vmem_shared>> -> memref<16x128xf32, #tpu.memory_space<vmem_shared>>
    tpu.enqueue_dma source(%arg17 : memref<16x128xf32, #tpu.memory_space<vmem>>) target(%dma_start3A_152 : memref<16x128xf32, #tpu.memory_space<vmem_shared>>) target_semaphore(%arg21 : memref<!tpu.dma_semaphore, #tpu.memory_space<semaphore_mem>>)
    %add3A_153 = arith.constant 176 : i32
    %add3A_154 = arith.addi %mul3A_86, %add3A_153 : i32
    %dma_start3A_155 = arith.constant 0 : i32
    %dma_start3A_156 = tpu.memref_slice %arg18[%add3A_154, %dma_start3A_155] : memref<10240x128xf32, #tpu.memory_space<vmem_shared>> -> memref<16x128xf32, #tpu.memory_space<vmem_shared>>
    %dma_start3A_157 = arith.constant 0 : i32
    %dma_start3A_158 = tpu.memref_slice %arg18[%add3A_154, %dma_start3A_157] : memref<10240x128xf32, #tpu.memory_space<vmem_shared>> -> memref<16x128xf32, #tpu.memory_space<vmem_shared>>
    tpu.enqueue_dma source(%arg17 : memref<16x128xf32, #tpu.memory_space<vmem>>) target(%dma_start3A_158 : memref<16x128xf32, #tpu.memory_space<vmem_shared>>) target_semaphore(%arg21 : memref<!tpu.dma_semaphore, #tpu.memory_space<semaphore_mem>>)
    %add3A_159 = arith.constant 192 : i32
    %add3A_160 = arith.addi %mul3A_86, %add3A_159 : i32
    %dma_start3A_161 = arith.constant 0 : i32
    %dma_start3A_162 = tpu.memref_slice %arg18[%add3A_160, %dma_start3A_161] : memref<10240x128xf32, #tpu.memory_space<vmem_shared>> -> memref<16x128xf32, #tpu.memory_space<vmem_shared>>
    %dma_start3A_163 = arith.constant 0 : i32
    %dma_start3A_164 = tpu.memref_slice %arg18[%add3A_160, %dma_start3A_163] : memref<10240x128xf32, #tpu.memory_space<vmem_shared>> -> memref<16x128xf32, #tpu.memory_space<vmem_shared>>
    tpu.enqueue_dma source(%arg17 : memref<16x128xf32, #tpu.memory_space<vmem>>) target(%dma_start3A_164 : memref<16x128xf32, #tpu.memory_space<vmem_shared>>) target_semaphore(%arg21 : memref<!tpu.dma_semaphore, #tpu.memory_space<semaphore_mem>>)
    %add3A_165 = arith.constant 208 : i32
    %add3A_166 = arith.addi %mul3A_86, %add3A_165 : i32
    %dma_start3A_167 = arith.constant 0 : i32
    %dma_start3A_168 = tpu.memref_slice %arg18[%add3A_166, %dma_start3A_167] : memref<10240x128xf32, #tpu.memory_space<vmem_shared>> -> memref<16x128xf32, #tpu.memory_space<vmem_shared>>
    %dma_start3A_169 = arith.constant 0 : i32
    %dma_start3A_170 = tpu.memref_slice %arg18[%add3A_166, %dma_start3A_169] : memref<10240x128xf32, #tpu.memory_space<vmem_shared>> -> memref<16x128xf32, #tpu.memory_space<vmem_shared>>
    tpu.enqueue_dma source(%arg17 : memref<16x128xf32, #tpu.memory_space<vmem>>) target(%dma_start3A_170 : memref<16x128xf32, #tpu.memory_space<vmem_shared>>) target_semaphore(%arg21 : memref<!tpu.dma_semaphore, #tpu.memory_space<semaphore_mem>>)
    %add3A_171 = arith.constant 224 : i32
    %add3A_172 = arith.addi %mul3A_86, %add3A_171 : i32
    %dma_start3A_173 = arith.constant 0 : i32
    %dma_start3A_174 = tpu.memref_slice %arg18[%add3A_172, %dma_start3A_173] : memref<10240x128xf32, #tpu.memory_space<vmem_shared>> -> memref<16x128xf32, #tpu.memory_space<vmem_shared>>
    %dma_start3A_175 = arith.constant 0 : i32
    %dma_start3A_176 = tpu.memref_slice %arg18[%add3A_172, %dma_start3A_175] : memref<10240x128xf32, #tpu.memory_space<vmem_shared>> -> memref<16x128xf32, #tpu.memory_space<vmem_shared>>
    tpu.enqueue_dma source(%arg17 : memref<16x128xf32, #tpu.memory_space<vmem>>) target(%dma_start3A_176 : memref<16x128xf32, #tpu.memory_space<vmem_shared>>) target_semaphore(%arg21 : memref<!tpu.dma_semaphore, #tpu.memory_space<semaphore_mem>>)
    %add3A_177 = arith.constant 240 : i32
    %add3A_178 = arith.addi %mul3A_86, %add3A_177 : i32
    %dma_start3A_179 = arith.constant 0 : i32
    %dma_start3A_180 = tpu.memref_slice %arg18[%add3A_178, %dma_start3A_179] : memref<10240x128xf32, #tpu.memory_space<vmem_shared>> -> memref<16x128xf32, #tpu.memory_space<vmem_shared>>
    %dma_start3A_181 = arith.constant 0 : i32
    %dma_start3A_182 = tpu.memref_slice %arg18[%add3A_178, %dma_start3A_181] : memref<10240x128xf32, #tpu.memory_space<vmem_shared>> -> memref<16x128xf32, #tpu.memory_space<vmem_shared>>
    tpu.enqueue_dma source(%arg17 : memref<16x128xf32, #tpu.memory_space<vmem>>) target(%dma_start3A_182 : memref<16x128xf32, #tpu.memory_space<vmem_shared>>) target_semaphore(%arg21 : memref<!tpu.dma_semaphore, #tpu.memory_space<semaphore_mem>>)
    %add3A_183 = arith.constant 256 : i32
    %add3A_184 = arith.addi %mul3A_86, %add3A_183 : i32
    %dma_start3A_185 = arith.constant 0 : i32
    %dma_start3A_186 = tpu.memref_slice %arg18[%add3A_184, %dma_start3A_185] : memref<10240x128xf32, #tpu.memory_space<vmem_shared>> -> memref<16x128xf32, #tpu.memory_space<vmem_shared>>
    %dma_start3A_187 = arith.constant 0 : i32
    %dma_start3A_188 = tpu.memref_slice %arg18[%add3A_184, %dma_start3A_187] : memref<10240x128xf32, #tpu.memory_space<vmem_shared>> -> memref<16x128xf32, #tpu.memory_space<vmem_shared>>
    tpu.enqueue_dma source(%arg17 : memref<16x128xf32, #tpu.memory_space<vmem>>) target(%dma_start3A_188 : memref<16x128xf32, #tpu.memory_space<vmem_shared>>) target_semaphore(%arg21 : memref<!tpu.dma_semaphore, #tpu.memory_space<semaphore_mem>>)
    %add3A_189 = arith.constant 272 : i32
    %add3A_190 = arith.addi %mul3A_86, %add3A_189 : i32
    %dma_start3A_191 = arith.constant 0 : i32
    %dma_start3A_192 = tpu.memref_slice %arg18[%add3A_190, %dma_start3A_191] : memref<10240x128xf32, #tpu.memory_space<vmem_shared>> -> memref<16x128xf32, #tpu.memory_space<vmem_shared>>
    %dma_start3A_193 = arith.constant 0 : i32
    %dma_start3A_194 = tpu.memref_slice %arg18[%add3A_190, %dma_start3A_193] : memref<10240x128xf32, #tpu.memory_space<vmem_shared>> -> memref<16x128xf32, #tpu.memory_space<vmem_shared>>
    tpu.enqueue_dma source(%arg17 : memref<16x128xf32, #tpu.memory_space<vmem>>) target(%dma_start3A_194 : memref<16x128xf32, #tpu.memory_space<vmem_shared>>) target_semaphore(%arg21 : memref<!tpu.dma_semaphore, #tpu.memory_space<semaphore_mem>>)
    %add3A_195 = arith.constant 288 : i32
    %add3A_196 = arith.addi %mul3A_86, %add3A_195 : i32
    %dma_start3A_197 = arith.constant 0 : i32
    %dma_start3A_198 = tpu.memref_slice %arg18[%add3A_196, %dma_start3A_197] : memref<10240x128xf32, #tpu.memory_space<vmem_shared>> -> memref<16x128xf32, #tpu.memory_space<vmem_shared>>
    %dma_start3A_199 = arith.constant 0 : i32
    %dma_start3A_200 = tpu.memref_slice %arg18[%add3A_196, %dma_start3A_199] : memref<10240x128xf32, #tpu.memory_space<vmem_shared>> -> memref<16x128xf32, #tpu.memory_space<vmem_shared>>
    tpu.enqueue_dma source(%arg17 : memref<16x128xf32, #tpu.memory_space<vmem>>) target(%dma_start3A_200 : memref<16x128xf32, #tpu.memory_space<vmem_shared>>) target_semaphore(%arg21 : memref<!tpu.dma_semaphore, #tpu.memory_space<semaphore_mem>>)
    %add3A_201 = arith.constant 304 : i32
    %add3A_202 = arith.addi %mul3A_86, %add3A_201 : i32
    %dma_start3A_203 = arith.constant 0 : i32
    %dma_start3A_204 = tpu.memref_slice %arg18[%add3A_202, %dma_start3A_203] : memref<10240x128xf32, #tpu.memory_space<vmem_shared>> -> memref<16x128xf32, #tpu.memory_space<vmem_shared>>
    %dma_start3A_205 = arith.constant 0 : i32
    %dma_start3A_206 = tpu.memref_slice %arg18[%add3A_202, %dma_start3A_205] : memref<10240x128xf32, #tpu.memory_space<vmem_shared>> -> memref<16x128xf32, #tpu.memory_space<vmem_shared>>
    tpu.enqueue_dma source(%arg17 : memref<16x128xf32, #tpu.memory_space<vmem>>) target(%dma_start3A_206 : memref<16x128xf32, #tpu.memory_space<vmem_shared>>) target_semaphore(%arg21 : memref<!tpu.dma_semaphore, #tpu.memory_space<semaphore_mem>>)
    %add3A_207 = arith.constant 320 : i32
    %add3A_208 = arith.addi %mul3A_86, %add3A_207 : i32
    %dma_start3A_209 = arith.constant 0 : i32
    %dma_start3A_210 = tpu.memref_slice %arg18[%add3A_208, %dma_start3A_209] : memref<10240x128xf32, #tpu.memory_space<vmem_shared>> -> memref<16x128xf32, #tpu.memory_space<vmem_shared>>
    %dma_start3A_211 = arith.constant 0 : i32
    %dma_start3A_212 = tpu.memref_slice %arg18[%add3A_208, %dma_start3A_211] : memref<10240x128xf32, #tpu.memory_space<vmem_shared>> -> memref<16x128xf32, #tpu.memory_space<vmem_shared>>
    tpu.enqueue_dma source(%arg17 : memref<16x128xf32, #tpu.memory_space<vmem>>) target(%dma_start3A_212 : memref<16x128xf32, #tpu.memory_space<vmem_shared>>) target_semaphore(%arg21 : memref<!tpu.dma_semaphore, #tpu.memory_space<semaphore_mem>>)
    %add3A_213 = arith.constant 336 : i32
    %add3A_214 = arith.addi %mul3A_86, %add3A_213 : i32
    %dma_start3A_215 = arith.constant 0 : i32
    %dma_start3A_216 = tpu.memref_slice %arg18[%add3A_214, %dma_start3A_215] : memref<10240x128xf32, #tpu.memory_space<vmem_shared>> -> memref<16x128xf32, #tpu.memory_space<vmem_shared>>
    %dma_start3A_217 = arith.constant 0 : i32
    %dma_start3A_218 = tpu.memref_slice %arg18[%add3A_214, %dma_start3A_217] : memref<10240x128xf32, #tpu.memory_space<vmem_shared>> -> memref<16x128xf32, #tpu.memory_space<vmem_shared>>
    tpu.enqueue_dma source(%arg17 : memref<16x128xf32, #tpu.memory_space<vmem>>) target(%dma_start3A_218 : memref<16x128xf32, #tpu.memory_space<vmem_shared>>) target_semaphore(%arg21 : memref<!tpu.dma_semaphore, #tpu.memory_space<semaphore_mem>>)
    %add3A_219 = arith.constant 352 : i32
    %add3A_220 = arith.addi %mul3A_86, %add3A_219 : i32
    %dma_start3A_221 = arith.constant 0 : i32
    %dma_start3A_222 = tpu.memref_slice %arg18[%add3A_220, %dma_start3A_221] : memref<10240x128xf32, #tpu.memory_space<vmem_shared>> -> memref<16x128xf32, #tpu.memory_space<vmem_shared>>
    %dma_start3A_223 = arith.constant 0 : i32
    %dma_start3A_224 = tpu.memref_slice %arg18[%add3A_220, %dma_start3A_223] : memref<10240x128xf32, #tpu.memory_space<vmem_shared>> -> memref<16x128xf32, #tpu.memory_space<vmem_shared>>
    tpu.enqueue_dma source(%arg17 : memref<16x128xf32, #tpu.memory_space<vmem>>) target(%dma_start3A_224 : memref<16x128xf32, #tpu.memory_space<vmem_shared>>) target_semaphore(%arg21 : memref<!tpu.dma_semaphore, #tpu.memory_space<semaphore_mem>>)
    %add3A_225 = arith.constant 368 : i32
    %add3A_226 = arith.addi %mul3A_86, %add3A_225 : i32
    %dma_start3A_227 = arith.constant 0 : i32
    %dma_start3A_228 = tpu.memref_slice %arg18[%add3A_226, %dma_start3A_227] : memref<10240x128xf32, #tpu.memory_space<vmem_shared>> -> memref<16x128xf32, #tpu.memory_space<vmem_shared>>
    %dma_start3A_229 = arith.constant 0 : i32
    %dma_start3A_230 = tpu.memref_slice %arg18[%add3A_226, %dma_start3A_229] : memref<10240x128xf32, #tpu.memory_space<vmem_shared>> -> memref<16x128xf32, #tpu.memory_space<vmem_shared>>
    tpu.enqueue_dma source(%arg17 : memref<16x128xf32, #tpu.memory_space<vmem>>) target(%dma_start3A_230 : memref<16x128xf32, #tpu.memory_space<vmem_shared>>) target_semaphore(%arg21 : memref<!tpu.dma_semaphore, #tpu.memory_space<semaphore_mem>>)
    %add3A_231 = arith.constant 384 : i32
    %add3A_232 = arith.addi %mul3A_86, %add3A_231 : i32
    %dma_start3A_233 = arith.constant 0 : i32
    %dma_start3A_234 = tpu.memref_slice %arg18[%add3A_232, %dma_start3A_233] : memref<10240x128xf32, #tpu.memory_space<vmem_shared>> -> memref<16x128xf32, #tpu.memory_space<vmem_shared>>
    %dma_start3A_235 = arith.constant 0 : i32
    %dma_start3A_236 = tpu.memref_slice %arg18[%add3A_232, %dma_start3A_235] : memref<10240x128xf32, #tpu.memory_space<vmem_shared>> -> memref<16x128xf32, #tpu.memory_space<vmem_shared>>
    tpu.enqueue_dma source(%arg17 : memref<16x128xf32, #tpu.memory_space<vmem>>) target(%dma_start3A_236 : memref<16x128xf32, #tpu.memory_space<vmem_shared>>) target_semaphore(%arg21 : memref<!tpu.dma_semaphore, #tpu.memory_space<semaphore_mem>>)
    %add3A_237 = arith.constant 400 : i32
    %add3A_238 = arith.addi %mul3A_86, %add3A_237 : i32
    %dma_start3A_239 = arith.constant 0 : i32
    %dma_start3A_240 = tpu.memref_slice %arg18[%add3A_238, %dma_start3A_239] : memref<10240x128xf32, #tpu.memory_space<vmem_shared>> -> memref<16x128xf32, #tpu.memory_space<vmem_shared>>
    %dma_start3A_241 = arith.constant 0 : i32
    %dma_start3A_242 = tpu.memref_slice %arg18[%add3A_238, %dma_start3A_241] : memref<10240x128xf32, #tpu.memory_space<vmem_shared>> -> memref<16x128xf32, #tpu.memory_space<vmem_shared>>
    tpu.enqueue_dma source(%arg17 : memref<16x128xf32, #tpu.memory_space<vmem>>) target(%dma_start3A_242 : memref<16x128xf32, #tpu.memory_space<vmem_shared>>) target_semaphore(%arg21 : memref<!tpu.dma_semaphore, #tpu.memory_space<semaphore_mem>>)
    %add3A_243 = arith.constant 416 : i32
    %add3A_244 = arith.addi %mul3A_86, %add3A_243 : i32
    %dma_start3A_245 = arith.constant 0 : i32
    %dma_start3A_246 = tpu.memref_slice %arg18[%add3A_244, %dma_start3A_245] : memref<10240x128xf32, #tpu.memory_space<vmem_shared>> -> memref<16x128xf32, #tpu.memory_space<vmem_shared>>
    %dma_start3A_247 = arith.constant 0 : i32
    %dma_start3A_248 = tpu.memref_slice %arg18[%add3A_244, %dma_start3A_247] : memref<10240x128xf32, #tpu.memory_space<vmem_shared>> -> memref<16x128xf32, #tpu.memory_space<vmem_shared>>
    tpu.enqueue_dma source(%arg17 : memref<16x128xf32, #tpu.memory_space<vmem>>) target(%dma_start3A_248 : memref<16x128xf32, #tpu.memory_space<vmem_shared>>) target_semaphore(%arg21 : memref<!tpu.dma_semaphore, #tpu.memory_space<semaphore_mem>>)
    %add3A_249 = arith.constant 432 : i32
    %add3A_250 = arith.addi %mul3A_86, %add3A_249 : i32
    %dma_start3A_251 = arith.constant 0 : i32
    %dma_start3A_252 = tpu.memref_slice %arg18[%add3A_250, %dma_start3A_251] : memref<10240x128xf32, #tpu.memory_space<vmem_shared>> -> memref<16x128xf32, #tpu.memory_space<vmem_shared>>
    %dma_start3A_253 = arith.constant 0 : i32
    %dma_start3A_254 = tpu.memref_slice %arg18[%add3A_250, %dma_start3A_253] : memref<10240x128xf32, #tpu.memory_space<vmem_shared>> -> memref<16x128xf32, #tpu.memory_space<vmem_shared>>
    tpu.enqueue_dma source(%arg17 : memref<16x128xf32, #tpu.memory_space<vmem>>) target(%dma_start3A_254 : memref<16x128xf32, #tpu.memory_space<vmem_shared>>) target_semaphore(%arg21 : memref<!tpu.dma_semaphore, #tpu.memory_space<semaphore_mem>>)
    %add3A_255 = arith.constant 448 : i32
    %add3A_256 = arith.addi %mul3A_86, %add3A_255 : i32
    %dma_start3A_257 = arith.constant 0 : i32
    %dma_start3A_258 = tpu.memref_slice %arg18[%add3A_256, %dma_start3A_257] : memref<10240x128xf32, #tpu.memory_space<vmem_shared>> -> memref<16x128xf32, #tpu.memory_space<vmem_shared>>
    %dma_start3A_259 = arith.constant 0 : i32
    %dma_start3A_260 = tpu.memref_slice %arg18[%add3A_256, %dma_start3A_259] : memref<10240x128xf32, #tpu.memory_space<vmem_shared>> -> memref<16x128xf32, #tpu.memory_space<vmem_shared>>
    tpu.enqueue_dma source(%arg17 : memref<16x128xf32, #tpu.memory_space<vmem>>) target(%dma_start3A_260 : memref<16x128xf32, #tpu.memory_space<vmem_shared>>) target_semaphore(%arg21 : memref<!tpu.dma_semaphore, #tpu.memory_space<semaphore_mem>>)
    %add3A_261 = arith.constant 464 : i32
    %add3A_262 = arith.addi %mul3A_86, %add3A_261 : i32
    %dma_start3A_263 = arith.constant 0 : i32
    %dma_start3A_264 = tpu.memref_slice %arg18[%add3A_262, %dma_start3A_263] : memref<10240x128xf32, #tpu.memory_space<vmem_shared>> -> memref<16x128xf32, #tpu.memory_space<vmem_shared>>
    %dma_start3A_265 = arith.constant 0 : i32
    %dma_start3A_266 = tpu.memref_slice %arg18[%add3A_262, %dma_start3A_265] : memref<10240x128xf32, #tpu.memory_space<vmem_shared>> -> memref<16x128xf32, #tpu.memory_space<vmem_shared>>
    tpu.enqueue_dma source(%arg17 : memref<16x128xf32, #tpu.memory_space<vmem>>) target(%dma_start3A_266 : memref<16x128xf32, #tpu.memory_space<vmem_shared>>) target_semaphore(%arg21 : memref<!tpu.dma_semaphore, #tpu.memory_space<semaphore_mem>>)
    %add3A_267 = arith.constant 480 : i32
    %add3A_268 = arith.addi %mul3A_86, %add3A_267 : i32
    %dma_start3A_269 = arith.constant 0 : i32
    %dma_start3A_270 = tpu.memref_slice %arg18[%add3A_268, %dma_start3A_269] : memref<10240x128xf32, #tpu.memory_space<vmem_shared>> -> memref<16x128xf32, #tpu.memory_space<vmem_shared>>
    %dma_start3A_271 = arith.constant 0 : i32
    %dma_start3A_272 = tpu.memref_slice %arg18[%add3A_268, %dma_start3A_271] : memref<10240x128xf32, #tpu.memory_space<vmem_shared>> -> memref<16x128xf32, #tpu.memory_space<vmem_shared>>
    tpu.enqueue_dma source(%arg17 : memref<16x128xf32, #tpu.memory_space<vmem>>) target(%dma_start3A_272 : memref<16x128xf32, #tpu.memory_space<vmem_shared>>) target_semaphore(%arg21 : memref<!tpu.dma_semaphore, #tpu.memory_space<semaphore_mem>>)
    %add3A_273 = arith.constant 496 : i32
    %add3A_274 = arith.addi %mul3A_86, %add3A_273 : i32
    %dma_start3A_275 = arith.constant 0 : i32
    %dma_start3A_276 = tpu.memref_slice %arg18[%add3A_274, %dma_start3A_275] : memref<10240x128xf32, #tpu.memory_space<vmem_shared>> -> memref<16x128xf32, #tpu.memory_space<vmem_shared>>
    %dma_start3A_277 = arith.constant 0 : i32
    %dma_start3A_278 = tpu.memref_slice %arg18[%add3A_274, %dma_start3A_277] : memref<10240x128xf32, #tpu.memory_space<vmem_shared>> -> memref<16x128xf32, #tpu.memory_space<vmem_shared>>
    tpu.enqueue_dma source(%arg17 : memref<16x128xf32, #tpu.memory_space<vmem>>) target(%dma_start3A_278 : memref<16x128xf32, #tpu.memory_space<vmem_shared>>) target_semaphore(%arg21 : memref<!tpu.dma_semaphore, #tpu.memory_space<semaphore_mem>>)
    %add3A_279 = arith.constant 512 : i32
    %add3A_280 = arith.addi %mul3A_86, %add3A_279 : i32
    %dma_start3A_281 = arith.constant 0 : i32
    %dma_start3A_282 = tpu.memref_slice %arg18[%add3A_280, %dma_start3A_281] : memref<10240x128xf32, #tpu.memory_space<vmem_shared>> -> memref<16x128xf32, #tpu.memory_space<vmem_shared>>
    %dma_start3A_283 = arith.constant 0 : i32
    %dma_start3A_284 = tpu.memref_slice %arg18[%add3A_280, %dma_start3A_283] : memref<10240x128xf32, #tpu.memory_space<vmem_shared>> -> memref<16x128xf32, #tpu.memory_space<vmem_shared>>
    tpu.enqueue_dma source(%arg17 : memref<16x128xf32, #tpu.memory_space<vmem>>) target(%dma_start3A_284 : memref<16x128xf32, #tpu.memory_space<vmem_shared>>) target_semaphore(%arg21 : memref<!tpu.dma_semaphore, #tpu.memory_space<semaphore_mem>>)
    %add3A_285 = arith.constant 528 : i32
    %add3A_286 = arith.addi %mul3A_86, %add3A_285 : i32
    %dma_start3A_287 = arith.constant 0 : i32
    %dma_start3A_288 = tpu.memref_slice %arg18[%add3A_286, %dma_start3A_287] : memref<10240x128xf32, #tpu.memory_space<vmem_shared>> -> memref<16x128xf32, #tpu.memory_space<vmem_shared>>
    %dma_start3A_289 = arith.constant 0 : i32
    %dma_start3A_290 = tpu.memref_slice %arg18[%add3A_286, %dma_start3A_289] : memref<10240x128xf32, #tpu.memory_space<vmem_shared>> -> memref<16x128xf32, #tpu.memory_space<vmem_shared>>
    tpu.enqueue_dma source(%arg17 : memref<16x128xf32, #tpu.memory_space<vmem>>) target(%dma_start3A_290 : memref<16x128xf32, #tpu.memory_space<vmem_shared>>) target_semaphore(%arg21 : memref<!tpu.dma_semaphore, #tpu.memory_space<semaphore_mem>>)
    %add3A_291 = arith.constant 544 : i32
    %add3A_292 = arith.addi %mul3A_86, %add3A_291 : i32
    %dma_start3A_293 = arith.constant 0 : i32
    %dma_start3A_294 = tpu.memref_slice %arg18[%add3A_292, %dma_start3A_293] : memref<10240x128xf32, #tpu.memory_space<vmem_shared>> -> memref<16x128xf32, #tpu.memory_space<vmem_shared>>
    %dma_start3A_295 = arith.constant 0 : i32
    %dma_start3A_296 = tpu.memref_slice %arg18[%add3A_292, %dma_start3A_295] : memref<10240x128xf32, #tpu.memory_space<vmem_shared>> -> memref<16x128xf32, #tpu.memory_space<vmem_shared>>
    tpu.enqueue_dma source(%arg17 : memref<16x128xf32, #tpu.memory_space<vmem>>) target(%dma_start3A_296 : memref<16x128xf32, #tpu.memory_space<vmem_shared>>) target_semaphore(%arg21 : memref<!tpu.dma_semaphore, #tpu.memory_space<semaphore_mem>>)
    %add3A_297 = arith.constant 560 : i32
    %add3A_298 = arith.addi %mul3A_86, %add3A_297 : i32
    %dma_start3A_299 = arith.constant 0 : i32
    %dma_start3A_300 = tpu.memref_slice %arg18[%add3A_298, %dma_start3A_299] : memref<10240x128xf32, #tpu.memory_space<vmem_shared>> -> memref<16x128xf32, #tpu.memory_space<vmem_shared>>
    %dma_start3A_301 = arith.constant 0 : i32
    %dma_start3A_302 = tpu.memref_slice %arg18[%add3A_298, %dma_start3A_301] : memref<10240x128xf32, #tpu.memory_space<vmem_shared>> -> memref<16x128xf32, #tpu.memory_space<vmem_shared>>
    tpu.enqueue_dma source(%arg17 : memref<16x128xf32, #tpu.memory_space<vmem>>) target(%dma_start3A_302 : memref<16x128xf32, #tpu.memory_space<vmem_shared>>) target_semaphore(%arg21 : memref<!tpu.dma_semaphore, #tpu.memory_space<semaphore_mem>>)
    %add3A_303 = arith.constant 576 : i32
    %add3A_304 = arith.addi %mul3A_86, %add3A_303 : i32
    %dma_start3A_305 = arith.constant 0 : i32
    %dma_start3A_306 = tpu.memref_slice %arg18[%add3A_304, %dma_start3A_305] : memref<10240x128xf32, #tpu.memory_space<vmem_shared>> -> memref<16x128xf32, #tpu.memory_space<vmem_shared>>
    %dma_start3A_307 = arith.constant 0 : i32
    %dma_start3A_308 = tpu.memref_slice %arg18[%add3A_304, %dma_start3A_307] : memref<10240x128xf32, #tpu.memory_space<vmem_shared>> -> memref<16x128xf32, #tpu.memory_space<vmem_shared>>
    tpu.enqueue_dma source(%arg17 : memref<16x128xf32, #tpu.memory_space<vmem>>) target(%dma_start3A_308 : memref<16x128xf32, #tpu.memory_space<vmem_shared>>) target_semaphore(%arg21 : memref<!tpu.dma_semaphore, #tpu.memory_space<semaphore_mem>>)
    %add3A_309 = arith.constant 592 : i32
    %add3A_310 = arith.addi %mul3A_86, %add3A_309 : i32
    %dma_start3A_311 = arith.constant 0 : i32
    %dma_start3A_312 = tpu.memref_slice %arg18[%add3A_310, %dma_start3A_311] : memref<10240x128xf32, #tpu.memory_space<vmem_shared>> -> memref<16x128xf32, #tpu.memory_space<vmem_shared>>
    %dma_start3A_313 = arith.constant 0 : i32
    %dma_start3A_314 = tpu.memref_slice %arg18[%add3A_310, %dma_start3A_313] : memref<10240x128xf32, #tpu.memory_space<vmem_shared>> -> memref<16x128xf32, #tpu.memory_space<vmem_shared>>
    tpu.enqueue_dma source(%arg17 : memref<16x128xf32, #tpu.memory_space<vmem>>) target(%dma_start3A_314 : memref<16x128xf32, #tpu.memory_space<vmem_shared>>) target_semaphore(%arg21 : memref<!tpu.dma_semaphore, #tpu.memory_space<semaphore_mem>>)
    %add3A_315 = arith.constant 608 : i32
    %add3A_316 = arith.addi %mul3A_86, %add3A_315 : i32
    %dma_start3A_317 = arith.constant 0 : i32
    %dma_start3A_318 = tpu.memref_slice %arg18[%add3A_316, %dma_start3A_317] : memref<10240x128xf32, #tpu.memory_space<vmem_shared>> -> memref<16x128xf32, #tpu.memory_space<vmem_shared>>
    %dma_start3A_319 = arith.constant 0 : i32
    %dma_start3A_320 = tpu.memref_slice %arg18[%add3A_316, %dma_start3A_319] : memref<10240x128xf32, #tpu.memory_space<vmem_shared>> -> memref<16x128xf32, #tpu.memory_space<vmem_shared>>
    tpu.enqueue_dma source(%arg17 : memref<16x128xf32, #tpu.memory_space<vmem>>) target(%dma_start3A_320 : memref<16x128xf32, #tpu.memory_space<vmem_shared>>) target_semaphore(%arg21 : memref<!tpu.dma_semaphore, #tpu.memory_space<semaphore_mem>>)
    %add3A_321 = arith.constant 624 : i32
    %add3A_322 = arith.addi %mul3A_86, %add3A_321 : i32
    %dma_start3A_323 = arith.constant 0 : i32
    %dma_start3A_324 = tpu.memref_slice %arg18[%add3A_322, %dma_start3A_323] : memref<10240x128xf32, #tpu.memory_space<vmem_shared>> -> memref<16x128xf32, #tpu.memory_space<vmem_shared>>
    %dma_start3A_325 = arith.constant 0 : i32
    %dma_start3A_326 = tpu.memref_slice %arg18[%add3A_322, %dma_start3A_325] : memref<10240x128xf32, #tpu.memory_space<vmem_shared>> -> memref<16x128xf32, #tpu.memory_space<vmem_shared>>
    tpu.enqueue_dma source(%arg17 : memref<16x128xf32, #tpu.memory_space<vmem>>) target(%dma_start3A_326 : memref<16x128xf32, #tpu.memory_space<vmem_shared>>) target_semaphore(%arg21 : memref<!tpu.dma_semaphore, #tpu.memory_space<semaphore_mem>>)
    %add3A_327 = arith.constant 0 : i32
    %add3A_328 = arith.addi %mul3A_86, %add3A_327 : i32
    %dma_wait3A = arith.constant 0 : i32
    %dma_wait3A_329 = tpu.memref_slice %arg18[%add3A_328, %dma_wait3A] : memref<10240x128xf32, #tpu.memory_space<vmem_shared>> -> memref<16x128xf32, #tpu.memory_space<vmem_shared>>
    %dma_wait3A_330 = arith.constant 0 : i32
    %dma_wait3A_331 = tpu.memref_slice %arg18[%add3A_328, %dma_wait3A_330] : memref<10240x128xf32, #tpu.memory_space<vmem_shared>> -> memref<16x128xf32, #tpu.memory_space<vmem_shared>>
    tpu.wait_dma2 semaphore(%arg21 : memref<!tpu.dma_semaphore, #tpu.memory_space<semaphore_mem>>) src(%arg17 : memref<16x128xf32, #tpu.memory_space<vmem>>) dst(%dma_wait3A_331 : memref<16x128xf32, #tpu.memory_space<vmem_shared>>)
    %add3A_332 = arith.constant 16 : i32
    %add3A_333 = arith.addi %mul3A_86, %add3A_332 : i32
    %dma_wait3A_334 = arith.constant 0 : i32
    %dma_wait3A_335 = tpu.memref_slice %arg18[%add3A_333, %dma_wait3A_334] : memref<10240x128xf32, #tpu.memory_space<vmem_shared>> -> memref<16x128xf32, #tpu.memory_space<vmem_shared>>
    %dma_wait3A_336 = arith.constant 0 : i32
    %dma_wait3A_337 = tpu.memref_slice %arg18[%add3A_333, %dma_wait3A_336] : memref<10240x128xf32, #tpu.memory_space<vmem_shared>> -> memref<16x128xf32, #tpu.memory_space<vmem_shared>>
    tpu.wait_dma2 semaphore(%arg21 : memref<!tpu.dma_semaphore, #tpu.memory_space<semaphore_mem>>) src(%arg17 : memref<16x128xf32, #tpu.memory_space<vmem>>) dst(%dma_wait3A_337 : memref<16x128xf32, #tpu.memory_space<vmem_shared>>)
    %add3A_338 = arith.constant 32 : i32
    %add3A_339 = arith.addi %mul3A_86, %add3A_338 : i32
    %dma_wait3A_340 = arith.constant 0 : i32
    %dma_wait3A_341 = tpu.memref_slice %arg18[%add3A_339, %dma_wait3A_340] : memref<10240x128xf32, #tpu.memory_space<vmem_shared>> -> memref<16x128xf32, #tpu.memory_space<vmem_shared>>
    %dma_wait3A_342 = arith.constant 0 : i32
    %dma_wait3A_343 = tpu.memref_slice %arg18[%add3A_339, %dma_wait3A_342] : memref<10240x128xf32, #tpu.memory_space<vmem_shared>> -> memref<16x128xf32, #tpu.memory_space<vmem_shared>>
    tpu.wait_dma2 semaphore(%arg21 : memref<!tpu.dma_semaphore, #tpu.memory_space<semaphore_mem>>) src(%arg17 : memref<16x128xf32, #tpu.memory_space<vmem>>) dst(%dma_wait3A_343 : memref<16x128xf32, #tpu.memory_space<vmem_shared>>)
    %add3A_344 = arith.constant 48 : i32
    %add3A_345 = arith.addi %mul3A_86, %add3A_344 : i32
    %dma_wait3A_346 = arith.constant 0 : i32
    %dma_wait3A_347 = tpu.memref_slice %arg18[%add3A_345, %dma_wait3A_346] : memref<10240x128xf32, #tpu.memory_space<vmem_shared>> -> memref<16x128xf32, #tpu.memory_space<vmem_shared>>
    %dma_wait3A_348 = arith.constant 0 : i32
    %dma_wait3A_349 = tpu.memref_slice %arg18[%add3A_345, %dma_wait3A_348] : memref<10240x128xf32, #tpu.memory_space<vmem_shared>> -> memref<16x128xf32, #tpu.memory_space<vmem_shared>>
    tpu.wait_dma2 semaphore(%arg21 : memref<!tpu.dma_semaphore, #tpu.memory_space<semaphore_mem>>) src(%arg17 : memref<16x128xf32, #tpu.memory_space<vmem>>) dst(%dma_wait3A_349 : memref<16x128xf32, #tpu.memory_space<vmem_shared>>)
    %add3A_350 = arith.constant 64 : i32
    %add3A_351 = arith.addi %mul3A_86, %add3A_350 : i32
    %dma_wait3A_352 = arith.constant 0 : i32
    %dma_wait3A_353 = tpu.memref_slice %arg18[%add3A_351, %dma_wait3A_352] : memref<10240x128xf32, #tpu.memory_space<vmem_shared>> -> memref<16x128xf32, #tpu.memory_space<vmem_shared>>
    %dma_wait3A_354 = arith.constant 0 : i32
    %dma_wait3A_355 = tpu.memref_slice %arg18[%add3A_351, %dma_wait3A_354] : memref<10240x128xf32, #tpu.memory_space<vmem_shared>> -> memref<16x128xf32, #tpu.memory_space<vmem_shared>>
    tpu.wait_dma2 semaphore(%arg21 : memref<!tpu.dma_semaphore, #tpu.memory_space<semaphore_mem>>) src(%arg17 : memref<16x128xf32, #tpu.memory_space<vmem>>) dst(%dma_wait3A_355 : memref<16x128xf32, #tpu.memory_space<vmem_shared>>)
    %add3A_356 = arith.constant 80 : i32
    %add3A_357 = arith.addi %mul3A_86, %add3A_356 : i32
    %dma_wait3A_358 = arith.constant 0 : i32
    %dma_wait3A_359 = tpu.memref_slice %arg18[%add3A_357, %dma_wait3A_358] : memref<10240x128xf32, #tpu.memory_space<vmem_shared>> -> memref<16x128xf32, #tpu.memory_space<vmem_shared>>
    %dma_wait3A_360 = arith.constant 0 : i32
    %dma_wait3A_361 = tpu.memref_slice %arg18[%add3A_357, %dma_wait3A_360] : memref<10240x128xf32, #tpu.memory_space<vmem_shared>> -> memref<16x128xf32, #tpu.memory_space<vmem_shared>>
    tpu.wait_dma2 semaphore(%arg21 : memref<!tpu.dma_semaphore, #tpu.memory_space<semaphore_mem>>) src(%arg17 : memref<16x128xf32, #tpu.memory_space<vmem>>) dst(%dma_wait3A_361 : memref<16x128xf32, #tpu.memory_space<vmem_shared>>)
    %add3A_362 = arith.constant 96 : i32
    %add3A_363 = arith.addi %mul3A_86, %add3A_362 : i32
    %dma_wait3A_364 = arith.constant 0 : i32
    %dma_wait3A_365 = tpu.memref_slice %arg18[%add3A_363, %dma_wait3A_364] : memref<10240x128xf32, #tpu.memory_space<vmem_shared>> -> memref<16x128xf32, #tpu.memory_space<vmem_shared>>
    %dma_wait3A_366 = arith.constant 0 : i32
    %dma_wait3A_367 = tpu.memref_slice %arg18[%add3A_363, %dma_wait3A_366] : memref<10240x128xf32, #tpu.memory_space<vmem_shared>> -> memref<16x128xf32, #tpu.memory_space<vmem_shared>>
    tpu.wait_dma2 semaphore(%arg21 : memref<!tpu.dma_semaphore, #tpu.memory_space<semaphore_mem>>) src(%arg17 : memref<16x128xf32, #tpu.memory_space<vmem>>) dst(%dma_wait3A_367 : memref<16x128xf32, #tpu.memory_space<vmem_shared>>)
    %add3A_368 = arith.constant 112 : i32
    %add3A_369 = arith.addi %mul3A_86, %add3A_368 : i32
    %dma_wait3A_370 = arith.constant 0 : i32
    %dma_wait3A_371 = tpu.memref_slice %arg18[%add3A_369, %dma_wait3A_370] : memref<10240x128xf32, #tpu.memory_space<vmem_shared>> -> memref<16x128xf32, #tpu.memory_space<vmem_shared>>
    %dma_wait3A_372 = arith.constant 0 : i32
    %dma_wait3A_373 = tpu.memref_slice %arg18[%add3A_369, %dma_wait3A_372] : memref<10240x128xf32, #tpu.memory_space<vmem_shared>> -> memref<16x128xf32, #tpu.memory_space<vmem_shared>>
    tpu.wait_dma2 semaphore(%arg21 : memref<!tpu.dma_semaphore, #tpu.memory_space<semaphore_mem>>) src(%arg17 : memref<16x128xf32, #tpu.memory_space<vmem>>) dst(%dma_wait3A_373 : memref<16x128xf32, #tpu.memory_space<vmem_shared>>)
    %add3A_374 = arith.constant 128 : i32
    %add3A_375 = arith.addi %mul3A_86, %add3A_374 : i32
    %dma_wait3A_376 = arith.constant 0 : i32
    %dma_wait3A_377 = tpu.memref_slice %arg18[%add3A_375, %dma_wait3A_376] : memref<10240x128xf32, #tpu.memory_space<vmem_shared>> -> memref<16x128xf32, #tpu.memory_space<vmem_shared>>
    %dma_wait3A_378 = arith.constant 0 : i32
    %dma_wait3A_379 = tpu.memref_slice %arg18[%add3A_375, %dma_wait3A_378] : memref<10240x128xf32, #tpu.memory_space<vmem_shared>> -> memref<16x128xf32, #tpu.memory_space<vmem_shared>>
    tpu.wait_dma2 semaphore(%arg21 : memref<!tpu.dma_semaphore, #tpu.memory_space<semaphore_mem>>) src(%arg17 : memref<16x128xf32, #tpu.memory_space<vmem>>) dst(%dma_wait3A_379 : memref<16x128xf32, #tpu.memory_space<vmem_shared>>)
    %add3A_380 = arith.constant 144 : i32
    %add3A_381 = arith.addi %mul3A_86, %add3A_380 : i32
    %dma_wait3A_382 = arith.constant 0 : i32
    %dma_wait3A_383 = tpu.memref_slice %arg18[%add3A_381, %dma_wait3A_382] : memref<10240x128xf32, #tpu.memory_space<vmem_shared>> -> memref<16x128xf32, #tpu.memory_space<vmem_shared>>
    %dma_wait3A_384 = arith.constant 0 : i32
    %dma_wait3A_385 = tpu.memref_slice %arg18[%add3A_381, %dma_wait3A_384] : memref<10240x128xf32, #tpu.memory_space<vmem_shared>> -> memref<16x128xf32, #tpu.memory_space<vmem_shared>>
    tpu.wait_dma2 semaphore(%arg21 : memref<!tpu.dma_semaphore, #tpu.memory_space<semaphore_mem>>) src(%arg17 : memref<16x128xf32, #tpu.memory_space<vmem>>) dst(%dma_wait3A_385 : memref<16x128xf32, #tpu.memory_space<vmem_shared>>)
    %add3A_386 = arith.constant 160 : i32
    %add3A_387 = arith.addi %mul3A_86, %add3A_386 : i32
    %dma_wait3A_388 = arith.constant 0 : i32
    %dma_wait3A_389 = tpu.memref_slice %arg18[%add3A_387, %dma_wait3A_388] : memref<10240x128xf32, #tpu.memory_space<vmem_shared>> -> memref<16x128xf32, #tpu.memory_space<vmem_shared>>
    %dma_wait3A_390 = arith.constant 0 : i32
    %dma_wait3A_391 = tpu.memref_slice %arg18[%add3A_387, %dma_wait3A_390] : memref<10240x128xf32, #tpu.memory_space<vmem_shared>> -> memref<16x128xf32, #tpu.memory_space<vmem_shared>>
    tpu.wait_dma2 semaphore(%arg21 : memref<!tpu.dma_semaphore, #tpu.memory_space<semaphore_mem>>) src(%arg17 : memref<16x128xf32, #tpu.memory_space<vmem>>) dst(%dma_wait3A_391 : memref<16x128xf32, #tpu.memory_space<vmem_shared>>)
    %add3A_392 = arith.constant 176 : i32
    %add3A_393 = arith.addi %mul3A_86, %add3A_392 : i32
    %dma_wait3A_394 = arith.constant 0 : i32
    %dma_wait3A_395 = tpu.memref_slice %arg18[%add3A_393, %dma_wait3A_394] : memref<10240x128xf32, #tpu.memory_space<vmem_shared>> -> memref<16x128xf32, #tpu.memory_space<vmem_shared>>
    %dma_wait3A_396 = arith.constant 0 : i32
    %dma_wait3A_397 = tpu.memref_slice %arg18[%add3A_393, %dma_wait3A_396] : memref<10240x128xf32, #tpu.memory_space<vmem_shared>> -> memref<16x128xf32, #tpu.memory_space<vmem_shared>>
    tpu.wait_dma2 semaphore(%arg21 : memref<!tpu.dma_semaphore, #tpu.memory_space<semaphore_mem>>) src(%arg17 : memref<16x128xf32, #tpu.memory_space<vmem>>) dst(%dma_wait3A_397 : memref<16x128xf32, #tpu.memory_space<vmem_shared>>)
    %add3A_398 = arith.constant 192 : i32
    %add3A_399 = arith.addi %mul3A_86, %add3A_398 : i32
    %dma_wait3A_400 = arith.constant 0 : i32
    %dma_wait3A_401 = tpu.memref_slice %arg18[%add3A_399, %dma_wait3A_400] : memref<10240x128xf32, #tpu.memory_space<vmem_shared>> -> memref<16x128xf32, #tpu.memory_space<vmem_shared>>
    %dma_wait3A_402 = arith.constant 0 : i32
    %dma_wait3A_403 = tpu.memref_slice %arg18[%add3A_399, %dma_wait3A_402] : memref<10240x128xf32, #tpu.memory_space<vmem_shared>> -> memref<16x128xf32, #tpu.memory_space<vmem_shared>>
    tpu.wait_dma2 semaphore(%arg21 : memref<!tpu.dma_semaphore, #tpu.memory_space<semaphore_mem>>) src(%arg17 : memref<16x128xf32, #tpu.memory_space<vmem>>) dst(%dma_wait3A_403 : memref<16x128xf32, #tpu.memory_space<vmem_shared>>)
    %add3A_404 = arith.constant 208 : i32
    %add3A_405 = arith.addi %mul3A_86, %add3A_404 : i32
    %dma_wait3A_406 = arith.constant 0 : i32
    %dma_wait3A_407 = tpu.memref_slice %arg18[%add3A_405, %dma_wait3A_406] : memref<10240x128xf32, #tpu.memory_space<vmem_shared>> -> memref<16x128xf32, #tpu.memory_space<vmem_shared>>
    %dma_wait3A_408 = arith.constant 0 : i32
    %dma_wait3A_409 = tpu.memref_slice %arg18[%add3A_405, %dma_wait3A_408] : memref<10240x128xf32, #tpu.memory_space<vmem_shared>> -> memref<16x128xf32, #tpu.memory_space<vmem_shared>>
    tpu.wait_dma2 semaphore(%arg21 : memref<!tpu.dma_semaphore, #tpu.memory_space<semaphore_mem>>) src(%arg17 : memref<16x128xf32, #tpu.memory_space<vmem>>) dst(%dma_wait3A_409 : memref<16x128xf32, #tpu.memory_space<vmem_shared>>)
    %add3A_410 = arith.constant 224 : i32
    %add3A_411 = arith.addi %mul3A_86, %add3A_410 : i32
    %dma_wait3A_412 = arith.constant 0 : i32
    %dma_wait3A_413 = tpu.memref_slice %arg18[%add3A_411, %dma_wait3A_412] : memref<10240x128xf32, #tpu.memory_space<vmem_shared>> -> memref<16x128xf32, #tpu.memory_space<vmem_shared>>
    %dma_wait3A_414 = arith.constant 0 : i32
    %dma_wait3A_415 = tpu.memref_slice %arg18[%add3A_411, %dma_wait3A_414] : memref<10240x128xf32, #tpu.memory_space<vmem_shared>> -> memref<16x128xf32, #tpu.memory_space<vmem_shared>>
    tpu.wait_dma2 semaphore(%arg21 : memref<!tpu.dma_semaphore, #tpu.memory_space<semaphore_mem>>) src(%arg17 : memref<16x128xf32, #tpu.memory_space<vmem>>) dst(%dma_wait3A_415 : memref<16x128xf32, #tpu.memory_space<vmem_shared>>)
    %add3A_416 = arith.constant 240 : i32
    %add3A_417 = arith.addi %mul3A_86, %add3A_416 : i32
    %dma_wait3A_418 = arith.constant 0 : i32
    %dma_wait3A_419 = tpu.memref_slice %arg18[%add3A_417, %dma_wait3A_418] : memref<10240x128xf32, #tpu.memory_space<vmem_shared>> -> memref<16x128xf32, #tpu.memory_space<vmem_shared>>
    %dma_wait3A_420 = arith.constant 0 : i32
    %dma_wait3A_421 = tpu.memref_slice %arg18[%add3A_417, %dma_wait3A_420] : memref<10240x128xf32, #tpu.memory_space<vmem_shared>> -> memref<16x128xf32, #tpu.memory_space<vmem_shared>>
    tpu.wait_dma2 semaphore(%arg21 : memref<!tpu.dma_semaphore, #tpu.memory_space<semaphore_mem>>) src(%arg17 : memref<16x128xf32, #tpu.memory_space<vmem>>) dst(%dma_wait3A_421 : memref<16x128xf32, #tpu.memory_space<vmem_shared>>)
    %add3A_422 = arith.constant 256 : i32
    %add3A_423 = arith.addi %mul3A_86, %add3A_422 : i32
    %dma_wait3A_424 = arith.constant 0 : i32
    %dma_wait3A_425 = tpu.memref_slice %arg18[%add3A_423, %dma_wait3A_424] : memref<10240x128xf32, #tpu.memory_space<vmem_shared>> -> memref<16x128xf32, #tpu.memory_space<vmem_shared>>
    %dma_wait3A_426 = arith.constant 0 : i32
    %dma_wait3A_427 = tpu.memref_slice %arg18[%add3A_423, %dma_wait3A_426] : memref<10240x128xf32, #tpu.memory_space<vmem_shared>> -> memref<16x128xf32, #tpu.memory_space<vmem_shared>>
    tpu.wait_dma2 semaphore(%arg21 : memref<!tpu.dma_semaphore, #tpu.memory_space<semaphore_mem>>) src(%arg17 : memref<16x128xf32, #tpu.memory_space<vmem>>) dst(%dma_wait3A_427 : memref<16x128xf32, #tpu.memory_space<vmem_shared>>)
    %add3A_428 = arith.constant 272 : i32
    %add3A_429 = arith.addi %mul3A_86, %add3A_428 : i32
    %dma_wait3A_430 = arith.constant 0 : i32
    %dma_wait3A_431 = tpu.memref_slice %arg18[%add3A_429, %dma_wait3A_430] : memref<10240x128xf32, #tpu.memory_space<vmem_shared>> -> memref<16x128xf32, #tpu.memory_space<vmem_shared>>
    %dma_wait3A_432 = arith.constant 0 : i32
    %dma_wait3A_433 = tpu.memref_slice %arg18[%add3A_429, %dma_wait3A_432] : memref<10240x128xf32, #tpu.memory_space<vmem_shared>> -> memref<16x128xf32, #tpu.memory_space<vmem_shared>>
    tpu.wait_dma2 semaphore(%arg21 : memref<!tpu.dma_semaphore, #tpu.memory_space<semaphore_mem>>) src(%arg17 : memref<16x128xf32, #tpu.memory_space<vmem>>) dst(%dma_wait3A_433 : memref<16x128xf32, #tpu.memory_space<vmem_shared>>)
    %add3A_434 = arith.constant 288 : i32
    %add3A_435 = arith.addi %mul3A_86, %add3A_434 : i32
    %dma_wait3A_436 = arith.constant 0 : i32
    %dma_wait3A_437 = tpu.memref_slice %arg18[%add3A_435, %dma_wait3A_436] : memref<10240x128xf32, #tpu.memory_space<vmem_shared>> -> memref<16x128xf32, #tpu.memory_space<vmem_shared>>
    %dma_wait3A_438 = arith.constant 0 : i32
    %dma_wait3A_439 = tpu.memref_slice %arg18[%add3A_435, %dma_wait3A_438] : memref<10240x128xf32, #tpu.memory_space<vmem_shared>> -> memref<16x128xf32, #tpu.memory_space<vmem_shared>>
    tpu.wait_dma2 semaphore(%arg21 : memref<!tpu.dma_semaphore, #tpu.memory_space<semaphore_mem>>) src(%arg17 : memref<16x128xf32, #tpu.memory_space<vmem>>) dst(%dma_wait3A_439 : memref<16x128xf32, #tpu.memory_space<vmem_shared>>)
    %add3A_440 = arith.constant 304 : i32
    %add3A_441 = arith.addi %mul3A_86, %add3A_440 : i32
    %dma_wait3A_442 = arith.constant 0 : i32
    %dma_wait3A_443 = tpu.memref_slice %arg18[%add3A_441, %dma_wait3A_442] : memref<10240x128xf32, #tpu.memory_space<vmem_shared>> -> memref<16x128xf32, #tpu.memory_space<vmem_shared>>
    %dma_wait3A_444 = arith.constant 0 : i32
    %dma_wait3A_445 = tpu.memref_slice %arg18[%add3A_441, %dma_wait3A_444] : memref<10240x128xf32, #tpu.memory_space<vmem_shared>> -> memref<16x128xf32, #tpu.memory_space<vmem_shared>>
    tpu.wait_dma2 semaphore(%arg21 : memref<!tpu.dma_semaphore, #tpu.memory_space<semaphore_mem>>) src(%arg17 : memref<16x128xf32, #tpu.memory_space<vmem>>) dst(%dma_wait3A_445 : memref<16x128xf32, #tpu.memory_space<vmem_shared>>)
    %add3A_446 = arith.constant 320 : i32
    %add3A_447 = arith.addi %mul3A_86, %add3A_446 : i32
    %dma_wait3A_448 = arith.constant 0 : i32
    %dma_wait3A_449 = tpu.memref_slice %arg18[%add3A_447, %dma_wait3A_448] : memref<10240x128xf32, #tpu.memory_space<vmem_shared>> -> memref<16x128xf32, #tpu.memory_space<vmem_shared>>
    %dma_wait3A_450 = arith.constant 0 : i32
    %dma_wait3A_451 = tpu.memref_slice %arg18[%add3A_447, %dma_wait3A_450] : memref<10240x128xf32, #tpu.memory_space<vmem_shared>> -> memref<16x128xf32, #tpu.memory_space<vmem_shared>>
    tpu.wait_dma2 semaphore(%arg21 : memref<!tpu.dma_semaphore, #tpu.memory_space<semaphore_mem>>) src(%arg17 : memref<16x128xf32, #tpu.memory_space<vmem>>) dst(%dma_wait3A_451 : memref<16x128xf32, #tpu.memory_space<vmem_shared>>)
    %add3A_452 = arith.constant 336 : i32
    %add3A_453 = arith.addi %mul3A_86, %add3A_452 : i32
    %dma_wait3A_454 = arith.constant 0 : i32
    %dma_wait3A_455 = tpu.memref_slice %arg18[%add3A_453, %dma_wait3A_454] : memref<10240x128xf32, #tpu.memory_space<vmem_shared>> -> memref<16x128xf32, #tpu.memory_space<vmem_shared>>
    %dma_wait3A_456 = arith.constant 0 : i32
    %dma_wait3A_457 = tpu.memref_slice %arg18[%add3A_453, %dma_wait3A_456] : memref<10240x128xf32, #tpu.memory_space<vmem_shared>> -> memref<16x128xf32, #tpu.memory_space<vmem_shared>>
    tpu.wait_dma2 semaphore(%arg21 : memref<!tpu.dma_semaphore, #tpu.memory_space<semaphore_mem>>) src(%arg17 : memref<16x128xf32, #tpu.memory_space<vmem>>) dst(%dma_wait3A_457 : memref<16x128xf32, #tpu.memory_space<vmem_shared>>)
    %add3A_458 = arith.constant 352 : i32
    %add3A_459 = arith.addi %mul3A_86, %add3A_458 : i32
    %dma_wait3A_460 = arith.constant 0 : i32
    %dma_wait3A_461 = tpu.memref_slice %arg18[%add3A_459, %dma_wait3A_460] : memref<10240x128xf32, #tpu.memory_space<vmem_shared>> -> memref<16x128xf32, #tpu.memory_space<vmem_shared>>
    %dma_wait3A_462 = arith.constant 0 : i32
    %dma_wait3A_463 = tpu.memref_slice %arg18[%add3A_459, %dma_wait3A_462] : memref<10240x128xf32, #tpu.memory_space<vmem_shared>> -> memref<16x128xf32, #tpu.memory_space<vmem_shared>>
    tpu.wait_dma2 semaphore(%arg21 : memref<!tpu.dma_semaphore, #tpu.memory_space<semaphore_mem>>) src(%arg17 : memref<16x128xf32, #tpu.memory_space<vmem>>) dst(%dma_wait3A_463 : memref<16x128xf32, #tpu.memory_space<vmem_shared>>)
    %add3A_464 = arith.constant 368 : i32
    %add3A_465 = arith.addi %mul3A_86, %add3A_464 : i32
    %dma_wait3A_466 = arith.constant 0 : i32
    %dma_wait3A_467 = tpu.memref_slice %arg18[%add3A_465, %dma_wait3A_466] : memref<10240x128xf32, #tpu.memory_space<vmem_shared>> -> memref<16x128xf32, #tpu.memory_space<vmem_shared>>
    %dma_wait3A_468 = arith.constant 0 : i32
    %dma_wait3A_469 = tpu.memref_slice %arg18[%add3A_465, %dma_wait3A_468] : memref<10240x128xf32, #tpu.memory_space<vmem_shared>> -> memref<16x128xf32, #tpu.memory_space<vmem_shared>>
    tpu.wait_dma2 semaphore(%arg21 : memref<!tpu.dma_semaphore, #tpu.memory_space<semaphore_mem>>) src(%arg17 : memref<16x128xf32, #tpu.memory_space<vmem>>) dst(%dma_wait3A_469 : memref<16x128xf32, #tpu.memory_space<vmem_shared>>)
    %add3A_470 = arith.constant 384 : i32
    %add3A_471 = arith.addi %mul3A_86, %add3A_470 : i32
    %dma_wait3A_472 = arith.constant 0 : i32
    %dma_wait3A_473 = tpu.memref_slice %arg18[%add3A_471, %dma_wait3A_472] : memref<10240x128xf32, #tpu.memory_space<vmem_shared>> -> memref<16x128xf32, #tpu.memory_space<vmem_shared>>
    %dma_wait3A_474 = arith.constant 0 : i32
    %dma_wait3A_475 = tpu.memref_slice %arg18[%add3A_471, %dma_wait3A_474] : memref<10240x128xf32, #tpu.memory_space<vmem_shared>> -> memref<16x128xf32, #tpu.memory_space<vmem_shared>>
    tpu.wait_dma2 semaphore(%arg21 : memref<!tpu.dma_semaphore, #tpu.memory_space<semaphore_mem>>) src(%arg17 : memref<16x128xf32, #tpu.memory_space<vmem>>) dst(%dma_wait3A_475 : memref<16x128xf32, #tpu.memory_space<vmem_shared>>)
    %add3A_476 = arith.constant 400 : i32
    %add3A_477 = arith.addi %mul3A_86, %add3A_476 : i32
    %dma_wait3A_478 = arith.constant 0 : i32
    %dma_wait3A_479 = tpu.memref_slice %arg18[%add3A_477, %dma_wait3A_478] : memref<10240x128xf32, #tpu.memory_space<vmem_shared>> -> memref<16x128xf32, #tpu.memory_space<vmem_shared>>
    %dma_wait3A_480 = arith.constant 0 : i32
    %dma_wait3A_481 = tpu.memref_slice %arg18[%add3A_477, %dma_wait3A_480] : memref<10240x128xf32, #tpu.memory_space<vmem_shared>> -> memref<16x128xf32, #tpu.memory_space<vmem_shared>>
    tpu.wait_dma2 semaphore(%arg21 : memref<!tpu.dma_semaphore, #tpu.memory_space<semaphore_mem>>) src(%arg17 : memref<16x128xf32, #tpu.memory_space<vmem>>) dst(%dma_wait3A_481 : memref<16x128xf32, #tpu.memory_space<vmem_shared>>)
    %add3A_482 = arith.constant 416 : i32
    %add3A_483 = arith.addi %mul3A_86, %add3A_482 : i32
    %dma_wait3A_484 = arith.constant 0 : i32
    %dma_wait3A_485 = tpu.memref_slice %arg18[%add3A_483, %dma_wait3A_484] : memref<10240x128xf32, #tpu.memory_space<vmem_shared>> -> memref<16x128xf32, #tpu.memory_space<vmem_shared>>
    %dma_wait3A_486 = arith.constant 0 : i32
    %dma_wait3A_487 = tpu.memref_slice %arg18[%add3A_483, %dma_wait3A_486] : memref<10240x128xf32, #tpu.memory_space<vmem_shared>> -> memref<16x128xf32, #tpu.memory_space<vmem_shared>>
    tpu.wait_dma2 semaphore(%arg21 : memref<!tpu.dma_semaphore, #tpu.memory_space<semaphore_mem>>) src(%arg17 : memref<16x128xf32, #tpu.memory_space<vmem>>) dst(%dma_wait3A_487 : memref<16x128xf32, #tpu.memory_space<vmem_shared>>)
    %add3A_488 = arith.constant 432 : i32
    %add3A_489 = arith.addi %mul3A_86, %add3A_488 : i32
    %dma_wait3A_490 = arith.constant 0 : i32
    %dma_wait3A_491 = tpu.memref_slice %arg18[%add3A_489, %dma_wait3A_490] : memref<10240x128xf32, #tpu.memory_space<vmem_shared>> -> memref<16x128xf32, #tpu.memory_space<vmem_shared>>
    %dma_wait3A_492 = arith.constant 0 : i32
    %dma_wait3A_493 = tpu.memref_slice %arg18[%add3A_489, %dma_wait3A_492] : memref<10240x128xf32, #tpu.memory_space<vmem_shared>> -> memref<16x128xf32, #tpu.memory_space<vmem_shared>>
    tpu.wait_dma2 semaphore(%arg21 : memref<!tpu.dma_semaphore, #tpu.memory_space<semaphore_mem>>) src(%arg17 : memref<16x128xf32, #tpu.memory_space<vmem>>) dst(%dma_wait3A_493 : memref<16x128xf32, #tpu.memory_space<vmem_shared>>)
    %add3A_494 = arith.constant 448 : i32
    %add3A_495 = arith.addi %mul3A_86, %add3A_494 : i32
    %dma_wait3A_496 = arith.constant 0 : i32
    %dma_wait3A_497 = tpu.memref_slice %arg18[%add3A_495, %dma_wait3A_496] : memref<10240x128xf32, #tpu.memory_space<vmem_shared>> -> memref<16x128xf32, #tpu.memory_space<vmem_shared>>
    %dma_wait3A_498 = arith.constant 0 : i32
    %dma_wait3A_499 = tpu.memref_slice %arg18[%add3A_495, %dma_wait3A_498] : memref<10240x128xf32, #tpu.memory_space<vmem_shared>> -> memref<16x128xf32, #tpu.memory_space<vmem_shared>>
    tpu.wait_dma2 semaphore(%arg21 : memref<!tpu.dma_semaphore, #tpu.memory_space<semaphore_mem>>) src(%arg17 : memref<16x128xf32, #tpu.memory_space<vmem>>) dst(%dma_wait3A_499 : memref<16x128xf32, #tpu.memory_space<vmem_shared>>)
    %add3A_500 = arith.constant 464 : i32
    %add3A_501 = arith.addi %mul3A_86, %add3A_500 : i32
    %dma_wait3A_502 = arith.constant 0 : i32
    %dma_wait3A_503 = tpu.memref_slice %arg18[%add3A_501, %dma_wait3A_502] : memref<10240x128xf32, #tpu.memory_space<vmem_shared>> -> memref<16x128xf32, #tpu.memory_space<vmem_shared>>
    %dma_wait3A_504 = arith.constant 0 : i32
    %dma_wait3A_505 = tpu.memref_slice %arg18[%add3A_501, %dma_wait3A_504] : memref<10240x128xf32, #tpu.memory_space<vmem_shared>> -> memref<16x128xf32, #tpu.memory_space<vmem_shared>>
    tpu.wait_dma2 semaphore(%arg21 : memref<!tpu.dma_semaphore, #tpu.memory_space<semaphore_mem>>) src(%arg17 : memref<16x128xf32, #tpu.memory_space<vmem>>) dst(%dma_wait3A_505 : memref<16x128xf32, #tpu.memory_space<vmem_shared>>)
    %add3A_506 = arith.constant 480 : i32
    %add3A_507 = arith.addi %mul3A_86, %add3A_506 : i32
    %dma_wait3A_508 = arith.constant 0 : i32
    %dma_wait3A_509 = tpu.memref_slice %arg18[%add3A_507, %dma_wait3A_508] : memref<10240x128xf32, #tpu.memory_space<vmem_shared>> -> memref<16x128xf32, #tpu.memory_space<vmem_shared>>
    %dma_wait3A_510 = arith.constant 0 : i32
    %dma_wait3A_511 = tpu.memref_slice %arg18[%add3A_507, %dma_wait3A_510] : memref<10240x128xf32, #tpu.memory_space<vmem_shared>> -> memref<16x128xf32, #tpu.memory_space<vmem_shared>>
    tpu.wait_dma2 semaphore(%arg21 : memref<!tpu.dma_semaphore, #tpu.memory_space<semaphore_mem>>) src(%arg17 : memref<16x128xf32, #tpu.memory_space<vmem>>) dst(%dma_wait3A_511 : memref<16x128xf32, #tpu.memory_space<vmem_shared>>)
    %add3A_512 = arith.constant 496 : i32
    %add3A_513 = arith.addi %mul3A_86, %add3A_512 : i32
    %dma_wait3A_514 = arith.constant 0 : i32
    %dma_wait3A_515 = tpu.memref_slice %arg18[%add3A_513, %dma_wait3A_514] : memref<10240x128xf32, #tpu.memory_space<vmem_shared>> -> memref<16x128xf32, #tpu.memory_space<vmem_shared>>
    %dma_wait3A_516 = arith.constant 0 : i32
    %dma_wait3A_517 = tpu.memref_slice %arg18[%add3A_513, %dma_wait3A_516] : memref<10240x128xf32, #tpu.memory_space<vmem_shared>> -> memref<16x128xf32, #tpu.memory_space<vmem_shared>>
    tpu.wait_dma2 semaphore(%arg21 : memref<!tpu.dma_semaphore, #tpu.memory_space<semaphore_mem>>) src(%arg17 : memref<16x128xf32, #tpu.memory_space<vmem>>) dst(%dma_wait3A_517 : memref<16x128xf32, #tpu.memory_space<vmem_shared>>)
    %add3A_518 = arith.constant 512 : i32
    %add3A_519 = arith.addi %mul3A_86, %add3A_518 : i32
    %dma_wait3A_520 = arith.constant 0 : i32
    %dma_wait3A_521 = tpu.memref_slice %arg18[%add3A_519, %dma_wait3A_520] : memref<10240x128xf32, #tpu.memory_space<vmem_shared>> -> memref<16x128xf32, #tpu.memory_space<vmem_shared>>
    %dma_wait3A_522 = arith.constant 0 : i32
    %dma_wait3A_523 = tpu.memref_slice %arg18[%add3A_519, %dma_wait3A_522] : memref<10240x128xf32, #tpu.memory_space<vmem_shared>> -> memref<16x128xf32, #tpu.memory_space<vmem_shared>>
    tpu.wait_dma2 semaphore(%arg21 : memref<!tpu.dma_semaphore, #tpu.memory_space<semaphore_mem>>) src(%arg17 : memref<16x128xf32, #tpu.memory_space<vmem>>) dst(%dma_wait3A_523 : memref<16x128xf32, #tpu.memory_space<vmem_shared>>)
    %add3A_524 = arith.constant 528 : i32
    %add3A_525 = arith.addi %mul3A_86, %add3A_524 : i32
    %dma_wait3A_526 = arith.constant 0 : i32
    %dma_wait3A_527 = tpu.memref_slice %arg18[%add3A_525, %dma_wait3A_526] : memref<10240x128xf32, #tpu.memory_space<vmem_shared>> -> memref<16x128xf32, #tpu.memory_space<vmem_shared>>
    %dma_wait3A_528 = arith.constant 0 : i32
    %dma_wait3A_529 = tpu.memref_slice %arg18[%add3A_525, %dma_wait3A_528] : memref<10240x128xf32, #tpu.memory_space<vmem_shared>> -> memref<16x128xf32, #tpu.memory_space<vmem_shared>>
    tpu.wait_dma2 semaphore(%arg21 : memref<!tpu.dma_semaphore, #tpu.memory_space<semaphore_mem>>) src(%arg17 : memref<16x128xf32, #tpu.memory_space<vmem>>) dst(%dma_wait3A_529 : memref<16x128xf32, #tpu.memory_space<vmem_shared>>)
    %add3A_530 = arith.constant 544 : i32
    %add3A_531 = arith.addi %mul3A_86, %add3A_530 : i32
    %dma_wait3A_532 = arith.constant 0 : i32
    %dma_wait3A_533 = tpu.memref_slice %arg18[%add3A_531, %dma_wait3A_532] : memref<10240x128xf32, #tpu.memory_space<vmem_shared>> -> memref<16x128xf32, #tpu.memory_space<vmem_shared>>
    %dma_wait3A_534 = arith.constant 0 : i32
    %dma_wait3A_535 = tpu.memref_slice %arg18[%add3A_531, %dma_wait3A_534] : memref<10240x128xf32, #tpu.memory_space<vmem_shared>> -> memref<16x128xf32, #tpu.memory_space<vmem_shared>>
    tpu.wait_dma2 semaphore(%arg21 : memref<!tpu.dma_semaphore, #tpu.memory_space<semaphore_mem>>) src(%arg17 : memref<16x128xf32, #tpu.memory_space<vmem>>) dst(%dma_wait3A_535 : memref<16x128xf32, #tpu.memory_space<vmem_shared>>)
    %add3A_536 = arith.constant 560 : i32
    %add3A_537 = arith.addi %mul3A_86, %add3A_536 : i32
    %dma_wait3A_538 = arith.constant 0 : i32
    %dma_wait3A_539 = tpu.memref_slice %arg18[%add3A_537, %dma_wait3A_538] : memref<10240x128xf32, #tpu.memory_space<vmem_shared>> -> memref<16x128xf32, #tpu.memory_space<vmem_shared>>
    %dma_wait3A_540 = arith.constant 0 : i32
    %dma_wait3A_541 = tpu.memref_slice %arg18[%add3A_537, %dma_wait3A_540] : memref<10240x128xf32, #tpu.memory_space<vmem_shared>> -> memref<16x128xf32, #tpu.memory_space<vmem_shared>>
    tpu.wait_dma2 semaphore(%arg21 : memref<!tpu.dma_semaphore, #tpu.memory_space<semaphore_mem>>) src(%arg17 : memref<16x128xf32, #tpu.memory_space<vmem>>) dst(%dma_wait3A_541 : memref<16x128xf32, #tpu.memory_space<vmem_shared>>)
    %add3A_542 = arith.constant 576 : i32
    %add3A_543 = arith.addi %mul3A_86, %add3A_542 : i32
    %dma_wait3A_544 = arith.constant 0 : i32
    %dma_wait3A_545 = tpu.memref_slice %arg18[%add3A_543, %dma_wait3A_544] : memref<10240x128xf32, #tpu.memory_space<vmem_shared>> -> memref<16x128xf32, #tpu.memory_space<vmem_shared>>
    %dma_wait3A_546 = arith.constant 0 : i32
    %dma_wait3A_547 = tpu.memref_slice %arg18[%add3A_543, %dma_wait3A_546] : memref<10240x128xf32, #tpu.memory_space<vmem_shared>> -> memref<16x128xf32, #tpu.memory_space<vmem_shared>>
    tpu.wait_dma2 semaphore(%arg21 : memref<!tpu.dma_semaphore, #tpu.memory_space<semaphore_mem>>) src(%arg17 : memref<16x128xf32, #tpu.memory_space<vmem>>) dst(%dma_wait3A_547 : memref<16x128xf32, #tpu.memory_space<vmem_shared>>)
    %add3A_548 = arith.constant 592 : i32
    %add3A_549 = arith.addi %mul3A_86, %add3A_548 : i32
    %dma_wait3A_550 = arith.constant 0 : i32
    %dma_wait3A_551 = tpu.memref_slice %arg18[%add3A_549, %dma_wait3A_550] : memref<10240x128xf32, #tpu.memory_space<vmem_shared>> -> memref<16x128xf32, #tpu.memory_space<vmem_shared>>
    %dma_wait3A_552 = arith.constant 0 : i32
    %dma_wait3A_553 = tpu.memref_slice %arg18[%add3A_549, %dma_wait3A_552] : memref<10240x128xf32, #tpu.memory_space<vmem_shared>> -> memref<16x128xf32, #tpu.memory_space<vmem_shared>>
    tpu.wait_dma2 semaphore(%arg21 : memref<!tpu.dma_semaphore, #tpu.memory_space<semaphore_mem>>) src(%arg17 : memref<16x128xf32, #tpu.memory_space<vmem>>) dst(%dma_wait3A_553 : memref<16x128xf32, #tpu.memory_space<vmem_shared>>)
    %add3A_554 = arith.constant 608 : i32
    %add3A_555 = arith.addi %mul3A_86, %add3A_554 : i32
    %dma_wait3A_556 = arith.constant 0 : i32
    %dma_wait3A_557 = tpu.memref_slice %arg18[%add3A_555, %dma_wait3A_556] : memref<10240x128xf32, #tpu.memory_space<vmem_shared>> -> memref<16x128xf32, #tpu.memory_space<vmem_shared>>
    %dma_wait3A_558 = arith.constant 0 : i32
    %dma_wait3A_559 = tpu.memref_slice %arg18[%add3A_555, %dma_wait3A_558] : memref<10240x128xf32, #tpu.memory_space<vmem_shared>> -> memref<16x128xf32, #tpu.memory_space<vmem_shared>>
    tpu.wait_dma2 semaphore(%arg21 : memref<!tpu.dma_semaphore, #tpu.memory_space<semaphore_mem>>) src(%arg17 : memref<16x128xf32, #tpu.memory_space<vmem>>) dst(%dma_wait3A_559 : memref<16x128xf32, #tpu.memory_space<vmem_shared>>)
    %add3A_560 = arith.constant 624 : i32
    %add3A_561 = arith.addi %mul3A_86, %add3A_560 : i32
    %dma_wait3A_562 = arith.constant 0 : i32
    %dma_wait3A_563 = tpu.memref_slice %arg18[%add3A_561, %dma_wait3A_562] : memref<10240x128xf32, #tpu.memory_space<vmem_shared>> -> memref<16x128xf32, #tpu.memory_space<vmem_shared>>
    %dma_wait3A_564 = arith.constant 0 : i32
    %dma_wait3A_565 = tpu.memref_slice %arg18[%add3A_561, %dma_wait3A_564] : memref<10240x128xf32, #tpu.memory_space<vmem_shared>> -> memref<16x128xf32, #tpu.memory_space<vmem_shared>>
    tpu.wait_dma2 semaphore(%arg21 : memref<!tpu.dma_semaphore, #tpu.memory_space<semaphore_mem>>) src(%arg17 : memref<16x128xf32, #tpu.memory_space<vmem>>) dst(%dma_wait3A_565 : memref<16x128xf32, #tpu.memory_space<vmem_shared>>)
    %barrier3A = arith.constant 0 : index
    tpu.barrier barrier_id(%barrier3A)
    %scan3A_566 = arith.constant 0 : i32
    %scan3A_567 = arith.constant 49 : i32
    %scan3A_568 = arith.addi %scan3A_566, %scan3A_567 : i32
    %scan3A_569 = arith.constant 1 : i32
    scf.for %scan3A_652 = %scan3A_566 to %scan3A_568 step %scan3A_569  : i32 {
      %mul3A_653 = arith.constant 5 : i32
      %mul3A_654 = arith.muli %scan3A_652, %mul3A_653 : i32
      %add3A_655 = arith.constant 0 : i32
      %add3A_656 = arith.addi %mul3A_654, %add3A_655 : i32
      %mul3A_657 = arith.constant 40 : i32
      %mul3A_658 = arith.muli %add3A_656, %mul3A_657 : i32
      %add3A_659 = arith.addi %add3A, %mul3A_658 : i32
      %multiple_of3A_660 = tpu.assume_multiple %add3A_659, 8 : i32
      %dma_wait3A_661 = arith.constant 0 : i32
      %dma_wait3A_662 = tpu.memref_slice %arg4[%multiple_of3A_660] : memref<320000xi32, #tpu.memory_space<hbm>> -> memref<40xi32, #tpu.memory_space<hbm>>
      %dma_wait3A_663 = tpu.memref_slice %arg19[%dma_wait3A_661] : memref<5x!tpu.dma_semaphore, #tpu.memory_space<semaphore_mem>> -> memref<1x!tpu.dma_semaphore, #tpu.memory_space<semaphore_mem>>
      %dma_wait3A_664 = tpu.memref_squeeze %dma_wait3A_663 : memref<1x!tpu.dma_semaphore, #tpu.memory_space<semaphore_mem>> -> memref<!tpu.dma_semaphore, #tpu.memory_space<semaphore_mem>>
      %dma_wait3A_665 = tpu.memref_slice %arg4[%multiple_of3A_660] : memref<320000xi32, #tpu.memory_space<hbm>> -> memref<40xi32, #tpu.memory_space<hbm>>
      tpu.wait_dma2 semaphore(%dma_wait3A_664 : memref<!tpu.dma_semaphore, #tpu.memory_space<semaphore_mem>>) src(%dma_wait3A_665 : memref<40xi32, #tpu.memory_space<hbm>>) dst(%arg7 : memref<40xi32, #tpu.memory_space<vmem>>)
      %mul3A_666 = arith.constant 40 : i32
      %mul3A_667 = arith.muli %add3A_656, %mul3A_666 : i32
      %dma_wait3A_668 = arith.constant 0 : i32
      %dma_wait3A_669 = tpu.memref_slice %arg6[%mul3A_667] : memref<10000xi32, #tpu.memory_space<vmem>> -> memref<40xi32, #tpu.memory_space<vmem>>
      %dma_wait3A_670 = arith.constant 0 : i32
      %dma_wait3A_671 = arith.constant 0 : i32
      %dma_wait3A_672 = tpu.memref_slice %arg2[%dma_wait3A_670, %dma_wait3A_671] : memref<10000x128xf32, #tpu.memory_space<hbm>> -> memref<10000x128xf32, #tpu.memory_space<hbm>>
      %dma_wait3A_673 = tpu.memref_slice %arg20[%dma_wait3A_668] : memref<5x!tpu.dma_semaphore, #tpu.memory_space<semaphore_mem>> -> memref<1x!tpu.dma_semaphore, #tpu.memory_space<semaphore_mem>>
      %dma_wait3A_674 = tpu.memref_squeeze %dma_wait3A_673 : memref<1x!tpu.dma_semaphore, #tpu.memory_space<semaphore_mem>> -> memref<!tpu.dma_semaphore, #tpu.memory_space<semaphore_mem>>
      tpu.wait_indirect_dma semaphore(%dma_wait3A_674 : memref<!tpu.dma_semaphore, #tpu.memory_space<semaphore_mem>>) src(%dma_wait3A_672 : memref<10000x128xf32, #tpu.memory_space<hbm>>) dst(%arg12 : memref<40x128xf32, #tpu.memory_space<vmem>>)
      "tpu.region"() ({
        %run_scoped3A = tpu.sem_alloc : memref<!tpu.dma_semaphore, #tpu.memory_space<semaphore_mem>>
        %dma_start3A_865 = arith.constant 0 : i32
        %dma_start3A_866 = arith.constant 0 : i32
        %dma_start3A_867 = tpu.memref_slice %arg18[%dma_start3A_865, %dma_start3A_866] : memref<10240x128xf32, #tpu.memory_space<vmem_shared>> -> memref<10240x128xf32, #tpu.memory_space<vmem_shared>>
        tpu.enqueue_indirect_dma source(%arg12 : memref<40x128xf32, #tpu.memory_space<vmem>>) target(%dma_start3A_867 : memref<10240x128xf32, #tpu.memory_space<vmem_shared>>) offsets(%arg7 : memref<40xi32, #tpu.memory_space<vmem>>) semaphore(%run_scoped3A : memref<!tpu.dma_semaphore, #tpu.memory_space<semaphore_mem>>) {add = true}
        %dma_wait3A_868 = arith.constant 0 : i32
        %dma_wait3A_869 = arith.constant 0 : i32
        %dma_wait3A_870 = tpu.memref_slice %arg18[%dma_wait3A_868, %dma_wait3A_869] : memref<10240x128xf32, #tpu.memory_space<vmem_shared>> -> memref<10240x128xf32, #tpu.memory_space<vmem_shared>>
        tpu.wait_indirect_dma semaphore(%run_scoped3A : memref<!tpu.dma_semaphore, #tpu.memory_space<semaphore_mem>>) src(%arg12 : memref<40x128xf32, #tpu.memory_space<vmem>>) dst(%dma_wait3A_870 : memref<10240x128xf32, #tpu.memory_space<vmem_shared>>)
        tpu.yield
      }) : () -> ()
      %add3A_675 = arith.constant 0 : i32
      %add3A_676 = arith.addi %mul3A_654, %add3A_675 : i32
      %add3A_677 = arith.constant 5 : i32
      %add3A_678 = arith.addi %add3A_676, %add3A_677 : i32
      %mul3A_679 = arith.constant 40 : i32
      %mul3A_680 = arith.muli %add3A_678, %mul3A_679 : i32
      %add3A_681 = arith.addi %add3A, %mul3A_680 : i32
      %multiple_of3A_682 = tpu.assume_multiple %add3A_681, 8 : i32
      %dma_start3A_683 = arith.constant 0 : i32
      %dma_start3A_684 = tpu.memref_slice %arg4[%multiple_of3A_682] : memref<320000xi32, #tpu.memory_space<hbm>> -> memref<40xi32, #tpu.memory_space<hbm>>
      %dma_start3A_685 = tpu.memref_slice %arg19[%dma_start3A_683] : memref<5x!tpu.dma_semaphore, #tpu.memory_space<semaphore_mem>> -> memref<1x!tpu.dma_semaphore, #tpu.memory_space<semaphore_mem>>
      %dma_start3A_686 = tpu.memref_squeeze %dma_start3A_685 : memref<1x!tpu.dma_semaphore, #tpu.memory_space<semaphore_mem>> -> memref<!tpu.dma_semaphore, #tpu.memory_space<semaphore_mem>>
      %dma_start3A_687 = tpu.memref_slice %arg4[%multiple_of3A_682] : memref<320000xi32, #tpu.memory_space<hbm>> -> memref<40xi32, #tpu.memory_space<hbm>>
      tpu.enqueue_dma source(%dma_start3A_687 : memref<40xi32, #tpu.memory_space<hbm>>) target(%arg7 : memref<40xi32, #tpu.memory_space<vmem>>) target_semaphore(%dma_start3A_686 : memref<!tpu.dma_semaphore, #tpu.memory_space<semaphore_mem>>)
      %mul3A_688 = arith.constant 40 : i32
      %mul3A_689 = arith.muli %add3A_678, %mul3A_688 : i32
      %dma_start3A_690 = arith.constant 0 : i32
      %dma_start3A_691 = tpu.memref_slice %arg6[%mul3A_689] : memref<10000xi32, #tpu.memory_space<vmem>> -> memref<40xi32, #tpu.memory_space<vmem>>
      %dma_start3A_692 = arith.constant 0 : i32
      %dma_start3A_693 = arith.constant 0 : i32
      %dma_start3A_694 = tpu.memref_slice %arg2[%dma_start3A_692, %dma_start3A_693] : memref<10000x128xf32, #tpu.memory_space<hbm>> -> memref<10000x128xf32, #tpu.memory_space<hbm>>
      %dma_start3A_695 = tpu.memref_slice %arg20[%dma_start3A_690] : memref<5x!tpu.dma_semaphore, #tpu.memory_space<semaphore_mem>> -> memref<1x!tpu.dma_semaphore, #tpu.memory_space<semaphore_mem>>
      %dma_start3A_696 = tpu.memref_squeeze %dma_start3A_695 : memref<1x!tpu.dma_semaphore, #tpu.memory_space<semaphore_mem>> -> memref<!tpu.dma_semaphore, #tpu.memory_space<semaphore_mem>>
      tpu.enqueue_indirect_dma source(%dma_start3A_694 : memref<10000x128xf32, #tpu.memory_space<hbm>>) target(%arg12 : memref<40x128xf32, #tpu.memory_space<vmem>>) offsets(%dma_start3A_691 : memref<40xi32, #tpu.memory_space<vmem>>) semaphore(%dma_start3A_696 : memref<!tpu.dma_semaphore, #tpu.memory_space<semaphore_mem>>)
      %add3A_697 = arith.constant 1 : i32
      %add3A_698 = arith.addi %mul3A_654, %add3A_697 : i32
      %mul3A_699 = arith.constant 40 : i32
      %mul3A_700 = arith.muli %add3A_698, %mul3A_699 : i32
      %add3A_701 = arith.addi %add3A, %mul3A_700 : i32
      %multiple_of3A_702 = tpu.assume_multiple %add3A_701, 8 : i32
      %dma_wait3A_703 = arith.constant 1 : i32
      %dma_wait3A_704 = tpu.memref_slice %arg4[%multiple_of3A_702] : memref<320000xi32, #tpu.memory_space<hbm>> -> memref<40xi32, #tpu.memory_space<hbm>>
      %dma_wait3A_705 = tpu.memref_slice %arg19[%dma_wait3A_703] : memref<5x!tpu.dma_semaphore, #tpu.memory_space<semaphore_mem>> -> memref<1x!tpu.dma_semaphore, #tpu.memory_space<semaphore_mem>>
      %dma_wait3A_706 = tpu.memref_squeeze %dma_wait3A_705 : memref<1x!tpu.dma_semaphore, #tpu.memory_space<semaphore_mem>> -> memref<!tpu.dma_semaphore, #tpu.memory_space<semaphore_mem>>
      %dma_wait3A_707 = tpu.memref_slice %arg4[%multiple_of3A_702] : memref<320000xi32, #tpu.memory_space<hbm>> -> memref<40xi32, #tpu.memory_space<hbm>>
      tpu.wait_dma2 semaphore(%dma_wait3A_706 : memref<!tpu.dma_semaphore, #tpu.memory_space<semaphore_mem>>) src(%dma_wait3A_707 : memref<40xi32, #tpu.memory_space<hbm>>) dst(%arg8 : memref<40xi32, #tpu.memory_space<vmem>>)
      %mul3A_708 = arith.constant 40 : i32
      %mul3A_709 = arith.muli %add3A_698, %mul3A_708 : i32
      %dma_wait3A_710 = arith.constant 1 : i32
      %dma_wait3A_711 = tpu.memref_slice %arg6[%mul3A_709] : memref<10000xi32, #tpu.memory_space<vmem>> -> memref<40xi32, #tpu.memory_space<vmem>>
      %dma_wait3A_712 = arith.constant 0 : i32
      %dma_wait3A_713 = arith.constant 0 : i32
      %dma_wait3A_714 = tpu.memref_slice %arg2[%dma_wait3A_712, %dma_wait3A_713] : memref<10000x128xf32, #tpu.memory_space<hbm>> -> memref<10000x128xf32, #tpu.memory_space<hbm>>
      %dma_wait3A_715 = tpu.memref_slice %arg20[%dma_wait3A_710] : memref<5x!tpu.dma_semaphore, #tpu.memory_space<semaphore_mem>> -> memref<1x!tpu.dma_semaphore, #tpu.memory_space<semaphore_mem>>
      %dma_wait3A_716 = tpu.memref_squeeze %dma_wait3A_715 : memref<1x!tpu.dma_semaphore, #tpu.memory_space<semaphore_mem>> -> memref<!tpu.dma_semaphore, #tpu.memory_space<semaphore_mem>>
      tpu.wait_indirect_dma semaphore(%dma_wait3A_716 : memref<!tpu.dma_semaphore, #tpu.memory_space<semaphore_mem>>) src(%dma_wait3A_714 : memref<10000x128xf32, #tpu.memory_space<hbm>>) dst(%arg13 : memref<40x128xf32, #tpu.memory_space<vmem>>)
      "tpu.region"() ({
        %run_scoped3A = tpu.sem_alloc : memref<!tpu.dma_semaphore, #tpu.memory_space<semaphore_mem>>
        %dma_start3A_865 = arith.constant 0 : i32
        %dma_start3A_866 = arith.constant 0 : i32
        %dma_start3A_867 = tpu.memref_slice %arg18[%dma_start3A_865, %dma_start3A_866] : memref<10240x128xf32, #tpu.memory_space<vmem_shared>> -> memref<10240x128xf32, #tpu.memory_space<vmem_shared>>
        tpu.enqueue_indirect_dma source(%arg13 : memref<40x128xf32, #tpu.memory_space<vmem>>) target(%dma_start3A_867 : memref<10240x128xf32, #tpu.memory_space<vmem_shared>>) offsets(%arg8 : memref<40xi32, #tpu.memory_space<vmem>>) semaphore(%run_scoped3A : memref<!tpu.dma_semaphore, #tpu.memory_space<semaphore_mem>>) {add = true}
        %dma_wait3A_868 = arith.constant 0 : i32
        %dma_wait3A_869 = arith.constant 0 : i32
        %dma_wait3A_870 = tpu.memref_slice %arg18[%dma_wait3A_868, %dma_wait3A_869] : memref<10240x128xf32, #tpu.memory_space<vmem_shared>> -> memref<10240x128xf32, #tpu.memory_space<vmem_shared>>
        tpu.wait_indirect_dma semaphore(%run_scoped3A : memref<!tpu.dma_semaphore, #tpu.memory_space<semaphore_mem>>) src(%arg13 : memref<40x128xf32, #tpu.memory_space<vmem>>) dst(%dma_wait3A_870 : memref<10240x128xf32, #tpu.memory_space<vmem_shared>>)
        tpu.yield
      }) : () -> ()
      %add3A_717 = arith.constant 1 : i32
      %add3A_718 = arith.addi %mul3A_654, %add3A_717 : i32
      %add3A_719 = arith.constant 5 : i32
      %add3A_720 = arith.addi %add3A_718, %add3A_719 : i32
      %mul3A_721 = arith.constant 40 : i32
      %mul3A_722 = arith.muli %add3A_720, %mul3A_721 : i32
      %add3A_723 = arith.addi %add3A, %mul3A_722 : i32
      %multiple_of3A_724 = tpu.assume_multiple %add3A_723, 8 : i32
      %dma_start3A_725 = arith.constant 1 : i32
      %dma_start3A_726 = tpu.memref_slice %arg4[%multiple_of3A_724] : memref<320000xi32, #tpu.memory_space<hbm>> -> memref<40xi32, #tpu.memory_space<hbm>>
      %dma_start3A_727 = tpu.memref_slice %arg19[%dma_start3A_725] : memref<5x!tpu.dma_semaphore, #tpu.memory_space<semaphore_mem>> -> memref<1x!tpu.dma_semaphore, #tpu.memory_space<semaphore_mem>>
      %dma_start3A_728 = tpu.memref_squeeze %dma_start3A_727 : memref<1x!tpu.dma_semaphore, #tpu.memory_space<semaphore_mem>> -> memref<!tpu.dma_semaphore, #tpu.memory_space<semaphore_mem>>
      %dma_start3A_729 = tpu.memref_slice %arg4[%multiple_of3A_724] : memref<320000xi32, #tpu.memory_space<hbm>> -> memref<40xi32, #tpu.memory_space<hbm>>
      tpu.enqueue_dma source(%dma_start3A_729 : memref<40xi32, #tpu.memory_space<hbm>>) target(%arg8 : memref<40xi32, #tpu.memory_space<vmem>>) target_semaphore(%dma_start3A_728 : memref<!tpu.dma_semaphore, #tpu.memory_space<semaphore_mem>>)
      %mul3A_730 = arith.constant 40 : i32
      %mul3A_731 = arith.muli %add3A_720, %mul3A_730 : i32
      %dma_start3A_732 = arith.constant 1 : i32
      %dma_start3A_733 = tpu.memref_slice %arg6[%mul3A_731] : memref<10000xi32, #tpu.memory_space<vmem>> -> memref<40xi32, #tpu.memory_space<vmem>>
      %dma_start3A_734 = arith.constant 0 : i32
      %dma_start3A_735 = arith.constant 0 : i32
      %dma_start3A_736 = tpu.memref_slice %arg2[%dma_start3A_734, %dma_start3A_735] : memref<10000x128xf32, #tpu.memory_space<hbm>> -> memref<10000x128xf32, #tpu.memory_space<hbm>>
      %dma_start3A_737 = tpu.memref_slice %arg20[%dma_start3A_732] : memref<5x!tpu.dma_semaphore, #tpu.memory_space<semaphore_mem>> -> memref<1x!tpu.dma_semaphore, #tpu.memory_space<semaphore_mem>>
      %dma_start3A_738 = tpu.memref_squeeze %dma_start3A_737 : memref<1x!tpu.dma_semaphore, #tpu.memory_space<semaphore_mem>> -> memref<!tpu.dma_semaphore, #tpu.memory_space<semaphore_mem>>
      tpu.enqueue_indirect_dma source(%dma_start3A_736 : memref<10000x128xf32, #tpu.memory_space<hbm>>) target(%arg13 : memref<40x128xf32, #tpu.memory_space<vmem>>) offsets(%dma_start3A_733 : memref<40xi32, #tpu.memory_space<vmem>>) semaphore(%dma_start3A_738 : memref<!tpu.dma_semaphore, #tpu.memory_space<semaphore_mem>>)
      %add3A_739 = arith.constant 2 : i32
      %add3A_740 = arith.addi %mul3A_654, %add3A_739 : i32
      %mul3A_741 = arith.constant 40 : i32
      %mul3A_742 = arith.muli %add3A_740, %mul3A_741 : i32
      %add3A_743 = arith.addi %add3A, %mul3A_742 : i32
      %multiple_of3A_744 = tpu.assume_multiple %add3A_743, 8 : i32
      %dma_wait3A_745 = arith.constant 2 : i32
      %dma_wait3A_746 = tpu.memref_slice %arg4[%multiple_of3A_744] : memref<320000xi32, #tpu.memory_space<hbm>> -> memref<40xi32, #tpu.memory_space<hbm>>
      %dma_wait3A_747 = tpu.memref_slice %arg19[%dma_wait3A_745] : memref<5x!tpu.dma_semaphore, #tpu.memory_space<semaphore_mem>> -> memref<1x!tpu.dma_semaphore, #tpu.memory_space<semaphore_mem>>
      %dma_wait3A_748 = tpu.memref_squeeze %dma_wait3A_747 : memref<1x!tpu.dma_semaphore, #tpu.memory_space<semaphore_mem>> -> memref<!tpu.dma_semaphore, #tpu.memory_space<semaphore_mem>>
      %dma_wait3A_749 = tpu.memref_slice %arg4[%multiple_of3A_744] : memref<320000xi32, #tpu.memory_space<hbm>> -> memref<40xi32, #tpu.memory_space<hbm>>
      tpu.wait_dma2 semaphore(%dma_wait3A_748 : memref<!tpu.dma_semaphore, #tpu.memory_space<semaphore_mem>>) src(%dma_wait3A_749 : memref<40xi32, #tpu.memory_space<hbm>>) dst(%arg9 : memref<40xi32, #tpu.memory_space<vmem>>)
      %mul3A_750 = arith.constant 40 : i32
      %mul3A_751 = arith.muli %add3A_740, %mul3A_750 : i32
      %dma_wait3A_752 = arith.constant 2 : i32
      %dma_wait3A_753 = tpu.memref_slice %arg6[%mul3A_751] : memref<10000xi32, #tpu.memory_space<vmem>> -> memref<40xi32, #tpu.memory_space<vmem>>
      %dma_wait3A_754 = arith.constant 0 : i32
      %dma_wait3A_755 = arith.constant 0 : i32
      %dma_wait3A_756 = tpu.memref_slice %arg2[%dma_wait3A_754, %dma_wait3A_755] : memref<10000x128xf32, #tpu.memory_space<hbm>> -> memref<10000x128xf32, #tpu.memory_space<hbm>>
      %dma_wait3A_757 = tpu.memref_slice %arg20[%dma_wait3A_752] : memref<5x!tpu.dma_semaphore, #tpu.memory_space<semaphore_mem>> -> memref<1x!tpu.dma_semaphore, #tpu.memory_space<semaphore_mem>>
      %dma_wait3A_758 = tpu.memref_squeeze %dma_wait3A_757 : memref<1x!tpu.dma_semaphore, #tpu.memory_space<semaphore_mem>> -> memref<!tpu.dma_semaphore, #tpu.memory_space<semaphore_mem>>
      tpu.wait_indirect_dma semaphore(%dma_wait3A_758 : memref<!tpu.dma_semaphore, #tpu.memory_space<semaphore_mem>>) src(%dma_wait3A_756 : memref<10000x128xf32, #tpu.memory_space<hbm>>) dst(%arg14 : memref<40x128xf32, #tpu.memory_space<vmem>>)
      "tpu.region"() ({
        %run_scoped3A = tpu.sem_alloc : memref<!tpu.dma_semaphore, #tpu.memory_space<semaphore_mem>>
        %dma_start3A_865 = arith.constant 0 : i32
        %dma_start3A_866 = arith.constant 0 : i32
        %dma_start3A_867 = tpu.memref_slice %arg18[%dma_start3A_865, %dma_start3A_866] : memref<10240x128xf32, #tpu.memory_space<vmem_shared>> -> memref<10240x128xf32, #tpu.memory_space<vmem_shared>>
        tpu.enqueue_indirect_dma source(%arg14 : memref<40x128xf32, #tpu.memory_space<vmem>>) target(%dma_start3A_867 : memref<10240x128xf32, #tpu.memory_space<vmem_shared>>) offsets(%arg9 : memref<40xi32, #tpu.memory_space<vmem>>) semaphore(%run_scoped3A : memref<!tpu.dma_semaphore, #tpu.memory_space<semaphore_mem>>) {add = true}
        %dma_wait3A_868 = arith.constant 0 : i32
        %dma_wait3A_869 = arith.constant 0 : i32
        %dma_wait3A_870 = tpu.memref_slice %arg18[%dma_wait3A_868, %dma_wait3A_869] : memref<10240x128xf32, #tpu.memory_space<vmem_shared>> -> memref<10240x128xf32, #tpu.memory_space<vmem_shared>>
        tpu.wait_indirect_dma semaphore(%run_scoped3A : memref<!tpu.dma_semaphore, #tpu.memory_space<semaphore_mem>>) src(%arg14 : memref<40x128xf32, #tpu.memory_space<vmem>>) dst(%dma_wait3A_870 : memref<10240x128xf32, #tpu.memory_space<vmem_shared>>)
        tpu.yield
      }) : () -> ()
      %add3A_759 = arith.constant 2 : i32
      %add3A_760 = arith.addi %mul3A_654, %add3A_759 : i32
      %add3A_761 = arith.constant 5 : i32
      %add3A_762 = arith.addi %add3A_760, %add3A_761 : i32
      %mul3A_763 = arith.constant 40 : i32
      %mul3A_764 = arith.muli %add3A_762, %mul3A_763 : i32
      %add3A_765 = arith.addi %add3A, %mul3A_764 : i32
      %multiple_of3A_766 = tpu.assume_multiple %add3A_765, 8 : i32
      %dma_start3A_767 = arith.constant 2 : i32
      %dma_start3A_768 = tpu.memref_slice %arg4[%multiple_of3A_766] : memref<320000xi32, #tpu.memory_space<hbm>> -> memref<40xi32, #tpu.memory_space<hbm>>
      %dma_start3A_769 = tpu.memref_slice %arg19[%dma_start3A_767] : memref<5x!tpu.dma_semaphore, #tpu.memory_space<semaphore_mem>> -> memref<1x!tpu.dma_semaphore, #tpu.memory_space<semaphore_mem>>
      %dma_start3A_770 = tpu.memref_squeeze %dma_start3A_769 : memref<1x!tpu.dma_semaphore, #tpu.memory_space<semaphore_mem>> -> memref<!tpu.dma_semaphore, #tpu.memory_space<semaphore_mem>>
      %dma_start3A_771 = tpu.memref_slice %arg4[%multiple_of3A_766] : memref<320000xi32, #tpu.memory_space<hbm>> -> memref<40xi32, #tpu.memory_space<hbm>>
      tpu.enqueue_dma source(%dma_start3A_771 : memref<40xi32, #tpu.memory_space<hbm>>) target(%arg9 : memref<40xi32, #tpu.memory_space<vmem>>) target_semaphore(%dma_start3A_770 : memref<!tpu.dma_semaphore, #tpu.memory_space<semaphore_mem>>)
      %mul3A_772 = arith.constant 40 : i32
      %mul3A_773 = arith.muli %add3A_762, %mul3A_772 : i32
      %dma_start3A_774 = arith.constant 2 : i32
      %dma_start3A_775 = tpu.memref_slice %arg6[%mul3A_773] : memref<10000xi32, #tpu.memory_space<vmem>> -> memref<40xi32, #tpu.memory_space<vmem>>
      %dma_start3A_776 = arith.constant 0 : i32
      %dma_start3A_777 = arith.constant 0 : i32
      %dma_start3A_778 = tpu.memref_slice %arg2[%dma_start3A_776, %dma_start3A_777] : memref<10000x128xf32, #tpu.memory_space<hbm>> -> memref<10000x128xf32, #tpu.memory_space<hbm>>
      %dma_start3A_779 = tpu.memref_slice %arg20[%dma_start3A_774] : memref<5x!tpu.dma_semaphore, #tpu.memory_space<semaphore_mem>> -> memref<1x!tpu.dma_semaphore, #tpu.memory_space<semaphore_mem>>
      %dma_start3A_780 = tpu.memref_squeeze %dma_start3A_779 : memref<1x!tpu.dma_semaphore, #tpu.memory_space<semaphore_mem>> -> memref<!tpu.dma_semaphore, #tpu.memory_space<semaphore_mem>>
      tpu.enqueue_indirect_dma source(%dma_start3A_778 : memref<10000x128xf32, #tpu.memory_space<hbm>>) target(%arg14 : memref<40x128xf32, #tpu.memory_space<vmem>>) offsets(%dma_start3A_775 : memref<40xi32, #tpu.memory_space<vmem>>) semaphore(%dma_start3A_780 : memref<!tpu.dma_semaphore, #tpu.memory_space<semaphore_mem>>)
      %add3A_781 = arith.constant 3 : i32
      %add3A_782 = arith.addi %mul3A_654, %add3A_781 : i32
      %mul3A_783 = arith.constant 40 : i32
      %mul3A_784 = arith.muli %add3A_782, %mul3A_783 : i32
      %add3A_785 = arith.addi %add3A, %mul3A_784 : i32
      %multiple_of3A_786 = tpu.assume_multiple %add3A_785, 8 : i32
      %dma_wait3A_787 = arith.constant 3 : i32
      %dma_wait3A_788 = tpu.memref_slice %arg4[%multiple_of3A_786] : memref<320000xi32, #tpu.memory_space<hbm>> -> memref<40xi32, #tpu.memory_space<hbm>>
      %dma_wait3A_789 = tpu.memref_slice %arg19[%dma_wait3A_787] : memref<5x!tpu.dma_semaphore, #tpu.memory_space<semaphore_mem>> -> memref<1x!tpu.dma_semaphore, #tpu.memory_space<semaphore_mem>>
      %dma_wait3A_790 = tpu.memref_squeeze %dma_wait3A_789 : memref<1x!tpu.dma_semaphore, #tpu.memory_space<semaphore_mem>> -> memref<!tpu.dma_semaphore, #tpu.memory_space<semaphore_mem>>
      %dma_wait3A_791 = tpu.memref_slice %arg4[%multiple_of3A_786] : memref<320000xi32, #tpu.memory_space<hbm>> -> memref<40xi32, #tpu.memory_space<hbm>>
      tpu.wait_dma2 semaphore(%dma_wait3A_790 : memref<!tpu.dma_semaphore, #tpu.memory_space<semaphore_mem>>) src(%dma_wait3A_791 : memref<40xi32, #tpu.memory_space<hbm>>) dst(%arg10 : memref<40xi32, #tpu.memory_space<vmem>>)
      %mul3A_792 = arith.constant 40 : i32
      %mul3A_793 = arith.muli %add3A_782, %mul3A_792 : i32
      %dma_wait3A_794 = arith.constant 3 : i32
      %dma_wait3A_795 = tpu.memref_slice %arg6[%mul3A_793] : memref<10000xi32, #tpu.memory_space<vmem>> -> memref<40xi32, #tpu.memory_space<vmem>>
      %dma_wait3A_796 = arith.constant 0 : i32
      %dma_wait3A_797 = arith.constant 0 : i32
      %dma_wait3A_798 = tpu.memref_slice %arg2[%dma_wait3A_796, %dma_wait3A_797] : memref<10000x128xf32, #tpu.memory_space<hbm>> -> memref<10000x128xf32, #tpu.memory_space<hbm>>
      %dma_wait3A_799 = tpu.memref_slice %arg20[%dma_wait3A_794] : memref<5x!tpu.dma_semaphore, #tpu.memory_space<semaphore_mem>> -> memref<1x!tpu.dma_semaphore, #tpu.memory_space<semaphore_mem>>
      %dma_wait3A_800 = tpu.memref_squeeze %dma_wait3A_799 : memref<1x!tpu.dma_semaphore, #tpu.memory_space<semaphore_mem>> -> memref<!tpu.dma_semaphore, #tpu.memory_space<semaphore_mem>>
      tpu.wait_indirect_dma semaphore(%dma_wait3A_800 : memref<!tpu.dma_semaphore, #tpu.memory_space<semaphore_mem>>) src(%dma_wait3A_798 : memref<10000x128xf32, #tpu.memory_space<hbm>>) dst(%arg15 : memref<40x128xf32, #tpu.memory_space<vmem>>)
      "tpu.region"() ({
        %run_scoped3A = tpu.sem_alloc : memref<!tpu.dma_semaphore, #tpu.memory_space<semaphore_mem>>
        %dma_start3A_865 = arith.constant 0 : i32
        %dma_start3A_866 = arith.constant 0 : i32
        %dma_start3A_867 = tpu.memref_slice %arg18[%dma_start3A_865, %dma_start3A_866] : memref<10240x128xf32, #tpu.memory_space<vmem_shared>> -> memref<10240x128xf32, #tpu.memory_space<vmem_shared>>
        tpu.enqueue_indirect_dma source(%arg15 : memref<40x128xf32, #tpu.memory_space<vmem>>) target(%dma_start3A_867 : memref<10240x128xf32, #tpu.memory_space<vmem_shared>>) offsets(%arg10 : memref<40xi32, #tpu.memory_space<vmem>>) semaphore(%run_scoped3A : memref<!tpu.dma_semaphore, #tpu.memory_space<semaphore_mem>>) {add = true}
        %dma_wait3A_868 = arith.constant 0 : i32
        %dma_wait3A_869 = arith.constant 0 : i32
        %dma_wait3A_870 = tpu.memref_slice %arg18[%dma_wait3A_868, %dma_wait3A_869] : memref<10240x128xf32, #tpu.memory_space<vmem_shared>> -> memref<10240x128xf32, #tpu.memory_space<vmem_shared>>
        tpu.wait_indirect_dma semaphore(%run_scoped3A : memref<!tpu.dma_semaphore, #tpu.memory_space<semaphore_mem>>) src(%arg15 : memref<40x128xf32, #tpu.memory_space<vmem>>) dst(%dma_wait3A_870 : memref<10240x128xf32, #tpu.memory_space<vmem_shared>>)
        tpu.yield
      }) : () -> ()
      %add3A_801 = arith.constant 3 : i32
      %add3A_802 = arith.addi %mul3A_654, %add3A_801 : i32
      %add3A_803 = arith.constant 5 : i32
      %add3A_804 = arith.addi %add3A_802, %add3A_803 : i32
      %mul3A_805 = arith.constant 40 : i32
      %mul3A_806 = arith.muli %add3A_804, %mul3A_805 : i32
      %add3A_807 = arith.addi %add3A, %mul3A_806 : i32
      %multiple_of3A_808 = tpu.assume_multiple %add3A_807, 8 : i32
      %dma_start3A_809 = arith.constant 3 : i32
      %dma_start3A_810 = tpu.memref_slice %arg4[%multiple_of3A_808] : memref<320000xi32, #tpu.memory_space<hbm>> -> memref<40xi32, #tpu.memory_space<hbm>>
      %dma_start3A_811 = tpu.memref_slice %arg19[%dma_start3A_809] : memref<5x!tpu.dma_semaphore, #tpu.memory_space<semaphore_mem>> -> memref<1x!tpu.dma_semaphore, #tpu.memory_space<semaphore_mem>>
      %dma_start3A_812 = tpu.memref_squeeze %dma_start3A_811 : memref<1x!tpu.dma_semaphore, #tpu.memory_space<semaphore_mem>> -> memref<!tpu.dma_semaphore, #tpu.memory_space<semaphore_mem>>
      %dma_start3A_813 = tpu.memref_slice %arg4[%multiple_of3A_808] : memref<320000xi32, #tpu.memory_space<hbm>> -> memref<40xi32, #tpu.memory_space<hbm>>
      tpu.enqueue_dma source(%dma_start3A_813 : memref<40xi32, #tpu.memory_space<hbm>>) target(%arg10 : memref<40xi32, #tpu.memory_space<vmem>>) target_semaphore(%dma_start3A_812 : memref<!tpu.dma_semaphore, #tpu.memory_space<semaphore_mem>>)
      %mul3A_814 = arith.constant 40 : i32
      %mul3A_815 = arith.muli %add3A_804, %mul3A_814 : i32
      %dma_start3A_816 = arith.constant 3 : i32
      %dma_start3A_817 = tpu.memref_slice %arg6[%mul3A_815] : memref<10000xi32, #tpu.memory_space<vmem>> -> memref<40xi32, #tpu.memory_space<vmem>>
      %dma_start3A_818 = arith.constant 0 : i32
      %dma_start3A_819 = arith.constant 0 : i32
      %dma_start3A_820 = tpu.memref_slice %arg2[%dma_start3A_818, %dma_start3A_819] : memref<10000x128xf32, #tpu.memory_space<hbm>> -> memref<10000x128xf32, #tpu.memory_space<hbm>>
      %dma_start3A_821 = tpu.memref_slice %arg20[%dma_start3A_816] : memref<5x!tpu.dma_semaphore, #tpu.memory_space<semaphore_mem>> -> memref<1x!tpu.dma_semaphore, #tpu.memory_space<semaphore_mem>>
      %dma_start3A_822 = tpu.memref_squeeze %dma_start3A_821 : memref<1x!tpu.dma_semaphore, #tpu.memory_space<semaphore_mem>> -> memref<!tpu.dma_semaphore, #tpu.memory_space<semaphore_mem>>
      tpu.enqueue_indirect_dma source(%dma_start3A_820 : memref<10000x128xf32, #tpu.memory_space<hbm>>) target(%arg15 : memref<40x128xf32, #tpu.memory_space<vmem>>) offsets(%dma_start3A_817 : memref<40xi32, #tpu.memory_space<vmem>>) semaphore(%dma_start3A_822 : memref<!tpu.dma_semaphore, #tpu.memory_space<semaphore_mem>>)
      %add3A_823 = arith.constant 4 : i32
      %add3A_824 = arith.addi %mul3A_654, %add3A_823 : i32
      %mul3A_825 = arith.constant 40 : i32
      %mul3A_826 = arith.muli %add3A_824, %mul3A_825 : i32
      %add3A_827 = arith.addi %add3A, %mul3A_826 : i32
      %multiple_of3A_828 = tpu.assume_multiple %add3A_827, 8 : i32
      %dma_wait3A_829 = arith.constant 4 : i32
      %dma_wait3A_830 = tpu.memref_slice %arg4[%multiple_of3A_828] : memref<320000xi32, #tpu.memory_space<hbm>> -> memref<40xi32, #tpu.memory_space<hbm>>
      %dma_wait3A_831 = tpu.memref_slice %arg19[%dma_wait3A_829] : memref<5x!tpu.dma_semaphore, #tpu.memory_space<semaphore_mem>> -> memref<1x!tpu.dma_semaphore, #tpu.memory_space<semaphore_mem>>
      %dma_wait3A_832 = tpu.memref_squeeze %dma_wait3A_831 : memref<1x!tpu.dma_semaphore, #tpu.memory_space<semaphore_mem>> -> memref<!tpu.dma_semaphore, #tpu.memory_space<semaphore_mem>>
      %dma_wait3A_833 = tpu.memref_slice %arg4[%multiple_of3A_828] : memref<320000xi32, #tpu.memory_space<hbm>> -> memref<40xi32, #tpu.memory_space<hbm>>
      tpu.wait_dma2 semaphore(%dma_wait3A_832 : memref<!tpu.dma_semaphore, #tpu.memory_space<semaphore_mem>>) src(%dma_wait3A_833 : memref<40xi32, #tpu.memory_space<hbm>>) dst(%arg11 : memref<40xi32, #tpu.memory_space<vmem>>)
      %mul3A_834 = arith.constant 40 : i32
      %mul3A_835 = arith.muli %add3A_824, %mul3A_834 : i32
      %dma_wait3A_836 = arith.constant 4 : i32
      %dma_wait3A_837 = tpu.memref_slice %arg6[%mul3A_835] : memref<10000xi32, #tpu.memory_space<vmem>> -> memref<40xi32, #tpu.memory_space<vmem>>
      %dma_wait3A_838 = arith.constant 0 : i32
      %dma_wait3A_839 = arith.constant 0 : i32
      %dma_wait3A_840 = tpu.memref_slice %arg2[%dma_wait3A_838, %dma_wait3A_839] : memref<10000x128xf32, #tpu.memory_space<hbm>> -> memref<10000x128xf32, #tpu.memory_space<hbm>>
      %dma_wait3A_841 = tpu.memref_slice %arg20[%dma_wait3A_836] : memref<5x!tpu.dma_semaphore, #tpu.memory_space<semaphore_mem>> -> memref<1x!tpu.dma_semaphore, #tpu.memory_space<semaphore_mem>>
      %dma_wait3A_842 = tpu.memref_squeeze %dma_wait3A_841 : memref<1x!tpu.dma_semaphore, #tpu.memory_space<semaphore_mem>> -> memref<!tpu.dma_semaphore, #tpu.memory_space<semaphore_mem>>
      tpu.wait_indirect_dma semaphore(%dma_wait3A_842 : memref<!tpu.dma_semaphore, #tpu.memory_space<semaphore_mem>>) src(%dma_wait3A_840 : memref<10000x128xf32, #tpu.memory_space<hbm>>) dst(%arg16 : memref<40x128xf32, #tpu.memory_space<vmem>>)
      "tpu.region"() ({
        %run_scoped3A = tpu.sem_alloc : memref<!tpu.dma_semaphore, #tpu.memory_space<semaphore_mem>>
        %dma_start3A_865 = arith.constant 0 : i32
        %dma_start3A_866 = arith.constant 0 : i32
        %dma_start3A_867 = tpu.memref_slice %arg18[%dma_start3A_865, %dma_start3A_866] : memref<10240x128xf32, #tpu.memory_space<vmem_shared>> -> memref<10240x128xf32, #tpu.memory_space<vmem_shared>>
        tpu.enqueue_indirect_dma source(%arg16 : memref<40x128xf32, #tpu.memory_space<vmem>>) target(%dma_start3A_867 : memref<10240x128xf32, #tpu.memory_space<vmem_shared>>) offsets(%arg11 : memref<40xi32, #tpu.memory_space<vmem>>) semaphore(%run_scoped3A : memref<!tpu.dma_semaphore, #tpu.memory_space<semaphore_mem>>) {add = true}
        %dma_wait3A_868 = arith.constant 0 : i32
        %dma_wait3A_869 = arith.constant 0 : i32
        %dma_wait3A_870 = tpu.memref_slice %arg18[%dma_wait3A_868, %dma_wait3A_869] : memref<10240x128xf32, #tpu.memory_space<vmem_shared>> -> memref<10240x128xf32, #tpu.memory_space<vmem_shared>>
        tpu.wait_indirect_dma semaphore(%run_scoped3A : memref<!tpu.dma_semaphore, #tpu.memory_space<semaphore_mem>>) src(%arg16 : memref<40x128xf32, #tpu.memory_space<vmem>>) dst(%dma_wait3A_870 : memref<10240x128xf32, #tpu.memory_space<vmem_shared>>)
        tpu.yield
      }) : () -> ()
      %add3A_843 = arith.constant 4 : i32
      %add3A_844 = arith.addi %mul3A_654, %add3A_843 : i32
      %add3A_845 = arith.constant 5 : i32
      %add3A_846 = arith.addi %add3A_844, %add3A_845 : i32
      %mul3A_847 = arith.constant 40 : i32
      %mul3A_848 = arith.muli %add3A_846, %mul3A_847 : i32
      %add3A_849 = arith.addi %add3A, %mul3A_848 : i32
      %multiple_of3A_850 = tpu.assume_multiple %add3A_849, 8 : i32
      %dma_start3A_851 = arith.constant 4 : i32
      %dma_start3A_852 = tpu.memref_slice %arg4[%multiple_of3A_850] : memref<320000xi32, #tpu.memory_space<hbm>> -> memref<40xi32, #tpu.memory_space<hbm>>
      %dma_start3A_853 = tpu.memref_slice %arg19[%dma_start3A_851] : memref<5x!tpu.dma_semaphore, #tpu.memory_space<semaphore_mem>> -> memref<1x!tpu.dma_semaphore, #tpu.memory_space<semaphore_mem>>
      %dma_start3A_854 = tpu.memref_squeeze %dma_start3A_853 : memref<1x!tpu.dma_semaphore, #tpu.memory_space<semaphore_mem>> -> memref<!tpu.dma_semaphore, #tpu.memory_space<semaphore_mem>>
      %dma_start3A_855 = tpu.memref_slice %arg4[%multiple_of3A_850] : memref<320000xi32, #tpu.memory_space<hbm>> -> memref<40xi32, #tpu.memory_space<hbm>>
      tpu.enqueue_dma source(%dma_start3A_855 : memref<40xi32, #tpu.memory_space<hbm>>) target(%arg11 : memref<40xi32, #tpu.memory_space<vmem>>) target_semaphore(%dma_start3A_854 : memref<!tpu.dma_semaphore, #tpu.memory_space<semaphore_mem>>)
      %mul3A_856 = arith.constant 40 : i32
      %mul3A_857 = arith.muli %add3A_846, %mul3A_856 : i32
      %dma_start3A_858 = arith.constant 4 : i32
      %dma_start3A_859 = tpu.memref_slice %arg6[%mul3A_857] : memref<10000xi32, #tpu.memory_space<vmem>> -> memref<40xi32, #tpu.memory_space<vmem>>
      %dma_start3A_860 = arith.constant 0 : i32
      %dma_start3A_861 = arith.constant 0 : i32
      %dma_start3A_862 = tpu.memref_slice %arg2[%dma_start3A_860, %dma_start3A_861] : memref<10000x128xf32, #tpu.memory_space<hbm>> -> memref<10000x128xf32, #tpu.memory_space<hbm>>
      %dma_start3A_863 = tpu.memref_slice %arg20[%dma_start3A_858] : memref<5x!tpu.dma_semaphore, #tpu.memory_space<semaphore_mem>> -> memref<1x!tpu.dma_semaphore, #tpu.memory_space<semaphore_mem>>
      %dma_start3A_864 = tpu.memref_squeeze %dma_start3A_863 : memref<1x!tpu.dma_semaphore, #tpu.memory_space<semaphore_mem>> -> memref<!tpu.dma_semaphore, #tpu.memory_space<semaphore_mem>>
      tpu.enqueue_indirect_dma source(%dma_start3A_862 : memref<10000x128xf32, #tpu.memory_space<hbm>>) target(%arg16 : memref<40x128xf32, #tpu.memory_space<vmem>>) offsets(%dma_start3A_859 : memref<40xi32, #tpu.memory_space<vmem>>) semaphore(%dma_start3A_864 : memref<!tpu.dma_semaphore, #tpu.memory_space<semaphore_mem>>)
    }
    %scan3A_570 = arith.constant 49 : i32
    %add3A_571 = arith.constant 9800 : i32
    %add3A_572 = arith.addi %add3A, %add3A_571 : i32
    %multiple_of3A_573 = tpu.assume_multiple %add3A_572, 8 : i32
    %dma_wait3A_574 = arith.constant 0 : i32
    %dma_wait3A_575 = tpu.memref_slice %arg4[%multiple_of3A_573] : memref<320000xi32, #tpu.memory_space<hbm>> -> memref<40xi32, #tpu.memory_space<hbm>>
    %dma_wait3A_576 = tpu.memref_slice %arg19[%dma_wait3A_574] : memref<5x!tpu.dma_semaphore, #tpu.memory_space<semaphore_mem>> -> memref<1x!tpu.dma_semaphore, #tpu.memory_space<semaphore_mem>>
    %dma_wait3A_577 = tpu.memref_squeeze %dma_wait3A_576 : memref<1x!tpu.dma_semaphore, #tpu.memory_space<semaphore_mem>> -> memref<!tpu.dma_semaphore, #tpu.memory_space<semaphore_mem>>
    %dma_wait3A_578 = tpu.memref_slice %arg4[%multiple_of3A_573] : memref<320000xi32, #tpu.memory_space<hbm>> -> memref<40xi32, #tpu.memory_space<hbm>>
    tpu.wait_dma2 semaphore(%dma_wait3A_577 : memref<!tpu.dma_semaphore, #tpu.memory_space<semaphore_mem>>) src(%dma_wait3A_578 : memref<40xi32, #tpu.memory_space<hbm>>) dst(%arg7 : memref<40xi32, #tpu.memory_space<vmem>>)
    %dma_wait3A_579 = arith.constant 0 : i32
    %dma_wait3A_580 = arith.constant 9800 : i32
    %dma_wait3A_581 = tpu.memref_slice %arg6[%dma_wait3A_580] : memref<10000xi32, #tpu.memory_space<vmem>> -> memref<40xi32, #tpu.memory_space<vmem>>
    %dma_wait3A_582 = arith.constant 0 : i32
    %dma_wait3A_583 = arith.constant 0 : i32
    %dma_wait3A_584 = tpu.memref_slice %arg2[%dma_wait3A_582, %dma_wait3A_583] : memref<10000x128xf32, #tpu.memory_space<hbm>> -> memref<10000x128xf32, #tpu.memory_space<hbm>>
    %dma_wait3A_585 = tpu.memref_slice %arg20[%dma_wait3A_579] : memref<5x!tpu.dma_semaphore, #tpu.memory_space<semaphore_mem>> -> memref<1x!tpu.dma_semaphore, #tpu.memory_space<semaphore_mem>>
    %dma_wait3A_586 = tpu.memref_squeeze %dma_wait3A_585 : memref<1x!tpu.dma_semaphore, #tpu.memory_space<semaphore_mem>> -> memref<!tpu.dma_semaphore, #tpu.memory_space<semaphore_mem>>
    tpu.wait_indirect_dma semaphore(%dma_wait3A_586 : memref<!tpu.dma_semaphore, #tpu.memory_space<semaphore_mem>>) src(%dma_wait3A_584 : memref<10000x128xf32, #tpu.memory_space<hbm>>) dst(%arg12 : memref<40x128xf32, #tpu.memory_space<vmem>>)
    "tpu.region"() ({
      %run_scoped3A = tpu.sem_alloc : memref<!tpu.dma_semaphore, #tpu.memory_space<semaphore_mem>>
      %dma_start3A_652 = arith.constant 0 : i32
      %dma_start3A_653 = arith.constant 0 : i32
      %dma_start3A_654 = tpu.memref_slice %arg18[%dma_start3A_652, %dma_start3A_653] : memref<10240x128xf32, #tpu.memory_space<vmem_shared>> -> memref<10240x128xf32, #tpu.memory_space<vmem_shared>>
      tpu.enqueue_indirect_dma source(%arg12 : memref<40x128xf32, #tpu.memory_space<vmem>>) target(%dma_start3A_654 : memref<10240x128xf32, #tpu.memory_space<vmem_shared>>) offsets(%arg7 : memref<40xi32, #tpu.memory_space<vmem>>) semaphore(%run_scoped3A : memref<!tpu.dma_semaphore, #tpu.memory_space<semaphore_mem>>) {add = true}
      %dma_wait3A_655 = arith.constant 0 : i32
      %dma_wait3A_656 = arith.constant 0 : i32
      %dma_wait3A_657 = tpu.memref_slice %arg18[%dma_wait3A_655, %dma_wait3A_656] : memref<10240x128xf32, #tpu.memory_space<vmem_shared>> -> memref<10240x128xf32, #tpu.memory_space<vmem_shared>>
      tpu.wait_indirect_dma semaphore(%run_scoped3A : memref<!tpu.dma_semaphore, #tpu.memory_space<semaphore_mem>>) src(%arg12 : memref<40x128xf32, #tpu.memory_space<vmem>>) dst(%dma_wait3A_657 : memref<10240x128xf32, #tpu.memory_space<vmem_shared>>)
      tpu.yield
    }) : () -> ()
    %add3A_587 = arith.constant 9840 : i32
    %add3A_588 = arith.addi %add3A, %add3A_587 : i32
    %multiple_of3A_589 = tpu.assume_multiple %add3A_588, 8 : i32
    %dma_wait3A_590 = arith.constant 1 : i32
    %dma_wait3A_591 = tpu.memref_slice %arg4[%multiple_of3A_589] : memref<320000xi32, #tpu.memory_space<hbm>> -> memref<40xi32, #tpu.memory_space<hbm>>
    %dma_wait3A_592 = tpu.memref_slice %arg19[%dma_wait3A_590] : memref<5x!tpu.dma_semaphore, #tpu.memory_space<semaphore_mem>> -> memref<1x!tpu.dma_semaphore, #tpu.memory_space<semaphore_mem>>
    %dma_wait3A_593 = tpu.memref_squeeze %dma_wait3A_592 : memref<1x!tpu.dma_semaphore, #tpu.memory_space<semaphore_mem>> -> memref<!tpu.dma_semaphore, #tpu.memory_space<semaphore_mem>>
    %dma_wait3A_594 = tpu.memref_slice %arg4[%multiple_of3A_589] : memref<320000xi32, #tpu.memory_space<hbm>> -> memref<40xi32, #tpu.memory_space<hbm>>
    tpu.wait_dma2 semaphore(%dma_wait3A_593 : memref<!tpu.dma_semaphore, #tpu.memory_space<semaphore_mem>>) src(%dma_wait3A_594 : memref<40xi32, #tpu.memory_space<hbm>>) dst(%arg8 : memref<40xi32, #tpu.memory_space<vmem>>)
    %dma_wait3A_595 = arith.constant 1 : i32
    %dma_wait3A_596 = arith.constant 9840 : i32
    %dma_wait3A_597 = tpu.memref_slice %arg6[%dma_wait3A_596] : memref<10000xi32, #tpu.memory_space<vmem>> -> memref<40xi32, #tpu.memory_space<vmem>>
    %dma_wait3A_598 = arith.constant 0 : i32
    %dma_wait3A_599 = arith.constant 0 : i32
    %dma_wait3A_600 = tpu.memref_slice %arg2[%dma_wait3A_598, %dma_wait3A_599] : memref<10000x128xf32, #tpu.memory_space<hbm>> -> memref<10000x128xf32, #tpu.memory_space<hbm>>
    %dma_wait3A_601 = tpu.memref_slice %arg20[%dma_wait3A_595] : memref<5x!tpu.dma_semaphore, #tpu.memory_space<semaphore_mem>> -> memref<1x!tpu.dma_semaphore, #tpu.memory_space<semaphore_mem>>
    %dma_wait3A_602 = tpu.memref_squeeze %dma_wait3A_601 : memref<1x!tpu.dma_semaphore, #tpu.memory_space<semaphore_mem>> -> memref<!tpu.dma_semaphore, #tpu.memory_space<semaphore_mem>>
    tpu.wait_indirect_dma semaphore(%dma_wait3A_602 : memref<!tpu.dma_semaphore, #tpu.memory_space<semaphore_mem>>) src(%dma_wait3A_600 : memref<10000x128xf32, #tpu.memory_space<hbm>>) dst(%arg13 : memref<40x128xf32, #tpu.memory_space<vmem>>)
    "tpu.region"() ({
      %run_scoped3A = tpu.sem_alloc : memref<!tpu.dma_semaphore, #tpu.memory_space<semaphore_mem>>
      %dma_start3A_652 = arith.constant 0 : i32
      %dma_start3A_653 = arith.constant 0 : i32
      %dma_start3A_654 = tpu.memref_slice %arg18[%dma_start3A_652, %dma_start3A_653] : memref<10240x128xf32, #tpu.memory_space<vmem_shared>> -> memref<10240x128xf32, #tpu.memory_space<vmem_shared>>
      tpu.enqueue_indirect_dma source(%arg13 : memref<40x128xf32, #tpu.memory_space<vmem>>) target(%dma_start3A_654 : memref<10240x128xf32, #tpu.memory_space<vmem_shared>>) offsets(%arg8 : memref<40xi32, #tpu.memory_space<vmem>>) semaphore(%run_scoped3A : memref<!tpu.dma_semaphore, #tpu.memory_space<semaphore_mem>>) {add = true}
      %dma_wait3A_655 = arith.constant 0 : i32
      %dma_wait3A_656 = arith.constant 0 : i32
      %dma_wait3A_657 = tpu.memref_slice %arg18[%dma_wait3A_655, %dma_wait3A_656] : memref<10240x128xf32, #tpu.memory_space<vmem_shared>> -> memref<10240x128xf32, #tpu.memory_space<vmem_shared>>
      tpu.wait_indirect_dma semaphore(%run_scoped3A : memref<!tpu.dma_semaphore, #tpu.memory_space<semaphore_mem>>) src(%arg13 : memref<40x128xf32, #tpu.memory_space<vmem>>) dst(%dma_wait3A_657 : memref<10240x128xf32, #tpu.memory_space<vmem_shared>>)
      tpu.yield
    }) : () -> ()
    %add3A_603 = arith.constant 9880 : i32
    %add3A_604 = arith.addi %add3A, %add3A_603 : i32
    %multiple_of3A_605 = tpu.assume_multiple %add3A_604, 8 : i32
    %dma_wait3A_606 = arith.constant 2 : i32
    %dma_wait3A_607 = tpu.memref_slice %arg4[%multiple_of3A_605] : memref<320000xi32, #tpu.memory_space<hbm>> -> memref<40xi32, #tpu.memory_space<hbm>>
    %dma_wait3A_608 = tpu.memref_slice %arg19[%dma_wait3A_606] : memref<5x!tpu.dma_semaphore, #tpu.memory_space<semaphore_mem>> -> memref<1x!tpu.dma_semaphore, #tpu.memory_space<semaphore_mem>>
    %dma_wait3A_609 = tpu.memref_squeeze %dma_wait3A_608 : memref<1x!tpu.dma_semaphore, #tpu.memory_space<semaphore_mem>> -> memref<!tpu.dma_semaphore, #tpu.memory_space<semaphore_mem>>
    %dma_wait3A_610 = tpu.memref_slice %arg4[%multiple_of3A_605] : memref<320000xi32, #tpu.memory_space<hbm>> -> memref<40xi32, #tpu.memory_space<hbm>>
    tpu.wait_dma2 semaphore(%dma_wait3A_609 : memref<!tpu.dma_semaphore, #tpu.memory_space<semaphore_mem>>) src(%dma_wait3A_610 : memref<40xi32, #tpu.memory_space<hbm>>) dst(%arg9 : memref<40xi32, #tpu.memory_space<vmem>>)
    %dma_wait3A_611 = arith.constant 2 : i32
    %dma_wait3A_612 = arith.constant 9880 : i32
    %dma_wait3A_613 = tpu.memref_slice %arg6[%dma_wait3A_612] : memref<10000xi32, #tpu.memory_space<vmem>> -> memref<40xi32, #tpu.memory_space<vmem>>
    %dma_wait3A_614 = arith.constant 0 : i32
    %dma_wait3A_615 = arith.constant 0 : i32
    %dma_wait3A_616 = tpu.memref_slice %arg2[%dma_wait3A_614, %dma_wait3A_615] : memref<10000x128xf32, #tpu.memory_space<hbm>> -> memref<10000x128xf32, #tpu.memory_space<hbm>>
    %dma_wait3A_617 = tpu.memref_slice %arg20[%dma_wait3A_611] : memref<5x!tpu.dma_semaphore, #tpu.memory_space<semaphore_mem>> -> memref<1x!tpu.dma_semaphore, #tpu.memory_space<semaphore_mem>>
    %dma_wait3A_618 = tpu.memref_squeeze %dma_wait3A_617 : memref<1x!tpu.dma_semaphore, #tpu.memory_space<semaphore_mem>> -> memref<!tpu.dma_semaphore, #tpu.memory_space<semaphore_mem>>
    tpu.wait_indirect_dma semaphore(%dma_wait3A_618 : memref<!tpu.dma_semaphore, #tpu.memory_space<semaphore_mem>>) src(%dma_wait3A_616 : memref<10000x128xf32, #tpu.memory_space<hbm>>) dst(%arg14 : memref<40x128xf32, #tpu.memory_space<vmem>>)
    "tpu.region"() ({
      %run_scoped3A = tpu.sem_alloc : memref<!tpu.dma_semaphore, #tpu.memory_space<semaphore_mem>>
      %dma_start3A_652 = arith.constant 0 : i32
      %dma_start3A_653 = arith.constant 0 : i32
      %dma_start3A_654 = tpu.memref_slice %arg18[%dma_start3A_652, %dma_start3A_653] : memref<10240x128xf32, #tpu.memory_space<vmem_shared>> -> memref<10240x128xf32, #tpu.memory_space<vmem_shared>>
      tpu.enqueue_indirect_dma source(%arg14 : memref<40x128xf32, #tpu.memory_space<vmem>>) target(%dma_start3A_654 : memref<10240x128xf32, #tpu.memory_space<vmem_shared>>) offsets(%arg9 : memref<40xi32, #tpu.memory_space<vmem>>) semaphore(%run_scoped3A : memref<!tpu.dma_semaphore, #tpu.memory_space<semaphore_mem>>) {add = true}
      %dma_wait3A_655 = arith.constant 0 : i32
      %dma_wait3A_656 = arith.constant 0 : i32
      %dma_wait3A_657 = tpu.memref_slice %arg18[%dma_wait3A_655, %dma_wait3A_656] : memref<10240x128xf32, #tpu.memory_space<vmem_shared>> -> memref<10240x128xf32, #tpu.memory_space<vmem_shared>>
      tpu.wait_indirect_dma semaphore(%run_scoped3A : memref<!tpu.dma_semaphore, #tpu.memory_space<semaphore_mem>>) src(%arg14 : memref<40x128xf32, #tpu.memory_space<vmem>>) dst(%dma_wait3A_657 : memref<10240x128xf32, #tpu.memory_space<vmem_shared>>)
      tpu.yield
    }) : () -> ()
    %add3A_619 = arith.constant 9920 : i32
    %add3A_620 = arith.addi %add3A, %add3A_619 : i32
    %multiple_of3A_621 = tpu.assume_multiple %add3A_620, 8 : i32
    %dma_wait3A_622 = arith.constant 3 : i32
    %dma_wait3A_623 = tpu.memref_slice %arg4[%multiple_of3A_621] : memref<320000xi32, #tpu.memory_space<hbm>> -> memref<40xi32, #tpu.memory_space<hbm>>
    %dma_wait3A_624 = tpu.memref_slice %arg19[%dma_wait3A_622] : memref<5x!tpu.dma_semaphore, #tpu.memory_space<semaphore_mem>> -> memref<1x!tpu.dma_semaphore, #tpu.memory_space<semaphore_mem>>
    %dma_wait3A_625 = tpu.memref_squeeze %dma_wait3A_624 : memref<1x!tpu.dma_semaphore, #tpu.memory_space<semaphore_mem>> -> memref<!tpu.dma_semaphore, #tpu.memory_space<semaphore_mem>>
    %dma_wait3A_626 = tpu.memref_slice %arg4[%multiple_of3A_621] : memref<320000xi32, #tpu.memory_space<hbm>> -> memref<40xi32, #tpu.memory_space<hbm>>
    tpu.wait_dma2 semaphore(%dma_wait3A_625 : memref<!tpu.dma_semaphore, #tpu.memory_space<semaphore_mem>>) src(%dma_wait3A_626 : memref<40xi32, #tpu.memory_space<hbm>>) dst(%arg10 : memref<40xi32, #tpu.memory_space<vmem>>)
    %dma_wait3A_627 = arith.constant 3 : i32
    %dma_wait3A_628 = arith.constant 9920 : i32
    %dma_wait3A_629 = tpu.memref_slice %arg6[%dma_wait3A_628] : memref<10000xi32, #tpu.memory_space<vmem>> -> memref<40xi32, #tpu.memory_space<vmem>>
    %dma_wait3A_630 = arith.constant 0 : i32
    %dma_wait3A_631 = arith.constant 0 : i32
    %dma_wait3A_632 = tpu.memref_slice %arg2[%dma_wait3A_630, %dma_wait3A_631] : memref<10000x128xf32, #tpu.memory_space<hbm>> -> memref<10000x128xf32, #tpu.memory_space<hbm>>
    %dma_wait3A_633 = tpu.memref_slice %arg20[%dma_wait3A_627] : memref<5x!tpu.dma_semaphore, #tpu.memory_space<semaphore_mem>> -> memref<1x!tpu.dma_semaphore, #tpu.memory_space<semaphore_mem>>
    %dma_wait3A_634 = tpu.memref_squeeze %dma_wait3A_633 : memref<1x!tpu.dma_semaphore, #tpu.memory_space<semaphore_mem>> -> memref<!tpu.dma_semaphore, #tpu.memory_space<semaphore_mem>>
    tpu.wait_indirect_dma semaphore(%dma_wait3A_634 : memref<!tpu.dma_semaphore, #tpu.memory_space<semaphore_mem>>) src(%dma_wait3A_632 : memref<10000x128xf32, #tpu.memory_space<hbm>>) dst(%arg15 : memref<40x128xf32, #tpu.memory_space<vmem>>)
    "tpu.region"() ({
      %run_scoped3A = tpu.sem_alloc : memref<!tpu.dma_semaphore, #tpu.memory_space<semaphore_mem>>
      %dma_start3A_652 = arith.constant 0 : i32
      %dma_start3A_653 = arith.constant 0 : i32
      %dma_start3A_654 = tpu.memref_slice %arg18[%dma_start3A_652, %dma_start3A_653] : memref<10240x128xf32, #tpu.memory_space<vmem_shared>> -> memref<10240x128xf32, #tpu.memory_space<vmem_shared>>
      tpu.enqueue_indirect_dma source(%arg15 : memref<40x128xf32, #tpu.memory_space<vmem>>) target(%dma_start3A_654 : memref<10240x128xf32, #tpu.memory_space<vmem_shared>>) offsets(%arg10 : memref<40xi32, #tpu.memory_space<vmem>>) semaphore(%run_scoped3A : memref<!tpu.dma_semaphore, #tpu.memory_space<semaphore_mem>>) {add = true}
      %dma_wait3A_655 = arith.constant 0 : i32
      %dma_wait3A_656 = arith.constant 0 : i32
      %dma_wait3A_657 = tpu.memref_slice %arg18[%dma_wait3A_655, %dma_wait3A_656] : memref<10240x128xf32, #tpu.memory_space<vmem_shared>> -> memref<10240x128xf32, #tpu.memory_space<vmem_shared>>
      tpu.wait_indirect_dma semaphore(%run_scoped3A : memref<!tpu.dma_semaphore, #tpu.memory_space<semaphore_mem>>) src(%arg15 : memref<40x128xf32, #tpu.memory_space<vmem>>) dst(%dma_wait3A_657 : memref<10240x128xf32, #tpu.memory_space<vmem_shared>>)
      tpu.yield
    }) : () -> ()
    %add3A_635 = arith.constant 9960 : i32
    %add3A_636 = arith.addi %add3A, %add3A_635 : i32
    %multiple_of3A_637 = tpu.assume_multiple %add3A_636, 8 : i32
    %dma_wait3A_638 = arith.constant 4 : i32
    %dma_wait3A_639 = tpu.memref_slice %arg4[%multiple_of3A_637] : memref<320000xi32, #tpu.memory_space<hbm>> -> memref<40xi32, #tpu.memory_space<hbm>>
    %dma_wait3A_640 = tpu.memref_slice %arg19[%dma_wait3A_638] : memref<5x!tpu.dma_semaphore, #tpu.memory_space<semaphore_mem>> -> memref<1x!tpu.dma_semaphore, #tpu.memory_space<semaphore_mem>>
    %dma_wait3A_641 = tpu.memref_squeeze %dma_wait3A_640 : memref<1x!tpu.dma_semaphore, #tpu.memory_space<semaphore_mem>> -> memref<!tpu.dma_semaphore, #tpu.memory_space<semaphore_mem>>
    %dma_wait3A_642 = tpu.memref_slice %arg4[%multiple_of3A_637] : memref<320000xi32, #tpu.memory_space<hbm>> -> memref<40xi32, #tpu.memory_space<hbm>>
    tpu.wait_dma2 semaphore(%dma_wait3A_641 : memref<!tpu.dma_semaphore, #tpu.memory_space<semaphore_mem>>) src(%dma_wait3A_642 : memref<40xi32, #tpu.memory_space<hbm>>) dst(%arg11 : memref<40xi32, #tpu.memory_space<vmem>>)
    %dma_wait3A_643 = arith.constant 4 : i32
    %dma_wait3A_644 = arith.constant 9960 : i32
    %dma_wait3A_645 = tpu.memref_slice %arg6[%dma_wait3A_644] : memref<10000xi32, #tpu.memory_space<vmem>> -> memref<40xi32, #tpu.memory_space<vmem>>
    %dma_wait3A_646 = arith.constant 0 : i32
    %dma_wait3A_647 = arith.constant 0 : i32
    %dma_wait3A_648 = tpu.memref_slice %arg2[%dma_wait3A_646, %dma_wait3A_647] : memref<10000x128xf32, #tpu.memory_space<hbm>> -> memref<10000x128xf32, #tpu.memory_space<hbm>>
    %dma_wait3A_649 = tpu.memref_slice %arg20[%dma_wait3A_643] : memref<5x!tpu.dma_semaphore, #tpu.memory_space<semaphore_mem>> -> memref<1x!tpu.dma_semaphore, #tpu.memory_space<semaphore_mem>>
    %dma_wait3A_650 = tpu.memref_squeeze %dma_wait3A_649 : memref<1x!tpu.dma_semaphore, #tpu.memory_space<semaphore_mem>> -> memref<!tpu.dma_semaphore, #tpu.memory_space<semaphore_mem>>
    tpu.wait_indirect_dma semaphore(%dma_wait3A_650 : memref<!tpu.dma_semaphore, #tpu.memory_space<semaphore_mem>>) src(%dma_wait3A_648 : memref<10000x128xf32, #tpu.memory_space<hbm>>) dst(%arg16 : memref<40x128xf32, #tpu.memory_space<vmem>>)
    "tpu.region"() ({
      %run_scoped3A = tpu.sem_alloc : memref<!tpu.dma_semaphore, #tpu.memory_space<semaphore_mem>>
      %dma_start3A_652 = arith.constant 0 : i32
      %dma_start3A_653 = arith.constant 0 : i32
      %dma_start3A_654 = tpu.memref_slice %arg18[%dma_start3A_652, %dma_start3A_653] : memref<10240x128xf32, #tpu.memory_space<vmem_shared>> -> memref<10240x128xf32, #tpu.memory_space<vmem_shared>>
      tpu.enqueue_indirect_dma source(%arg16 : memref<40x128xf32, #tpu.memory_space<vmem>>) target(%dma_start3A_654 : memref<10240x128xf32, #tpu.memory_space<vmem_shared>>) offsets(%arg11 : memref<40xi32, #tpu.memory_space<vmem>>) semaphore(%run_scoped3A : memref<!tpu.dma_semaphore, #tpu.memory_space<semaphore_mem>>) {add = true}
      %dma_wait3A_655 = arith.constant 0 : i32
      %dma_wait3A_656 = arith.constant 0 : i32
      %dma_wait3A_657 = tpu.memref_slice %arg18[%dma_wait3A_655, %dma_wait3A_656] : memref<10240x128xf32, #tpu.memory_space<vmem_shared>> -> memref<10240x128xf32, #tpu.memory_space<vmem_shared>>
      tpu.wait_indirect_dma semaphore(%run_scoped3A : memref<!tpu.dma_semaphore, #tpu.memory_space<semaphore_mem>>) src(%arg16 : memref<40x128xf32, #tpu.memory_space<vmem>>) dst(%dma_wait3A_657 : memref<10240x128xf32, #tpu.memory_space<vmem_shared>>)
      tpu.yield
    }) : () -> ()
    %barrier3A_651 = arith.constant 0 : index
    tpu.barrier barrier_id(%barrier3A_651)
    "tpu.region"() ({
      %run_scoped3A = tpu.sem_alloc : memref<!tpu.dma_semaphore, #tpu.memory_space<semaphore_mem>>
      %dma_start3A_652 = arith.constant 0 : i32
      %dma_start3A_653 = tpu.memref_slice %arg5[%arg0, %mul3A_86, %dma_start3A_652] : memref<2x10240x128xf32, #tpu.memory_space<hbm>> -> memref<1x640x128xf32, #tpu.memory_space<hbm>>
      %dma_start3A_654 = tpu.memref_squeeze %dma_start3A_653 : memref<1x640x128xf32, #tpu.memory_space<hbm>> -> memref<640x128xf32, #tpu.memory_space<hbm>>
      %dma_start3A_655 = arith.constant 0 : i32
      %dma_start3A_656 = tpu.memref_slice %arg18[%mul3A_86, %dma_start3A_655] : memref<10240x128xf32, #tpu.memory_space<vmem_shared>> -> memref<640x128xf32, #tpu.memory_space<vmem_shared>>
      tpu.enqueue_dma source(%dma_start3A_656 : memref<640x128xf32, #tpu.memory_space<vmem_shared>>) target(%dma_start3A_654 : memref<640x128xf32, #tpu.memory_space<hbm>>) target_semaphore(%run_scoped3A : memref<!tpu.dma_semaphore, #tpu.memory_space<semaphore_mem>>)
      %dma_wait3A_657 = arith.constant 0 : i32
      %dma_wait3A_658 = tpu.memref_slice %arg5[%arg0, %mul3A_86, %dma_wait3A_657] : memref<2x10240x128xf32, #tpu.memory_space<hbm>> -> memref<1x640x128xf32, #tpu.memory_space<hbm>>
      %dma_wait3A_659 = tpu.memref_squeeze %dma_wait3A_658 : memref<1x640x128xf32, #tpu.memory_space<hbm>> -> memref<640x128xf32, #tpu.memory_space<hbm>>
      %dma_wait3A_660 = arith.constant 0 : i32
      %dma_wait3A_661 = tpu.memref_slice %arg18[%mul3A_86, %dma_wait3A_660] : memref<10240x128xf32, #tpu.memory_space<vmem_shared>> -> memref<640x128xf32, #tpu.memory_space<vmem_shared>>
      tpu.wait_dma2 semaphore(%run_scoped3A : memref<!tpu.dma_semaphore, #tpu.memory_space<semaphore_mem>>) src(%dma_wait3A_661 : memref<640x128xf32, #tpu.memory_space<vmem_shared>>) dst(%dma_wait3A_659 : memref<640x128xf32, #tpu.memory_space<hbm>>)
      tpu.yield
    }) : () -> ()
    return
  }
}

#map = affine_map<(d0, d1) -> (0, 0)>
#map1 = affine_map<(d0, d1) -> (0)>
#map2 = affine_map<(d0, d1) -> (0, 0, 0)>
module attributes {stable_mosaic.version = 14 : i64} {
  func.func @agg_kernel(%arg0: i32, %arg1: i32, %arg2: memref<10000x128xf32, #tpu.memory_space<hbm>>, %arg3: memref<320000xi32, #tpu.memory_space<hbm>>, %arg4: memref<320000xi32, #tpu.memory_space<hbm>>, %arg5: memref<2x10240x128xf32, #tpu.memory_space<hbm>>, %arg6: memref<10000xi32, #tpu.memory_space<vmem>>, %arg7: memref<40xi32, #tpu.memory_space<vmem>>, %arg8: memref<40xi32, #tpu.memory_space<vmem>>, %arg9: memref<40xi32, #tpu.memory_space<vmem>>, %arg10: memref<40xi32, #tpu.memory_space<vmem>>, %arg11: memref<40xi32, #tpu.memory_space<vmem>>, %arg12: memref<40x128xf32, #tpu.memory_space<vmem>>, %arg13: memref<40x128xf32, #tpu.memory_space<vmem>>, %arg14: memref<40x128xf32, #tpu.memory_space<vmem>>, %arg15: memref<40x128xf32, #tpu.memory_space<vmem>>, %arg16: memref<40x128xf32, #tpu.memory_space<vmem>>, %arg17: memref<16x128xf32, #tpu.memory_space<vmem>>, %arg18: memref<10240x128xf32, #tpu.memory_space<vmem_shared>>, %arg19: memref<5x!tpu.dma_semaphore, #tpu.memory_space<semaphore_mem>>, %arg20: memref<5x!tpu.dma_semaphore, #tpu.memory_space<semaphore_mem>>, %arg21: memref<!tpu.dma_semaphore, #tpu.memory_space<semaphore_mem>>) attributes {dimension_semantics = [#tpu.dimension_semantics<core_parallel>, #tpu.dimension_semantics<subcore_parallel>], iteration_bounds = array<i64: 2, 16>, scalar_prefetch = 0 : i64, scratch_operands = 16 : i64, tpu.core_type = #tpu.core_type<sc_vector_subcore>, window_params = [{transform_indices = #map}, {transform_indices = #map1}, {transform_indices = #map1}, {transform_indices = #map2}]} {
    %mul3A = arith.constant 160000 : i32
    %mul3A_0 = arith.muli %arg0, %mul3A : i32
    %mul3A_1 = arith.constant 10000 : i32
    %mul3A_2 = arith.muli %arg1, %mul3A_1 : i32
    %add3A = arith.addi %mul3A_0, %mul3A_2 : i32
    "tpu.region"() ({
      %run_scoped3A = tpu.sem_alloc : memref<!tpu.dma_semaphore, #tpu.memory_space<semaphore_mem>>
      %dma_start3A_652 = tpu.memref_slice %arg3[%add3A] : memref<320000xi32, #tpu.memory_space<hbm>> -> memref<10000xi32, #tpu.memory_space<hbm>>
      %dma_start3A_653 = tpu.memref_slice %arg3[%add3A] : memref<320000xi32, #tpu.memory_space<hbm>> -> memref<10000xi32, #tpu.memory_space<hbm>>
      tpu.enqueue_dma source(%dma_start3A_653 : memref<10000xi32, #tpu.memory_space<hbm>>) target(%arg6 : memref<10000xi32, #tpu.memory_space<vmem>>) target_semaphore(%run_scoped3A : memref<!tpu.dma_semaphore, #tpu.memory_space<semaphore_mem>>)
      %dma_wait3A_654 = tpu.memref_slice %arg3[%add3A] : memref<320000xi32, #tpu.memory_space<hbm>> -> memref<10000xi32, #tpu.memory_space<hbm>>
      %dma_wait3A_655 = tpu.memref_slice %arg3[%add3A] : memref<320000xi32, #tpu.memory_space<hbm>> -> memref<10000xi32, #tpu.memory_space<hbm>>
      tpu.wait_dma2 semaphore(%run_scoped3A : memref<!tpu.dma_semaphore, #tpu.memory_space<semaphore_mem>>) src(%dma_wait3A_655 : memref<10000xi32, #tpu.memory_space<hbm>>) dst(%arg6 : memref<10000xi32, #tpu.memory_space<vmem>>)
      tpu.yield
    }) : () -> ()
    %add3A_3 = arith.constant 0 : i32
    %add3A_4 = arith.addi %add3A, %add3A_3 : i32
    %multiple_of3A = tpu.assume_multiple %add3A_4, 8 : i32
    %dma_start3A = arith.constant 0 : i32
    %dma_start3A_5 = tpu.memref_slice %arg4[%multiple_of3A] : memref<320000xi32, #tpu.memory_space<hbm>> -> memref<40xi32, #tpu.memory_space<hbm>>
    %dma_start3A_6 = tpu.memref_slice %arg19[%dma_start3A] : memref<5x!tpu.dma_semaphore, #tpu.memory_space<semaphore_mem>> -> memref<1x!tpu.dma_semaphore, #tpu.memory_space<semaphore_mem>>
    %dma_start3A_7 = tpu.memref_squeeze %dma_start3A_6 : memref<1x!tpu.dma_semaphore, #tpu.memory_space<semaphore_mem>> -> memref<!tpu.dma_semaphore, #tpu.memory_space<semaphore_mem>>
    %dma_start3A_8 = tpu.memref_slice %arg4[%multiple_of3A] : memref<320000xi32, #tpu.memory_space<hbm>> -> memref<40xi32, #tpu.memory_space<hbm>>
    tpu.enqueue_dma source(%dma_start3A_8 : memref<40xi32, #tpu.memory_space<hbm>>) target(%arg7 : memref<40xi32, #tpu.memory_space<vmem>>) target_semaphore(%dma_start3A_7 : memref<!tpu.dma_semaphore, #tpu.memory_space<semaphore_mem>>)
    %dma_start3A_9 = arith.constant 0 : i32
    %dma_start3A_10 = arith.constant 0 : i32
    %dma_start3A_11 = tpu.memref_slice %arg6[%dma_start3A_10] : memref<10000xi32, #tpu.memory_space<vmem>> -> memref<40xi32, #tpu.memory_space<vmem>>
    %dma_start3A_12 = arith.constant 0 : i32
    %dma_start3A_13 = arith.constant 0 : i32
    %dma_start3A_14 = tpu.memref_slice %arg2[%dma_start3A_12, %dma_start3A_13] : memref<10000x128xf32, #tpu.memory_space<hbm>> -> memref<10000x128xf32, #tpu.memory_space<hbm>>
    %dma_start3A_15 = tpu.memref_slice %arg20[%dma_start3A_9] : memref<5x!tpu.dma_semaphore, #tpu.memory_space<semaphore_mem>> -> memref<1x!tpu.dma_semaphore, #tpu.memory_space<semaphore_mem>>
    %dma_start3A_16 = tpu.memref_squeeze %dma_start3A_15 : memref<1x!tpu.dma_semaphore, #tpu.memory_space<semaphore_mem>> -> memref<!tpu.dma_semaphore, #tpu.memory_space<semaphore_mem>>
    tpu.enqueue_indirect_dma source(%dma_start3A_14 : memref<10000x128xf32, #tpu.memory_space<hbm>>) target(%arg12 : memref<40x128xf32, #tpu.memory_space<vmem>>) offsets(%dma_start3A_11 : memref<40xi32, #tpu.memory_space<vmem>>) semaphore(%dma_start3A_16 : memref<!tpu.dma_semaphore, #tpu.memory_space<semaphore_mem>>)
    %add3A_17 = arith.constant 40 : i32
    %add3A_18 = arith.addi %add3A, %add3A_17 : i32
    %multiple_of3A_19 = tpu.assume_multiple %add3A_18, 8 : i32
    %dma_start3A_20 = arith.constant 1 : i32
    %dma_start3A_21 = tpu.memref_slice %arg4[%multiple_of3A_19] : memref<320000xi32, #tpu.memory_space<hbm>> -> memref<40xi32, #tpu.memory_space<hbm>>
    %dma_start3A_22 = tpu.memref_slice %arg19[%dma_start3A_20] : memref<5x!tpu.dma_semaphore, #tpu.memory_space<semaphore_mem>> -> memref<1x!tpu.dma_semaphore, #tpu.memory_space<semaphore_mem>>
    %dma_start3A_23 = tpu.memref_squeeze %dma_start3A_22 : memref<1x!tpu.dma_semaphore, #tpu.memory_space<semaphore_mem>> -> memref<!tpu.dma_semaphore, #tpu.memory_space<semaphore_mem>>
    %dma_start3A_24 = tpu.memref_slice %arg4[%multiple_of3A_19] : memref<320000xi32, #tpu.memory_space<hbm>> -> memref<40xi32, #tpu.memory_space<hbm>>
    tpu.enqueue_dma source(%dma_start3A_24 : memref<40xi32, #tpu.memory_space<hbm>>) target(%arg8 : memref<40xi32, #tpu.memory_space<vmem>>) target_semaphore(%dma_start3A_23 : memref<!tpu.dma_semaphore, #tpu.memory_space<semaphore_mem>>)
    %dma_start3A_25 = arith.constant 1 : i32
    %dma_start3A_26 = arith.constant 40 : i32
    %dma_start3A_27 = tpu.memref_slice %arg6[%dma_start3A_26] : memref<10000xi32, #tpu.memory_space<vmem>> -> memref<40xi32, #tpu.memory_space<vmem>>
    %dma_start3A_28 = arith.constant 0 : i32
    %dma_start3A_29 = arith.constant 0 : i32
    %dma_start3A_30 = tpu.memref_slice %arg2[%dma_start3A_28, %dma_start3A_29] : memref<10000x128xf32, #tpu.memory_space<hbm>> -> memref<10000x128xf32, #tpu.memory_space<hbm>>
    %dma_start3A_31 = tpu.memref_slice %arg20[%dma_start3A_25] : memref<5x!tpu.dma_semaphore, #tpu.memory_space<semaphore_mem>> -> memref<1x!tpu.dma_semaphore, #tpu.memory_space<semaphore_mem>>
    %dma_start3A_32 = tpu.memref_squeeze %dma_start3A_31 : memref<1x!tpu.dma_semaphore, #tpu.memory_space<semaphore_mem>> -> memref<!tpu.dma_semaphore, #tpu.memory_space<semaphore_mem>>
    tpu.enqueue_indirect_dma source(%dma_start3A_30 : memref<10000x128xf32, #tpu.memory_space<hbm>>) target(%arg13 : memref<40x128xf32, #tpu.memory_space<vmem>>) offsets(%dma_start3A_27 : memref<40xi32, #tpu.memory_space<vmem>>) semaphore(%dma_start3A_32 : memref<!tpu.dma_semaphore, #tpu.memory_space<semaphore_mem>>)
    %add3A_33 = arith.constant 80 : i32
    %add3A_34 = arith.addi %add3A, %add3A_33 : i32
    %multiple_of3A_35 = tpu.assume_multiple %add3A_34, 8 : i32
    %dma_start3A_36 = arith.constant 2 : i32
    %dma_start3A_37 = tpu.memref_slice %arg4[%multiple_of3A_35] : memref<320000xi32, #tpu.memory_space<hbm>> -> memref<40xi32, #tpu.memory_space<hbm>>
    %dma_start3A_38 = tpu.memref_slice %arg19[%dma_start3A_36] : memref<5x!tpu.dma_semaphore, #tpu.memory_space<semaphore_mem>> -> memref<1x!tpu.dma_semaphore, #tpu.memory_space<semaphore_mem>>
    %dma_start3A_39 = tpu.memref_squeeze %dma_start3A_38 : memref<1x!tpu.dma_semaphore, #tpu.memory_space<semaphore_mem>> -> memref<!tpu.dma_semaphore, #tpu.memory_space<semaphore_mem>>
    %dma_start3A_40 = tpu.memref_slice %arg4[%multiple_of3A_35] : memref<320000xi32, #tpu.memory_space<hbm>> -> memref<40xi32, #tpu.memory_space<hbm>>
    tpu.enqueue_dma source(%dma_start3A_40 : memref<40xi32, #tpu.memory_space<hbm>>) target(%arg9 : memref<40xi32, #tpu.memory_space<vmem>>) target_semaphore(%dma_start3A_39 : memref<!tpu.dma_semaphore, #tpu.memory_space<semaphore_mem>>)
    %dma_start3A_41 = arith.constant 2 : i32
    %dma_start3A_42 = arith.constant 80 : i32
    %dma_start3A_43 = tpu.memref_slice %arg6[%dma_start3A_42] : memref<10000xi32, #tpu.memory_space<vmem>> -> memref<40xi32, #tpu.memory_space<vmem>>
    %dma_start3A_44 = arith.constant 0 : i32
    %dma_start3A_45 = arith.constant 0 : i32
    %dma_start3A_46 = tpu.memref_slice %arg2[%dma_start3A_44, %dma_start3A_45] : memref<10000x128xf32, #tpu.memory_space<hbm>> -> memref<10000x128xf32, #tpu.memory_space<hbm>>
    %dma_start3A_47 = tpu.memref_slice %arg20[%dma_start3A_41] : memref<5x!tpu.dma_semaphore, #tpu.memory_space<semaphore_mem>> -> memref<1x!tpu.dma_semaphore, #tpu.memory_space<semaphore_mem>>
    %dma_start3A_48 = tpu.memref_squeeze %dma_start3A_47 : memref<1x!tpu.dma_semaphore, #tpu.memory_space<semaphore_mem>> -> memref<!tpu.dma_semaphore, #tpu.memory_space<semaphore_mem>>
    tpu.enqueue_indirect_dma source(%dma_start3A_46 : memref<10000x128xf32, #tpu.memory_space<hbm>>) target(%arg14 : memref<40x128xf32, #tpu.memory_space<vmem>>) offsets(%dma_start3A_43 : memref<40xi32, #tpu.memory_space<vmem>>) semaphore(%dma_start3A_48 : memref<!tpu.dma_semaphore, #tpu.memory_space<semaphore_mem>>)
    %add3A_49 = arith.constant 120 : i32
    %add3A_50 = arith.addi %add3A, %add3A_49 : i32
    %multiple_of3A_51 = tpu.assume_multiple %add3A_50, 8 : i32
    %dma_start3A_52 = arith.constant 3 : i32
    %dma_start3A_53 = tpu.memref_slice %arg4[%multiple_of3A_51] : memref<320000xi32, #tpu.memory_space<hbm>> -> memref<40xi32, #tpu.memory_space<hbm>>
    %dma_start3A_54 = tpu.memref_slice %arg19[%dma_start3A_52] : memref<5x!tpu.dma_semaphore, #tpu.memory_space<semaphore_mem>> -> memref<1x!tpu.dma_semaphore, #tpu.memory_space<semaphore_mem>>
    %dma_start3A_55 = tpu.memref_squeeze %dma_start3A_54 : memref<1x!tpu.dma_semaphore, #tpu.memory_space<semaphore_mem>> -> memref<!tpu.dma_semaphore, #tpu.memory_space<semaphore_mem>>
    %dma_start3A_56 = tpu.memref_slice %arg4[%multiple_of3A_51] : memref<320000xi32, #tpu.memory_space<hbm>> -> memref<40xi32, #tpu.memory_space<hbm>>
    tpu.enqueue_dma source(%dma_start3A_56 : memref<40xi32, #tpu.memory_space<hbm>>) target(%arg10 : memref<40xi32, #tpu.memory_space<vmem>>) target_semaphore(%dma_start3A_55 : memref<!tpu.dma_semaphore, #tpu.memory_space<semaphore_mem>>)
    %dma_start3A_57 = arith.constant 3 : i32
    %dma_start3A_58 = arith.constant 120 : i32
    %dma_start3A_59 = tpu.memref_slice %arg6[%dma_start3A_58] : memref<10000xi32, #tpu.memory_space<vmem>> -> memref<40xi32, #tpu.memory_space<vmem>>
    %dma_start3A_60 = arith.constant 0 : i32
    %dma_start3A_61 = arith.constant 0 : i32
    %dma_start3A_62 = tpu.memref_slice %arg2[%dma_start3A_60, %dma_start3A_61] : memref<10000x128xf32, #tpu.memory_space<hbm>> -> memref<10000x128xf32, #tpu.memory_space<hbm>>
    %dma_start3A_63 = tpu.memref_slice %arg20[%dma_start3A_57] : memref<5x!tpu.dma_semaphore, #tpu.memory_space<semaphore_mem>> -> memref<1x!tpu.dma_semaphore, #tpu.memory_space<semaphore_mem>>
    %dma_start3A_64 = tpu.memref_squeeze %dma_start3A_63 : memref<1x!tpu.dma_semaphore, #tpu.memory_space<semaphore_mem>> -> memref<!tpu.dma_semaphore, #tpu.memory_space<semaphore_mem>>
    tpu.enqueue_indirect_dma source(%dma_start3A_62 : memref<10000x128xf32, #tpu.memory_space<hbm>>) target(%arg15 : memref<40x128xf32, #tpu.memory_space<vmem>>) offsets(%dma_start3A_59 : memref<40xi32, #tpu.memory_space<vmem>>) semaphore(%dma_start3A_64 : memref<!tpu.dma_semaphore, #tpu.memory_space<semaphore_mem>>)
    %add3A_65 = arith.constant 160 : i32
    %add3A_66 = arith.addi %add3A, %add3A_65 : i32
    %multiple_of3A_67 = tpu.assume_multiple %add3A_66, 8 : i32
    %dma_start3A_68 = arith.constant 4 : i32
    %dma_start3A_69 = tpu.memref_slice %arg4[%multiple_of3A_67] : memref<320000xi32, #tpu.memory_space<hbm>> -> memref<40xi32, #tpu.memory_space<hbm>>
    %dma_start3A_70 = tpu.memref_slice %arg19[%dma_start3A_68] : memref<5x!tpu.dma_semaphore, #tpu.memory_space<semaphore_mem>> -> memref<1x!tpu.dma_semaphore, #tpu.memory_space<semaphore_mem>>
    %dma_start3A_71 = tpu.memref_squeeze %dma_start3A_70 : memref<1x!tpu.dma_semaphore, #tpu.memory_space<semaphore_mem>> -> memref<!tpu.dma_semaphore, #tpu.memory_space<semaphore_mem>>
    %dma_start3A_72 = tpu.memref_slice %arg4[%multiple_of3A_67] : memref<320000xi32, #tpu.memory_space<hbm>> -> memref<40xi32, #tpu.memory_space<hbm>>
    tpu.enqueue_dma source(%dma_start3A_72 : memref<40xi32, #tpu.memory_space<hbm>>) target(%arg11 : memref<40xi32, #tpu.memory_space<vmem>>) target_semaphore(%dma_start3A_71 : memref<!tpu.dma_semaphore, #tpu.memory_space<semaphore_mem>>)
    %dma_start3A_73 = arith.constant 4 : i32
    %dma_start3A_74 = arith.constant 160 : i32
    %dma_start3A_75 = tpu.memref_slice %arg6[%dma_start3A_74] : memref<10000xi32, #tpu.memory_space<vmem>> -> memref<40xi32, #tpu.memory_space<vmem>>
    %dma_start3A_76 = arith.constant 0 : i32
    %dma_start3A_77 = arith.constant 0 : i32
    %dma_start3A_78 = tpu.memref_slice %arg2[%dma_start3A_76, %dma_start3A_77] : memref<10000x128xf32, #tpu.memory_space<hbm>> -> memref<10000x128xf32, #tpu.memory_space<hbm>>
    %dma_start3A_79 = tpu.memref_slice %arg20[%dma_start3A_73] : memref<5x!tpu.dma_semaphore, #tpu.memory_space<semaphore_mem>> -> memref<1x!tpu.dma_semaphore, #tpu.memory_space<semaphore_mem>>
    %dma_start3A_80 = tpu.memref_squeeze %dma_start3A_79 : memref<1x!tpu.dma_semaphore, #tpu.memory_space<semaphore_mem>> -> memref<!tpu.dma_semaphore, #tpu.memory_space<semaphore_mem>>
    tpu.enqueue_indirect_dma source(%dma_start3A_78 : memref<10000x128xf32, #tpu.memory_space<hbm>>) target(%arg16 : memref<40x128xf32, #tpu.memory_space<vmem>>) offsets(%dma_start3A_75 : memref<40xi32, #tpu.memory_space<vmem>>) semaphore(%dma_start3A_80 : memref<!tpu.dma_semaphore, #tpu.memory_space<semaphore_mem>>)
    %scan3A = arith.constant 0 : i32
    %scan3A_81 = arith.constant 16 : i32
    %scan3A_82 = arith.addi %scan3A, %scan3A_81 : i32
    %scan3A_83 = arith.constant 1 : i32
    scf.for %scan3A_652 = %scan3A to %scan3A_82 step %scan3A_83  : i32 {
      %broadcast_in_dim3A = arith.constant 0.000000e+00 : f32
      %broadcast_in_dim3A_653 = vector.broadcast %broadcast_in_dim3A : f32 to vector<16xf32>
      %swap3A = arith.index_cast %scan3A_652 : i32 to index
      %swap3A_654 = arith.constant 0 : index
      %swap3A_655 = tpu.vector_load %arg17[%swap3A, %swap3A_654] {strides = array<i32>} : memref<16x128xf32, #tpu.memory_space<vmem>>, vector<1x16xf32>,
      %swap3A_656 = vector.shape_cast %swap3A_655 : vector<1x16xf32> to vector<16xf32>
      %swap3A_657 = vector.shape_cast %broadcast_in_dim3A_653 : vector<16xf32> to vector<1x16xf32>
      tpu.vector_store %arg17[%swap3A, %swap3A_654], %swap3A_657 {strides = array<i32>} : memref<16x128xf32, #tpu.memory_space<vmem>>, vector<1x16xf32>,
      %broadcast_in_dim3A_658 = arith.constant 0.000000e+00 : f32
      %broadcast_in_dim3A_659 = vector.broadcast %broadcast_in_dim3A_658 : f32 to vector<16xf32>
      %swap3A_660 = arith.index_cast %scan3A_652 : i32 to index
      %swap3A_661 = arith.constant 16 : index
      %swap3A_662 = tpu.vector_load %arg17[%swap3A_660, %swap3A_661] {strides = array<i32>} : memref<16x128xf32, #tpu.memory_space<vmem>>, vector<1x16xf32>,
      %swap3A_663 = vector.shape_cast %swap3A_662 : vector<1x16xf32> to vector<16xf32>
      %swap3A_664 = vector.shape_cast %broadcast_in_dim3A_659 : vector<16xf32> to vector<1x16xf32>
      tpu.vector_store %arg17[%swap3A_660, %swap3A_661], %swap3A_664 {strides = array<i32>} : memref<16x128xf32, #tpu.memory_space<vmem>>, vector<1x16xf32>,
      %broadcast_in_dim3A_665 = arith.constant 0.000000e+00 : f32
      %broadcast_in_dim3A_666 = vector.broadcast %broadcast_in_dim3A_665 : f32 to vector<16xf32>
      %swap3A_667 = arith.index_cast %scan3A_652 : i32 to index
      %swap3A_668 = arith.constant 32 : index
      %swap3A_669 = tpu.vector_load %arg17[%swap3A_667, %swap3A_668] {strides = array<i32>} : memref<16x128xf32, #tpu.memory_space<vmem>>, vector<1x16xf32>,
      %swap3A_670 = vector.shape_cast %swap3A_669 : vector<1x16xf32> to vector<16xf32>
      %swap3A_671 = vector.shape_cast %broadcast_in_dim3A_666 : vector<16xf32> to vector<1x16xf32>
      tpu.vector_store %arg17[%swap3A_667, %swap3A_668], %swap3A_671 {strides = array<i32>} : memref<16x128xf32, #tpu.memory_space<vmem>>, vector<1x16xf32>,
      %broadcast_in_dim3A_672 = arith.constant 0.000000e+00 : f32
      %broadcast_in_dim3A_673 = vector.broadcast %broadcast_in_dim3A_672 : f32 to vector<16xf32>
      %swap3A_674 = arith.index_cast %scan3A_652 : i32 to index
      %swap3A_675 = arith.constant 48 : index
      %swap3A_676 = tpu.vector_load %arg17[%swap3A_674, %swap3A_675] {strides = array<i32>} : memref<16x128xf32, #tpu.memory_space<vmem>>, vector<1x16xf32>,
      %swap3A_677 = vector.shape_cast %swap3A_676 : vector<1x16xf32> to vector<16xf32>
      %swap3A_678 = vector.shape_cast %broadcast_in_dim3A_673 : vector<16xf32> to vector<1x16xf32>
      tpu.vector_store %arg17[%swap3A_674, %swap3A_675], %swap3A_678 {strides = array<i32>} : memref<16x128xf32, #tpu.memory_space<vmem>>, vector<1x16xf32>,
      %broadcast_in_dim3A_679 = arith.constant 0.000000e+00 : f32
      %broadcast_in_dim3A_680 = vector.broadcast %broadcast_in_dim3A_679 : f32 to vector<16xf32>
      %swap3A_681 = arith.index_cast %scan3A_652 : i32 to index
      %swap3A_682 = arith.constant 64 : index
      %swap3A_683 = tpu.vector_load %arg17[%swap3A_681, %swap3A_682] {strides = array<i32>} : memref<16x128xf32, #tpu.memory_space<vmem>>, vector<1x16xf32>,
      %swap3A_684 = vector.shape_cast %swap3A_683 : vector<1x16xf32> to vector<16xf32>
      %swap3A_685 = vector.shape_cast %broadcast_in_dim3A_680 : vector<16xf32> to vector<1x16xf32>
      tpu.vector_store %arg17[%swap3A_681, %swap3A_682], %swap3A_685 {strides = array<i32>} : memref<16x128xf32, #tpu.memory_space<vmem>>, vector<1x16xf32>,
      %broadcast_in_dim3A_686 = arith.constant 0.000000e+00 : f32
      %broadcast_in_dim3A_687 = vector.broadcast %broadcast_in_dim3A_686 : f32 to vector<16xf32>
      %swap3A_688 = arith.index_cast %scan3A_652 : i32 to index
      %swap3A_689 = arith.constant 80 : index
      %swap3A_690 = tpu.vector_load %arg17[%swap3A_688, %swap3A_689] {strides = array<i32>} : memref<16x128xf32, #tpu.memory_space<vmem>>, vector<1x16xf32>,
      %swap3A_691 = vector.shape_cast %swap3A_690 : vector<1x16xf32> to vector<16xf32>
      %swap3A_692 = vector.shape_cast %broadcast_in_dim3A_687 : vector<16xf32> to vector<1x16xf32>
      tpu.vector_store %arg17[%swap3A_688, %swap3A_689], %swap3A_692 {strides = array<i32>} : memref<16x128xf32, #tpu.memory_space<vmem>>, vector<1x16xf32>,
      %broadcast_in_dim3A_693 = arith.constant 0.000000e+00 : f32
      %broadcast_in_dim3A_694 = vector.broadcast %broadcast_in_dim3A_693 : f32 to vector<16xf32>
      %swap3A_695 = arith.index_cast %scan3A_652 : i32 to index
      %swap3A_696 = arith.constant 96 : index
      %swap3A_697 = tpu.vector_load %arg17[%swap3A_695, %swap3A_696] {strides = array<i32>} : memref<16x128xf32, #tpu.memory_space<vmem>>, vector<1x16xf32>,
      %swap3A_698 = vector.shape_cast %swap3A_697 : vector<1x16xf32> to vector<16xf32>
      %swap3A_699 = vector.shape_cast %broadcast_in_dim3A_694 : vector<16xf32> to vector<1x16xf32>
      tpu.vector_store %arg17[%swap3A_695, %swap3A_696], %swap3A_699 {strides = array<i32>} : memref<16x128xf32, #tpu.memory_space<vmem>>, vector<1x16xf32>,
      %broadcast_in_dim3A_700 = arith.constant 0.000000e+00 : f32
      %broadcast_in_dim3A_701 = vector.broadcast %broadcast_in_dim3A_700 : f32 to vector<16xf32>
      %swap3A_702 = arith.index_cast %scan3A_652 : i32 to index
      %swap3A_703 = arith.constant 112 : index
      %swap3A_704 = tpu.vector_load %arg17[%swap3A_702, %swap3A_703] {strides = array<i32>} : memref<16x128xf32, #tpu.memory_space<vmem>>, vector<1x16xf32>,
      %swap3A_705 = vector.shape_cast %swap3A_704 : vector<1x16xf32> to vector<16xf32>
      %swap3A_706 = vector.shape_cast %broadcast_in_dim3A_701 : vector<16xf32> to vector<1x16xf32>
      tpu.vector_store %arg17[%swap3A_702, %swap3A_703], %swap3A_706 {strides = array<i32>} : memref<16x128xf32, #tpu.memory_space<vmem>>, vector<1x16xf32>,
    }
    %scan3A_84 = arith.constant 16 : i32
    %mul3A_85 = arith.constant 640 : i32
    %mul3A_86 = arith.muli %arg1, %mul3A_85 : i32
    %add3A_87 = arith.constant 0 : i32
    %add3A_88 = arith.addi %mul3A_86, %add3A_87 : i32
    %dma_start3A_89 = arith.constant 0 : i32
    %dma_start3A_90 = tpu.memref_slice %arg18[%add3A_88, %dma_start3A_89] : memref<10240x128xf32, #tpu.memory_space<vmem_shared>> -> memref<16x128xf32, #tpu.memory_space<vmem_shared>>
    %dma_start3A_91 = arith.constant 0 : i32
    %dma_start3A_92 = tpu.memref_slice %arg18[%add3A_88, %dma_start3A_91] : memref<10240x128xf32, #tpu.memory_space<vmem_shared>> -> memref<16x128xf32, #tpu.memory_space<vmem_shared>>
    tpu.enqueue_dma source(%arg17 : memref<16x128xf32, #tpu.memory_space<vmem>>) target(%dma_start3A_92 : memref<16x128xf32, #tpu.memory_space<vmem_shared>>) target_semaphore(%arg21 : memref<!tpu.dma_semaphore, #tpu.memory_space<semaphore_mem>>)
    %add3A_93 = arith.constant 16 : i32
    %add3A_94 = arith.addi %mul3A_86, %add3A_93 : i32
    %dma_start3A_95 = arith.constant 0 : i32
    %dma_start3A_96 = tpu.memref_slice %arg18[%add3A_94, %dma_start3A_95] : memref<10240x128xf32, #tpu.memory_space<vmem_shared>> -> memref<16x128xf32, #tpu.memory_space<vmem_shared>>
    %dma_start3A_97 = arith.constant 0 : i32
    %dma_start3A_98 = tpu.memref_slice %arg18[%add3A_94, %dma_start3A_97] : memref<10240x128xf32, #tpu.memory_space<vmem_shared>> -> memref<16x128xf32, #tpu.memory_space<vmem_shared>>
    tpu.enqueue_dma source(%arg17 : memref<16x128xf32, #tpu.memory_space<vmem>>) target(%dma_start3A_98 : memref<16x128xf32, #tpu.memory_space<vmem_shared>>) target_semaphore(%arg21 : memref<!tpu.dma_semaphore, #tpu.memory_space<semaphore_mem>>)
    %add3A_99 = arith.constant 32 : i32
    %add3A_100 = arith.addi %mul3A_86, %add3A_99 : i32
    %dma_start3A_101 = arith.constant 0 : i32
    %dma_start3A_102 = tpu.memref_slice %arg18[%add3A_100, %dma_start3A_101] : memref<10240x128xf32, #tpu.memory_space<vmem_shared>> -> memref<16x128xf32, #tpu.memory_space<vmem_shared>>
    %dma_start3A_103 = arith.constant 0 : i32
    %dma_start3A_104 = tpu.memref_slice %arg18[%add3A_100, %dma_start3A_103] : memref<10240x128xf32, #tpu.memory_space<vmem_shared>> -> memref<16x128xf32, #tpu.memory_space<vmem_shared>>
    tpu.enqueue_dma source(%arg17 : memref<16x128xf32, #tpu.memory_space<vmem>>) target(%dma_start3A_104 : memref<16x128xf32, #tpu.memory_space<vmem_shared>>) target_semaphore(%arg21 : memref<!tpu.dma_semaphore, #tpu.memory_space<semaphore_mem>>)
    %add3A_105 = arith.constant 48 : i32
    %add3A_106 = arith.addi %mul3A_86, %add3A_105 : i32
    %dma_start3A_107 = arith.constant 0 : i32
    %dma_start3A_108 = tpu.memref_slice %arg18[%add3A_106, %dma_start3A_107] : memref<10240x128xf32, #tpu.memory_space<vmem_shared>> -> memref<16x128xf32, #tpu.memory_space<vmem_shared>>
    %dma_start3A_109 = arith.constant 0 : i32
    %dma_start3A_110 = tpu.memref_slice %arg18[%add3A_106, %dma_start3A_109] : memref<10240x128xf32, #tpu.memory_space<vmem_shared>> -> memref<16x128xf32, #tpu.memory_space<vmem_shared>>
    tpu.enqueue_dma source(%arg17 : memref<16x128xf32, #tpu.memory_space<vmem>>) target(%dma_start3A_110 : memref<16x128xf32, #tpu.memory_space<vmem_shared>>) target_semaphore(%arg21 : memref<!tpu.dma_semaphore, #tpu.memory_space<semaphore_mem>>)
    %add3A_111 = arith.constant 64 : i32
    %add3A_112 = arith.addi %mul3A_86, %add3A_111 : i32
    %dma_start3A_113 = arith.constant 0 : i32
    %dma_start3A_114 = tpu.memref_slice %arg18[%add3A_112, %dma_start3A_113] : memref<10240x128xf32, #tpu.memory_space<vmem_shared>> -> memref<16x128xf32, #tpu.memory_space<vmem_shared>>
    %dma_start3A_115 = arith.constant 0 : i32
    %dma_start3A_116 = tpu.memref_slice %arg18[%add3A_112, %dma_start3A_115] : memref<10240x128xf32, #tpu.memory_space<vmem_shared>> -> memref<16x128xf32, #tpu.memory_space<vmem_shared>>
    tpu.enqueue_dma source(%arg17 : memref<16x128xf32, #tpu.memory_space<vmem>>) target(%dma_start3A_116 : memref<16x128xf32, #tpu.memory_space<vmem_shared>>) target_semaphore(%arg21 : memref<!tpu.dma_semaphore, #tpu.memory_space<semaphore_mem>>)
    %add3A_117 = arith.constant 80 : i32
    %add3A_118 = arith.addi %mul3A_86, %add3A_117 : i32
    %dma_start3A_119 = arith.constant 0 : i32
    %dma_start3A_120 = tpu.memref_slice %arg18[%add3A_118, %dma_start3A_119] : memref<10240x128xf32, #tpu.memory_space<vmem_shared>> -> memref<16x128xf32, #tpu.memory_space<vmem_shared>>
    %dma_start3A_121 = arith.constant 0 : i32
    %dma_start3A_122 = tpu.memref_slice %arg18[%add3A_118, %dma_start3A_121] : memref<10240x128xf32, #tpu.memory_space<vmem_shared>> -> memref<16x128xf32, #tpu.memory_space<vmem_shared>>
    tpu.enqueue_dma source(%arg17 : memref<16x128xf32, #tpu.memory_space<vmem>>) target(%dma_start3A_122 : memref<16x128xf32, #tpu.memory_space<vmem_shared>>) target_semaphore(%arg21 : memref<!tpu.dma_semaphore, #tpu.memory_space<semaphore_mem>>)
    %add3A_123 = arith.constant 96 : i32
    %add3A_124 = arith.addi %mul3A_86, %add3A_123 : i32
    %dma_start3A_125 = arith.constant 0 : i32
    %dma_start3A_126 = tpu.memref_slice %arg18[%add3A_124, %dma_start3A_125] : memref<10240x128xf32, #tpu.memory_space<vmem_shared>> -> memref<16x128xf32, #tpu.memory_space<vmem_shared>>
    %dma_start3A_127 = arith.constant 0 : i32
    %dma_start3A_128 = tpu.memref_slice %arg18[%add3A_124, %dma_start3A_127] : memref<10240x128xf32, #tpu.memory_space<vmem_shared>> -> memref<16x128xf32, #tpu.memory_space<vmem_shared>>
    tpu.enqueue_dma source(%arg17 : memref<16x128xf32, #tpu.memory_space<vmem>>) target(%dma_start3A_128 : memref<16x128xf32, #tpu.memory_space<vmem_shared>>) target_semaphore(%arg21 : memref<!tpu.dma_semaphore, #tpu.memory_space<semaphore_mem>>)
    %add3A_129 = arith.constant 112 : i32
    %add3A_130 = arith.addi %mul3A_86, %add3A_129 : i32
    %dma_start3A_131 = arith.constant 0 : i32
    %dma_start3A_132 = tpu.memref_slice %arg18[%add3A_130, %dma_start3A_131] : memref<10240x128xf32, #tpu.memory_space<vmem_shared>> -> memref<16x128xf32, #tpu.memory_space<vmem_shared>>
    %dma_start3A_133 = arith.constant 0 : i32
    %dma_start3A_134 = tpu.memref_slice %arg18[%add3A_130, %dma_start3A_133] : memref<10240x128xf32, #tpu.memory_space<vmem_shared>> -> memref<16x128xf32, #tpu.memory_space<vmem_shared>>
    tpu.enqueue_dma source(%arg17 : memref<16x128xf32, #tpu.memory_space<vmem>>) target(%dma_start3A_134 : memref<16x128xf32, #tpu.memory_space<vmem_shared>>) target_semaphore(%arg21 : memref<!tpu.dma_semaphore, #tpu.memory_space<semaphore_mem>>)
    %add3A_135 = arith.constant 128 : i32
    %add3A_136 = arith.addi %mul3A_86, %add3A_135 : i32
    %dma_start3A_137 = arith.constant 0 : i32
    %dma_start3A_138 = tpu.memref_slice %arg18[%add3A_136, %dma_start3A_137] : memref<10240x128xf32, #tpu.memory_space<vmem_shared>> -> memref<16x128xf32, #tpu.memory_space<vmem_shared>>
    %dma_start3A_139 = arith.constant 0 : i32
    %dma_start3A_140 = tpu.memref_slice %arg18[%add3A_136, %dma_start3A_139] : memref<10240x128xf32, #tpu.memory_space<vmem_shared>> -> memref<16x128xf32, #tpu.memory_space<vmem_shared>>
    tpu.enqueue_dma source(%arg17 : memref<16x128xf32, #tpu.memory_space<vmem>>) target(%dma_start3A_140 : memref<16x128xf32, #tpu.memory_space<vmem_shared>>) target_semaphore(%arg21 : memref<!tpu.dma_semaphore, #tpu.memory_space<semaphore_mem>>)
    %add3A_141 = arith.constant 144 : i32
    %add3A_142 = arith.addi %mul3A_86, %add3A_141 : i32
    %dma_start3A_143 = arith.constant 0 : i32
    %dma_start3A_144 = tpu.memref_slice %arg18[%add3A_142, %dma_start3A_143] : memref<10240x128xf32, #tpu.memory_space<vmem_shared>> -> memref<16x128xf32, #tpu.memory_space<vmem_shared>>
    %dma_start3A_145 = arith.constant 0 : i32
    %dma_start3A_146 = tpu.memref_slice %arg18[%add3A_142, %dma_start3A_145] : memref<10240x128xf32, #tpu.memory_space<vmem_shared>> -> memref<16x128xf32, #tpu.memory_space<vmem_shared>>
    tpu.enqueue_dma source(%arg17 : memref<16x128xf32, #tpu.memory_space<vmem>>) target(%dma_start3A_146 : memref<16x128xf32, #tpu.memory_space<vmem_shared>>) target_semaphore(%arg21 : memref<!tpu.dma_semaphore, #tpu.memory_space<semaphore_mem>>)
    %add3A_147 = arith.constant 160 : i32
    %add3A_148 = arith.addi %mul3A_86, %add3A_147 : i32
    %dma_start3A_149 = arith.constant 0 : i32
    %dma_start3A_150 = tpu.memref_slice %arg18[%add3A_148, %dma_start3A_149] : memref<10240x128xf32, #tpu.memory_space<vmem_shared>> -> memref<16x128xf32, #tpu.memory_space<vmem_shared>>
    %dma_start3A_151 = arith.constant 0 : i32
    %dma_start3A_152 = tpu.memref_slice %arg18[%add3A_148, %dma_start3A_151] : memref<10240x128xf32, #tpu.memory_space<vmem_shared>> -> memref<16x128xf32, #tpu.memory_space<vmem_shared>>
    tpu.enqueue_dma source(%arg17 : memref<16x128xf32, #tpu.memory_space<vmem>>) target(%dma_start3A_152 : memref<16x128xf32, #tpu.memory_space<vmem_shared>>) target_semaphore(%arg21 : memref<!tpu.dma_semaphore, #tpu.memory_space<semaphore_mem>>)
    %add3A_153 = arith.constant 176 : i32
    %add3A_154 = arith.addi %mul3A_86, %add3A_153 : i32
    %dma_start3A_155 = arith.constant 0 : i32
    %dma_start3A_156 = tpu.memref_slice %arg18[%add3A_154, %dma_start3A_155] : memref<10240x128xf32, #tpu.memory_space<vmem_shared>> -> memref<16x128xf32, #tpu.memory_space<vmem_shared>>
    %dma_start3A_157 = arith.constant 0 : i32
    %dma_start3A_158 = tpu.memref_slice %arg18[%add3A_154, %dma_start3A_157] : memref<10240x128xf32, #tpu.memory_space<vmem_shared>> -> memref<16x128xf32, #tpu.memory_space<vmem_shared>>
    tpu.enqueue_dma source(%arg17 : memref<16x128xf32, #tpu.memory_space<vmem>>) target(%dma_start3A_158 : memref<16x128xf32, #tpu.memory_space<vmem_shared>>) target_semaphore(%arg21 : memref<!tpu.dma_semaphore, #tpu.memory_space<semaphore_mem>>)
    %add3A_159 = arith.constant 192 : i32
    %add3A_160 = arith.addi %mul3A_86, %add3A_159 : i32
    %dma_start3A_161 = arith.constant 0 : i32
    %dma_start3A_162 = tpu.memref_slice %arg18[%add3A_160, %dma_start3A_161] : memref<10240x128xf32, #tpu.memory_space<vmem_shared>> -> memref<16x128xf32, #tpu.memory_space<vmem_shared>>
    %dma_start3A_163 = arith.constant 0 : i32
    %dma_start3A_164 = tpu.memref_slice %arg18[%add3A_160, %dma_start3A_163] : memref<10240x128xf32, #tpu.memory_space<vmem_shared>> -> memref<16x128xf32, #tpu.memory_space<vmem_shared>>
    tpu.enqueue_dma source(%arg17 : memref<16x128xf32, #tpu.memory_space<vmem>>) target(%dma_start3A_164 : memref<16x128xf32, #tpu.memory_space<vmem_shared>>) target_semaphore(%arg21 : memref<!tpu.dma_semaphore, #tpu.memory_space<semaphore_mem>>)
    %add3A_165 = arith.constant 208 : i32
    %add3A_166 = arith.addi %mul3A_86, %add3A_165 : i32
    %dma_start3A_167 = arith.constant 0 : i32
    %dma_start3A_168 = tpu.memref_slice %arg18[%add3A_166, %dma_start3A_167] : memref<10240x128xf32, #tpu.memory_space<vmem_shared>> -> memref<16x128xf32, #tpu.memory_space<vmem_shared>>
    %dma_start3A_169 = arith.constant 0 : i32
    %dma_start3A_170 = tpu.memref_slice %arg18[%add3A_166, %dma_start3A_169] : memref<10240x128xf32, #tpu.memory_space<vmem_shared>> -> memref<16x128xf32, #tpu.memory_space<vmem_shared>>
    tpu.enqueue_dma source(%arg17 : memref<16x128xf32, #tpu.memory_space<vmem>>) target(%dma_start3A_170 : memref<16x128xf32, #tpu.memory_space<vmem_shared>>) target_semaphore(%arg21 : memref<!tpu.dma_semaphore, #tpu.memory_space<semaphore_mem>>)
    %add3A_171 = arith.constant 224 : i32
    %add3A_172 = arith.addi %mul3A_86, %add3A_171 : i32
    %dma_start3A_173 = arith.constant 0 : i32
    %dma_start3A_174 = tpu.memref_slice %arg18[%add3A_172, %dma_start3A_173] : memref<10240x128xf32, #tpu.memory_space<vmem_shared>> -> memref<16x128xf32, #tpu.memory_space<vmem_shared>>
    %dma_start3A_175 = arith.constant 0 : i32
    %dma_start3A_176 = tpu.memref_slice %arg18[%add3A_172, %dma_start3A_175] : memref<10240x128xf32, #tpu.memory_space<vmem_shared>> -> memref<16x128xf32, #tpu.memory_space<vmem_shared>>
    tpu.enqueue_dma source(%arg17 : memref<16x128xf32, #tpu.memory_space<vmem>>) target(%dma_start3A_176 : memref<16x128xf32, #tpu.memory_space<vmem_shared>>) target_semaphore(%arg21 : memref<!tpu.dma_semaphore, #tpu.memory_space<semaphore_mem>>)
    %add3A_177 = arith.constant 240 : i32
    %add3A_178 = arith.addi %mul3A_86, %add3A_177 : i32
    %dma_start3A_179 = arith.constant 0 : i32
    %dma_start3A_180 = tpu.memref_slice %arg18[%add3A_178, %dma_start3A_179] : memref<10240x128xf32, #tpu.memory_space<vmem_shared>> -> memref<16x128xf32, #tpu.memory_space<vmem_shared>>
    %dma_start3A_181 = arith.constant 0 : i32
    %dma_start3A_182 = tpu.memref_slice %arg18[%add3A_178, %dma_start3A_181] : memref<10240x128xf32, #tpu.memory_space<vmem_shared>> -> memref<16x128xf32, #tpu.memory_space<vmem_shared>>
    tpu.enqueue_dma source(%arg17 : memref<16x128xf32, #tpu.memory_space<vmem>>) target(%dma_start3A_182 : memref<16x128xf32, #tpu.memory_space<vmem_shared>>) target_semaphore(%arg21 : memref<!tpu.dma_semaphore, #tpu.memory_space<semaphore_mem>>)
    %add3A_183 = arith.constant 256 : i32
    %add3A_184 = arith.addi %mul3A_86, %add3A_183 : i32
    %dma_start3A_185 = arith.constant 0 : i32
    %dma_start3A_186 = tpu.memref_slice %arg18[%add3A_184, %dma_start3A_185] : memref<10240x128xf32, #tpu.memory_space<vmem_shared>> -> memref<16x128xf32, #tpu.memory_space<vmem_shared>>
    %dma_start3A_187 = arith.constant 0 : i32
    %dma_start3A_188 = tpu.memref_slice %arg18[%add3A_184, %dma_start3A_187] : memref<10240x128xf32, #tpu.memory_space<vmem_shared>> -> memref<16x128xf32, #tpu.memory_space<vmem_shared>>
    tpu.enqueue_dma source(%arg17 : memref<16x128xf32, #tpu.memory_space<vmem>>) target(%dma_start3A_188 : memref<16x128xf32, #tpu.memory_space<vmem_shared>>) target_semaphore(%arg21 : memref<!tpu.dma_semaphore, #tpu.memory_space<semaphore_mem>>)
    %add3A_189 = arith.constant 272 : i32
    %add3A_190 = arith.addi %mul3A_86, %add3A_189 : i32
    %dma_start3A_191 = arith.constant 0 : i32
    %dma_start3A_192 = tpu.memref_slice %arg18[%add3A_190, %dma_start3A_191] : memref<10240x128xf32, #tpu.memory_space<vmem_shared>> -> memref<16x128xf32, #tpu.memory_space<vmem_shared>>
    %dma_start3A_193 = arith.constant 0 : i32
    %dma_start3A_194 = tpu.memref_slice %arg18[%add3A_190, %dma_start3A_193] : memref<10240x128xf32, #tpu.memory_space<vmem_shared>> -> memref<16x128xf32, #tpu.memory_space<vmem_shared>>
    tpu.enqueue_dma source(%arg17 : memref<16x128xf32, #tpu.memory_space<vmem>>) target(%dma_start3A_194 : memref<16x128xf32, #tpu.memory_space<vmem_shared>>) target_semaphore(%arg21 : memref<!tpu.dma_semaphore, #tpu.memory_space<semaphore_mem>>)
    %add3A_195 = arith.constant 288 : i32
    %add3A_196 = arith.addi %mul3A_86, %add3A_195 : i32
    %dma_start3A_197 = arith.constant 0 : i32
    %dma_start3A_198 = tpu.memref_slice %arg18[%add3A_196, %dma_start3A_197] : memref<10240x128xf32, #tpu.memory_space<vmem_shared>> -> memref<16x128xf32, #tpu.memory_space<vmem_shared>>
    %dma_start3A_199 = arith.constant 0 : i32
    %dma_start3A_200 = tpu.memref_slice %arg18[%add3A_196, %dma_start3A_199] : memref<10240x128xf32, #tpu.memory_space<vmem_shared>> -> memref<16x128xf32, #tpu.memory_space<vmem_shared>>
    tpu.enqueue_dma source(%arg17 : memref<16x128xf32, #tpu.memory_space<vmem>>) target(%dma_start3A_200 : memref<16x128xf32, #tpu.memory_space<vmem_shared>>) target_semaphore(%arg21 : memref<!tpu.dma_semaphore, #tpu.memory_space<semaphore_mem>>)
    %add3A_201 = arith.constant 304 : i32
    %add3A_202 = arith.addi %mul3A_86, %add3A_201 : i32
    %dma_start3A_203 = arith.constant 0 : i32
    %dma_start3A_204 = tpu.memref_slice %arg18[%add3A_202, %dma_start3A_203] : memref<10240x128xf32, #tpu.memory_space<vmem_shared>> -> memref<16x128xf32, #tpu.memory_space<vmem_shared>>
    %dma_start3A_205 = arith.constant 0 : i32
    %dma_start3A_206 = tpu.memref_slice %arg18[%add3A_202, %dma_start3A_205] : memref<10240x128xf32, #tpu.memory_space<vmem_shared>> -> memref<16x128xf32, #tpu.memory_space<vmem_shared>>
    tpu.enqueue_dma source(%arg17 : memref<16x128xf32, #tpu.memory_space<vmem>>) target(%dma_start3A_206 : memref<16x128xf32, #tpu.memory_space<vmem_shared>>) target_semaphore(%arg21 : memref<!tpu.dma_semaphore, #tpu.memory_space<semaphore_mem>>)
    %add3A_207 = arith.constant 320 : i32
    %add3A_208 = arith.addi %mul3A_86, %add3A_207 : i32
    %dma_start3A_209 = arith.constant 0 : i32
    %dma_start3A_210 = tpu.memref_slice %arg18[%add3A_208, %dma_start3A_209] : memref<10240x128xf32, #tpu.memory_space<vmem_shared>> -> memref<16x128xf32, #tpu.memory_space<vmem_shared>>
    %dma_start3A_211 = arith.constant 0 : i32
    %dma_start3A_212 = tpu.memref_slice %arg18[%add3A_208, %dma_start3A_211] : memref<10240x128xf32, #tpu.memory_space<vmem_shared>> -> memref<16x128xf32, #tpu.memory_space<vmem_shared>>
    tpu.enqueue_dma source(%arg17 : memref<16x128xf32, #tpu.memory_space<vmem>>) target(%dma_start3A_212 : memref<16x128xf32, #tpu.memory_space<vmem_shared>>) target_semaphore(%arg21 : memref<!tpu.dma_semaphore, #tpu.memory_space<semaphore_mem>>)
    %add3A_213 = arith.constant 336 : i32
    %add3A_214 = arith.addi %mul3A_86, %add3A_213 : i32
    %dma_start3A_215 = arith.constant 0 : i32
    %dma_start3A_216 = tpu.memref_slice %arg18[%add3A_214, %dma_start3A_215] : memref<10240x128xf32, #tpu.memory_space<vmem_shared>> -> memref<16x128xf32, #tpu.memory_space<vmem_shared>>
    %dma_start3A_217 = arith.constant 0 : i32
    %dma_start3A_218 = tpu.memref_slice %arg18[%add3A_214, %dma_start3A_217] : memref<10240x128xf32, #tpu.memory_space<vmem_shared>> -> memref<16x128xf32, #tpu.memory_space<vmem_shared>>
    tpu.enqueue_dma source(%arg17 : memref<16x128xf32, #tpu.memory_space<vmem>>) target(%dma_start3A_218 : memref<16x128xf32, #tpu.memory_space<vmem_shared>>) target_semaphore(%arg21 : memref<!tpu.dma_semaphore, #tpu.memory_space<semaphore_mem>>)
    %add3A_219 = arith.constant 352 : i32
    %add3A_220 = arith.addi %mul3A_86, %add3A_219 : i32
    %dma_start3A_221 = arith.constant 0 : i32
    %dma_start3A_222 = tpu.memref_slice %arg18[%add3A_220, %dma_start3A_221] : memref<10240x128xf32, #tpu.memory_space<vmem_shared>> -> memref<16x128xf32, #tpu.memory_space<vmem_shared>>
    %dma_start3A_223 = arith.constant 0 : i32
    %dma_start3A_224 = tpu.memref_slice %arg18[%add3A_220, %dma_start3A_223] : memref<10240x128xf32, #tpu.memory_space<vmem_shared>> -> memref<16x128xf32, #tpu.memory_space<vmem_shared>>
    tpu.enqueue_dma source(%arg17 : memref<16x128xf32, #tpu.memory_space<vmem>>) target(%dma_start3A_224 : memref<16x128xf32, #tpu.memory_space<vmem_shared>>) target_semaphore(%arg21 : memref<!tpu.dma_semaphore, #tpu.memory_space<semaphore_mem>>)
    %add3A_225 = arith.constant 368 : i32
    %add3A_226 = arith.addi %mul3A_86, %add3A_225 : i32
    %dma_start3A_227 = arith.constant 0 : i32
    %dma_start3A_228 = tpu.memref_slice %arg18[%add3A_226, %dma_start3A_227] : memref<10240x128xf32, #tpu.memory_space<vmem_shared>> -> memref<16x128xf32, #tpu.memory_space<vmem_shared>>
    %dma_start3A_229 = arith.constant 0 : i32
    %dma_start3A_230 = tpu.memref_slice %arg18[%add3A_226, %dma_start3A_229] : memref<10240x128xf32, #tpu.memory_space<vmem_shared>> -> memref<16x128xf32, #tpu.memory_space<vmem_shared>>
    tpu.enqueue_dma source(%arg17 : memref<16x128xf32, #tpu.memory_space<vmem>>) target(%dma_start3A_230 : memref<16x128xf32, #tpu.memory_space<vmem_shared>>) target_semaphore(%arg21 : memref<!tpu.dma_semaphore, #tpu.memory_space<semaphore_mem>>)
    %add3A_231 = arith.constant 384 : i32
    %add3A_232 = arith.addi %mul3A_86, %add3A_231 : i32
    %dma_start3A_233 = arith.constant 0 : i32
    %dma_start3A_234 = tpu.memref_slice %arg18[%add3A_232, %dma_start3A_233] : memref<10240x128xf32, #tpu.memory_space<vmem_shared>> -> memref<16x128xf32, #tpu.memory_space<vmem_shared>>
    %dma_start3A_235 = arith.constant 0 : i32
    %dma_start3A_236 = tpu.memref_slice %arg18[%add3A_232, %dma_start3A_235] : memref<10240x128xf32, #tpu.memory_space<vmem_shared>> -> memref<16x128xf32, #tpu.memory_space<vmem_shared>>
    tpu.enqueue_dma source(%arg17 : memref<16x128xf32, #tpu.memory_space<vmem>>) target(%dma_start3A_236 : memref<16x128xf32, #tpu.memory_space<vmem_shared>>) target_semaphore(%arg21 : memref<!tpu.dma_semaphore, #tpu.memory_space<semaphore_mem>>)
    %add3A_237 = arith.constant 400 : i32
    %add3A_238 = arith.addi %mul3A_86, %add3A_237 : i32
    %dma_start3A_239 = arith.constant 0 : i32
    %dma_start3A_240 = tpu.memref_slice %arg18[%add3A_238, %dma_start3A_239] : memref<10240x128xf32, #tpu.memory_space<vmem_shared>> -> memref<16x128xf32, #tpu.memory_space<vmem_shared>>
    %dma_start3A_241 = arith.constant 0 : i32
    %dma_start3A_242 = tpu.memref_slice %arg18[%add3A_238, %dma_start3A_241] : memref<10240x128xf32, #tpu.memory_space<vmem_shared>> -> memref<16x128xf32, #tpu.memory_space<vmem_shared>>
    tpu.enqueue_dma source(%arg17 : memref<16x128xf32, #tpu.memory_space<vmem>>) target(%dma_start3A_242 : memref<16x128xf32, #tpu.memory_space<vmem_shared>>) target_semaphore(%arg21 : memref<!tpu.dma_semaphore, #tpu.memory_space<semaphore_mem>>)
    %add3A_243 = arith.constant 416 : i32
    %add3A_244 = arith.addi %mul3A_86, %add3A_243 : i32
    %dma_start3A_245 = arith.constant 0 : i32
    %dma_start3A_246 = tpu.memref_slice %arg18[%add3A_244, %dma_start3A_245] : memref<10240x128xf32, #tpu.memory_space<vmem_shared>> -> memref<16x128xf32, #tpu.memory_space<vmem_shared>>
    %dma_start3A_247 = arith.constant 0 : i32
    %dma_start3A_248 = tpu.memref_slice %arg18[%add3A_244, %dma_start3A_247] : memref<10240x128xf32, #tpu.memory_space<vmem_shared>> -> memref<16x128xf32, #tpu.memory_space<vmem_shared>>
    tpu.enqueue_dma source(%arg17 : memref<16x128xf32, #tpu.memory_space<vmem>>) target(%dma_start3A_248 : memref<16x128xf32, #tpu.memory_space<vmem_shared>>) target_semaphore(%arg21 : memref<!tpu.dma_semaphore, #tpu.memory_space<semaphore_mem>>)
    %add3A_249 = arith.constant 432 : i32
    %add3A_250 = arith.addi %mul3A_86, %add3A_249 : i32
    %dma_start3A_251 = arith.constant 0 : i32
    %dma_start3A_252 = tpu.memref_slice %arg18[%add3A_250, %dma_start3A_251] : memref<10240x128xf32, #tpu.memory_space<vmem_shared>> -> memref<16x128xf32, #tpu.memory_space<vmem_shared>>
    %dma_start3A_253 = arith.constant 0 : i32
    %dma_start3A_254 = tpu.memref_slice %arg18[%add3A_250, %dma_start3A_253] : memref<10240x128xf32, #tpu.memory_space<vmem_shared>> -> memref<16x128xf32, #tpu.memory_space<vmem_shared>>
    tpu.enqueue_dma source(%arg17 : memref<16x128xf32, #tpu.memory_space<vmem>>) target(%dma_start3A_254 : memref<16x128xf32, #tpu.memory_space<vmem_shared>>) target_semaphore(%arg21 : memref<!tpu.dma_semaphore, #tpu.memory_space<semaphore_mem>>)
    %add3A_255 = arith.constant 448 : i32
    %add3A_256 = arith.addi %mul3A_86, %add3A_255 : i32
    %dma_start3A_257 = arith.constant 0 : i32
    %dma_start3A_258 = tpu.memref_slice %arg18[%add3A_256, %dma_start3A_257] : memref<10240x128xf32, #tpu.memory_space<vmem_shared>> -> memref<16x128xf32, #tpu.memory_space<vmem_shared>>
    %dma_start3A_259 = arith.constant 0 : i32
    %dma_start3A_260 = tpu.memref_slice %arg18[%add3A_256, %dma_start3A_259] : memref<10240x128xf32, #tpu.memory_space<vmem_shared>> -> memref<16x128xf32, #tpu.memory_space<vmem_shared>>
    tpu.enqueue_dma source(%arg17 : memref<16x128xf32, #tpu.memory_space<vmem>>) target(%dma_start3A_260 : memref<16x128xf32, #tpu.memory_space<vmem_shared>>) target_semaphore(%arg21 : memref<!tpu.dma_semaphore, #tpu.memory_space<semaphore_mem>>)
    %add3A_261 = arith.constant 464 : i32
    %add3A_262 = arith.addi %mul3A_86, %add3A_261 : i32
    %dma_start3A_263 = arith.constant 0 : i32
    %dma_start3A_264 = tpu.memref_slice %arg18[%add3A_262, %dma_start3A_263] : memref<10240x128xf32, #tpu.memory_space<vmem_shared>> -> memref<16x128xf32, #tpu.memory_space<vmem_shared>>
    %dma_start3A_265 = arith.constant 0 : i32
    %dma_start3A_266 = tpu.memref_slice %arg18[%add3A_262, %dma_start3A_265] : memref<10240x128xf32, #tpu.memory_space<vmem_shared>> -> memref<16x128xf32, #tpu.memory_space<vmem_shared>>
    tpu.enqueue_dma source(%arg17 : memref<16x128xf32, #tpu.memory_space<vmem>>) target(%dma_start3A_266 : memref<16x128xf32, #tpu.memory_space<vmem_shared>>) target_semaphore(%arg21 : memref<!tpu.dma_semaphore, #tpu.memory_space<semaphore_mem>>)
    %add3A_267 = arith.constant 480 : i32
    %add3A_268 = arith.addi %mul3A_86, %add3A_267 : i32
    %dma_start3A_269 = arith.constant 0 : i32
    %dma_start3A_270 = tpu.memref_slice %arg18[%add3A_268, %dma_start3A_269] : memref<10240x128xf32, #tpu.memory_space<vmem_shared>> -> memref<16x128xf32, #tpu.memory_space<vmem_shared>>
    %dma_start3A_271 = arith.constant 0 : i32
    %dma_start3A_272 = tpu.memref_slice %arg18[%add3A_268, %dma_start3A_271] : memref<10240x128xf32, #tpu.memory_space<vmem_shared>> -> memref<16x128xf32, #tpu.memory_space<vmem_shared>>
    tpu.enqueue_dma source(%arg17 : memref<16x128xf32, #tpu.memory_space<vmem>>) target(%dma_start3A_272 : memref<16x128xf32, #tpu.memory_space<vmem_shared>>) target_semaphore(%arg21 : memref<!tpu.dma_semaphore, #tpu.memory_space<semaphore_mem>>)
    %add3A_273 = arith.constant 496 : i32
    %add3A_274 = arith.addi %mul3A_86, %add3A_273 : i32
    %dma_start3A_275 = arith.constant 0 : i32
    %dma_start3A_276 = tpu.memref_slice %arg18[%add3A_274, %dma_start3A_275] : memref<10240x128xf32, #tpu.memory_space<vmem_shared>> -> memref<16x128xf32, #tpu.memory_space<vmem_shared>>
    %dma_start3A_277 = arith.constant 0 : i32
    %dma_start3A_278 = tpu.memref_slice %arg18[%add3A_274, %dma_start3A_277] : memref<10240x128xf32, #tpu.memory_space<vmem_shared>> -> memref<16x128xf32, #tpu.memory_space<vmem_shared>>
    tpu.enqueue_dma source(%arg17 : memref<16x128xf32, #tpu.memory_space<vmem>>) target(%dma_start3A_278 : memref<16x128xf32, #tpu.memory_space<vmem_shared>>) target_semaphore(%arg21 : memref<!tpu.dma_semaphore, #tpu.memory_space<semaphore_mem>>)
    %add3A_279 = arith.constant 512 : i32
    %add3A_280 = arith.addi %mul3A_86, %add3A_279 : i32
    %dma_start3A_281 = arith.constant 0 : i32
    %dma_start3A_282 = tpu.memref_slice %arg18[%add3A_280, %dma_start3A_281] : memref<10240x128xf32, #tpu.memory_space<vmem_shared>> -> memref<16x128xf32, #tpu.memory_space<vmem_shared>>
    %dma_start3A_283 = arith.constant 0 : i32
    %dma_start3A_284 = tpu.memref_slice %arg18[%add3A_280, %dma_start3A_283] : memref<10240x128xf32, #tpu.memory_space<vmem_shared>> -> memref<16x128xf32, #tpu.memory_space<vmem_shared>>
    tpu.enqueue_dma source(%arg17 : memref<16x128xf32, #tpu.memory_space<vmem>>) target(%dma_start3A_284 : memref<16x128xf32, #tpu.memory_space<vmem_shared>>) target_semaphore(%arg21 : memref<!tpu.dma_semaphore, #tpu.memory_space<semaphore_mem>>)
    %add3A_285 = arith.constant 528 : i32
    %add3A_286 = arith.addi %mul3A_86, %add3A_285 : i32
    %dma_start3A_287 = arith.constant 0 : i32
    %dma_start3A_288 = tpu.memref_slice %arg18[%add3A_286, %dma_start3A_287] : memref<10240x128xf32, #tpu.memory_space<vmem_shared>> -> memref<16x128xf32, #tpu.memory_space<vmem_shared>>
    %dma_start3A_289 = arith.constant 0 : i32
    %dma_start3A_290 = tpu.memref_slice %arg18[%add3A_286, %dma_start3A_289] : memref<10240x128xf32, #tpu.memory_space<vmem_shared>> -> memref<16x128xf32, #tpu.memory_space<vmem_shared>>
    tpu.enqueue_dma source(%arg17 : memref<16x128xf32, #tpu.memory_space<vmem>>) target(%dma_start3A_290 : memref<16x128xf32, #tpu.memory_space<vmem_shared>>) target_semaphore(%arg21 : memref<!tpu.dma_semaphore, #tpu.memory_space<semaphore_mem>>)
    %add3A_291 = arith.constant 544 : i32
    %add3A_292 = arith.addi %mul3A_86, %add3A_291 : i32
    %dma_start3A_293 = arith.constant 0 : i32
    %dma_start3A_294 = tpu.memref_slice %arg18[%add3A_292, %dma_start3A_293] : memref<10240x128xf32, #tpu.memory_space<vmem_shared>> -> memref<16x128xf32, #tpu.memory_space<vmem_shared>>
    %dma_start3A_295 = arith.constant 0 : i32
    %dma_start3A_296 = tpu.memref_slice %arg18[%add3A_292, %dma_start3A_295] : memref<10240x128xf32, #tpu.memory_space<vmem_shared>> -> memref<16x128xf32, #tpu.memory_space<vmem_shared>>
    tpu.enqueue_dma source(%arg17 : memref<16x128xf32, #tpu.memory_space<vmem>>) target(%dma_start3A_296 : memref<16x128xf32, #tpu.memory_space<vmem_shared>>) target_semaphore(%arg21 : memref<!tpu.dma_semaphore, #tpu.memory_space<semaphore_mem>>)
    %add3A_297 = arith.constant 560 : i32
    %add3A_298 = arith.addi %mul3A_86, %add3A_297 : i32
    %dma_start3A_299 = arith.constant 0 : i32
    %dma_start3A_300 = tpu.memref_slice %arg18[%add3A_298, %dma_start3A_299] : memref<10240x128xf32, #tpu.memory_space<vmem_shared>> -> memref<16x128xf32, #tpu.memory_space<vmem_shared>>
    %dma_start3A_301 = arith.constant 0 : i32
    %dma_start3A_302 = tpu.memref_slice %arg18[%add3A_298, %dma_start3A_301] : memref<10240x128xf32, #tpu.memory_space<vmem_shared>> -> memref<16x128xf32, #tpu.memory_space<vmem_shared>>
    tpu.enqueue_dma source(%arg17 : memref<16x128xf32, #tpu.memory_space<vmem>>) target(%dma_start3A_302 : memref<16x128xf32, #tpu.memory_space<vmem_shared>>) target_semaphore(%arg21 : memref<!tpu.dma_semaphore, #tpu.memory_space<semaphore_mem>>)
    %add3A_303 = arith.constant 576 : i32
    %add3A_304 = arith.addi %mul3A_86, %add3A_303 : i32
    %dma_start3A_305 = arith.constant 0 : i32
    %dma_start3A_306 = tpu.memref_slice %arg18[%add3A_304, %dma_start3A_305] : memref<10240x128xf32, #tpu.memory_space<vmem_shared>> -> memref<16x128xf32, #tpu.memory_space<vmem_shared>>
    %dma_start3A_307 = arith.constant 0 : i32
    %dma_start3A_308 = tpu.memref_slice %arg18[%add3A_304, %dma_start3A_307] : memref<10240x128xf32, #tpu.memory_space<vmem_shared>> -> memref<16x128xf32, #tpu.memory_space<vmem_shared>>
    tpu.enqueue_dma source(%arg17 : memref<16x128xf32, #tpu.memory_space<vmem>>) target(%dma_start3A_308 : memref<16x128xf32, #tpu.memory_space<vmem_shared>>) target_semaphore(%arg21 : memref<!tpu.dma_semaphore, #tpu.memory_space<semaphore_mem>>)
    %add3A_309 = arith.constant 592 : i32
    %add3A_310 = arith.addi %mul3A_86, %add3A_309 : i32
    %dma_start3A_311 = arith.constant 0 : i32
    %dma_start3A_312 = tpu.memref_slice %arg18[%add3A_310, %dma_start3A_311] : memref<10240x128xf32, #tpu.memory_space<vmem_shared>> -> memref<16x128xf32, #tpu.memory_space<vmem_shared>>
    %dma_start3A_313 = arith.constant 0 : i32
    %dma_start3A_314 = tpu.memref_slice %arg18[%add3A_310, %dma_start3A_313] : memref<10240x128xf32, #tpu.memory_space<vmem_shared>> -> memref<16x128xf32, #tpu.memory_space<vmem_shared>>
    tpu.enqueue_dma source(%arg17 : memref<16x128xf32, #tpu.memory_space<vmem>>) target(%dma_start3A_314 : memref<16x128xf32, #tpu.memory_space<vmem_shared>>) target_semaphore(%arg21 : memref<!tpu.dma_semaphore, #tpu.memory_space<semaphore_mem>>)
    %add3A_315 = arith.constant 608 : i32
    %add3A_316 = arith.addi %mul3A_86, %add3A_315 : i32
    %dma_start3A_317 = arith.constant 0 : i32
    %dma_start3A_318 = tpu.memref_slice %arg18[%add3A_316, %dma_start3A_317] : memref<10240x128xf32, #tpu.memory_space<vmem_shared>> -> memref<16x128xf32, #tpu.memory_space<vmem_shared>>
    %dma_start3A_319 = arith.constant 0 : i32
    %dma_start3A_320 = tpu.memref_slice %arg18[%add3A_316, %dma_start3A_319] : memref<10240x128xf32, #tpu.memory_space<vmem_shared>> -> memref<16x128xf32, #tpu.memory_space<vmem_shared>>
    tpu.enqueue_dma source(%arg17 : memref<16x128xf32, #tpu.memory_space<vmem>>) target(%dma_start3A_320 : memref<16x128xf32, #tpu.memory_space<vmem_shared>>) target_semaphore(%arg21 : memref<!tpu.dma_semaphore, #tpu.memory_space<semaphore_mem>>)
    %add3A_321 = arith.constant 624 : i32
    %add3A_322 = arith.addi %mul3A_86, %add3A_321 : i32
    %dma_start3A_323 = arith.constant 0 : i32
    %dma_start3A_324 = tpu.memref_slice %arg18[%add3A_322, %dma_start3A_323] : memref<10240x128xf32, #tpu.memory_space<vmem_shared>> -> memref<16x128xf32, #tpu.memory_space<vmem_shared>>
    %dma_start3A_325 = arith.constant 0 : i32
    %dma_start3A_326 = tpu.memref_slice %arg18[%add3A_322, %dma_start3A_325] : memref<10240x128xf32, #tpu.memory_space<vmem_shared>> -> memref<16x128xf32, #tpu.memory_space<vmem_shared>>
    tpu.enqueue_dma source(%arg17 : memref<16x128xf32, #tpu.memory_space<vmem>>) target(%dma_start3A_326 : memref<16x128xf32, #tpu.memory_space<vmem_shared>>) target_semaphore(%arg21 : memref<!tpu.dma_semaphore, #tpu.memory_space<semaphore_mem>>)
    %add3A_327 = arith.constant 0 : i32
    %add3A_328 = arith.addi %mul3A_86, %add3A_327 : i32
    %dma_wait3A = arith.constant 0 : i32
    %dma_wait3A_329 = tpu.memref_slice %arg18[%add3A_328, %dma_wait3A] : memref<10240x128xf32, #tpu.memory_space<vmem_shared>> -> memref<16x128xf32, #tpu.memory_space<vmem_shared>>
    %dma_wait3A_330 = arith.constant 0 : i32
    %dma_wait3A_331 = tpu.memref_slice %arg18[%add3A_328, %dma_wait3A_330] : memref<10240x128xf32, #tpu.memory_space<vmem_shared>> -> memref<16x128xf32, #tpu.memory_space<vmem_shared>>
    tpu.wait_dma2 semaphore(%arg21 : memref<!tpu.dma_semaphore, #tpu.memory_space<semaphore_mem>>) src(%arg17 : memref<16x128xf32, #tpu.memory_space<vmem>>) dst(%dma_wait3A_331 : memref<16x128xf32, #tpu.memory_space<vmem_shared>>)
    %add3A_332 = arith.constant 16 : i32
    %add3A_333 = arith.addi %mul3A_86, %add3A_332 : i32
    %dma_wait3A_334 = arith.constant 0 : i32
    %dma_wait3A_335 = tpu.memref_slice %arg18[%add3A_333, %dma_wait3A_334] : memref<10240x128xf32, #tpu.memory_space<vmem_shared>> -> memref<16x128xf32, #tpu.memory_space<vmem_shared>>
    %dma_wait3A_336 = arith.constant 0 : i32
    %dma_wait3A_337 = tpu.memref_slice %arg18[%add3A_333, %dma_wait3A_336] : memref<10240x128xf32, #tpu.memory_space<vmem_shared>> -> memref<16x128xf32, #tpu.memory_space<vmem_shared>>
    tpu.wait_dma2 semaphore(%arg21 : memref<!tpu.dma_semaphore, #tpu.memory_space<semaphore_mem>>) src(%arg17 : memref<16x128xf32, #tpu.memory_space<vmem>>) dst(%dma_wait3A_337 : memref<16x128xf32, #tpu.memory_space<vmem_shared>>)
    %add3A_338 = arith.constant 32 : i32
    %add3A_339 = arith.addi %mul3A_86, %add3A_338 : i32
    %dma_wait3A_340 = arith.constant 0 : i32
    %dma_wait3A_341 = tpu.memref_slice %arg18[%add3A_339, %dma_wait3A_340] : memref<10240x128xf32, #tpu.memory_space<vmem_shared>> -> memref<16x128xf32, #tpu.memory_space<vmem_shared>>
    %dma_wait3A_342 = arith.constant 0 : i32
    %dma_wait3A_343 = tpu.memref_slice %arg18[%add3A_339, %dma_wait3A_342] : memref<10240x128xf32, #tpu.memory_space<vmem_shared>> -> memref<16x128xf32, #tpu.memory_space<vmem_shared>>
    tpu.wait_dma2 semaphore(%arg21 : memref<!tpu.dma_semaphore, #tpu.memory_space<semaphore_mem>>) src(%arg17 : memref<16x128xf32, #tpu.memory_space<vmem>>) dst(%dma_wait3A_343 : memref<16x128xf32, #tpu.memory_space<vmem_shared>>)
    %add3A_344 = arith.constant 48 : i32
    %add3A_345 = arith.addi %mul3A_86, %add3A_344 : i32
    %dma_wait3A_346 = arith.constant 0 : i32
    %dma_wait3A_347 = tpu.memref_slice %arg18[%add3A_345, %dma_wait3A_346] : memref<10240x128xf32, #tpu.memory_space<vmem_shared>> -> memref<16x128xf32, #tpu.memory_space<vmem_shared>>
    %dma_wait3A_348 = arith.constant 0 : i32
    %dma_wait3A_349 = tpu.memref_slice %arg18[%add3A_345, %dma_wait3A_348] : memref<10240x128xf32, #tpu.memory_space<vmem_shared>> -> memref<16x128xf32, #tpu.memory_space<vmem_shared>>
    tpu.wait_dma2 semaphore(%arg21 : memref<!tpu.dma_semaphore, #tpu.memory_space<semaphore_mem>>) src(%arg17 : memref<16x128xf32, #tpu.memory_space<vmem>>) dst(%dma_wait3A_349 : memref<16x128xf32, #tpu.memory_space<vmem_shared>>)
    %add3A_350 = arith.constant 64 : i32
    %add3A_351 = arith.addi %mul3A_86, %add3A_350 : i32
    %dma_wait3A_352 = arith.constant 0 : i32
    %dma_wait3A_353 = tpu.memref_slice %arg18[%add3A_351, %dma_wait3A_352] : memref<10240x128xf32, #tpu.memory_space<vmem_shared>> -> memref<16x128xf32, #tpu.memory_space<vmem_shared>>
    %dma_wait3A_354 = arith.constant 0 : i32
    %dma_wait3A_355 = tpu.memref_slice %arg18[%add3A_351, %dma_wait3A_354] : memref<10240x128xf32, #tpu.memory_space<vmem_shared>> -> memref<16x128xf32, #tpu.memory_space<vmem_shared>>
    tpu.wait_dma2 semaphore(%arg21 : memref<!tpu.dma_semaphore, #tpu.memory_space<semaphore_mem>>) src(%arg17 : memref<16x128xf32, #tpu.memory_space<vmem>>) dst(%dma_wait3A_355 : memref<16x128xf32, #tpu.memory_space<vmem_shared>>)
    %add3A_356 = arith.constant 80 : i32
    %add3A_357 = arith.addi %mul3A_86, %add3A_356 : i32
    %dma_wait3A_358 = arith.constant 0 : i32
    %dma_wait3A_359 = tpu.memref_slice %arg18[%add3A_357, %dma_wait3A_358] : memref<10240x128xf32, #tpu.memory_space<vmem_shared>> -> memref<16x128xf32, #tpu.memory_space<vmem_shared>>
    %dma_wait3A_360 = arith.constant 0 : i32
    %dma_wait3A_361 = tpu.memref_slice %arg18[%add3A_357, %dma_wait3A_360] : memref<10240x128xf32, #tpu.memory_space<vmem_shared>> -> memref<16x128xf32, #tpu.memory_space<vmem_shared>>
    tpu.wait_dma2 semaphore(%arg21 : memref<!tpu.dma_semaphore, #tpu.memory_space<semaphore_mem>>) src(%arg17 : memref<16x128xf32, #tpu.memory_space<vmem>>) dst(%dma_wait3A_361 : memref<16x128xf32, #tpu.memory_space<vmem_shared>>)
    %add3A_362 = arith.constant 96 : i32
    %add3A_363 = arith.addi %mul3A_86, %add3A_362 : i32
    %dma_wait3A_364 = arith.constant 0 : i32
    %dma_wait3A_365 = tpu.memref_slice %arg18[%add3A_363, %dma_wait3A_364] : memref<10240x128xf32, #tpu.memory_space<vmem_shared>> -> memref<16x128xf32, #tpu.memory_space<vmem_shared>>
    %dma_wait3A_366 = arith.constant 0 : i32
    %dma_wait3A_367 = tpu.memref_slice %arg18[%add3A_363, %dma_wait3A_366] : memref<10240x128xf32, #tpu.memory_space<vmem_shared>> -> memref<16x128xf32, #tpu.memory_space<vmem_shared>>
    tpu.wait_dma2 semaphore(%arg21 : memref<!tpu.dma_semaphore, #tpu.memory_space<semaphore_mem>>) src(%arg17 : memref<16x128xf32, #tpu.memory_space<vmem>>) dst(%dma_wait3A_367 : memref<16x128xf32, #tpu.memory_space<vmem_shared>>)
    %add3A_368 = arith.constant 112 : i32
    %add3A_369 = arith.addi %mul3A_86, %add3A_368 : i32
    %dma_wait3A_370 = arith.constant 0 : i32
    %dma_wait3A_371 = tpu.memref_slice %arg18[%add3A_369, %dma_wait3A_370] : memref<10240x128xf32, #tpu.memory_space<vmem_shared>> -> memref<16x128xf32, #tpu.memory_space<vmem_shared>>
    %dma_wait3A_372 = arith.constant 0 : i32
    %dma_wait3A_373 = tpu.memref_slice %arg18[%add3A_369, %dma_wait3A_372] : memref<10240x128xf32, #tpu.memory_space<vmem_shared>> -> memref<16x128xf32, #tpu.memory_space<vmem_shared>>
    tpu.wait_dma2 semaphore(%arg21 : memref<!tpu.dma_semaphore, #tpu.memory_space<semaphore_mem>>) src(%arg17 : memref<16x128xf32, #tpu.memory_space<vmem>>) dst(%dma_wait3A_373 : memref<16x128xf32, #tpu.memory_space<vmem_shared>>)
    %add3A_374 = arith.constant 128 : i32
    %add3A_375 = arith.addi %mul3A_86, %add3A_374 : i32
    %dma_wait3A_376 = arith.constant 0 : i32
    %dma_wait3A_377 = tpu.memref_slice %arg18[%add3A_375, %dma_wait3A_376] : memref<10240x128xf32, #tpu.memory_space<vmem_shared>> -> memref<16x128xf32, #tpu.memory_space<vmem_shared>>
    %dma_wait3A_378 = arith.constant 0 : i32
    %dma_wait3A_379 = tpu.memref_slice %arg18[%add3A_375, %dma_wait3A_378] : memref<10240x128xf32, #tpu.memory_space<vmem_shared>> -> memref<16x128xf32, #tpu.memory_space<vmem_shared>>
    tpu.wait_dma2 semaphore(%arg21 : memref<!tpu.dma_semaphore, #tpu.memory_space<semaphore_mem>>) src(%arg17 : memref<16x128xf32, #tpu.memory_space<vmem>>) dst(%dma_wait3A_379 : memref<16x128xf32, #tpu.memory_space<vmem_shared>>)
    %add3A_380 = arith.constant 144 : i32
    %add3A_381 = arith.addi %mul3A_86, %add3A_380 : i32
    %dma_wait3A_382 = arith.constant 0 : i32
    %dma_wait3A_383 = tpu.memref_slice %arg18[%add3A_381, %dma_wait3A_382] : memref<10240x128xf32, #tpu.memory_space<vmem_shared>> -> memref<16x128xf32, #tpu.memory_space<vmem_shared>>
    %dma_wait3A_384 = arith.constant 0 : i32
    %dma_wait3A_385 = tpu.memref_slice %arg18[%add3A_381, %dma_wait3A_384] : memref<10240x128xf32, #tpu.memory_space<vmem_shared>> -> memref<16x128xf32, #tpu.memory_space<vmem_shared>>
    tpu.wait_dma2 semaphore(%arg21 : memref<!tpu.dma_semaphore, #tpu.memory_space<semaphore_mem>>) src(%arg17 : memref<16x128xf32, #tpu.memory_space<vmem>>) dst(%dma_wait3A_385 : memref<16x128xf32, #tpu.memory_space<vmem_shared>>)
    %add3A_386 = arith.constant 160 : i32
    %add3A_387 = arith.addi %mul3A_86, %add3A_386 : i32
    %dma_wait3A_388 = arith.constant 0 : i32
    %dma_wait3A_389 = tpu.memref_slice %arg18[%add3A_387, %dma_wait3A_388] : memref<10240x128xf32, #tpu.memory_space<vmem_shared>> -> memref<16x128xf32, #tpu.memory_space<vmem_shared>>
    %dma_wait3A_390 = arith.constant 0 : i32
    %dma_wait3A_391 = tpu.memref_slice %arg18[%add3A_387, %dma_wait3A_390] : memref<10240x128xf32, #tpu.memory_space<vmem_shared>> -> memref<16x128xf32, #tpu.memory_space<vmem_shared>>
    tpu.wait_dma2 semaphore(%arg21 : memref<!tpu.dma_semaphore, #tpu.memory_space<semaphore_mem>>) src(%arg17 : memref<16x128xf32, #tpu.memory_space<vmem>>) dst(%dma_wait3A_391 : memref<16x128xf32, #tpu.memory_space<vmem_shared>>)
    %add3A_392 = arith.constant 176 : i32
    %add3A_393 = arith.addi %mul3A_86, %add3A_392 : i32
    %dma_wait3A_394 = arith.constant 0 : i32
    %dma_wait3A_395 = tpu.memref_slice %arg18[%add3A_393, %dma_wait3A_394] : memref<10240x128xf32, #tpu.memory_space<vmem_shared>> -> memref<16x128xf32, #tpu.memory_space<vmem_shared>>
    %dma_wait3A_396 = arith.constant 0 : i32
    %dma_wait3A_397 = tpu.memref_slice %arg18[%add3A_393, %dma_wait3A_396] : memref<10240x128xf32, #tpu.memory_space<vmem_shared>> -> memref<16x128xf32, #tpu.memory_space<vmem_shared>>
    tpu.wait_dma2 semaphore(%arg21 : memref<!tpu.dma_semaphore, #tpu.memory_space<semaphore_mem>>) src(%arg17 : memref<16x128xf32, #tpu.memory_space<vmem>>) dst(%dma_wait3A_397 : memref<16x128xf32, #tpu.memory_space<vmem_shared>>)
    %add3A_398 = arith.constant 192 : i32
    %add3A_399 = arith.addi %mul3A_86, %add3A_398 : i32
    %dma_wait3A_400 = arith.constant 0 : i32
    %dma_wait3A_401 = tpu.memref_slice %arg18[%add3A_399, %dma_wait3A_400] : memref<10240x128xf32, #tpu.memory_space<vmem_shared>> -> memref<16x128xf32, #tpu.memory_space<vmem_shared>>
    %dma_wait3A_402 = arith.constant 0 : i32
    %dma_wait3A_403 = tpu.memref_slice %arg18[%add3A_399, %dma_wait3A_402] : memref<10240x128xf32, #tpu.memory_space<vmem_shared>> -> memref<16x128xf32, #tpu.memory_space<vmem_shared>>
    tpu.wait_dma2 semaphore(%arg21 : memref<!tpu.dma_semaphore, #tpu.memory_space<semaphore_mem>>) src(%arg17 : memref<16x128xf32, #tpu.memory_space<vmem>>) dst(%dma_wait3A_403 : memref<16x128xf32, #tpu.memory_space<vmem_shared>>)
    %add3A_404 = arith.constant 208 : i32
    %add3A_405 = arith.addi %mul3A_86, %add3A_404 : i32
    %dma_wait3A_406 = arith.constant 0 : i32
    %dma_wait3A_407 = tpu.memref_slice %arg18[%add3A_405, %dma_wait3A_406] : memref<10240x128xf32, #tpu.memory_space<vmem_shared>> -> memref<16x128xf32, #tpu.memory_space<vmem_shared>>
    %dma_wait3A_408 = arith.constant 0 : i32
    %dma_wait3A_409 = tpu.memref_slice %arg18[%add3A_405, %dma_wait3A_408] : memref<10240x128xf32, #tpu.memory_space<vmem_shared>> -> memref<16x128xf32, #tpu.memory_space<vmem_shared>>
    tpu.wait_dma2 semaphore(%arg21 : memref<!tpu.dma_semaphore, #tpu.memory_space<semaphore_mem>>) src(%arg17 : memref<16x128xf32, #tpu.memory_space<vmem>>) dst(%dma_wait3A_409 : memref<16x128xf32, #tpu.memory_space<vmem_shared>>)
    %add3A_410 = arith.constant 224 : i32
    %add3A_411 = arith.addi %mul3A_86, %add3A_410 : i32
    %dma_wait3A_412 = arith.constant 0 : i32
    %dma_wait3A_413 = tpu.memref_slice %arg18[%add3A_411, %dma_wait3A_412] : memref<10240x128xf32, #tpu.memory_space<vmem_shared>> -> memref<16x128xf32, #tpu.memory_space<vmem_shared>>
    %dma_wait3A_414 = arith.constant 0 : i32
    %dma_wait3A_415 = tpu.memref_slice %arg18[%add3A_411, %dma_wait3A_414] : memref<10240x128xf32, #tpu.memory_space<vmem_shared>> -> memref<16x128xf32, #tpu.memory_space<vmem_shared>>
    tpu.wait_dma2 semaphore(%arg21 : memref<!tpu.dma_semaphore, #tpu.memory_space<semaphore_mem>>) src(%arg17 : memref<16x128xf32, #tpu.memory_space<vmem>>) dst(%dma_wait3A_415 : memref<16x128xf32, #tpu.memory_space<vmem_shared>>)
    %add3A_416 = arith.constant 240 : i32
    %add3A_417 = arith.addi %mul3A_86, %add3A_416 : i32
    %dma_wait3A_418 = arith.constant 0 : i32
    %dma_wait3A_419 = tpu.memref_slice %arg18[%add3A_417, %dma_wait3A_418] : memref<10240x128xf32, #tpu.memory_space<vmem_shared>> -> memref<16x128xf32, #tpu.memory_space<vmem_shared>>
    %dma_wait3A_420 = arith.constant 0 : i32
    %dma_wait3A_421 = tpu.memref_slice %arg18[%add3A_417, %dma_wait3A_420] : memref<10240x128xf32, #tpu.memory_space<vmem_shared>> -> memref<16x128xf32, #tpu.memory_space<vmem_shared>>
    tpu.wait_dma2 semaphore(%arg21 : memref<!tpu.dma_semaphore, #tpu.memory_space<semaphore_mem>>) src(%arg17 : memref<16x128xf32, #tpu.memory_space<vmem>>) dst(%dma_wait3A_421 : memref<16x128xf32, #tpu.memory_space<vmem_shared>>)
    %add3A_422 = arith.constant 256 : i32
    %add3A_423 = arith.addi %mul3A_86, %add3A_422 : i32
    %dma_wait3A_424 = arith.constant 0 : i32
    %dma_wait3A_425 = tpu.memref_slice %arg18[%add3A_423, %dma_wait3A_424] : memref<10240x128xf32, #tpu.memory_space<vmem_shared>> -> memref<16x128xf32, #tpu.memory_space<vmem_shared>>
    %dma_wait3A_426 = arith.constant 0 : i32
    %dma_wait3A_427 = tpu.memref_slice %arg18[%add3A_423, %dma_wait3A_426] : memref<10240x128xf32, #tpu.memory_space<vmem_shared>> -> memref<16x128xf32, #tpu.memory_space<vmem_shared>>
    tpu.wait_dma2 semaphore(%arg21 : memref<!tpu.dma_semaphore, #tpu.memory_space<semaphore_mem>>) src(%arg17 : memref<16x128xf32, #tpu.memory_space<vmem>>) dst(%dma_wait3A_427 : memref<16x128xf32, #tpu.memory_space<vmem_shared>>)
    %add3A_428 = arith.constant 272 : i32
    %add3A_429 = arith.addi %mul3A_86, %add3A_428 : i32
    %dma_wait3A_430 = arith.constant 0 : i32
    %dma_wait3A_431 = tpu.memref_slice %arg18[%add3A_429, %dma_wait3A_430] : memref<10240x128xf32, #tpu.memory_space<vmem_shared>> -> memref<16x128xf32, #tpu.memory_space<vmem_shared>>
    %dma_wait3A_432 = arith.constant 0 : i32
    %dma_wait3A_433 = tpu.memref_slice %arg18[%add3A_429, %dma_wait3A_432] : memref<10240x128xf32, #tpu.memory_space<vmem_shared>> -> memref<16x128xf32, #tpu.memory_space<vmem_shared>>
    tpu.wait_dma2 semaphore(%arg21 : memref<!tpu.dma_semaphore, #tpu.memory_space<semaphore_mem>>) src(%arg17 : memref<16x128xf32, #tpu.memory_space<vmem>>) dst(%dma_wait3A_433 : memref<16x128xf32, #tpu.memory_space<vmem_shared>>)
    %add3A_434 = arith.constant 288 : i32
    %add3A_435 = arith.addi %mul3A_86, %add3A_434 : i32
    %dma_wait3A_436 = arith.constant 0 : i32
    %dma_wait3A_437 = tpu.memref_slice %arg18[%add3A_435, %dma_wait3A_436] : memref<10240x128xf32, #tpu.memory_space<vmem_shared>> -> memref<16x128xf32, #tpu.memory_space<vmem_shared>>
    %dma_wait3A_438 = arith.constant 0 : i32
    %dma_wait3A_439 = tpu.memref_slice %arg18[%add3A_435, %dma_wait3A_438] : memref<10240x128xf32, #tpu.memory_space<vmem_shared>> -> memref<16x128xf32, #tpu.memory_space<vmem_shared>>
    tpu.wait_dma2 semaphore(%arg21 : memref<!tpu.dma_semaphore, #tpu.memory_space<semaphore_mem>>) src(%arg17 : memref<16x128xf32, #tpu.memory_space<vmem>>) dst(%dma_wait3A_439 : memref<16x128xf32, #tpu.memory_space<vmem_shared>>)
    %add3A_440 = arith.constant 304 : i32
    %add3A_441 = arith.addi %mul3A_86, %add3A_440 : i32
    %dma_wait3A_442 = arith.constant 0 : i32
    %dma_wait3A_443 = tpu.memref_slice %arg18[%add3A_441, %dma_wait3A_442] : memref<10240x128xf32, #tpu.memory_space<vmem_shared>> -> memref<16x128xf32, #tpu.memory_space<vmem_shared>>
    %dma_wait3A_444 = arith.constant 0 : i32
    %dma_wait3A_445 = tpu.memref_slice %arg18[%add3A_441, %dma_wait3A_444] : memref<10240x128xf32, #tpu.memory_space<vmem_shared>> -> memref<16x128xf32, #tpu.memory_space<vmem_shared>>
    tpu.wait_dma2 semaphore(%arg21 : memref<!tpu.dma_semaphore, #tpu.memory_space<semaphore_mem>>) src(%arg17 : memref<16x128xf32, #tpu.memory_space<vmem>>) dst(%dma_wait3A_445 : memref<16x128xf32, #tpu.memory_space<vmem_shared>>)
    %add3A_446 = arith.constant 320 : i32
    %add3A_447 = arith.addi %mul3A_86, %add3A_446 : i32
    %dma_wait3A_448 = arith.constant 0 : i32
    %dma_wait3A_449 = tpu.memref_slice %arg18[%add3A_447, %dma_wait3A_448] : memref<10240x128xf32, #tpu.memory_space<vmem_shared>> -> memref<16x128xf32, #tpu.memory_space<vmem_shared>>
    %dma_wait3A_450 = arith.constant 0 : i32
    %dma_wait3A_451 = tpu.memref_slice %arg18[%add3A_447, %dma_wait3A_450] : memref<10240x128xf32, #tpu.memory_space<vmem_shared>> -> memref<16x128xf32, #tpu.memory_space<vmem_shared>>
    tpu.wait_dma2 semaphore(%arg21 : memref<!tpu.dma_semaphore, #tpu.memory_space<semaphore_mem>>) src(%arg17 : memref<16x128xf32, #tpu.memory_space<vmem>>) dst(%dma_wait3A_451 : memref<16x128xf32, #tpu.memory_space<vmem_shared>>)
    %add3A_452 = arith.constant 336 : i32
    %add3A_453 = arith.addi %mul3A_86, %add3A_452 : i32
    %dma_wait3A_454 = arith.constant 0 : i32
    %dma_wait3A_455 = tpu.memref_slice %arg18[%add3A_453, %dma_wait3A_454] : memref<10240x128xf32, #tpu.memory_space<vmem_shared>> -> memref<16x128xf32, #tpu.memory_space<vmem_shared>>
    %dma_wait3A_456 = arith.constant 0 : i32
    %dma_wait3A_457 = tpu.memref_slice %arg18[%add3A_453, %dma_wait3A_456] : memref<10240x128xf32, #tpu.memory_space<vmem_shared>> -> memref<16x128xf32, #tpu.memory_space<vmem_shared>>
    tpu.wait_dma2 semaphore(%arg21 : memref<!tpu.dma_semaphore, #tpu.memory_space<semaphore_mem>>) src(%arg17 : memref<16x128xf32, #tpu.memory_space<vmem>>) dst(%dma_wait3A_457 : memref<16x128xf32, #tpu.memory_space<vmem_shared>>)
    %add3A_458 = arith.constant 352 : i32
    %add3A_459 = arith.addi %mul3A_86, %add3A_458 : i32
    %dma_wait3A_460 = arith.constant 0 : i32
    %dma_wait3A_461 = tpu.memref_slice %arg18[%add3A_459, %dma_wait3A_460] : memref<10240x128xf32, #tpu.memory_space<vmem_shared>> -> memref<16x128xf32, #tpu.memory_space<vmem_shared>>
    %dma_wait3A_462 = arith.constant 0 : i32
    %dma_wait3A_463 = tpu.memref_slice %arg18[%add3A_459, %dma_wait3A_462] : memref<10240x128xf32, #tpu.memory_space<vmem_shared>> -> memref<16x128xf32, #tpu.memory_space<vmem_shared>>
    tpu.wait_dma2 semaphore(%arg21 : memref<!tpu.dma_semaphore, #tpu.memory_space<semaphore_mem>>) src(%arg17 : memref<16x128xf32, #tpu.memory_space<vmem>>) dst(%dma_wait3A_463 : memref<16x128xf32, #tpu.memory_space<vmem_shared>>)
    %add3A_464 = arith.constant 368 : i32
    %add3A_465 = arith.addi %mul3A_86, %add3A_464 : i32
    %dma_wait3A_466 = arith.constant 0 : i32
    %dma_wait3A_467 = tpu.memref_slice %arg18[%add3A_465, %dma_wait3A_466] : memref<10240x128xf32, #tpu.memory_space<vmem_shared>> -> memref<16x128xf32, #tpu.memory_space<vmem_shared>>
    %dma_wait3A_468 = arith.constant 0 : i32
    %dma_wait3A_469 = tpu.memref_slice %arg18[%add3A_465, %dma_wait3A_468] : memref<10240x128xf32, #tpu.memory_space<vmem_shared>> -> memref<16x128xf32, #tpu.memory_space<vmem_shared>>
    tpu.wait_dma2 semaphore(%arg21 : memref<!tpu.dma_semaphore, #tpu.memory_space<semaphore_mem>>) src(%arg17 : memref<16x128xf32, #tpu.memory_space<vmem>>) dst(%dma_wait3A_469 : memref<16x128xf32, #tpu.memory_space<vmem_shared>>)
    %add3A_470 = arith.constant 384 : i32
    %add3A_471 = arith.addi %mul3A_86, %add3A_470 : i32
    %dma_wait3A_472 = arith.constant 0 : i32
    %dma_wait3A_473 = tpu.memref_slice %arg18[%add3A_471, %dma_wait3A_472] : memref<10240x128xf32, #tpu.memory_space<vmem_shared>> -> memref<16x128xf32, #tpu.memory_space<vmem_shared>>
    %dma_wait3A_474 = arith.constant 0 : i32
    %dma_wait3A_475 = tpu.memref_slice %arg18[%add3A_471, %dma_wait3A_474] : memref<10240x128xf32, #tpu.memory_space<vmem_shared>> -> memref<16x128xf32, #tpu.memory_space<vmem_shared>>
    tpu.wait_dma2 semaphore(%arg21 : memref<!tpu.dma_semaphore, #tpu.memory_space<semaphore_mem>>) src(%arg17 : memref<16x128xf32, #tpu.memory_space<vmem>>) dst(%dma_wait3A_475 : memref<16x128xf32, #tpu.memory_space<vmem_shared>>)
    %add3A_476 = arith.constant 400 : i32
    %add3A_477 = arith.addi %mul3A_86, %add3A_476 : i32
    %dma_wait3A_478 = arith.constant 0 : i32
    %dma_wait3A_479 = tpu.memref_slice %arg18[%add3A_477, %dma_wait3A_478] : memref<10240x128xf32, #tpu.memory_space<vmem_shared>> -> memref<16x128xf32, #tpu.memory_space<vmem_shared>>
    %dma_wait3A_480 = arith.constant 0 : i32
    %dma_wait3A_481 = tpu.memref_slice %arg18[%add3A_477, %dma_wait3A_480] : memref<10240x128xf32, #tpu.memory_space<vmem_shared>> -> memref<16x128xf32, #tpu.memory_space<vmem_shared>>
    tpu.wait_dma2 semaphore(%arg21 : memref<!tpu.dma_semaphore, #tpu.memory_space<semaphore_mem>>) src(%arg17 : memref<16x128xf32, #tpu.memory_space<vmem>>) dst(%dma_wait3A_481 : memref<16x128xf32, #tpu.memory_space<vmem_shared>>)
    %add3A_482 = arith.constant 416 : i32
    %add3A_483 = arith.addi %mul3A_86, %add3A_482 : i32
    %dma_wait3A_484 = arith.constant 0 : i32
    %dma_wait3A_485 = tpu.memref_slice %arg18[%add3A_483, %dma_wait3A_484] : memref<10240x128xf32, #tpu.memory_space<vmem_shared>> -> memref<16x128xf32, #tpu.memory_space<vmem_shared>>
    %dma_wait3A_486 = arith.constant 0 : i32
    %dma_wait3A_487 = tpu.memref_slice %arg18[%add3A_483, %dma_wait3A_486] : memref<10240x128xf32, #tpu.memory_space<vmem_shared>> -> memref<16x128xf32, #tpu.memory_space<vmem_shared>>
    tpu.wait_dma2 semaphore(%arg21 : memref<!tpu.dma_semaphore, #tpu.memory_space<semaphore_mem>>) src(%arg17 : memref<16x128xf32, #tpu.memory_space<vmem>>) dst(%dma_wait3A_487 : memref<16x128xf32, #tpu.memory_space<vmem_shared>>)
    %add3A_488 = arith.constant 432 : i32
    %add3A_489 = arith.addi %mul3A_86, %add3A_488 : i32
    %dma_wait3A_490 = arith.constant 0 : i32
    %dma_wait3A_491 = tpu.memref_slice %arg18[%add3A_489, %dma_wait3A_490] : memref<10240x128xf32, #tpu.memory_space<vmem_shared>> -> memref<16x128xf32, #tpu.memory_space<vmem_shared>>
    %dma_wait3A_492 = arith.constant 0 : i32
    %dma_wait3A_493 = tpu.memref_slice %arg18[%add3A_489, %dma_wait3A_492] : memref<10240x128xf32, #tpu.memory_space<vmem_shared>> -> memref<16x128xf32, #tpu.memory_space<vmem_shared>>
    tpu.wait_dma2 semaphore(%arg21 : memref<!tpu.dma_semaphore, #tpu.memory_space<semaphore_mem>>) src(%arg17 : memref<16x128xf32, #tpu.memory_space<vmem>>) dst(%dma_wait3A_493 : memref<16x128xf32, #tpu.memory_space<vmem_shared>>)
    %add3A_494 = arith.constant 448 : i32
    %add3A_495 = arith.addi %mul3A_86, %add3A_494 : i32
    %dma_wait3A_496 = arith.constant 0 : i32
    %dma_wait3A_497 = tpu.memref_slice %arg18[%add3A_495, %dma_wait3A_496] : memref<10240x128xf32, #tpu.memory_space<vmem_shared>> -> memref<16x128xf32, #tpu.memory_space<vmem_shared>>
    %dma_wait3A_498 = arith.constant 0 : i32
    %dma_wait3A_499 = tpu.memref_slice %arg18[%add3A_495, %dma_wait3A_498] : memref<10240x128xf32, #tpu.memory_space<vmem_shared>> -> memref<16x128xf32, #tpu.memory_space<vmem_shared>>
    tpu.wait_dma2 semaphore(%arg21 : memref<!tpu.dma_semaphore, #tpu.memory_space<semaphore_mem>>) src(%arg17 : memref<16x128xf32, #tpu.memory_space<vmem>>) dst(%dma_wait3A_499 : memref<16x128xf32, #tpu.memory_space<vmem_shared>>)
    %add3A_500 = arith.constant 464 : i32
    %add3A_501 = arith.addi %mul3A_86, %add3A_500 : i32
    %dma_wait3A_502 = arith.constant 0 : i32
    %dma_wait3A_503 = tpu.memref_slice %arg18[%add3A_501, %dma_wait3A_502] : memref<10240x128xf32, #tpu.memory_space<vmem_shared>> -> memref<16x128xf32, #tpu.memory_space<vmem_shared>>
    %dma_wait3A_504 = arith.constant 0 : i32
    %dma_wait3A_505 = tpu.memref_slice %arg18[%add3A_501, %dma_wait3A_504] : memref<10240x128xf32, #tpu.memory_space<vmem_shared>> -> memref<16x128xf32, #tpu.memory_space<vmem_shared>>
    tpu.wait_dma2 semaphore(%arg21 : memref<!tpu.dma_semaphore, #tpu.memory_space<semaphore_mem>>) src(%arg17 : memref<16x128xf32, #tpu.memory_space<vmem>>) dst(%dma_wait3A_505 : memref<16x128xf32, #tpu.memory_space<vmem_shared>>)
    %add3A_506 = arith.constant 480 : i32
    %add3A_507 = arith.addi %mul3A_86, %add3A_506 : i32
    %dma_wait3A_508 = arith.constant 0 : i32
    %dma_wait3A_509 = tpu.memref_slice %arg18[%add3A_507, %dma_wait3A_508] : memref<10240x128xf32, #tpu.memory_space<vmem_shared>> -> memref<16x128xf32, #tpu.memory_space<vmem_shared>>
    %dma_wait3A_510 = arith.constant 0 : i32
    %dma_wait3A_511 = tpu.memref_slice %arg18[%add3A_507, %dma_wait3A_510] : memref<10240x128xf32, #tpu.memory_space<vmem_shared>> -> memref<16x128xf32, #tpu.memory_space<vmem_shared>>
    tpu.wait_dma2 semaphore(%arg21 : memref<!tpu.dma_semaphore, #tpu.memory_space<semaphore_mem>>) src(%arg17 : memref<16x128xf32, #tpu.memory_space<vmem>>) dst(%dma_wait3A_511 : memref<16x128xf32, #tpu.memory_space<vmem_shared>>)
    %add3A_512 = arith.constant 496 : i32
    %add3A_513 = arith.addi %mul3A_86, %add3A_512 : i32
    %dma_wait3A_514 = arith.constant 0 : i32
    %dma_wait3A_515 = tpu.memref_slice %arg18[%add3A_513, %dma_wait3A_514] : memref<10240x128xf32, #tpu.memory_space<vmem_shared>> -> memref<16x128xf32, #tpu.memory_space<vmem_shared>>
    %dma_wait3A_516 = arith.constant 0 : i32
    %dma_wait3A_517 = tpu.memref_slice %arg18[%add3A_513, %dma_wait3A_516] : memref<10240x128xf32, #tpu.memory_space<vmem_shared>> -> memref<16x128xf32, #tpu.memory_space<vmem_shared>>
    tpu.wait_dma2 semaphore(%arg21 : memref<!tpu.dma_semaphore, #tpu.memory_space<semaphore_mem>>) src(%arg17 : memref<16x128xf32, #tpu.memory_space<vmem>>) dst(%dma_wait3A_517 : memref<16x128xf32, #tpu.memory_space<vmem_shared>>)
    %add3A_518 = arith.constant 512 : i32
    %add3A_519 = arith.addi %mul3A_86, %add3A_518 : i32
    %dma_wait3A_520 = arith.constant 0 : i32
    %dma_wait3A_521 = tpu.memref_slice %arg18[%add3A_519, %dma_wait3A_520] : memref<10240x128xf32, #tpu.memory_space<vmem_shared>> -> memref<16x128xf32, #tpu.memory_space<vmem_shared>>
    %dma_wait3A_522 = arith.constant 0 : i32
    %dma_wait3A_523 = tpu.memref_slice %arg18[%add3A_519, %dma_wait3A_522] : memref<10240x128xf32, #tpu.memory_space<vmem_shared>> -> memref<16x128xf32, #tpu.memory_space<vmem_shared>>
    tpu.wait_dma2 semaphore(%arg21 : memref<!tpu.dma_semaphore, #tpu.memory_space<semaphore_mem>>) src(%arg17 : memref<16x128xf32, #tpu.memory_space<vmem>>) dst(%dma_wait3A_523 : memref<16x128xf32, #tpu.memory_space<vmem_shared>>)
    %add3A_524 = arith.constant 528 : i32
    %add3A_525 = arith.addi %mul3A_86, %add3A_524 : i32
    %dma_wait3A_526 = arith.constant 0 : i32
    %dma_wait3A_527 = tpu.memref_slice %arg18[%add3A_525, %dma_wait3A_526] : memref<10240x128xf32, #tpu.memory_space<vmem_shared>> -> memref<16x128xf32, #tpu.memory_space<vmem_shared>>
    %dma_wait3A_528 = arith.constant 0 : i32
    %dma_wait3A_529 = tpu.memref_slice %arg18[%add3A_525, %dma_wait3A_528] : memref<10240x128xf32, #tpu.memory_space<vmem_shared>> -> memref<16x128xf32, #tpu.memory_space<vmem_shared>>
    tpu.wait_dma2 semaphore(%arg21 : memref<!tpu.dma_semaphore, #tpu.memory_space<semaphore_mem>>) src(%arg17 : memref<16x128xf32, #tpu.memory_space<vmem>>) dst(%dma_wait3A_529 : memref<16x128xf32, #tpu.memory_space<vmem_shared>>)
    %add3A_530 = arith.constant 544 : i32
    %add3A_531 = arith.addi %mul3A_86, %add3A_530 : i32
    %dma_wait3A_532 = arith.constant 0 : i32
    %dma_wait3A_533 = tpu.memref_slice %arg18[%add3A_531, %dma_wait3A_532] : memref<10240x128xf32, #tpu.memory_space<vmem_shared>> -> memref<16x128xf32, #tpu.memory_space<vmem_shared>>
    %dma_wait3A_534 = arith.constant 0 : i32
    %dma_wait3A_535 = tpu.memref_slice %arg18[%add3A_531, %dma_wait3A_534] : memref<10240x128xf32, #tpu.memory_space<vmem_shared>> -> memref<16x128xf32, #tpu.memory_space<vmem_shared>>
    tpu.wait_dma2 semaphore(%arg21 : memref<!tpu.dma_semaphore, #tpu.memory_space<semaphore_mem>>) src(%arg17 : memref<16x128xf32, #tpu.memory_space<vmem>>) dst(%dma_wait3A_535 : memref<16x128xf32, #tpu.memory_space<vmem_shared>>)
    %add3A_536 = arith.constant 560 : i32
    %add3A_537 = arith.addi %mul3A_86, %add3A_536 : i32
    %dma_wait3A_538 = arith.constant 0 : i32
    %dma_wait3A_539 = tpu.memref_slice %arg18[%add3A_537, %dma_wait3A_538] : memref<10240x128xf32, #tpu.memory_space<vmem_shared>> -> memref<16x128xf32, #tpu.memory_space<vmem_shared>>
    %dma_wait3A_540 = arith.constant 0 : i32
    %dma_wait3A_541 = tpu.memref_slice %arg18[%add3A_537, %dma_wait3A_540] : memref<10240x128xf32, #tpu.memory_space<vmem_shared>> -> memref<16x128xf32, #tpu.memory_space<vmem_shared>>
    tpu.wait_dma2 semaphore(%arg21 : memref<!tpu.dma_semaphore, #tpu.memory_space<semaphore_mem>>) src(%arg17 : memref<16x128xf32, #tpu.memory_space<vmem>>) dst(%dma_wait3A_541 : memref<16x128xf32, #tpu.memory_space<vmem_shared>>)
    %add3A_542 = arith.constant 576 : i32
    %add3A_543 = arith.addi %mul3A_86, %add3A_542 : i32
    %dma_wait3A_544 = arith.constant 0 : i32
    %dma_wait3A_545 = tpu.memref_slice %arg18[%add3A_543, %dma_wait3A_544] : memref<10240x128xf32, #tpu.memory_space<vmem_shared>> -> memref<16x128xf32, #tpu.memory_space<vmem_shared>>
    %dma_wait3A_546 = arith.constant 0 : i32
    %dma_wait3A_547 = tpu.memref_slice %arg18[%add3A_543, %dma_wait3A_546] : memref<10240x128xf32, #tpu.memory_space<vmem_shared>> -> memref<16x128xf32, #tpu.memory_space<vmem_shared>>
    tpu.wait_dma2 semaphore(%arg21 : memref<!tpu.dma_semaphore, #tpu.memory_space<semaphore_mem>>) src(%arg17 : memref<16x128xf32, #tpu.memory_space<vmem>>) dst(%dma_wait3A_547 : memref<16x128xf32, #tpu.memory_space<vmem_shared>>)
    %add3A_548 = arith.constant 592 : i32
    %add3A_549 = arith.addi %mul3A_86, %add3A_548 : i32
    %dma_wait3A_550 = arith.constant 0 : i32
    %dma_wait3A_551 = tpu.memref_slice %arg18[%add3A_549, %dma_wait3A_550] : memref<10240x128xf32, #tpu.memory_space<vmem_shared>> -> memref<16x128xf32, #tpu.memory_space<vmem_shared>>
    %dma_wait3A_552 = arith.constant 0 : i32
    %dma_wait3A_553 = tpu.memref_slice %arg18[%add3A_549, %dma_wait3A_552] : memref<10240x128xf32, #tpu.memory_space<vmem_shared>> -> memref<16x128xf32, #tpu.memory_space<vmem_shared>>
    tpu.wait_dma2 semaphore(%arg21 : memref<!tpu.dma_semaphore, #tpu.memory_space<semaphore_mem>>) src(%arg17 : memref<16x128xf32, #tpu.memory_space<vmem>>) dst(%dma_wait3A_553 : memref<16x128xf32, #tpu.memory_space<vmem_shared>>)
    %add3A_554 = arith.constant 608 : i32
    %add3A_555 = arith.addi %mul3A_86, %add3A_554 : i32
    %dma_wait3A_556 = arith.constant 0 : i32
    %dma_wait3A_557 = tpu.memref_slice %arg18[%add3A_555, %dma_wait3A_556] : memref<10240x128xf32, #tpu.memory_space<vmem_shared>> -> memref<16x128xf32, #tpu.memory_space<vmem_shared>>
    %dma_wait3A_558 = arith.constant 0 : i32
    %dma_wait3A_559 = tpu.memref_slice %arg18[%add3A_555, %dma_wait3A_558] : memref<10240x128xf32, #tpu.memory_space<vmem_shared>> -> memref<16x128xf32, #tpu.memory_space<vmem_shared>>
    tpu.wait_dma2 semaphore(%arg21 : memref<!tpu.dma_semaphore, #tpu.memory_space<semaphore_mem>>) src(%arg17 : memref<16x128xf32, #tpu.memory_space<vmem>>) dst(%dma_wait3A_559 : memref<16x128xf32, #tpu.memory_space<vmem_shared>>)
    %add3A_560 = arith.constant 624 : i32
    %add3A_561 = arith.addi %mul3A_86, %add3A_560 : i32
    %dma_wait3A_562 = arith.constant 0 : i32
    %dma_wait3A_563 = tpu.memref_slice %arg18[%add3A_561, %dma_wait3A_562] : memref<10240x128xf32, #tpu.memory_space<vmem_shared>> -> memref<16x128xf32, #tpu.memory_space<vmem_shared>>
    %dma_wait3A_564 = arith.constant 0 : i32
    %dma_wait3A_565 = tpu.memref_slice %arg18[%add3A_561, %dma_wait3A_564] : memref<10240x128xf32, #tpu.memory_space<vmem_shared>> -> memref<16x128xf32, #tpu.memory_space<vmem_shared>>
    tpu.wait_dma2 semaphore(%arg21 : memref<!tpu.dma_semaphore, #tpu.memory_space<semaphore_mem>>) src(%arg17 : memref<16x128xf32, #tpu.memory_space<vmem>>) dst(%dma_wait3A_565 : memref<16x128xf32, #tpu.memory_space<vmem_shared>>)
    %barrier3A = arith.constant 0 : index
    tpu.barrier barrier_id(%barrier3A)
    %scan3A_566 = arith.constant 0 : i32
    %scan3A_567 = arith.constant 49 : i32
    %scan3A_568 = arith.addi %scan3A_566, %scan3A_567 : i32
    %scan3A_569 = arith.constant 1 : i32
    scf.for %scan3A_652 = %scan3A_566 to %scan3A_568 step %scan3A_569  : i32 {
      %mul3A_653 = arith.constant 5 : i32
      %mul3A_654 = arith.muli %scan3A_652, %mul3A_653 : i32
      %add3A_655 = arith.constant 0 : i32
      %add3A_656 = arith.addi %mul3A_654, %add3A_655 : i32
      %mul3A_657 = arith.constant 40 : i32
      %mul3A_658 = arith.muli %add3A_656, %mul3A_657 : i32
      %add3A_659 = arith.addi %add3A, %mul3A_658 : i32
      %multiple_of3A_660 = tpu.assume_multiple %add3A_659, 8 : i32
      %dma_wait3A_661 = arith.constant 0 : i32
      %dma_wait3A_662 = tpu.memref_slice %arg4[%multiple_of3A_660] : memref<320000xi32, #tpu.memory_space<hbm>> -> memref<40xi32, #tpu.memory_space<hbm>>
      %dma_wait3A_663 = tpu.memref_slice %arg19[%dma_wait3A_661] : memref<5x!tpu.dma_semaphore, #tpu.memory_space<semaphore_mem>> -> memref<1x!tpu.dma_semaphore, #tpu.memory_space<semaphore_mem>>
      %dma_wait3A_664 = tpu.memref_squeeze %dma_wait3A_663 : memref<1x!tpu.dma_semaphore, #tpu.memory_space<semaphore_mem>> -> memref<!tpu.dma_semaphore, #tpu.memory_space<semaphore_mem>>
      %dma_wait3A_665 = tpu.memref_slice %arg4[%multiple_of3A_660] : memref<320000xi32, #tpu.memory_space<hbm>> -> memref<40xi32, #tpu.memory_space<hbm>>
      tpu.wait_dma2 semaphore(%dma_wait3A_664 : memref<!tpu.dma_semaphore, #tpu.memory_space<semaphore_mem>>) src(%dma_wait3A_665 : memref<40xi32, #tpu.memory_space<hbm>>) dst(%arg7 : memref<40xi32, #tpu.memory_space<vmem>>)
      %mul3A_666 = arith.constant 40 : i32
      %mul3A_667 = arith.muli %add3A_656, %mul3A_666 : i32
      %dma_wait3A_668 = arith.constant 0 : i32
      %dma_wait3A_669 = tpu.memref_slice %arg6[%mul3A_667] : memref<10000xi32, #tpu.memory_space<vmem>> -> memref<40xi32, #tpu.memory_space<vmem>>
      %dma_wait3A_670 = arith.constant 0 : i32
      %dma_wait3A_671 = arith.constant 0 : i32
      %dma_wait3A_672 = tpu.memref_slice %arg2[%dma_wait3A_670, %dma_wait3A_671] : memref<10000x128xf32, #tpu.memory_space<hbm>> -> memref<10000x128xf32, #tpu.memory_space<hbm>>
      %dma_wait3A_673 = tpu.memref_slice %arg20[%dma_wait3A_668] : memref<5x!tpu.dma_semaphore, #tpu.memory_space<semaphore_mem>> -> memref<1x!tpu.dma_semaphore, #tpu.memory_space<semaphore_mem>>
      %dma_wait3A_674 = tpu.memref_squeeze %dma_wait3A_673 : memref<1x!tpu.dma_semaphore, #tpu.memory_space<semaphore_mem>> -> memref<!tpu.dma_semaphore, #tpu.memory_space<semaphore_mem>>
      tpu.wait_indirect_dma semaphore(%dma_wait3A_674 : memref<!tpu.dma_semaphore, #tpu.memory_space<semaphore_mem>>) src(%dma_wait3A_672 : memref<10000x128xf32, #tpu.memory_space<hbm>>) dst(%arg12 : memref<40x128xf32, #tpu.memory_space<vmem>>)
      "tpu.region"() ({
        %run_scoped3A = tpu.sem_alloc : memref<!tpu.dma_semaphore, #tpu.memory_space<semaphore_mem>>
        %dma_start3A_865 = arith.constant 0 : i32
        %dma_start3A_866 = arith.constant 0 : i32
        %dma_start3A_867 = tpu.memref_slice %arg18[%dma_start3A_865, %dma_start3A_866] : memref<10240x128xf32, #tpu.memory_space<vmem_shared>> -> memref<10240x128xf32, #tpu.memory_space<vmem_shared>>
        tpu.enqueue_indirect_dma source(%arg12 : memref<40x128xf32, #tpu.memory_space<vmem>>) target(%dma_start3A_867 : memref<10240x128xf32, #tpu.memory_space<vmem_shared>>) offsets(%arg7 : memref<40xi32, #tpu.memory_space<vmem>>) semaphore(%run_scoped3A : memref<!tpu.dma_semaphore, #tpu.memory_space<semaphore_mem>>) {add = true}
        %dma_wait3A_868 = arith.constant 0 : i32
        %dma_wait3A_869 = arith.constant 0 : i32
        %dma_wait3A_870 = tpu.memref_slice %arg18[%dma_wait3A_868, %dma_wait3A_869] : memref<10240x128xf32, #tpu.memory_space<vmem_shared>> -> memref<10240x128xf32, #tpu.memory_space<vmem_shared>>
        tpu.wait_indirect_dma semaphore(%run_scoped3A : memref<!tpu.dma_semaphore, #tpu.memory_space<semaphore_mem>>) src(%arg12 : memref<40x128xf32, #tpu.memory_space<vmem>>) dst(%dma_wait3A_870 : memref<10240x128xf32, #tpu.memory_space<vmem_shared>>)
        tpu.yield
      }) : () -> ()
      %add3A_675 = arith.constant 0 : i32
      %add3A_676 = arith.addi %mul3A_654, %add3A_675 : i32
      %add3A_677 = arith.constant 5 : i32
      %add3A_678 = arith.addi %add3A_676, %add3A_677 : i32
      %mul3A_679 = arith.constant 40 : i32
      %mul3A_680 = arith.muli %add3A_678, %mul3A_679 : i32
      %add3A_681 = arith.addi %add3A, %mul3A_680 : i32
      %multiple_of3A_682 = tpu.assume_multiple %add3A_681, 8 : i32
      %dma_start3A_683 = arith.constant 0 : i32
      %dma_start3A_684 = tpu.memref_slice %arg4[%multiple_of3A_682] : memref<320000xi32, #tpu.memory_space<hbm>> -> memref<40xi32, #tpu.memory_space<hbm>>
      %dma_start3A_685 = tpu.memref_slice %arg19[%dma_start3A_683] : memref<5x!tpu.dma_semaphore, #tpu.memory_space<semaphore_mem>> -> memref<1x!tpu.dma_semaphore, #tpu.memory_space<semaphore_mem>>
      %dma_start3A_686 = tpu.memref_squeeze %dma_start3A_685 : memref<1x!tpu.dma_semaphore, #tpu.memory_space<semaphore_mem>> -> memref<!tpu.dma_semaphore, #tpu.memory_space<semaphore_mem>>
      %dma_start3A_687 = tpu.memref_slice %arg4[%multiple_of3A_682] : memref<320000xi32, #tpu.memory_space<hbm>> -> memref<40xi32, #tpu.memory_space<hbm>>
      tpu.enqueue_dma source(%dma_start3A_687 : memref<40xi32, #tpu.memory_space<hbm>>) target(%arg7 : memref<40xi32, #tpu.memory_space<vmem>>) target_semaphore(%dma_start3A_686 : memref<!tpu.dma_semaphore, #tpu.memory_space<semaphore_mem>>)
      %mul3A_688 = arith.constant 40 : i32
      %mul3A_689 = arith.muli %add3A_678, %mul3A_688 : i32
      %dma_start3A_690 = arith.constant 0 : i32
      %dma_start3A_691 = tpu.memref_slice %arg6[%mul3A_689] : memref<10000xi32, #tpu.memory_space<vmem>> -> memref<40xi32, #tpu.memory_space<vmem>>
      %dma_start3A_692 = arith.constant 0 : i32
      %dma_start3A_693 = arith.constant 0 : i32
      %dma_start3A_694 = tpu.memref_slice %arg2[%dma_start3A_692, %dma_start3A_693] : memref<10000x128xf32, #tpu.memory_space<hbm>> -> memref<10000x128xf32, #tpu.memory_space<hbm>>
      %dma_start3A_695 = tpu.memref_slice %arg20[%dma_start3A_690] : memref<5x!tpu.dma_semaphore, #tpu.memory_space<semaphore_mem>> -> memref<1x!tpu.dma_semaphore, #tpu.memory_space<semaphore_mem>>
      %dma_start3A_696 = tpu.memref_squeeze %dma_start3A_695 : memref<1x!tpu.dma_semaphore, #tpu.memory_space<semaphore_mem>> -> memref<!tpu.dma_semaphore, #tpu.memory_space<semaphore_mem>>
      tpu.enqueue_indirect_dma source(%dma_start3A_694 : memref<10000x128xf32, #tpu.memory_space<hbm>>) target(%arg12 : memref<40x128xf32, #tpu.memory_space<vmem>>) offsets(%dma_start3A_691 : memref<40xi32, #tpu.memory_space<vmem>>) semaphore(%dma_start3A_696 : memref<!tpu.dma_semaphore, #tpu.memory_space<semaphore_mem>>)
      %add3A_697 = arith.constant 1 : i32
      %add3A_698 = arith.addi %mul3A_654, %add3A_697 : i32
      %mul3A_699 = arith.constant 40 : i32
      %mul3A_700 = arith.muli %add3A_698, %mul3A_699 : i32
      %add3A_701 = arith.addi %add3A, %mul3A_700 : i32
      %multiple_of3A_702 = tpu.assume_multiple %add3A_701, 8 : i32
      %dma_wait3A_703 = arith.constant 1 : i32
      %dma_wait3A_704 = tpu.memref_slice %arg4[%multiple_of3A_702] : memref<320000xi32, #tpu.memory_space<hbm>> -> memref<40xi32, #tpu.memory_space<hbm>>
      %dma_wait3A_705 = tpu.memref_slice %arg19[%dma_wait3A_703] : memref<5x!tpu.dma_semaphore, #tpu.memory_space<semaphore_mem>> -> memref<1x!tpu.dma_semaphore, #tpu.memory_space<semaphore_mem>>
      %dma_wait3A_706 = tpu.memref_squeeze %dma_wait3A_705 : memref<1x!tpu.dma_semaphore, #tpu.memory_space<semaphore_mem>> -> memref<!tpu.dma_semaphore, #tpu.memory_space<semaphore_mem>>
      %dma_wait3A_707 = tpu.memref_slice %arg4[%multiple_of3A_702] : memref<320000xi32, #tpu.memory_space<hbm>> -> memref<40xi32, #tpu.memory_space<hbm>>
      tpu.wait_dma2 semaphore(%dma_wait3A_706 : memref<!tpu.dma_semaphore, #tpu.memory_space<semaphore_mem>>) src(%dma_wait3A_707 : memref<40xi32, #tpu.memory_space<hbm>>) dst(%arg8 : memref<40xi32, #tpu.memory_space<vmem>>)
      %mul3A_708 = arith.constant 40 : i32
      %mul3A_709 = arith.muli %add3A_698, %mul3A_708 : i32
      %dma_wait3A_710 = arith.constant 1 : i32
      %dma_wait3A_711 = tpu.memref_slice %arg6[%mul3A_709] : memref<10000xi32, #tpu.memory_space<vmem>> -> memref<40xi32, #tpu.memory_space<vmem>>
      %dma_wait3A_712 = arith.constant 0 : i32
      %dma_wait3A_713 = arith.constant 0 : i32
      %dma_wait3A_714 = tpu.memref_slice %arg2[%dma_wait3A_712, %dma_wait3A_713] : memref<10000x128xf32, #tpu.memory_space<hbm>> -> memref<10000x128xf32, #tpu.memory_space<hbm>>
      %dma_wait3A_715 = tpu.memref_slice %arg20[%dma_wait3A_710] : memref<5x!tpu.dma_semaphore, #tpu.memory_space<semaphore_mem>> -> memref<1x!tpu.dma_semaphore, #tpu.memory_space<semaphore_mem>>
      %dma_wait3A_716 = tpu.memref_squeeze %dma_wait3A_715 : memref<1x!tpu.dma_semaphore, #tpu.memory_space<semaphore_mem>> -> memref<!tpu.dma_semaphore, #tpu.memory_space<semaphore_mem>>
      tpu.wait_indirect_dma semaphore(%dma_wait3A_716 : memref<!tpu.dma_semaphore, #tpu.memory_space<semaphore_mem>>) src(%dma_wait3A_714 : memref<10000x128xf32, #tpu.memory_space<hbm>>) dst(%arg13 : memref<40x128xf32, #tpu.memory_space<vmem>>)
      "tpu.region"() ({
        %run_scoped3A = tpu.sem_alloc : memref<!tpu.dma_semaphore, #tpu.memory_space<semaphore_mem>>
        %dma_start3A_865 = arith.constant 0 : i32
        %dma_start3A_866 = arith.constant 0 : i32
        %dma_start3A_867 = tpu.memref_slice %arg18[%dma_start3A_865, %dma_start3A_866] : memref<10240x128xf32, #tpu.memory_space<vmem_shared>> -> memref<10240x128xf32, #tpu.memory_space<vmem_shared>>
        tpu.enqueue_indirect_dma source(%arg13 : memref<40x128xf32, #tpu.memory_space<vmem>>) target(%dma_start3A_867 : memref<10240x128xf32, #tpu.memory_space<vmem_shared>>) offsets(%arg8 : memref<40xi32, #tpu.memory_space<vmem>>) semaphore(%run_scoped3A : memref<!tpu.dma_semaphore, #tpu.memory_space<semaphore_mem>>) {add = true}
        %dma_wait3A_868 = arith.constant 0 : i32
        %dma_wait3A_869 = arith.constant 0 : i32
        %dma_wait3A_870 = tpu.memref_slice %arg18[%dma_wait3A_868, %dma_wait3A_869] : memref<10240x128xf32, #tpu.memory_space<vmem_shared>> -> memref<10240x128xf32, #tpu.memory_space<vmem_shared>>
        tpu.wait_indirect_dma semaphore(%run_scoped3A : memref<!tpu.dma_semaphore, #tpu.memory_space<semaphore_mem>>) src(%arg13 : memref<40x128xf32, #tpu.memory_space<vmem>>) dst(%dma_wait3A_870 : memref<10240x128xf32, #tpu.memory_space<vmem_shared>>)
        tpu.yield
      }) : () -> ()
      %add3A_717 = arith.constant 1 : i32
      %add3A_718 = arith.addi %mul3A_654, %add3A_717 : i32
      %add3A_719 = arith.constant 5 : i32
      %add3A_720 = arith.addi %add3A_718, %add3A_719 : i32
      %mul3A_721 = arith.constant 40 : i32
      %mul3A_722 = arith.muli %add3A_720, %mul3A_721 : i32
      %add3A_723 = arith.addi %add3A, %mul3A_722 : i32
      %multiple_of3A_724 = tpu.assume_multiple %add3A_723, 8 : i32
      %dma_start3A_725 = arith.constant 1 : i32
      %dma_start3A_726 = tpu.memref_slice %arg4[%multiple_of3A_724] : memref<320000xi32, #tpu.memory_space<hbm>> -> memref<40xi32, #tpu.memory_space<hbm>>
      %dma_start3A_727 = tpu.memref_slice %arg19[%dma_start3A_725] : memref<5x!tpu.dma_semaphore, #tpu.memory_space<semaphore_mem>> -> memref<1x!tpu.dma_semaphore, #tpu.memory_space<semaphore_mem>>
      %dma_start3A_728 = tpu.memref_squeeze %dma_start3A_727 : memref<1x!tpu.dma_semaphore, #tpu.memory_space<semaphore_mem>> -> memref<!tpu.dma_semaphore, #tpu.memory_space<semaphore_mem>>
      %dma_start3A_729 = tpu.memref_slice %arg4[%multiple_of3A_724] : memref<320000xi32, #tpu.memory_space<hbm>> -> memref<40xi32, #tpu.memory_space<hbm>>
      tpu.enqueue_dma source(%dma_start3A_729 : memref<40xi32, #tpu.memory_space<hbm>>) target(%arg8 : memref<40xi32, #tpu.memory_space<vmem>>) target_semaphore(%dma_start3A_728 : memref<!tpu.dma_semaphore, #tpu.memory_space<semaphore_mem>>)
      %mul3A_730 = arith.constant 40 : i32
      %mul3A_731 = arith.muli %add3A_720, %mul3A_730 : i32
      %dma_start3A_732 = arith.constant 1 : i32
      %dma_start3A_733 = tpu.memref_slice %arg6[%mul3A_731] : memref<10000xi32, #tpu.memory_space<vmem>> -> memref<40xi32, #tpu.memory_space<vmem>>
      %dma_start3A_734 = arith.constant 0 : i32
      %dma_start3A_735 = arith.constant 0 : i32
      %dma_start3A_736 = tpu.memref_slice %arg2[%dma_start3A_734, %dma_start3A_735] : memref<10000x128xf32, #tpu.memory_space<hbm>> -> memref<10000x128xf32, #tpu.memory_space<hbm>>
      %dma_start3A_737 = tpu.memref_slice %arg20[%dma_start3A_732] : memref<5x!tpu.dma_semaphore, #tpu.memory_space<semaphore_mem>> -> memref<1x!tpu.dma_semaphore, #tpu.memory_space<semaphore_mem>>
      %dma_start3A_738 = tpu.memref_squeeze %dma_start3A_737 : memref<1x!tpu.dma_semaphore, #tpu.memory_space<semaphore_mem>> -> memref<!tpu.dma_semaphore, #tpu.memory_space<semaphore_mem>>
      tpu.enqueue_indirect_dma source(%dma_start3A_736 : memref<10000x128xf32, #tpu.memory_space<hbm>>) target(%arg13 : memref<40x128xf32, #tpu.memory_space<vmem>>) offsets(%dma_start3A_733 : memref<40xi32, #tpu.memory_space<vmem>>) semaphore(%dma_start3A_738 : memref<!tpu.dma_semaphore, #tpu.memory_space<semaphore_mem>>)
      %add3A_739 = arith.constant 2 : i32
      %add3A_740 = arith.addi %mul3A_654, %add3A_739 : i32
      %mul3A_741 = arith.constant 40 : i32
      %mul3A_742 = arith.muli %add3A_740, %mul3A_741 : i32
      %add3A_743 = arith.addi %add3A, %mul3A_742 : i32
      %multiple_of3A_744 = tpu.assume_multiple %add3A_743, 8 : i32
      %dma_wait3A_745 = arith.constant 2 : i32
      %dma_wait3A_746 = tpu.memref_slice %arg4[%multiple_of3A_744] : memref<320000xi32, #tpu.memory_space<hbm>> -> memref<40xi32, #tpu.memory_space<hbm>>
      %dma_wait3A_747 = tpu.memref_slice %arg19[%dma_wait3A_745] : memref<5x!tpu.dma_semaphore, #tpu.memory_space<semaphore_mem>> -> memref<1x!tpu.dma_semaphore, #tpu.memory_space<semaphore_mem>>
      %dma_wait3A_748 = tpu.memref_squeeze %dma_wait3A_747 : memref<1x!tpu.dma_semaphore, #tpu.memory_space<semaphore_mem>> -> memref<!tpu.dma_semaphore, #tpu.memory_space<semaphore_mem>>
      %dma_wait3A_749 = tpu.memref_slice %arg4[%multiple_of3A_744] : memref<320000xi32, #tpu.memory_space<hbm>> -> memref<40xi32, #tpu.memory_space<hbm>>
      tpu.wait_dma2 semaphore(%dma_wait3A_748 : memref<!tpu.dma_semaphore, #tpu.memory_space<semaphore_mem>>) src(%dma_wait3A_749 : memref<40xi32, #tpu.memory_space<hbm>>) dst(%arg9 : memref<40xi32, #tpu.memory_space<vmem>>)
      %mul3A_750 = arith.constant 40 : i32
      %mul3A_751 = arith.muli %add3A_740, %mul3A_750 : i32
      %dma_wait3A_752 = arith.constant 2 : i32
      %dma_wait3A_753 = tpu.memref_slice %arg6[%mul3A_751] : memref<10000xi32, #tpu.memory_space<vmem>> -> memref<40xi32, #tpu.memory_space<vmem>>
      %dma_wait3A_754 = arith.constant 0 : i32
      %dma_wait3A_755 = arith.constant 0 : i32
      %dma_wait3A_756 = tpu.memref_slice %arg2[%dma_wait3A_754, %dma_wait3A_755] : memref<10000x128xf32, #tpu.memory_space<hbm>> -> memref<10000x128xf32, #tpu.memory_space<hbm>>
      %dma_wait3A_757 = tpu.memref_slice %arg20[%dma_wait3A_752] : memref<5x!tpu.dma_semaphore, #tpu.memory_space<semaphore_mem>> -> memref<1x!tpu.dma_semaphore, #tpu.memory_space<semaphore_mem>>
      %dma_wait3A_758 = tpu.memref_squeeze %dma_wait3A_757 : memref<1x!tpu.dma_semaphore, #tpu.memory_space<semaphore_mem>> -> memref<!tpu.dma_semaphore, #tpu.memory_space<semaphore_mem>>
      tpu.wait_indirect_dma semaphore(%dma_wait3A_758 : memref<!tpu.dma_semaphore, #tpu.memory_space<semaphore_mem>>) src(%dma_wait3A_756 : memref<10000x128xf32, #tpu.memory_space<hbm>>) dst(%arg14 : memref<40x128xf32, #tpu.memory_space<vmem>>)
      "tpu.region"() ({
        %run_scoped3A = tpu.sem_alloc : memref<!tpu.dma_semaphore, #tpu.memory_space<semaphore_mem>>
        %dma_start3A_865 = arith.constant 0 : i32
        %dma_start3A_866 = arith.constant 0 : i32
        %dma_start3A_867 = tpu.memref_slice %arg18[%dma_start3A_865, %dma_start3A_866] : memref<10240x128xf32, #tpu.memory_space<vmem_shared>> -> memref<10240x128xf32, #tpu.memory_space<vmem_shared>>
        tpu.enqueue_indirect_dma source(%arg14 : memref<40x128xf32, #tpu.memory_space<vmem>>) target(%dma_start3A_867 : memref<10240x128xf32, #tpu.memory_space<vmem_shared>>) offsets(%arg9 : memref<40xi32, #tpu.memory_space<vmem>>) semaphore(%run_scoped3A : memref<!tpu.dma_semaphore, #tpu.memory_space<semaphore_mem>>) {add = true}
        %dma_wait3A_868 = arith.constant 0 : i32
        %dma_wait3A_869 = arith.constant 0 : i32
        %dma_wait3A_870 = tpu.memref_slice %arg18[%dma_wait3A_868, %dma_wait3A_869] : memref<10240x128xf32, #tpu.memory_space<vmem_shared>> -> memref<10240x128xf32, #tpu.memory_space<vmem_shared>>
        tpu.wait_indirect_dma semaphore(%run_scoped3A : memref<!tpu.dma_semaphore, #tpu.memory_space<semaphore_mem>>) src(%arg14 : memref<40x128xf32, #tpu.memory_space<vmem>>) dst(%dma_wait3A_870 : memref<10240x128xf32, #tpu.memory_space<vmem_shared>>)
        tpu.yield
      }) : () -> ()
      %add3A_759 = arith.constant 2 : i32
      %add3A_760 = arith.addi %mul3A_654, %add3A_759 : i32
      %add3A_761 = arith.constant 5 : i32
      %add3A_762 = arith.addi %add3A_760, %add3A_761 : i32
      %mul3A_763 = arith.constant 40 : i32
      %mul3A_764 = arith.muli %add3A_762, %mul3A_763 : i32
      %add3A_765 = arith.addi %add3A, %mul3A_764 : i32
      %multiple_of3A_766 = tpu.assume_multiple %add3A_765, 8 : i32
      %dma_start3A_767 = arith.constant 2 : i32
      %dma_start3A_768 = tpu.memref_slice %arg4[%multiple_of3A_766] : memref<320000xi32, #tpu.memory_space<hbm>> -> memref<40xi32, #tpu.memory_space<hbm>>
      %dma_start3A_769 = tpu.memref_slice %arg19[%dma_start3A_767] : memref<5x!tpu.dma_semaphore, #tpu.memory_space<semaphore_mem>> -> memref<1x!tpu.dma_semaphore, #tpu.memory_space<semaphore_mem>>
      %dma_start3A_770 = tpu.memref_squeeze %dma_start3A_769 : memref<1x!tpu.dma_semaphore, #tpu.memory_space<semaphore_mem>> -> memref<!tpu.dma_semaphore, #tpu.memory_space<semaphore_mem>>
      %dma_start3A_771 = tpu.memref_slice %arg4[%multiple_of3A_766] : memref<320000xi32, #tpu.memory_space<hbm>> -> memref<40xi32, #tpu.memory_space<hbm>>
      tpu.enqueue_dma source(%dma_start3A_771 : memref<40xi32, #tpu.memory_space<hbm>>) target(%arg9 : memref<40xi32, #tpu.memory_space<vmem>>) target_semaphore(%dma_start3A_770 : memref<!tpu.dma_semaphore, #tpu.memory_space<semaphore_mem>>)
      %mul3A_772 = arith.constant 40 : i32
      %mul3A_773 = arith.muli %add3A_762, %mul3A_772 : i32
      %dma_start3A_774 = arith.constant 2 : i32
      %dma_start3A_775 = tpu.memref_slice %arg6[%mul3A_773] : memref<10000xi32, #tpu.memory_space<vmem>> -> memref<40xi32, #tpu.memory_space<vmem>>
      %dma_start3A_776 = arith.constant 0 : i32
      %dma_start3A_777 = arith.constant 0 : i32
      %dma_start3A_778 = tpu.memref_slice %arg2[%dma_start3A_776, %dma_start3A_777] : memref<10000x128xf32, #tpu.memory_space<hbm>> -> memref<10000x128xf32, #tpu.memory_space<hbm>>
      %dma_start3A_779 = tpu.memref_slice %arg20[%dma_start3A_774] : memref<5x!tpu.dma_semaphore, #tpu.memory_space<semaphore_mem>> -> memref<1x!tpu.dma_semaphore, #tpu.memory_space<semaphore_mem>>
      %dma_start3A_780 = tpu.memref_squeeze %dma_start3A_779 : memref<1x!tpu.dma_semaphore, #tpu.memory_space<semaphore_mem>> -> memref<!tpu.dma_semaphore, #tpu.memory_space<semaphore_mem>>
      tpu.enqueue_indirect_dma source(%dma_start3A_778 : memref<10000x128xf32, #tpu.memory_space<hbm>>) target(%arg14 : memref<40x128xf32, #tpu.memory_space<vmem>>) offsets(%dma_start3A_775 : memref<40xi32, #tpu.memory_space<vmem>>) semaphore(%dma_start3A_780 : memref<!tpu.dma_semaphore, #tpu.memory_space<semaphore_mem>>)
      %add3A_781 = arith.constant 3 : i32
      %add3A_782 = arith.addi %mul3A_654, %add3A_781 : i32
      %mul3A_783 = arith.constant 40 : i32
      %mul3A_784 = arith.muli %add3A_782, %mul3A_783 : i32
      %add3A_785 = arith.addi %add3A, %mul3A_784 : i32
      %multiple_of3A_786 = tpu.assume_multiple %add3A_785, 8 : i32
      %dma_wait3A_787 = arith.constant 3 : i32
      %dma_wait3A_788 = tpu.memref_slice %arg4[%multiple_of3A_786] : memref<320000xi32, #tpu.memory_space<hbm>> -> memref<40xi32, #tpu.memory_space<hbm>>
      %dma_wait3A_789 = tpu.memref_slice %arg19[%dma_wait3A_787] : memref<5x!tpu.dma_semaphore, #tpu.memory_space<semaphore_mem>> -> memref<1x!tpu.dma_semaphore, #tpu.memory_space<semaphore_mem>>
      %dma_wait3A_790 = tpu.memref_squeeze %dma_wait3A_789 : memref<1x!tpu.dma_semaphore, #tpu.memory_space<semaphore_mem>> -> memref<!tpu.dma_semaphore, #tpu.memory_space<semaphore_mem>>
      %dma_wait3A_791 = tpu.memref_slice %arg4[%multiple_of3A_786] : memref<320000xi32, #tpu.memory_space<hbm>> -> memref<40xi32, #tpu.memory_space<hbm>>
      tpu.wait_dma2 semaphore(%dma_wait3A_790 : memref<!tpu.dma_semaphore, #tpu.memory_space<semaphore_mem>>) src(%dma_wait3A_791 : memref<40xi32, #tpu.memory_space<hbm>>) dst(%arg10 : memref<40xi32, #tpu.memory_space<vmem>>)
      %mul3A_792 = arith.constant 40 : i32
      %mul3A_793 = arith.muli %add3A_782, %mul3A_792 : i32
      %dma_wait3A_794 = arith.constant 3 : i32
      %dma_wait3A_795 = tpu.memref_slice %arg6[%mul3A_793] : memref<10000xi32, #tpu.memory_space<vmem>> -> memref<40xi32, #tpu.memory_space<vmem>>
      %dma_wait3A_796 = arith.constant 0 : i32
      %dma_wait3A_797 = arith.constant 0 : i32
      %dma_wait3A_798 = tpu.memref_slice %arg2[%dma_wait3A_796, %dma_wait3A_797] : memref<10000x128xf32, #tpu.memory_space<hbm>> -> memref<10000x128xf32, #tpu.memory_space<hbm>>
      %dma_wait3A_799 = tpu.memref_slice %arg20[%dma_wait3A_794] : memref<5x!tpu.dma_semaphore, #tpu.memory_space<semaphore_mem>> -> memref<1x!tpu.dma_semaphore, #tpu.memory_space<semaphore_mem>>
      %dma_wait3A_800 = tpu.memref_squeeze %dma_wait3A_799 : memref<1x!tpu.dma_semaphore, #tpu.memory_space<semaphore_mem>> -> memref<!tpu.dma_semaphore, #tpu.memory_space<semaphore_mem>>
      tpu.wait_indirect_dma semaphore(%dma_wait3A_800 : memref<!tpu.dma_semaphore, #tpu.memory_space<semaphore_mem>>) src(%dma_wait3A_798 : memref<10000x128xf32, #tpu.memory_space<hbm>>) dst(%arg15 : memref<40x128xf32, #tpu.memory_space<vmem>>)
      "tpu.region"() ({
        %run_scoped3A = tpu.sem_alloc : memref<!tpu.dma_semaphore, #tpu.memory_space<semaphore_mem>>
        %dma_start3A_865 = arith.constant 0 : i32
        %dma_start3A_866 = arith.constant 0 : i32
        %dma_start3A_867 = tpu.memref_slice %arg18[%dma_start3A_865, %dma_start3A_866] : memref<10240x128xf32, #tpu.memory_space<vmem_shared>> -> memref<10240x128xf32, #tpu.memory_space<vmem_shared>>
        tpu.enqueue_indirect_dma source(%arg15 : memref<40x128xf32, #tpu.memory_space<vmem>>) target(%dma_start3A_867 : memref<10240x128xf32, #tpu.memory_space<vmem_shared>>) offsets(%arg10 : memref<40xi32, #tpu.memory_space<vmem>>) semaphore(%run_scoped3A : memref<!tpu.dma_semaphore, #tpu.memory_space<semaphore_mem>>) {add = true}
        %dma_wait3A_868 = arith.constant 0 : i32
        %dma_wait3A_869 = arith.constant 0 : i32
        %dma_wait3A_870 = tpu.memref_slice %arg18[%dma_wait3A_868, %dma_wait3A_869] : memref<10240x128xf32, #tpu.memory_space<vmem_shared>> -> memref<10240x128xf32, #tpu.memory_space<vmem_shared>>
        tpu.wait_indirect_dma semaphore(%run_scoped3A : memref<!tpu.dma_semaphore, #tpu.memory_space<semaphore_mem>>) src(%arg15 : memref<40x128xf32, #tpu.memory_space<vmem>>) dst(%dma_wait3A_870 : memref<10240x128xf32, #tpu.memory_space<vmem_shared>>)
        tpu.yield
      }) : () -> ()
      %add3A_801 = arith.constant 3 : i32
      %add3A_802 = arith.addi %mul3A_654, %add3A_801 : i32
      %add3A_803 = arith.constant 5 : i32
      %add3A_804 = arith.addi %add3A_802, %add3A_803 : i32
      %mul3A_805 = arith.constant 40 : i32
      %mul3A_806 = arith.muli %add3A_804, %mul3A_805 : i32
      %add3A_807 = arith.addi %add3A, %mul3A_806 : i32
      %multiple_of3A_808 = tpu.assume_multiple %add3A_807, 8 : i32
      %dma_start3A_809 = arith.constant 3 : i32
      %dma_start3A_810 = tpu.memref_slice %arg4[%multiple_of3A_808] : memref<320000xi32, #tpu.memory_space<hbm>> -> memref<40xi32, #tpu.memory_space<hbm>>
      %dma_start3A_811 = tpu.memref_slice %arg19[%dma_start3A_809] : memref<5x!tpu.dma_semaphore, #tpu.memory_space<semaphore_mem>> -> memref<1x!tpu.dma_semaphore, #tpu.memory_space<semaphore_mem>>
      %dma_start3A_812 = tpu.memref_squeeze %dma_start3A_811 : memref<1x!tpu.dma_semaphore, #tpu.memory_space<semaphore_mem>> -> memref<!tpu.dma_semaphore, #tpu.memory_space<semaphore_mem>>
      %dma_start3A_813 = tpu.memref_slice %arg4[%multiple_of3A_808] : memref<320000xi32, #tpu.memory_space<hbm>> -> memref<40xi32, #tpu.memory_space<hbm>>
      tpu.enqueue_dma source(%dma_start3A_813 : memref<40xi32, #tpu.memory_space<hbm>>) target(%arg10 : memref<40xi32, #tpu.memory_space<vmem>>) target_semaphore(%dma_start3A_812 : memref<!tpu.dma_semaphore, #tpu.memory_space<semaphore_mem>>)
      %mul3A_814 = arith.constant 40 : i32
      %mul3A_815 = arith.muli %add3A_804, %mul3A_814 : i32
      %dma_start3A_816 = arith.constant 3 : i32
      %dma_start3A_817 = tpu.memref_slice %arg6[%mul3A_815] : memref<10000xi32, #tpu.memory_space<vmem>> -> memref<40xi32, #tpu.memory_space<vmem>>
      %dma_start3A_818 = arith.constant 0 : i32
      %dma_start3A_819 = arith.constant 0 : i32
      %dma_start3A_820 = tpu.memref_slice %arg2[%dma_start3A_818, %dma_start3A_819] : memref<10000x128xf32, #tpu.memory_space<hbm>> -> memref<10000x128xf32, #tpu.memory_space<hbm>>
      %dma_start3A_821 = tpu.memref_slice %arg20[%dma_start3A_816] : memref<5x!tpu.dma_semaphore, #tpu.memory_space<semaphore_mem>> -> memref<1x!tpu.dma_semaphore, #tpu.memory_space<semaphore_mem>>
      %dma_start3A_822 = tpu.memref_squeeze %dma_start3A_821 : memref<1x!tpu.dma_semaphore, #tpu.memory_space<semaphore_mem>> -> memref<!tpu.dma_semaphore, #tpu.memory_space<semaphore_mem>>
      tpu.enqueue_indirect_dma source(%dma_start3A_820 : memref<10000x128xf32, #tpu.memory_space<hbm>>) target(%arg15 : memref<40x128xf32, #tpu.memory_space<vmem>>) offsets(%dma_start3A_817 : memref<40xi32, #tpu.memory_space<vmem>>) semaphore(%dma_start3A_822 : memref<!tpu.dma_semaphore, #tpu.memory_space<semaphore_mem>>)
      %add3A_823 = arith.constant 4 : i32
      %add3A_824 = arith.addi %mul3A_654, %add3A_823 : i32
      %mul3A_825 = arith.constant 40 : i32
      %mul3A_826 = arith.muli %add3A_824, %mul3A_825 : i32
      %add3A_827 = arith.addi %add3A, %mul3A_826 : i32
      %multiple_of3A_828 = tpu.assume_multiple %add3A_827, 8 : i32
      %dma_wait3A_829 = arith.constant 4 : i32
      %dma_wait3A_830 = tpu.memref_slice %arg4[%multiple_of3A_828] : memref<320000xi32, #tpu.memory_space<hbm>> -> memref<40xi32, #tpu.memory_space<hbm>>
      %dma_wait3A_831 = tpu.memref_slice %arg19[%dma_wait3A_829] : memref<5x!tpu.dma_semaphore, #tpu.memory_space<semaphore_mem>> -> memref<1x!tpu.dma_semaphore, #tpu.memory_space<semaphore_mem>>
      %dma_wait3A_832 = tpu.memref_squeeze %dma_wait3A_831 : memref<1x!tpu.dma_semaphore, #tpu.memory_space<semaphore_mem>> -> memref<!tpu.dma_semaphore, #tpu.memory_space<semaphore_mem>>
      %dma_wait3A_833 = tpu.memref_slice %arg4[%multiple_of3A_828] : memref<320000xi32, #tpu.memory_space<hbm>> -> memref<40xi32, #tpu.memory_space<hbm>>
      tpu.wait_dma2 semaphore(%dma_wait3A_832 : memref<!tpu.dma_semaphore, #tpu.memory_space<semaphore_mem>>) src(%dma_wait3A_833 : memref<40xi32, #tpu.memory_space<hbm>>) dst(%arg11 : memref<40xi32, #tpu.memory_space<vmem>>)
      %mul3A_834 = arith.constant 40 : i32
      %mul3A_835 = arith.muli %add3A_824, %mul3A_834 : i32
      %dma_wait3A_836 = arith.constant 4 : i32
      %dma_wait3A_837 = tpu.memref_slice %arg6[%mul3A_835] : memref<10000xi32, #tpu.memory_space<vmem>> -> memref<40xi32, #tpu.memory_space<vmem>>
      %dma_wait3A_838 = arith.constant 0 : i32
      %dma_wait3A_839 = arith.constant 0 : i32
      %dma_wait3A_840 = tpu.memref_slice %arg2[%dma_wait3A_838, %dma_wait3A_839] : memref<10000x128xf32, #tpu.memory_space<hbm>> -> memref<10000x128xf32, #tpu.memory_space<hbm>>
      %dma_wait3A_841 = tpu.memref_slice %arg20[%dma_wait3A_836] : memref<5x!tpu.dma_semaphore, #tpu.memory_space<semaphore_mem>> -> memref<1x!tpu.dma_semaphore, #tpu.memory_space<semaphore_mem>>
      %dma_wait3A_842 = tpu.memref_squeeze %dma_wait3A_841 : memref<1x!tpu.dma_semaphore, #tpu.memory_space<semaphore_mem>> -> memref<!tpu.dma_semaphore, #tpu.memory_space<semaphore_mem>>
      tpu.wait_indirect_dma semaphore(%dma_wait3A_842 : memref<!tpu.dma_semaphore, #tpu.memory_space<semaphore_mem>>) src(%dma_wait3A_840 : memref<10000x128xf32, #tpu.memory_space<hbm>>) dst(%arg16 : memref<40x128xf32, #tpu.memory_space<vmem>>)
      "tpu.region"() ({
        %run_scoped3A = tpu.sem_alloc : memref<!tpu.dma_semaphore, #tpu.memory_space<semaphore_mem>>
        %dma_start3A_865 = arith.constant 0 : i32
        %dma_start3A_866 = arith.constant 0 : i32
        %dma_start3A_867 = tpu.memref_slice %arg18[%dma_start3A_865, %dma_start3A_866] : memref<10240x128xf32, #tpu.memory_space<vmem_shared>> -> memref<10240x128xf32, #tpu.memory_space<vmem_shared>>
        tpu.enqueue_indirect_dma source(%arg16 : memref<40x128xf32, #tpu.memory_space<vmem>>) target(%dma_start3A_867 : memref<10240x128xf32, #tpu.memory_space<vmem_shared>>) offsets(%arg11 : memref<40xi32, #tpu.memory_space<vmem>>) semaphore(%run_scoped3A : memref<!tpu.dma_semaphore, #tpu.memory_space<semaphore_mem>>) {add = true}
        %dma_wait3A_868 = arith.constant 0 : i32
        %dma_wait3A_869 = arith.constant 0 : i32
        %dma_wait3A_870 = tpu.memref_slice %arg18[%dma_wait3A_868, %dma_wait3A_869] : memref<10240x128xf32, #tpu.memory_space<vmem_shared>> -> memref<10240x128xf32, #tpu.memory_space<vmem_shared>>
        tpu.wait_indirect_dma semaphore(%run_scoped3A : memref<!tpu.dma_semaphore, #tpu.memory_space<semaphore_mem>>) src(%arg16 : memref<40x128xf32, #tpu.memory_space<vmem>>) dst(%dma_wait3A_870 : memref<10240x128xf32, #tpu.memory_space<vmem_shared>>)
        tpu.yield
      }) : () -> ()
      %add3A_843 = arith.constant 4 : i32
      %add3A_844 = arith.addi %mul3A_654, %add3A_843 : i32
      %add3A_845 = arith.constant 5 : i32
      %add3A_846 = arith.addi %add3A_844, %add3A_845 : i32
      %mul3A_847 = arith.constant 40 : i32
      %mul3A_848 = arith.muli %add3A_846, %mul3A_847 : i32
      %add3A_849 = arith.addi %add3A, %mul3A_848 : i32
      %multiple_of3A_850 = tpu.assume_multiple %add3A_849, 8 : i32
      %dma_start3A_851 = arith.constant 4 : i32
      %dma_start3A_852 = tpu.memref_slice %arg4[%multiple_of3A_850] : memref<320000xi32, #tpu.memory_space<hbm>> -> memref<40xi32, #tpu.memory_space<hbm>>
      %dma_start3A_853 = tpu.memref_slice %arg19[%dma_start3A_851] : memref<5x!tpu.dma_semaphore, #tpu.memory_space<semaphore_mem>> -> memref<1x!tpu.dma_semaphore, #tpu.memory_space<semaphore_mem>>
      %dma_start3A_854 = tpu.memref_squeeze %dma_start3A_853 : memref<1x!tpu.dma_semaphore, #tpu.memory_space<semaphore_mem>> -> memref<!tpu.dma_semaphore, #tpu.memory_space<semaphore_mem>>
      %dma_start3A_855 = tpu.memref_slice %arg4[%multiple_of3A_850] : memref<320000xi32, #tpu.memory_space<hbm>> -> memref<40xi32, #tpu.memory_space<hbm>>
      tpu.enqueue_dma source(%dma_start3A_855 : memref<40xi32, #tpu.memory_space<hbm>>) target(%arg11 : memref<40xi32, #tpu.memory_space<vmem>>) target_semaphore(%dma_start3A_854 : memref<!tpu.dma_semaphore, #tpu.memory_space<semaphore_mem>>)
      %mul3A_856 = arith.constant 40 : i32
      %mul3A_857 = arith.muli %add3A_846, %mul3A_856 : i32
      %dma_start3A_858 = arith.constant 4 : i32
      %dma_start3A_859 = tpu.memref_slice %arg6[%mul3A_857] : memref<10000xi32, #tpu.memory_space<vmem>> -> memref<40xi32, #tpu.memory_space<vmem>>
      %dma_start3A_860 = arith.constant 0 : i32
      %dma_start3A_861 = arith.constant 0 : i32
      %dma_start3A_862 = tpu.memref_slice %arg2[%dma_start3A_860, %dma_start3A_861] : memref<10000x128xf32, #tpu.memory_space<hbm>> -> memref<10000x128xf32, #tpu.memory_space<hbm>>
      %dma_start3A_863 = tpu.memref_slice %arg20[%dma_start3A_858] : memref<5x!tpu.dma_semaphore, #tpu.memory_space<semaphore_mem>> -> memref<1x!tpu.dma_semaphore, #tpu.memory_space<semaphore_mem>>
      %dma_start3A_864 = tpu.memref_squeeze %dma_start3A_863 : memref<1x!tpu.dma_semaphore, #tpu.memory_space<semaphore_mem>> -> memref<!tpu.dma_semaphore, #tpu.memory_space<semaphore_mem>>
      tpu.enqueue_indirect_dma source(%dma_start3A_862 : memref<10000x128xf32, #tpu.memory_space<hbm>>) target(%arg16 : memref<40x128xf32, #tpu.memory_space<vmem>>) offsets(%dma_start3A_859 : memref<40xi32, #tpu.memory_space<vmem>>) semaphore(%dma_start3A_864 : memref<!tpu.dma_semaphore, #tpu.memory_space<semaphore_mem>>)
    }
    %scan3A_570 = arith.constant 49 : i32
    %add3A_571 = arith.constant 9800 : i32
    %add3A_572 = arith.addi %add3A, %add3A_571 : i32
    %multiple_of3A_573 = tpu.assume_multiple %add3A_572, 8 : i32
    %dma_wait3A_574 = arith.constant 0 : i32
    %dma_wait3A_575 = tpu.memref_slice %arg4[%multiple_of3A_573] : memref<320000xi32, #tpu.memory_space<hbm>> -> memref<40xi32, #tpu.memory_space<hbm>>
    %dma_wait3A_576 = tpu.memref_slice %arg19[%dma_wait3A_574] : memref<5x!tpu.dma_semaphore, #tpu.memory_space<semaphore_mem>> -> memref<1x!tpu.dma_semaphore, #tpu.memory_space<semaphore_mem>>
    %dma_wait3A_577 = tpu.memref_squeeze %dma_wait3A_576 : memref<1x!tpu.dma_semaphore, #tpu.memory_space<semaphore_mem>> -> memref<!tpu.dma_semaphore, #tpu.memory_space<semaphore_mem>>
    %dma_wait3A_578 = tpu.memref_slice %arg4[%multiple_of3A_573] : memref<320000xi32, #tpu.memory_space<hbm>> -> memref<40xi32, #tpu.memory_space<hbm>>
    tpu.wait_dma2 semaphore(%dma_wait3A_577 : memref<!tpu.dma_semaphore, #tpu.memory_space<semaphore_mem>>) src(%dma_wait3A_578 : memref<40xi32, #tpu.memory_space<hbm>>) dst(%arg7 : memref<40xi32, #tpu.memory_space<vmem>>)
    %dma_wait3A_579 = arith.constant 0 : i32
    %dma_wait3A_580 = arith.constant 9800 : i32
    %dma_wait3A_581 = tpu.memref_slice %arg6[%dma_wait3A_580] : memref<10000xi32, #tpu.memory_space<vmem>> -> memref<40xi32, #tpu.memory_space<vmem>>
    %dma_wait3A_582 = arith.constant 0 : i32
    %dma_wait3A_583 = arith.constant 0 : i32
    %dma_wait3A_584 = tpu.memref_slice %arg2[%dma_wait3A_582, %dma_wait3A_583] : memref<10000x128xf32, #tpu.memory_space<hbm>> -> memref<10000x128xf32, #tpu.memory_space<hbm>>
    %dma_wait3A_585 = tpu.memref_slice %arg20[%dma_wait3A_579] : memref<5x!tpu.dma_semaphore, #tpu.memory_space<semaphore_mem>> -> memref<1x!tpu.dma_semaphore, #tpu.memory_space<semaphore_mem>>
    %dma_wait3A_586 = tpu.memref_squeeze %dma_wait3A_585 : memref<1x!tpu.dma_semaphore, #tpu.memory_space<semaphore_mem>> -> memref<!tpu.dma_semaphore, #tpu.memory_space<semaphore_mem>>
    tpu.wait_indirect_dma semaphore(%dma_wait3A_586 : memref<!tpu.dma_semaphore, #tpu.memory_space<semaphore_mem>>) src(%dma_wait3A_584 : memref<10000x128xf32, #tpu.memory_space<hbm>>) dst(%arg12 : memref<40x128xf32, #tpu.memory_space<vmem>>)
    "tpu.region"() ({
      %run_scoped3A = tpu.sem_alloc : memref<!tpu.dma_semaphore, #tpu.memory_space<semaphore_mem>>
      %dma_start3A_652 = arith.constant 0 : i32
      %dma_start3A_653 = arith.constant 0 : i32
      %dma_start3A_654 = tpu.memref_slice %arg18[%dma_start3A_652, %dma_start3A_653] : memref<10240x128xf32, #tpu.memory_space<vmem_shared>> -> memref<10240x128xf32, #tpu.memory_space<vmem_shared>>
      tpu.enqueue_indirect_dma source(%arg12 : memref<40x128xf32, #tpu.memory_space<vmem>>) target(%dma_start3A_654 : memref<10240x128xf32, #tpu.memory_space<vmem_shared>>) offsets(%arg7 : memref<40xi32, #tpu.memory_space<vmem>>) semaphore(%run_scoped3A : memref<!tpu.dma_semaphore, #tpu.memory_space<semaphore_mem>>) {add = true}
      %dma_wait3A_655 = arith.constant 0 : i32
      %dma_wait3A_656 = arith.constant 0 : i32
      %dma_wait3A_657 = tpu.memref_slice %arg18[%dma_wait3A_655, %dma_wait3A_656] : memref<10240x128xf32, #tpu.memory_space<vmem_shared>> -> memref<10240x128xf32, #tpu.memory_space<vmem_shared>>
      tpu.wait_indirect_dma semaphore(%run_scoped3A : memref<!tpu.dma_semaphore, #tpu.memory_space<semaphore_mem>>) src(%arg12 : memref<40x128xf32, #tpu.memory_space<vmem>>) dst(%dma_wait3A_657 : memref<10240x128xf32, #tpu.memory_space<vmem_shared>>)
      tpu.yield
    }) : () -> ()
    %add3A_587 = arith.constant 9840 : i32
    %add3A_588 = arith.addi %add3A, %add3A_587 : i32
    %multiple_of3A_589 = tpu.assume_multiple %add3A_588, 8 : i32
    %dma_wait3A_590 = arith.constant 1 : i32
    %dma_wait3A_591 = tpu.memref_slice %arg4[%multiple_of3A_589] : memref<320000xi32, #tpu.memory_space<hbm>> -> memref<40xi32, #tpu.memory_space<hbm>>
    %dma_wait3A_592 = tpu.memref_slice %arg19[%dma_wait3A_590] : memref<5x!tpu.dma_semaphore, #tpu.memory_space<semaphore_mem>> -> memref<1x!tpu.dma_semaphore, #tpu.memory_space<semaphore_mem>>
    %dma_wait3A_593 = tpu.memref_squeeze %dma_wait3A_592 : memref<1x!tpu.dma_semaphore, #tpu.memory_space<semaphore_mem>> -> memref<!tpu.dma_semaphore, #tpu.memory_space<semaphore_mem>>
    %dma_wait3A_594 = tpu.memref_slice %arg4[%multiple_of3A_589] : memref<320000xi32, #tpu.memory_space<hbm>> -> memref<40xi32, #tpu.memory_space<hbm>>
    tpu.wait_dma2 semaphore(%dma_wait3A_593 : memref<!tpu.dma_semaphore, #tpu.memory_space<semaphore_mem>>) src(%dma_wait3A_594 : memref<40xi32, #tpu.memory_space<hbm>>) dst(%arg8 : memref<40xi32, #tpu.memory_space<vmem>>)
    %dma_wait3A_595 = arith.constant 1 : i32
    %dma_wait3A_596 = arith.constant 9840 : i32
    %dma_wait3A_597 = tpu.memref_slice %arg6[%dma_wait3A_596] : memref<10000xi32, #tpu.memory_space<vmem>> -> memref<40xi32, #tpu.memory_space<vmem>>
    %dma_wait3A_598 = arith.constant 0 : i32
    %dma_wait3A_599 = arith.constant 0 : i32
    %dma_wait3A_600 = tpu.memref_slice %arg2[%dma_wait3A_598, %dma_wait3A_599] : memref<10000x128xf32, #tpu.memory_space<hbm>> -> memref<10000x128xf32, #tpu.memory_space<hbm>>
    %dma_wait3A_601 = tpu.memref_slice %arg20[%dma_wait3A_595] : memref<5x!tpu.dma_semaphore, #tpu.memory_space<semaphore_mem>> -> memref<1x!tpu.dma_semaphore, #tpu.memory_space<semaphore_mem>>
    %dma_wait3A_602 = tpu.memref_squeeze %dma_wait3A_601 : memref<1x!tpu.dma_semaphore, #tpu.memory_space<semaphore_mem>> -> memref<!tpu.dma_semaphore, #tpu.memory_space<semaphore_mem>>
    tpu.wait_indirect_dma semaphore(%dma_wait3A_602 : memref<!tpu.dma_semaphore, #tpu.memory_space<semaphore_mem>>) src(%dma_wait3A_600 : memref<10000x128xf32, #tpu.memory_space<hbm>>) dst(%arg13 : memref<40x128xf32, #tpu.memory_space<vmem>>)
    "tpu.region"() ({
      %run_scoped3A = tpu.sem_alloc : memref<!tpu.dma_semaphore, #tpu.memory_space<semaphore_mem>>
      %dma_start3A_652 = arith.constant 0 : i32
      %dma_start3A_653 = arith.constant 0 : i32
      %dma_start3A_654 = tpu.memref_slice %arg18[%dma_start3A_652, %dma_start3A_653] : memref<10240x128xf32, #tpu.memory_space<vmem_shared>> -> memref<10240x128xf32, #tpu.memory_space<vmem_shared>>
      tpu.enqueue_indirect_dma source(%arg13 : memref<40x128xf32, #tpu.memory_space<vmem>>) target(%dma_start3A_654 : memref<10240x128xf32, #tpu.memory_space<vmem_shared>>) offsets(%arg8 : memref<40xi32, #tpu.memory_space<vmem>>) semaphore(%run_scoped3A : memref<!tpu.dma_semaphore, #tpu.memory_space<semaphore_mem>>) {add = true}
      %dma_wait3A_655 = arith.constant 0 : i32
      %dma_wait3A_656 = arith.constant 0 : i32
      %dma_wait3A_657 = tpu.memref_slice %arg18[%dma_wait3A_655, %dma_wait3A_656] : memref<10240x128xf32, #tpu.memory_space<vmem_shared>> -> memref<10240x128xf32, #tpu.memory_space<vmem_shared>>
      tpu.wait_indirect_dma semaphore(%run_scoped3A : memref<!tpu.dma_semaphore, #tpu.memory_space<semaphore_mem>>) src(%arg13 : memref<40x128xf32, #tpu.memory_space<vmem>>) dst(%dma_wait3A_657 : memref<10240x128xf32, #tpu.memory_space<vmem_shared>>)
      tpu.yield
    }) : () -> ()
    %add3A_603 = arith.constant 9880 : i32
    %add3A_604 = arith.addi %add3A, %add3A_603 : i32
    %multiple_of3A_605 = tpu.assume_multiple %add3A_604, 8 : i32
    %dma_wait3A_606 = arith.constant 2 : i32
    %dma_wait3A_607 = tpu.memref_slice %arg4[%multiple_of3A_605] : memref<320000xi32, #tpu.memory_space<hbm>> -> memref<40xi32, #tpu.memory_space<hbm>>
    %dma_wait3A_608 = tpu.memref_slice %arg19[%dma_wait3A_606] : memref<5x!tpu.dma_semaphore, #tpu.memory_space<semaphore_mem>> -> memref<1x!tpu.dma_semaphore, #tpu.memory_space<semaphore_mem>>
    %dma_wait3A_609 = tpu.memref_squeeze %dma_wait3A_608 : memref<1x!tpu.dma_semaphore, #tpu.memory_space<semaphore_mem>> -> memref<!tpu.dma_semaphore, #tpu.memory_space<semaphore_mem>>
    %dma_wait3A_610 = tpu.memref_slice %arg4[%multiple_of3A_605] : memref<320000xi32, #tpu.memory_space<hbm>> -> memref<40xi32, #tpu.memory_space<hbm>>
    tpu.wait_dma2 semaphore(%dma_wait3A_609 : memref<!tpu.dma_semaphore, #tpu.memory_space<semaphore_mem>>) src(%dma_wait3A_610 : memref<40xi32, #tpu.memory_space<hbm>>) dst(%arg9 : memref<40xi32, #tpu.memory_space<vmem>>)
    %dma_wait3A_611 = arith.constant 2 : i32
    %dma_wait3A_612 = arith.constant 9880 : i32
    %dma_wait3A_613 = tpu.memref_slice %arg6[%dma_wait3A_612] : memref<10000xi32, #tpu.memory_space<vmem>> -> memref<40xi32, #tpu.memory_space<vmem>>
    %dma_wait3A_614 = arith.constant 0 : i32
    %dma_wait3A_615 = arith.constant 0 : i32
    %dma_wait3A_616 = tpu.memref_slice %arg2[%dma_wait3A_614, %dma_wait3A_615] : memref<10000x128xf32, #tpu.memory_space<hbm>> -> memref<10000x128xf32, #tpu.memory_space<hbm>>
    %dma_wait3A_617 = tpu.memref_slice %arg20[%dma_wait3A_611] : memref<5x!tpu.dma_semaphore, #tpu.memory_space<semaphore_mem>> -> memref<1x!tpu.dma_semaphore, #tpu.memory_space<semaphore_mem>>
    %dma_wait3A_618 = tpu.memref_squeeze %dma_wait3A_617 : memref<1x!tpu.dma_semaphore, #tpu.memory_space<semaphore_mem>> -> memref<!tpu.dma_semaphore, #tpu.memory_space<semaphore_mem>>
    tpu.wait_indirect_dma semaphore(%dma_wait3A_618 : memref<!tpu.dma_semaphore, #tpu.memory_space<semaphore_mem>>) src(%dma_wait3A_616 : memref<10000x128xf32, #tpu.memory_space<hbm>>) dst(%arg14 : memref<40x128xf32, #tpu.memory_space<vmem>>)
    "tpu.region"() ({
      %run_scoped3A = tpu.sem_alloc : memref<!tpu.dma_semaphore, #tpu.memory_space<semaphore_mem>>
      %dma_start3A_652 = arith.constant 0 : i32
      %dma_start3A_653 = arith.constant 0 : i32
      %dma_start3A_654 = tpu.memref_slice %arg18[%dma_start3A_652, %dma_start3A_653] : memref<10240x128xf32, #tpu.memory_space<vmem_shared>> -> memref<10240x128xf32, #tpu.memory_space<vmem_shared>>
      tpu.enqueue_indirect_dma source(%arg14 : memref<40x128xf32, #tpu.memory_space<vmem>>) target(%dma_start3A_654 : memref<10240x128xf32, #tpu.memory_space<vmem_shared>>) offsets(%arg9 : memref<40xi32, #tpu.memory_space<vmem>>) semaphore(%run_scoped3A : memref<!tpu.dma_semaphore, #tpu.memory_space<semaphore_mem>>) {add = true}
      %dma_wait3A_655 = arith.constant 0 : i32
      %dma_wait3A_656 = arith.constant 0 : i32
      %dma_wait3A_657 = tpu.memref_slice %arg18[%dma_wait3A_655, %dma_wait3A_656] : memref<10240x128xf32, #tpu.memory_space<vmem_shared>> -> memref<10240x128xf32, #tpu.memory_space<vmem_shared>>
      tpu.wait_indirect_dma semaphore(%run_scoped3A : memref<!tpu.dma_semaphore, #tpu.memory_space<semaphore_mem>>) src(%arg14 : memref<40x128xf32, #tpu.memory_space<vmem>>) dst(%dma_wait3A_657 : memref<10240x128xf32, #tpu.memory_space<vmem_shared>>)
      tpu.yield
    }) : () -> ()
    %add3A_619 = arith.constant 9920 : i32
    %add3A_620 = arith.addi %add3A, %add3A_619 : i32
    %multiple_of3A_621 = tpu.assume_multiple %add3A_620, 8 : i32
    %dma_wait3A_622 = arith.constant 3 : i32
    %dma_wait3A_623 = tpu.memref_slice %arg4[%multiple_of3A_621] : memref<320000xi32, #tpu.memory_space<hbm>> -> memref<40xi32, #tpu.memory_space<hbm>>
    %dma_wait3A_624 = tpu.memref_slice %arg19[%dma_wait3A_622] : memref<5x!tpu.dma_semaphore, #tpu.memory_space<semaphore_mem>> -> memref<1x!tpu.dma_semaphore, #tpu.memory_space<semaphore_mem>>
    %dma_wait3A_625 = tpu.memref_squeeze %dma_wait3A_624 : memref<1x!tpu.dma_semaphore, #tpu.memory_space<semaphore_mem>> -> memref<!tpu.dma_semaphore, #tpu.memory_space<semaphore_mem>>
    %dma_wait3A_626 = tpu.memref_slice %arg4[%multiple_of3A_621] : memref<320000xi32, #tpu.memory_space<hbm>> -> memref<40xi32, #tpu.memory_space<hbm>>
    tpu.wait_dma2 semaphore(%dma_wait3A_625 : memref<!tpu.dma_semaphore, #tpu.memory_space<semaphore_mem>>) src(%dma_wait3A_626 : memref<40xi32, #tpu.memory_space<hbm>>) dst(%arg10 : memref<40xi32, #tpu.memory_space<vmem>>)
    %dma_wait3A_627 = arith.constant 3 : i32
    %dma_wait3A_628 = arith.constant 9920 : i32
    %dma_wait3A_629 = tpu.memref_slice %arg6[%dma_wait3A_628] : memref<10000xi32, #tpu.memory_space<vmem>> -> memref<40xi32, #tpu.memory_space<vmem>>
    %dma_wait3A_630 = arith.constant 0 : i32
    %dma_wait3A_631 = arith.constant 0 : i32
    %dma_wait3A_632 = tpu.memref_slice %arg2[%dma_wait3A_630, %dma_wait3A_631] : memref<10000x128xf32, #tpu.memory_space<hbm>> -> memref<10000x128xf32, #tpu.memory_space<hbm>>
    %dma_wait3A_633 = tpu.memref_slice %arg20[%dma_wait3A_627] : memref<5x!tpu.dma_semaphore, #tpu.memory_space<semaphore_mem>> -> memref<1x!tpu.dma_semaphore, #tpu.memory_space<semaphore_mem>>
    %dma_wait3A_634 = tpu.memref_squeeze %dma_wait3A_633 : memref<1x!tpu.dma_semaphore, #tpu.memory_space<semaphore_mem>> -> memref<!tpu.dma_semaphore, #tpu.memory_space<semaphore_mem>>
    tpu.wait_indirect_dma semaphore(%dma_wait3A_634 : memref<!tpu.dma_semaphore, #tpu.memory_space<semaphore_mem>>) src(%dma_wait3A_632 : memref<10000x128xf32, #tpu.memory_space<hbm>>) dst(%arg15 : memref<40x128xf32, #tpu.memory_space<vmem>>)
    "tpu.region"() ({
      %run_scoped3A = tpu.sem_alloc : memref<!tpu.dma_semaphore, #tpu.memory_space<semaphore_mem>>
      %dma_start3A_652 = arith.constant 0 : i32
      %dma_start3A_653 = arith.constant 0 : i32
      %dma_start3A_654 = tpu.memref_slice %arg18[%dma_start3A_652, %dma_start3A_653] : memref<10240x128xf32, #tpu.memory_space<vmem_shared>> -> memref<10240x128xf32, #tpu.memory_space<vmem_shared>>
      tpu.enqueue_indirect_dma source(%arg15 : memref<40x128xf32, #tpu.memory_space<vmem>>) target(%dma_start3A_654 : memref<10240x128xf32, #tpu.memory_space<vmem_shared>>) offsets(%arg10 : memref<40xi32, #tpu.memory_space<vmem>>) semaphore(%run_scoped3A : memref<!tpu.dma_semaphore, #tpu.memory_space<semaphore_mem>>) {add = true}
      %dma_wait3A_655 = arith.constant 0 : i32
      %dma_wait3A_656 = arith.constant 0 : i32
      %dma_wait3A_657 = tpu.memref_slice %arg18[%dma_wait3A_655, %dma_wait3A_656] : memref<10240x128xf32, #tpu.memory_space<vmem_shared>> -> memref<10240x128xf32, #tpu.memory_space<vmem_shared>>
      tpu.wait_indirect_dma semaphore(%run_scoped3A : memref<!tpu.dma_semaphore, #tpu.memory_space<semaphore_mem>>) src(%arg15 : memref<40x128xf32, #tpu.memory_space<vmem>>) dst(%dma_wait3A_657 : memref<10240x128xf32, #tpu.memory_space<vmem_shared>>)
      tpu.yield
    }) : () -> ()
    %add3A_635 = arith.constant 9960 : i32
    %add3A_636 = arith.addi %add3A, %add3A_635 : i32
    %multiple_of3A_637 = tpu.assume_multiple %add3A_636, 8 : i32
    %dma_wait3A_638 = arith.constant 4 : i32
    %dma_wait3A_639 = tpu.memref_slice %arg4[%multiple_of3A_637] : memref<320000xi32, #tpu.memory_space<hbm>> -> memref<40xi32, #tpu.memory_space<hbm>>
    %dma_wait3A_640 = tpu.memref_slice %arg19[%dma_wait3A_638] : memref<5x!tpu.dma_semaphore, #tpu.memory_space<semaphore_mem>> -> memref<1x!tpu.dma_semaphore, #tpu.memory_space<semaphore_mem>>
    %dma_wait3A_641 = tpu.memref_squeeze %dma_wait3A_640 : memref<1x!tpu.dma_semaphore, #tpu.memory_space<semaphore_mem>> -> memref<!tpu.dma_semaphore, #tpu.memory_space<semaphore_mem>>
    %dma_wait3A_642 = tpu.memref_slice %arg4[%multiple_of3A_637] : memref<320000xi32, #tpu.memory_space<hbm>> -> memref<40xi32, #tpu.memory_space<hbm>>
    tpu.wait_dma2 semaphore(%dma_wait3A_641 : memref<!tpu.dma_semaphore, #tpu.memory_space<semaphore_mem>>) src(%dma_wait3A_642 : memref<40xi32, #tpu.memory_space<hbm>>) dst(%arg11 : memref<40xi32, #tpu.memory_space<vmem>>)
    %dma_wait3A_643 = arith.constant 4 : i32
    %dma_wait3A_644 = arith.constant 9960 : i32
    %dma_wait3A_645 = tpu.memref_slice %arg6[%dma_wait3A_644] : memref<10000xi32, #tpu.memory_space<vmem>> -> memref<40xi32, #tpu.memory_space<vmem>>
    %dma_wait3A_646 = arith.constant 0 : i32
    %dma_wait3A_647 = arith.constant 0 : i32
    %dma_wait3A_648 = tpu.memref_slice %arg2[%dma_wait3A_646, %dma_wait3A_647] : memref<10000x128xf32, #tpu.memory_space<hbm>> -> memref<10000x128xf32, #tpu.memory_space<hbm>>
    %dma_wait3A_649 = tpu.memref_slice %arg20[%dma_wait3A_643] : memref<5x!tpu.dma_semaphore, #tpu.memory_space<semaphore_mem>> -> memref<1x!tpu.dma_semaphore, #tpu.memory_space<semaphore_mem>>
    %dma_wait3A_650 = tpu.memref_squeeze %dma_wait3A_649 : memref<1x!tpu.dma_semaphore, #tpu.memory_space<semaphore_mem>> -> memref<!tpu.dma_semaphore, #tpu.memory_space<semaphore_mem>>
    tpu.wait_indirect_dma semaphore(%dma_wait3A_650 : memref<!tpu.dma_semaphore, #tpu.memory_space<semaphore_mem>>) src(%dma_wait3A_648 : memref<10000x128xf32, #tpu.memory_space<hbm>>) dst(%arg16 : memref<40x128xf32, #tpu.memory_space<vmem>>)
    "tpu.region"() ({
      %run_scoped3A = tpu.sem_alloc : memref<!tpu.dma_semaphore, #tpu.memory_space<semaphore_mem>>
      %dma_start3A_652 = arith.constant 0 : i32
      %dma_start3A_653 = arith.constant 0 : i32
      %dma_start3A_654 = tpu.memref_slice %arg18[%dma_start3A_652, %dma_start3A_653] : memref<10240x128xf32, #tpu.memory_space<vmem_shared>> -> memref<10240x128xf32, #tpu.memory_space<vmem_shared>>
      tpu.enqueue_indirect_dma source(%arg16 : memref<40x128xf32, #tpu.memory_space<vmem>>) target(%dma_start3A_654 : memref<10240x128xf32, #tpu.memory_space<vmem_shared>>) offsets(%arg11 : memref<40xi32, #tpu.memory_space<vmem>>) semaphore(%run_scoped3A : memref<!tpu.dma_semaphore, #tpu.memory_space<semaphore_mem>>) {add = true}
      %dma_wait3A_655 = arith.constant 0 : i32
      %dma_wait3A_656 = arith.constant 0 : i32
      %dma_wait3A_657 = tpu.memref_slice %arg18[%dma_wait3A_655, %dma_wait3A_656] : memref<10240x128xf32, #tpu.memory_space<vmem_shared>> -> memref<10240x128xf32, #tpu.memory_space<vmem_shared>>
      tpu.wait_indirect_dma semaphore(%run_scoped3A : memref<!tpu.dma_semaphore, #tpu.memory_space<semaphore_mem>>) src(%arg16 : memref<40x128xf32, #tpu.memory_space<vmem>>) dst(%dma_wait3A_657 : memref<10240x128xf32, #tpu.memory_space<vmem_shared>>)
      tpu.yield
    }) : () -> ()
    %barrier3A_651 = arith.constant 0 : index
    tpu.barrier barrier_id(%barrier3A_651)
    "tpu.region"() ({
      %run_scoped3A = tpu.sem_alloc : memref<!tpu.dma_semaphore, #tpu.memory_space<semaphore_mem>>
      %dma_start3A_652 = arith.constant 0 : i32
      %dma_start3A_653 = tpu.memref_slice %arg5[%arg0, %mul3A_86, %dma_start3A_652] : memref<2x10240x128xf32, #tpu.memory_space<hbm>> -> memref<1x640x128xf32, #tpu.memory_space<hbm>>
      %dma_start3A_654 = tpu.memref_squeeze %dma_start3A_653 : memref<1x640x128xf32, #tpu.memory_space<hbm>> -> memref<640x128xf32, #tpu.memory_space<hbm>>
      %dma_start3A_655 = arith.constant 0 : i32
      %dma_start3A_656 = tpu.memref_slice %arg18[%mul3A_86, %dma_start3A_655] : memref<10240x128xf32, #tpu.memory_space<vmem_shared>> -> memref<640x128xf32, #tpu.memory_space<vmem_shared>>
      tpu.enqueue_dma source(%dma_start3A_656 : memref<640x128xf32, #tpu.memory_space<vmem_shared>>) target(%dma_start3A_654 : memref<640x128xf32, #tpu.memory_space<hbm>>) target_semaphore(%run_scoped3A : memref<!tpu.dma_semaphore, #tpu.memory_space<semaphore_mem>>)
      %dma_wait3A_657 = arith.constant 0 : i32
      %dma_wait3A_658 = tpu.memref_slice %arg5[%arg0, %mul3A_86, %dma_wait3A_657] : memref<2x10240x128xf32, #tpu.memory_space<hbm>> -> memref<1x640x128xf32, #tpu.memory_space<hbm>>
      %dma_wait3A_659 = tpu.memref_squeeze %dma_wait3A_658 : memref<1x640x128xf32, #tpu.memory_space<hbm>> -> memref<640x128xf32, #tpu.memory_space<hbm>>
      %dma_wait3A_660 = arith.constant 0 : i32
      %dma_wait3A_661 = tpu.memref_slice %arg18[%mul3A_86, %dma_wait3A_660] : memref<10240x128xf32, #tpu.memory_space<vmem_shared>> -> memref<640x128xf32, #tpu.memory_space<vmem_shared>>
      tpu.wait_dma2 semaphore(%run_scoped3A : memref<!tpu.dma_semaphore, #tpu.memory_space<semaphore_mem>>) src(%dma_wait3A_661 : memref<640x128xf32, #tpu.memory_space<vmem_shared>>) dst(%dma_wait3A_659 : memref<640x128xf32, #tpu.memory_space<hbm>>)
      tpu.yield
    }) : () -> ()
    return
  }
}

#map = affine_map<(d0, d1) -> (0)>
#map1 = affine_map<(d0, d1) -> (0, 0)>
module attributes {stable_mosaic.version = 14 : i64} {
  func.func @deg_kernel(%arg0: i32, %arg1: i32, %arg2: memref<320000xi32, #tpu.memory_space<hbm>>, %arg3: memref<32x10240xf32, #tpu.memory_space<hbm>>, %arg4: memref<10000xi32, #tpu.memory_space<vmem>>, %arg5: memref<10240xf32, #tpu.memory_space<vmem>>) attributes {dimension_semantics = [#tpu.dimension_semantics<core_parallel>, #tpu.dimension_semantics<subcore_parallel>], iteration_bounds = array<i64: 2, 16>, scalar_prefetch = 0 : i64, scratch_operands = 2 : i64, tpu.core_type = #tpu.core_type<sc_vector_subcore>, window_params = [{transform_indices = #map}, {transform_indices = #map1}]} {
    %mul3A = arith.constant 16 : i32
    %mul3A_0 = arith.muli %arg0, %mul3A : i32
    %add3A = arith.addi %mul3A_0, %arg1 : i32
    %mul3A_1 = arith.constant 10000 : i32
    %mul3A_2 = arith.muli %add3A, %mul3A_1 : i32
    "tpu.region"() ({
      %run_scoped3A = tpu.sem_alloc : memref<!tpu.dma_semaphore, #tpu.memory_space<semaphore_mem>>
      %dma_start3A = tpu.memref_slice %arg2[%mul3A_2] : memref<320000xi32, #tpu.memory_space<hbm>> -> memref<10000xi32, #tpu.memory_space<hbm>>
      %dma_start3A_13 = tpu.memref_slice %arg2[%mul3A_2] : memref<320000xi32, #tpu.memory_space<hbm>> -> memref<10000xi32, #tpu.memory_space<hbm>>
      tpu.enqueue_dma source(%dma_start3A_13 : memref<10000xi32, #tpu.memory_space<hbm>>) target(%arg4 : memref<10000xi32, #tpu.memory_space<vmem>>) target_semaphore(%run_scoped3A : memref<!tpu.dma_semaphore, #tpu.memory_space<semaphore_mem>>)
      %dma_wait3A = tpu.memref_slice %arg2[%mul3A_2] : memref<320000xi32, #tpu.memory_space<hbm>> -> memref<10000xi32, #tpu.memory_space<hbm>>
      %dma_wait3A_14 = tpu.memref_slice %arg2[%mul3A_2] : memref<320000xi32, #tpu.memory_space<hbm>> -> memref<10000xi32, #tpu.memory_space<hbm>>
      tpu.wait_dma2 semaphore(%run_scoped3A : memref<!tpu.dma_semaphore, #tpu.memory_space<semaphore_mem>>) src(%dma_wait3A_14 : memref<10000xi32, #tpu.memory_space<hbm>>) dst(%arg4 : memref<10000xi32, #tpu.memory_space<vmem>>)
      tpu.yield
    }) : () -> ()
    %scan3A = arith.constant 0 : i32
    %scan3A_3 = arith.constant 640 : i32
    %scan3A_4 = arith.addi %scan3A, %scan3A_3 : i32
    %scan3A_5 = arith.constant 1 : i32
    scf.for %scan3A_13 = %scan3A to %scan3A_4 step %scan3A_5  : i32 {
      %broadcast_in_dim3A_14 = arith.constant 0.000000e+00 : f32
      %broadcast_in_dim3A_15 = vector.broadcast %broadcast_in_dim3A_14 : f32 to vector<16xf32>
      %mul3A_16 = arith.constant 16 : i32
      %mul3A_17 = arith.muli %scan3A_13, %mul3A_16 : i32
      %swap3A = arith.index_cast %mul3A_17 : i32 to index
      %swap3A_18 = tpu.vector_load %arg5[%swap3A] {strides = array<i32>} : memref<10240xf32, #tpu.memory_space<vmem>>, vector<16xf32>,
      tpu.vector_store %arg5[%swap3A], %broadcast_in_dim3A_15 {strides = array<i32>} : memref<10240xf32, #tpu.memory_space<vmem>>, vector<16xf32>,
    }
    %scan3A_6 = arith.constant 640 : i32
    %broadcast_in_dim3A = arith.constant 1.000000e+00 : f32
    %broadcast_in_dim3A_7 = vector.broadcast %broadcast_in_dim3A : f32 to vector<16xf32>
    %scan3A_8 = arith.constant 0 : i32
    %scan3A_9 = arith.constant 625 : i32
    %scan3A_10 = arith.addi %scan3A_8, %scan3A_9 : i32
    %scan3A_11 = arith.constant 1 : i32
    scf.for %scan3A_13 = %scan3A_8 to %scan3A_10 step %scan3A_11  : i32 {
      %mul3A_14 = arith.constant 16 : i32
      %mul3A_15 = arith.muli %scan3A_13, %mul3A_14 : i32
      %get3A = arith.index_cast %mul3A_15 : i32 to index
      %get3A_16 = tpu.vector_load %arg4[%get3A] {strides = array<i32>} : memref<10000xi32, #tpu.memory_space<vmem>>, vector<16xi32>,
      tpu.vector_store_idx %arg5[%get3A_16], %broadcast_in_dim3A_7 {add = true} : memref<10240xf32, #tpu.memory_space<vmem>>[vector<16xi32>], vector<16xf32>,
    }
    %scan3A_12 = arith.constant 625 : i32
    "tpu.region"() ({
      %run_scoped3A = tpu.sem_alloc : memref<!tpu.dma_semaphore, #tpu.memory_space<semaphore_mem>>
      %dma_start3A = arith.constant 0 : i32
      %dma_start3A_13 = tpu.memref_slice %arg3[%add3A, %dma_start3A] : memref<32x10240xf32, #tpu.memory_space<hbm>> -> memref<1x10240xf32, #tpu.memory_space<hbm>>
      %dma_start3A_14 = tpu.memref_squeeze %dma_start3A_13 : memref<1x10240xf32, #tpu.memory_space<hbm>> -> memref<10240xf32, #tpu.memory_space<hbm>>
      %dma_start3A_15 = arith.constant 0 : i32
      %dma_start3A_16 = tpu.memref_slice %arg3[%add3A, %dma_start3A_15] : memref<32x10240xf32, #tpu.memory_space<hbm>> -> memref<1x10240xf32, #tpu.memory_space<hbm>>
      %dma_start3A_17 = tpu.memref_squeeze %dma_start3A_16 : memref<1x10240xf32, #tpu.memory_space<hbm>> -> memref<10240xf32, #tpu.memory_space<hbm>>
      tpu.enqueue_dma source(%arg5 : memref<10240xf32, #tpu.memory_space<vmem>>) target(%dma_start3A_17 : memref<10240xf32, #tpu.memory_space<hbm>>) target_semaphore(%run_scoped3A : memref<!tpu.dma_semaphore, #tpu.memory_space<semaphore_mem>>)
      %dma_wait3A = arith.constant 0 : i32
      %dma_wait3A_18 = tpu.memref_slice %arg3[%add3A, %dma_wait3A] : memref<32x10240xf32, #tpu.memory_space<hbm>> -> memref<1x10240xf32, #tpu.memory_space<hbm>>
      %dma_wait3A_19 = tpu.memref_squeeze %dma_wait3A_18 : memref<1x10240xf32, #tpu.memory_space<hbm>> -> memref<10240xf32, #tpu.memory_space<hbm>>
      %dma_wait3A_20 = arith.constant 0 : i32
      %dma_wait3A_21 = tpu.memref_slice %arg3[%add3A, %dma_wait3A_20] : memref<32x10240xf32, #tpu.memory_space<hbm>> -> memref<1x10240xf32, #tpu.memory_space<hbm>>
      %dma_wait3A_22 = tpu.memref_squeeze %dma_wait3A_21 : memref<1x10240xf32, #tpu.memory_space<hbm>> -> memref<10240xf32, #tpu.memory_space<hbm>>
      tpu.wait_dma2 semaphore(%run_scoped3A : memref<!tpu.dma_semaphore, #tpu.memory_space<semaphore_mem>>) src(%arg5 : memref<10240xf32, #tpu.memory_space<vmem>>) dst(%dma_wait3A_22 : memref<10240xf32, #tpu.memory_space<hbm>>)
      tpu.yield
    }) : () -> ()
    return
  }
}

module attributes {stable_mosaic.version = 14 : i64} {
  func.func @_split_body(%arg0: memref<2x320000xi32, #tpu.memory_space<vmem>>, %arg1: memref<320000xi32, #tpu.memory_space<vmem>>, %arg2: memref<320000xi32, #tpu.memory_space<vmem>>) attributes {dimension_semantics = [], scalar_prefetch = 0 : i64, scratch_operands = 0 : i64, tpu.core_type = #tpu.core_type<tc>} {
    %get3A = arith.constant 0 : index
    %get3A_0 = arith.constant 0 : index
    %get3A_1 = vector.load %arg0[%get3A, %get3A_0] : memref<2x320000xi32, #tpu.memory_space<vmem>>, vector<2x320000xi32>
    %slice3A = vector.extract_strided_slice %get3A_1 {offsets = [0, 0], sizes = [1, 320000], strides = [1, 1]} : vector<2x320000xi32> to vector<1x320000xi32>
    %squeeze3A = vector.shape_cast %slice3A : vector<1x320000xi32> to vector<320000xi32>
    %swap3A = arith.constant 0 : index
    %swap3A_2 = vector.load %arg1[%swap3A] : memref<320000xi32, #tpu.memory_space<vmem>>, vector<320000xi32>
    tpu.vector_store %arg1[%swap3A], %squeeze3A {strides = array<i32>} : memref<320000xi32, #tpu.memory_space<vmem>>, vector<320000xi32>,
    %slice3A_3 = vector.extract_strided_slice %get3A_1 {offsets = [1, 0], sizes = [1, 320000], strides = [1, 1]} : vector<2x320000xi32> to vector<1x320000xi32>
    %squeeze3A_4 = vector.shape_cast %slice3A_3 : vector<1x320000xi32> to vector<320000xi32>
    %swap3A_5 = arith.constant 0 : index
    %swap3A_6 = vector.load %arg2[%swap3A_5] : memref<320000xi32, #tpu.memory_space<vmem>>, vector<320000xi32>
    tpu.vector_store %arg2[%swap3A_5], %squeeze3A_4 {strides = array<i32>} : memref<320000xi32, #tpu.memory_space<vmem>>, vector<320000xi32>,
    return
  }
}

module attributes {stable_mosaic.version = 14 : i64} {
  func.func @_scale_body(%arg0: i32, %arg1: memref<1024x128xf32, #tpu.memory_space<vmem>>, %arg2: memref<32x1024xf32, #tpu.memory_space<vmem>>, %arg3: memref<1024x128xf32, #tpu.memory_space<vmem>>, %arg4: memref<1024x1xf32, #tpu.memory_space<vmem>>) attributes {dimension_semantics = [#tpu.dimension_semantics<arbitrary>], iteration_bounds = array<i64: 10>, scalar_prefetch = 0 : i64, scratch_operands = 0 : i64, tpu.core_type = #tpu.core_type<tc>, window_params = [{transform_indices = @transform_0, window_bounds = array<i64: 1024, 128>}, {transform_indices = @transform_1, window_bounds = array<i64: 32, 1024>}, {transform_indices = @transform_2, window_bounds = array<i64: 1024, 128>}, {transform_indices = @transform_3, window_bounds = array<i64: 1024, 1>}]} {
    %get3A = arith.constant 0 : index
    %get3A_0 = arith.constant 0 : index
    %get3A_1 = vector.load %arg2[%get3A, %get3A_0] : memref<32x1024xf32, #tpu.memory_space<vmem>>, vector<32x1024xf32>
    %reduce_sum3A = arith.constant dense<0.000000e+00> : vector<1024xf32>
    %reduce_sum3A_2 = vector.multi_reduction <add>, %get3A_1, %reduce_sum3A [0] : vector<32x1024xf32> to vector<1024xf32>
    %reshape3A = vector.shape_cast %reduce_sum3A_2 : vector<1024xf32> to vector<1024x1xf32>
    %add3A = arith.constant 1.000000e+00 : f32
    %add3A_3 = vector.broadcast %add3A : f32 to vector<1024x1xf32>
    %add3A_4 = arith.addf %reshape3A, %add3A_3 : vector<1024x1xf32>
    %rsqrt3A = math.rsqrt %add3A_4 : vector<1024x1xf32>
    %swap3A = arith.constant 0 : index
    %swap3A_5 = arith.constant 0 : index
    %swap3A_6 = vector.load %arg4[%swap3A, %swap3A_5] : memref<1024x1xf32, #tpu.memory_space<vmem>>, vector<1024x1xf32>
    tpu.vector_store %arg4[%swap3A, %swap3A_5], %rsqrt3A {strides = array<i32>} : memref<1024x1xf32, #tpu.memory_space<vmem>>, vector<1024x1xf32>,
    %get3A_7 = arith.constant 0 : index
    %get3A_8 = arith.constant 0 : index
    %get3A_9 = vector.load %arg1[%get3A_7, %get3A_8] : memref<1024x128xf32, #tpu.memory_space<vmem>>, vector<1024x128xf32>
    %mul3A = vector.broadcast %rsqrt3A : vector<1024x1xf32> to vector<1024x128xf32>
    %mul3A_10 = arith.mulf %mul3A, %get3A_9 : vector<1024x128xf32>
    %swap3A_11 = arith.constant 0 : index
    %swap3A_12 = arith.constant 0 : index
    %swap3A_13 = vector.load %arg3[%swap3A_11, %swap3A_12] : memref<1024x128xf32, #tpu.memory_space<vmem>>, vector<1024x128xf32>
    tpu.vector_store %arg3[%swap3A_11, %swap3A_12], %mul3A_10 {strides = array<i32>} : memref<1024x128xf32, #tpu.memory_space<vmem>>, vector<1024x128xf32>,
    return
  }
  func.func @transform_0(%arg0: i32) -> (i32, i32) {
    %c0_i32 = arith.constant 0 : i32
    %c0_i32_0 = arith.constant 0 : i32
    return %arg0, %c0_i32 : i32, i32
  }
  func.func @transform_1(%arg0: i32) -> (i32, i32) {
    %c0_i32 = arith.constant 0 : i32
    %c0_i32_0 = arith.constant 0 : i32
    return %c0_i32, %arg0 : i32, i32
  }
  func.func @transform_2(%arg0: i32) -> (i32, i32) {
    %c0_i32 = arith.constant 0 : i32
    %c0_i32_0 = arith.constant 0 : i32
    return %arg0, %c0_i32 : i32, i32
  }
  func.func @transform_3(%arg0: i32) -> (i32, i32) {
    %c0_i32 = arith.constant 0 : i32
    %c0_i32_0 = arith.constant 0 : i32
    return %arg0, %c0_i32 : i32, i32
  }
}

module attributes {stable_mosaic.version = 14 : i64} {
  func.func @_mid_body(%arg0: i32, %arg1: memref<2x1024x128xf32, #tpu.memory_space<vmem>>, %arg2: memref<1024x128xf32, #tpu.memory_space<vmem>>, %arg3: memref<1024x1xf32, #tpu.memory_space<vmem>>, %arg4: memref<1x128xf32, #tpu.memory_space<vmem>>, %arg5: memref<1024x128xf32, #tpu.memory_space<vmem>>) attributes {dimension_semantics = [#tpu.dimension_semantics<arbitrary>], iteration_bounds = array<i64: 10>, scalar_prefetch = 0 : i64, scratch_operands = 0 : i64, tpu.core_type = #tpu.core_type<tc>, window_params = [{transform_indices = @transform_0, window_bounds = array<i64: 2, 1024, 128>}, {transform_indices = @transform_1, window_bounds = array<i64: 1024, 128>}, {transform_indices = @transform_2, window_bounds = array<i64: 1024, 1>}, {pipeline_mode = #tpu.pipeline_mode<synchronous>, transform_indices = @transform_3, window_bounds = array<i64: 1, 128>}, {transform_indices = @transform_4, window_bounds = array<i64: 1024, 128>}]} {
    %get3A = arith.constant 0 : index
    %get3A_0 = arith.constant 0 : index
    %get3A_1 = vector.load %arg3[%get3A, %get3A_0] : memref<1024x1xf32, #tpu.memory_space<vmem>>, vector<1024x1xf32>
    %get3A_2 = arith.constant 0 : index
    %get3A_3 = arith.constant 0 : index
    %get3A_4 = arith.constant 0 : index
    %get3A_5 = vector.load %arg1[%get3A_2, %get3A_3, %get3A_4] : memref<2x1024x128xf32, #tpu.memory_space<vmem>>, vector<2x1024x128xf32>
    %slice3A = vector.extract_strided_slice %get3A_5 {offsets = [0, 0, 0], sizes = [1, 1024, 128], strides = [1, 1, 1]} : vector<2x1024x128xf32> to vector<1x1024x128xf32>
    %squeeze3A = vector.shape_cast %slice3A : vector<1x1024x128xf32> to vector<1024x128xf32>
    %slice3A_6 = vector.extract_strided_slice %get3A_5 {offsets = [1, 0, 0], sizes = [1, 1024, 128], strides = [1, 1, 1]} : vector<2x1024x128xf32> to vector<1x1024x128xf32>
    %squeeze3A_7 = vector.shape_cast %slice3A_6 : vector<1x1024x128xf32> to vector<1024x128xf32>
    %add3A = arith.addf %squeeze3A, %squeeze3A_7 : vector<1024x128xf32>
    %get3A_8 = arith.constant 0 : index
    %get3A_9 = arith.constant 0 : index
    %get3A_10 = vector.load %arg2[%get3A_8, %get3A_9] : memref<1024x128xf32, #tpu.memory_space<vmem>>, vector<1024x128xf32>
    %add3A_11 = arith.addf %add3A, %get3A_10 : vector<1024x128xf32>
    %mul3A = vector.broadcast %get3A_1 : vector<1024x1xf32> to vector<1024x128xf32>
    %mul3A_12 = arith.mulf %mul3A, %add3A_11 : vector<1024x128xf32>
    %get3A_13 = arith.constant 0 : index
    %get3A_14 = arith.constant 0 : index
    %get3A_15 = vector.load %arg4[%get3A_13, %get3A_14] : memref<1x128xf32, #tpu.memory_space<vmem>>, vector<1x128xf32>
    %add3A_16 = vector.broadcast %get3A_15 : vector<1x128xf32> to vector<1024x128xf32>
    %add3A_17 = arith.addf %mul3A_12, %add3A_16 : vector<1024x128xf32>
    %max3A = arith.constant 0.000000e+00 : f32
    %max3A_18 = vector.broadcast %max3A : f32 to vector<1024x128xf32>
    %max3A_19 = arith.maximumf %add3A_17, %max3A_18 : vector<1024x128xf32>
    %mul3A_20 = vector.broadcast %get3A_1 : vector<1024x1xf32> to vector<1024x128xf32>
    %mul3A_21 = arith.mulf %mul3A_20, %max3A_19 : vector<1024x128xf32>
    %swap3A = arith.constant 0 : index
    %swap3A_22 = arith.constant 0 : index
    %swap3A_23 = vector.load %arg5[%swap3A, %swap3A_22] : memref<1024x128xf32, #tpu.memory_space<vmem>>, vector<1024x128xf32>
    tpu.vector_store %arg5[%swap3A, %swap3A_22], %mul3A_21 {strides = array<i32>} : memref<1024x128xf32, #tpu.memory_space<vmem>>, vector<1024x128xf32>,
    return
  }
  func.func @transform_0(%arg0: i32) -> (i32, i32, i32) {
    %c0_i32 = arith.constant 0 : i32
    %c0_i32_0 = arith.constant 0 : i32
    %c0_i32_1 = arith.constant 0 : i32
    return %c0_i32, %arg0, %c0_i32_0 : i32, i32, i32
  }
  func.func @transform_1(%arg0: i32) -> (i32, i32) {
    %c0_i32 = arith.constant 0 : i32
    %c0_i32_0 = arith.constant 0 : i32
    return %arg0, %c0_i32 : i32, i32
  }
  func.func @transform_2(%arg0: i32) -> (i32, i32) {
    %c0_i32 = arith.constant 0 : i32
    %c0_i32_0 = arith.constant 0 : i32
    return %arg0, %c0_i32 : i32, i32
  }
  func.func @transform_3(%arg0: i32) -> (i32, i32) {
    %c0_i32 = arith.constant 0 : i32
    %c0_i32_0 = arith.constant 0 : i32
    %c0_i32_1 = arith.constant 0 : i32
    return %c0_i32, %c0_i32_0 : i32, i32
  }
  func.func @transform_4(%arg0: i32) -> (i32, i32) {
    %c0_i32 = arith.constant 0 : i32
    %c0_i32_0 = arith.constant 0 : i32
    return %arg0, %c0_i32 : i32, i32
  }
}

module attributes {stable_mosaic.version = 14 : i64} {
  func.func @_mm_body(%arg0: i32, %arg1: memref<1024x128xf32, #tpu.memory_space<vmem>>, %arg2: memref<128x128xf32, #tpu.memory_space<vmem>>, %arg3: memref<1024x128xf32, #tpu.memory_space<vmem>>) attributes {dimension_semantics = [#tpu.dimension_semantics<arbitrary>], iteration_bounds = array<i64: 10>, scalar_prefetch = 0 : i64, scratch_operands = 0 : i64, tpu.core_type = #tpu.core_type<tc>, window_params = [{transform_indices = @transform_0, window_bounds = array<i64: 1024, 128>}, {pipeline_mode = #tpu.pipeline_mode<synchronous>, transform_indices = @transform_1, window_bounds = array<i64: 128, 128>}, {transform_indices = @transform_2, window_bounds = array<i64: 1024, 128>}]} {
    %get3A = arith.constant 0 : index
    %get3A_0 = arith.constant 0 : index
    %get3A_1 = vector.load %arg1[%get3A, %get3A_0] : memref<1024x128xf32, #tpu.memory_space<vmem>>, vector<1024x128xf32>
    %get3A_2 = arith.constant 0 : index
    %get3A_3 = arith.constant 0 : index
    %get3A_4 = vector.load %arg2[%get3A_2, %get3A_3] : memref<128x128xf32, #tpu.memory_space<vmem>>, vector<128x128xf32>
    %dot_general3A = arith.constant dense<0.000000e+00> : vector<1024x128xf32>
    %dot_general3A_5 = tpu.matmul %get3A_1, %get3A_4, %dot_general3A {dimension_numbers = #tpu.dot_dimension_numbers<[1], [0], [0], [1], [0, 0, 1, 1], [], []>, transpose_lhs_hint = false} : vector<1024x128xf32>, vector<128x128xf32>, vector<1024x128xf32> -> vector<1024x128xf32>
    %swap3A = arith.constant 0 : index
    %swap3A_6 = arith.constant 0 : index
    %swap3A_7 = vector.load %arg3[%swap3A, %swap3A_6] : memref<1024x128xf32, #tpu.memory_space<vmem>>, vector<1024x128xf32>
    tpu.vector_store %arg3[%swap3A, %swap3A_6], %dot_general3A_5 {strides = array<i32>} : memref<1024x128xf32, #tpu.memory_space<vmem>>, vector<1024x128xf32>,
    return
  }
  func.func @transform_0(%arg0: i32) -> (i32, i32) {
    %c0_i32 = arith.constant 0 : i32
    %c0_i32_0 = arith.constant 0 : i32
    return %arg0, %c0_i32 : i32, i32
  }
  func.func @transform_1(%arg0: i32) -> (i32, i32) {
    %c0_i32 = arith.constant 0 : i32
    %c0_i32_0 = arith.constant 0 : i32
    %c0_i32_1 = arith.constant 0 : i32
    return %c0_i32, %c0_i32_0 : i32, i32
  }
  func.func @transform_2(%arg0: i32) -> (i32, i32) {
    %c0_i32 = arith.constant 0 : i32
    %c0_i32_0 = arith.constant 0 : i32
    return %arg0, %c0_i32 : i32, i32
  }
}

module attributes {stable_mosaic.version = 14 : i64} {
  func.func @_final_body(%arg0: i32, %arg1: memref<2x1024x128xf32, #tpu.memory_space<vmem>>, %arg2: memref<1024x128xf32, #tpu.memory_space<vmem>>, %arg3: memref<1024x1xf32, #tpu.memory_space<vmem>>, %arg4: memref<128x64xf32, #tpu.memory_space<vmem>>, %arg5: memref<1x64xf32, #tpu.memory_space<vmem>>, %arg6: memref<1024x64xf32, #tpu.memory_space<vmem>>) attributes {dimension_semantics = [#tpu.dimension_semantics<arbitrary>], iteration_bounds = array<i64: 10>, scalar_prefetch = 0 : i64, scratch_operands = 0 : i64, tpu.core_type = #tpu.core_type<tc>, window_params = [{transform_indices = @transform_0, window_bounds = array<i64: 2, 1024, 128>}, {transform_indices = @transform_1, window_bounds = array<i64: 1024, 128>}, {transform_indices = @transform_2, window_bounds = array<i64: 1024, 1>}, {pipeline_mode = #tpu.pipeline_mode<synchronous>, transform_indices = @transform_3, window_bounds = array<i64: 128, 64>}, {pipeline_mode = #tpu.pipeline_mode<synchronous>, transform_indices = @transform_4, window_bounds = array<i64: 1, 64>}, {transform_indices = @transform_5, window_bounds = array<i64: 1024, 64>}]} {
    %get3A = arith.constant 0 : index
    %get3A_0 = arith.constant 0 : index
    %get3A_1 = vector.load %arg3[%get3A, %get3A_0] : memref<1024x1xf32, #tpu.memory_space<vmem>>, vector<1024x1xf32>
    %get3A_2 = arith.constant 0 : index
    %get3A_3 = arith.constant 0 : index
    %get3A_4 = arith.constant 0 : index
    %get3A_5 = vector.load %arg1[%get3A_2, %get3A_3, %get3A_4] : memref<2x1024x128xf32, #tpu.memory_space<vmem>>, vector<2x1024x128xf32>
    %slice3A = vector.extract_strided_slice %get3A_5 {offsets = [0, 0, 0], sizes = [1, 1024, 128], strides = [1, 1, 1]} : vector<2x1024x128xf32> to vector<1x1024x128xf32>
    %squeeze3A = vector.shape_cast %slice3A : vector<1x1024x128xf32> to vector<1024x128xf32>
    %slice3A_6 = vector.extract_strided_slice %get3A_5 {offsets = [1, 0, 0], sizes = [1, 1024, 128], strides = [1, 1, 1]} : vector<2x1024x128xf32> to vector<1x1024x128xf32>
    %squeeze3A_7 = vector.shape_cast %slice3A_6 : vector<1x1024x128xf32> to vector<1024x128xf32>
    %add3A = arith.addf %squeeze3A, %squeeze3A_7 : vector<1024x128xf32>
    %get3A_8 = arith.constant 0 : index
    %get3A_9 = arith.constant 0 : index
    %get3A_10 = vector.load %arg2[%get3A_8, %get3A_9] : memref<1024x128xf32, #tpu.memory_space<vmem>>, vector<1024x128xf32>
    %add3A_11 = arith.addf %add3A, %get3A_10 : vector<1024x128xf32>
    %get3A_12 = arith.constant 0 : index
    %get3A_13 = arith.constant 0 : index
    %get3A_14 = vector.load %arg4[%get3A_12, %get3A_13] : memref<128x64xf32, #tpu.memory_space<vmem>>, vector<128x64xf32>
    %dot_general3A = arith.constant dense<0.000000e+00> : vector<1024x64xf32>
    %dot_general3A_15 = tpu.matmul %add3A_11, %get3A_14, %dot_general3A {dimension_numbers = #tpu.dot_dimension_numbers<[1], [0], [0], [1], [0, 0, 1, 1], [], []>, transpose_lhs_hint = false} : vector<1024x128xf32>, vector<128x64xf32>, vector<1024x64xf32> -> vector<1024x64xf32>
    %mul3A = vector.broadcast %get3A_1 : vector<1024x1xf32> to vector<1024x64xf32>
    %mul3A_16 = arith.mulf %mul3A, %dot_general3A_15 : vector<1024x64xf32>
    %get3A_17 = arith.constant 0 : index
    %get3A_18 = arith.constant 0 : index
    %get3A_19 = vector.load %arg5[%get3A_17, %get3A_18] : memref<1x64xf32, #tpu.memory_space<vmem>>, vector<1x64xf32>
    %add3A_20 = vector.broadcast %get3A_19 : vector<1x64xf32> to vector<1024x64xf32>
    %add3A_21 = arith.addf %mul3A_16, %add3A_20 : vector<1024x64xf32>
    %swap3A = arith.constant 0 : index
    %swap3A_22 = arith.constant 0 : index
    %swap3A_23 = vector.load %arg6[%swap3A, %swap3A_22] : memref<1024x64xf32, #tpu.memory_space<vmem>>, vector<1024x64xf32>
    tpu.vector_store %arg6[%swap3A, %swap3A_22], %add3A_21 {strides = array<i32>} : memref<1024x64xf32, #tpu.memory_space<vmem>>, vector<1024x64xf32>,
    return
  }
  func.func @transform_0(%arg0: i32) -> (i32, i32, i32) {
    %c0_i32 = arith.constant 0 : i32
    %c0_i32_0 = arith.constant 0 : i32
    %c0_i32_1 = arith.constant 0 : i32
    return %c0_i32, %arg0, %c0_i32_0 : i32, i32, i32
  }
  func.func @transform_1(%arg0: i32) -> (i32, i32) {
    %c0_i32 = arith.constant 0 : i32
    %c0_i32_0 = arith.constant 0 : i32
    return %arg0, %c0_i32 : i32, i32
  }
  func.func @transform_2(%arg0: i32) -> (i32, i32) {
    %c0_i32 = arith.constant 0 : i32
    %c0_i32_0 = arith.constant 0 : i32
    return %arg0, %c0_i32 : i32, i32
  }
  func.func @transform_3(%arg0: i32) -> (i32, i32) {
    %c0_i32 = arith.constant 0 : i32
    %c0_i32_0 = arith.constant 0 : i32
    %c0_i32_1 = arith.constant 0 : i32
    return %c0_i32, %c0_i32_0 : i32, i32
  }
  func.func @transform_4(%arg0: i32) -> (i32, i32) {
    %c0_i32 = arith.constant 0 : i32
    %c0_i32_0 = arith.constant 0 : i32
    %c0_i32_1 = arith.constant 0 : i32
    return %c0_i32, %c0_i32_0 : i32, i32
  }
  func.func @transform_5(%arg0: i32) -> (i32, i32) {
    %c0_i32 = arith.constant 0 : i32
    %c0_i32_0 = arith.constant 0 : i32
    return %arg0, %c0_i32 : i32, i32
  }
}

</mosaic_0001>

<sc_bundles>
// kernel: kernel.10.cloned.1.call-start
scs
__scs_entry_jumppad:
0x0: {  	(pc) =	sbr.rel $0x88, $3  }
0x1: {  	(tag) =	ssettag $0x0;
	lr =	simm.s32 $0x1  }
0x2: {  	[smem:$0x3F9B] =	sst lr;
	_ =	strace $0xD0000000  }
0x3: {  	_ = 	snop  }
0x4: {  	_ = 	snop  }
0x5: {  	_ = 	snop  }
0x6: {  	_ = 	snop  }
0x7: {  	_ = 	snop  }
__scs_overlays_trampoline_lowered:
0x8: {  	[smem:$0x3FAA] =	sst s0  }
0x9: {  	[smem:$0x3FAB] =	sst s1  }
0xa: {  	[smem:$0x3FAC] =	sst s2  }
0xb: {  	[smem:$0x3FAD] =	sst s3  }
0xc: {  	[smem:$0x3FAE] =	sst s4  }
0xd: {  	[smem:$0x3FAF] =	sst s5  }
0xe: {  	[smem:$0x3FB0] =	sst s6  }
0xf: {  	[smem:$0x3FB1] =	sst s7  }
0x10: {  	[smem:$0x3FB2] =	sst s8  }
0x11: {  	[smem:$0x3FB3] =	sst s9;
	s0 =	simm.s32 @!p0 $0x0  }
0x12: {  	s1 =	sld [smem:$0x3F99];
	s0 =	simm.s32 @p0 $0x1  }
0x13: {  	[smem:$0x3FB4] =	sst s0;
	s0 =	simm.s32 @!p1 $0x0  }
0x14: {  	s2 =	sld [smem:$0x3F98];
	s0 =	simm.s32 @p1 $0x1  }
0x15: {  	[smem:$0x3FB5] =	sst s0;
	s0 =	simm.s32 @!p2 $0x0  }
0x16: {  	s3 =	sld [smem:$0x3FDB];
	s0 =	simm.s32 @p2 $0x1  }
0x17: {  	s4 =	simm.s32 $0x1BF5;
	[smem:$0x3FB7] =	sst s0  }
0x18: {  	s0 =	sld [smem:$0x3F9A];
	_ =	swait.ge [sflag:s4], $0x0  }
0x19: {  	s7 =	sld [smem:$0x3F9B]  }
0x1a: {  	s8 =	sadd.s32 $0xFFFFE003, lr  }
0x1b: {  	s9 =	sadd.s32 $0xFFFFFEF7, lr;
	s5 =	simm.s32 $0xFFFFFFFF;
	p2 =	slt.u32 s8, $0xFFFFF086  }
0x1c: {  	p1 =	slt.u32 s9, $0xF7A;
	s5 =	simm.s32 @!p2 $0x0  }
0x1d: {  	s5 =	simm.s32 @p1 $0x1;
	p0 =	seq.s32 s7, s2  }
0x1e: {  	s7 =	smul.u32 @!p0 $0xF7A, s2;
	p2 =	seq.s32 @!p0 s5, $0x0  }
0x1f: {  	s9 =	smul.u32 $0xF7A, s1;
	s8 =	simm.s32 @!p0 $0x1BF5;
	p2 =	por !p2, p0  }
0x20: {  	[sflag:s8] =	ssyncset.s32 @!p0 $0xFFFFF086;
	s6 =	sadd.s32 @!p0 s3, s7;
	s7 =	simm.s32 @!p0 $0x108  }
0x21: {  	s3 =	sadd.s32 s3, s9;
	s6 =	sadd.s32 @!p0 $0x88, s6;
	s7 =	simm.s32 @p2 $0x1082  }
0x22: {  	[simem:s7], [sflag:s8] =	dma.local @!p0 [hbm:s6], $0xF7A  }
0x23: {  	s9 =	sor.u32 $0xD0000000, s2;
	s6 =	simm.s32 $0x108;
	_ =	swait.ge @!p0 [sflag:s8], $0x0  }
0x24: {  	s3 =	sadd.s32 $0x88, s3;
	s6 =	simm.s32 @!p1 $0x1082;
	[sflag:s4] =	ssyncset.s32 $0xFFFFF086  }
0x25: {  	[simem:s6], [sflag:s4] =	dma.local [hbm:s3], $0xF7A  }
0x26: {  	[smem:$0x3F9B] =	sst s1;
	(tag) =	ssettag s2;
	_ =	strace s9  }
0x27: {  	s1 =	sld [smem:$0x3FAB]  }
0x28: {  	s2 =	sld [smem:$0x3FAC]  }
0x29: {  	s4 =	sld [smem:$0x3FAE]  }
0x2a: {  	p0 =	seq.s32 s5, $0x0;
	s5 =	sld [smem:$0x3FAF]  }
0x2b: {  	s6 =	sld [smem:$0x3FB0]  }
0x2c: {  	s7 =	sld [smem:$0x3FB1]  }
0x2d: {  	s3 =	simm.s32 $0x108;
	s8 =	sld [smem:$0x3FB2]  }
0x2e: {  	s3 =	simm.s32 @!p0 $0x1082;
	s9 =	sld [smem:$0x3FB3]  }
0x2f: {  	lr =	sadd.s32 s0, s3;
	s0 =	sld [smem:$0x3FAA]  }
0x30: {  	s3 =	sld [smem:$0x3FAD]  }
0x31: {  	[smem:$0x3FB6] =	sst s10  }
0x32: {  	s10 =	sld [smem:$0x3FB4];
	_ =	sdelay $0x3  }
0x33: {  	p0 =	seq.s32 s10, $0x1;
	s10 =	sld [smem:$0x3FB6];
	_ =	sdelay $0x3  }
0x34: {  	[smem:$0x3FB6] =	sst s10  }
0x35: {  	s10 =	sld [smem:$0x3FB5];
	_ =	sdelay $0x3  }
0x36: {  	p1 =	seq.s32 s10, $0x1;
	s10 =	sld [smem:$0x3FB6];
	_ =	sdelay $0x3  }
0x37: {  	[smem:$0x3FB6] =	sst s10  }
0x38: {  	s10 =	sld [smem:$0x3FB7]  }
0x39: {  	_ = 	snop;
	(pc) =	sbr.ind lr, $3  }
0x3a: {  	_ = 	snop  }
0x3b: {  	_ = 	snop  }
0x3c: {  	p2 =	seq.s32 s10, $0x1;
	s10 =	sld [smem:$0x3FB6]  }
0x3d: {  	_ =	shalt  }
0x3e: {  	_ =	shalt  }
0x3f: {  	_ =	shalt  }
0x40: {  	_ =	shalt  }
0x41: {  	_ =	shalt  }
0x42: {  	_ =	shalt  }
0x43: {  	_ =	shalt  }
0x44: {  	_ =	shalt  }
0x45: {  	_ =	shalt  }
0x46: {  	_ =	shalt  }
0x47: {  	_ =	shalt  }
0x48: {  	_ =	shalt  }
0x49: {  	_ =	shalt  }
0x4a: {  	_ =	shalt  }
0x4b: {  	_ =	shalt  }
0x4c: {  	_ =	shalt  }
0x4d: {  	_ =	shalt  }
0x4e: {  	_ =	shalt  }
0x4f: {  	_ =	shalt  }
0x50: {  	_ =	shalt  }
0x51: {  	_ =	shalt  }
0x52: {  	_ =	shalt  }
0x53: {  	_ =	shalt  }
0x54: {  	_ =	shalt  }
0x55: {  	_ =	shalt  }
0x56: {  	_ =	shalt  }
0x57: {  	_ =	shalt  }
0x58: {  	_ =	shalt  }
0x59: {  	_ =	shalt  }
0x5a: {  	_ =	shalt  }
0x5b: {  	_ =	shalt  }
0x5c: {  	_ =	shalt  }
0x5d: {  	_ =	shalt  }
0x5e: {  	_ =	shalt  }
0x5f: {  	_ =	shalt  }
0x60: {  	_ =	shalt  }
0x61: {  	_ =	shalt  }
0x62: {  	_ =	shalt  }
0x63: {  	_ =	shalt  }
0x64: {  	_ =	shalt  }
0x65: {  	_ =	shalt  }
0x66: {  	_ =	shalt  }
0x67: {  	_ =	shalt  }
0x68: {  	_ =	shalt  }
0x69: {  	_ =	shalt  }
0x6a: {  	_ =	shalt  }
0x6b: {  	_ =	shalt  }
0x6c: {  	_ =	shalt  }
0x6d: {  	_ =	shalt  }
0x6e: {  	_ =	shalt  }
0x6f: {  	_ =	shalt  }
0x70: {  	_ =	shalt  }
0x71: {  	_ =	shalt  }
0x72: {  	_ =	shalt  }
0x73: {  	_ =	shalt  }
0x74: {  	_ =	shalt  }
0x75: {  	_ =	shalt  }
0x76: {  	_ =	shalt  }
0x77: {  	_ =	shalt  }
0x78: {  	_ =	shalt  }
0x79: {  	_ =	shalt  }
0x7a: {  	_ =	shalt  }
0x7b: {  	_ =	shalt  }
0x7c: {  	_ =	shalt  }
0x7d: {  	_ =	shalt  }
0x7e: {  	_ =	shalt  }
0x7f: {  	_ =	shalt  }
0x80: {  	_ =	shalt  }
0x81: {  	_ =	shalt  }
0x82: {  	_ =	shalt  }
0x83: {  	_ =	shalt  }
0x84: {  	_ =	shalt  }
0x85: {  	_ =	shalt  }
0x86: {  	_ =	shalt  }
0x87: {  	_ =	shalt  }
.Lfunc_end0:
.L_simem_size_0:
called_computation_lowered:
.L_overlay_start_0:
0x88: {  	s2 =	sld [smem:$0x3FD9]  }
0x89: {  	s3 =	sld [smem:$0x3FFE];
	_ =	sdelay $0x1  }
0x8a: {  	s1 =	srdreg.scid  }
0x8b: {  	s0 =	sand.u32 $0x1, s1  }
0x8c: {  	s17 =	sshll.u32 s0, $0xA;
	s2 =	sadd.s32 s3, s2  }
0x8d: {  	s2 =	sadd.s32 s2, s17  }
0x8e: {  	[smem:$0x3FC2] =	sst s2  }
0x8f: {  	_ = 	snop  }
0x90: {  	s2 =	sld [smem:$0x3FD0];
	(tm) =	ssettm $0x1  }
0x91: {  	s18 =	sld [smem:$0x3FFB];
	_ =	sdelay $0x3  }
0x92: {  	_ =	strace s18  }
0x93: {  	s3 =	sld [smem:$0x3FFC];
	_ =	sdelay $0x3  }
0x94: {  	_ =	strace s3  }
0x95: {  	s3 =	sld [smem:$0x3FFD];
	_ =	sdelay $0x3  }
0x96: {  	_ =	strace s3  }
0x97: {  	_ =	strace $0x8FFFFFFF  }
0x98: {  	s19 =	sld [smem:$0x3FDB];
	_ =	sdelay $0x1  }
0x99: {  	s4 =	simm.s32 $_scs_section_size  }
0x9a: {  	s5 =	simm.s32 $_size__tile_overlayer_lowered;
	s6 =	simm.s32 $_tile_overlayer_lowered  }
0x9b: {  	s22 =	simm.s32 $0x1BFF;
	s21 =	sshll.u32 s6, $0x1;
	s3 =	sadd.s32 s4, s19  }
0x9c: {  	s7 =	simm.s32 $0x0;
	s20 =	sshll.u32 s5, $0x1;
	s5 =	sadd.s32 s21, s3  }
0x9d: {  	[timem:s7], [sflag:s22] =	dma.local [hbm:s5], s20  }
0x9e: {  	_ =	swait.ge [sflag:s22], s20  }
0x9f: {  	s4 =	ssub.s32 $0x0, s20;
	[sflag:s22] =	ssyncset.done $0x0  }
0xa0: {  	[sflag:s22] =	ssyncadd.s32 s4;
	_ =	sdelay $0x1  }
0xa1: {  	s23 =	simm.s32 $0x1B8B  }
0xa2: {  	_ =	swait.ge [sflag:s23], $0x1  }
0xa3: {  	[sflag:s23] =	ssyncset.done $0x0  }
0xa4: {  	s25 =	simm.s32 $0x1B8E;
	s24 =	sld [smem:$0x3FFE];
	[sflag:s23] =	ssyncadd.s32 $0xFFFFFFFF  }
0xa5: {  	s26 =	simm.s32 $execute0_lowered;
	[smem:$0x3FD2] =	sst s25  }
0xa6: {  	s5 =	sshll.u32 s26, $0x1;
	_ =	strace $0x80000046;
	[dreg:$0x1] =	wrdreg $0xFFFFFFFF  }
0xa7: {  	s28 =	simm.s32 $_size_execute0_lowered;
	s3 =	sadd.s32 s3, s5;
	[dreg:$0x0] =	wrdreg $0x0  }
0xa8: {  	s5 =	sshll.u32 s28, $0x1;
	[dreg:$0x2] =	wrdreg s3  }
0xa9: {  	[dreg:$0x3] =	wrdreg s5  }
0xaa: {  	[dreg:$0x4] =	wrdreg $0xC0  }
0xab: {  	_ =	task [dreg:s7], $0x5FFFF  }
0xac: {  	[dreg:$0x1] =	wrdreg $0xFFFFFFFF  }
0xad: {  	[dreg:$0x0] =	wrdreg $0x60  }
0xae: {  	[dreg:$0x2] =	wrdreg s24  }
0xaf: {  	[dreg:$0x3] =	wrdreg s2  }
0xb0: {  	[dreg:$0x4] =	wrdreg $0x9  }
0xb1: {  	_ =	task.clear_ibuf [dreg:s7], $0x5FFFF;
	_ =	strace $0x90000046  }
0xb2: {  	s29 =	simm.s32 $0x9;
	_ =	strace $0x80000048  }
0xb3: {  	_ =	swait.ge [sflag:s29], $0x1  }
0xb4: {  	[sflag:s29] =	ssyncadd.s32 $0xFFFFFFFF  }
0xb5: {  	_ =	strace $0x90000048  }
0xb6: {  	_ =	sfence  }
0xb7: {  	s30 =	sld [smem:$0x0];
	_ =	sdelay $0x2  }
0xb8: {  	s31 =	sshll.u32 s1, $0xD;
	s1 =	sshrl.u32 s1, $0x2  }
0xb9: {  	s3 =	sand.u32 $0x4000, s31;
	s1 =	sadd.s32 s1, s30  }
0xba: {  	s0 =	sor.u32 s3, s0;
	s1 =	sshll.u32 s1, $0x11  }
0xbb: {  	s0 =	sor.u32 s1, s0  }
0xbc: {  	s0 =	sadd.s32 $0x8F2B, s0  }
0xbd: {  	[sflag:s0] =	ssyncadd.remote.s32 $0x1  }
0xbe: {  	_ =	sfence.sel $0xFFFF  }
0xbf: {  	[dreg:$0x0] =	wrdreg $0xFFFFFFFF;
	(pc) =	sbr.abs _section_cstart, $3  }
0xc0: {  	[dreg:$0x1] =	wrdreg $0xFFFFFFFF  }
0xc1: {  	_ =	task.clear_ibuf [dreg:s7], $0x2FFFF;
	_ =	strace $0x9FFFFFFF  }
0xc2: {  	(tm) =	ssettm $0x7FFFFFFF  }
0xc3: {  	_ =	shalt  }
tec
execute0_lowered:
.L_overlay_start_1:
0x0: {  	(tag) =	ssettag $0x1  }
0x1: {  	s0 =	srdreg.scid  }
0x2: {  	s4 =	rddreg [dreg:$0x0];
	s3 =	sand.u32 $0x1, s0  }
0x3: {  	s5 =	rddreg [dreg:$0x1];
	s0 =	stileid.u32;
	s1 =	sshll.u32 s3, $0x4  }
0x4: {  	s2 =	simm.s32 $0x0;
	s9 =	simm.s32 $0x400;
	s6 =	sor.u32 s0, s1  }
0x5: {  	s10 =	simm.s32 $0x0;
	[smem:$0x7FF] =	sst s2;
	s7 =	sshrl.u32 s6, $0x3  }
0x6: {  	s8 =	sshll.u32 s0, $0x7;
	s3 =	ssub.s32 $0x2, s3;
	s7 =	smul.u32 $0x14000, s7  }
0x7: {  	s1 =	rddreg [dreg:$0x2];
	s8 =	sand.u32 $0x380, s8;
	s6 =	smul.u32 $0x4E2, s6  }
0x8: {  	_ =	strace $0x80000047;
	s31 =	sshrl.u32 s3, $0x1;
	s7 =	sor.u32 s8, s7  }
0x9: {  	s4 =	sadd.s32 s6, s4;
	s6 =	ssub.s32 s3, s31;
	s7 =	sshrl.u32 s7, $0x3  }
0xa: {  	s3 =	sadd.s32 $0x3000, s4;
	s8 =	simm.s32 $0x80;
	s4 =	sadd.s32 s5, s7  }
0xb: {  	v0 =	vimm.f32 $0.0e+00;
	v1 =	vimm.f32 $1.000000000e+00;
	s5 =	smax.u32 s6, $0x1;
	s6 =	simm.s32 $0x1;
	s7 =	simm.s32 $0x2780  }
.LBB2_1:
0xc: {  	[tilespmem:s2], [sflag:$0x1] =	stream.linear.gather [hbm4b:s3+s2], $0x2710, $0x38;
	[tilespmem:$0x4F80] =	vst v63  }
0xd: {  	_ =	swait.ge [sflag:s6], $0x2710  }
0xe: {  	[sflag:s6] =	ssyncset.done $0x0  }
0xf: {  	s11 =	simm.s32 $0x0;
	[sflag:s6] =	ssyncadd.s32 $0xFFFFD8F0  }
.LBB2_2:
0x10: {  	p0 =	sne.s32 s11, $0x9FC0  }
.Ltmp0:
0x11: {  	_ = 	snop;
	(pc) =	sbr.rel @p0 .LBB2_2-.Ltmp0, $3  }
0x12: {  	_ =	sdelay $0x1  }
0x13: {  	s12 =	sshra.s32 s11, $0x2  }
0x14: {  	s11 =	sadd.s32 $0x40, s11;
	[tilespmem:s12+$0x2780] =	vst v0  }
0x15: {  	s12 =	simm.s32 $0x0;
	s11 =	simm.s32 $0x40  }
.LBB2_4:
0x16: {  	p0 =	sne.s32 s11, $0x9C00;
	v2 =	vld [tilespmem:s12+$0x0];
	_ =	sdelay $0x3  }
.Ltmp1:
0x17: {  	(pc) =	sbr.rel @p0 .LBB2_4-.Ltmp1, $2  }
0x18: {  	_ =	sdelay $0x2  }
0x19: {  	s12 =	sshra.s32 s11, $0x2;
	s11 =	sadd.s32 $0x40, s11;
	[tilespmem:v2+s7+$0x0] =	vst.idx.add.f32.msk $0xffff, v1  }
0x1a: {  	v2 =	vld [tilespmem:s12+$0x0];
	_ =	sdelay $0x5  }
0x1b: {  	s10 =	sadd.s32 $0x1, s10  }
0x1c: {  	p0 =	sne.s32 s10, s5  }
.Ltmp2:
0x1d: {  	[tilespmem:v2+s7+$0x0] =	vst.idx.add.f32.msk $0xffff, v1;
	(pc) =	sbr.rel @p0 .LBB2_1-.Ltmp2, $4  }
0x1e: {  	[hbm4b:s4+s8] =	stream.strided.scatter [tilespmem:s7], [sflag:$0x1], $0x2800, s9, s8, $0x38;
	[tilespmem:$0x4F80] =	vst v63  }
0x1f: {  	_ =	swait.ge [sflag:s6], $0x2800  }
0x20: {  	[sflag:s6] =	ssyncset.done $0x0  }
0x21: {  	[sflag:s6] =	ssyncadd.s32 $0xFFFFD800  }
0x22: {  	_ =	sfence.sel $0x180000  }
0x23: {  	[bflag:$0x0] =	sbarrier.arrive $0xFFFF  }
0x24: {  	p0 =	sne.s32 s0, $0x0;
	_ =	strace $0x90000047  }
0x25: {  	s0 =	sadd.s32 @!p0 $0x100000, s1;
	[bflag:$0x2] =	sbarrier.arrive $0xFFFF  }
0x26: {  	[sflag:s0] =	ssyncadd.tile.s32 @!p0 $0x1;
	_ =	shalt  }
.Lfunc_end2:
_tile_overlayer_lowered:
.L_overlay_start_2:
0x27: {  	(tag) =	ssettag $0x2  }
0x28: {  	s0 =	rddreg [dreg:$0x0];
	s2 =	stileid.u32  }
0x29: {  	s1 =	rddreg [dreg:$0x1];
	p0 =	sne.s32 s2, $0x0  }
0x2a: {  	s3 =	rddreg [dreg:$0x2];
	[bflag:$0x3] =	sbarrier.arrive $0xFFFF;
	s2 =	simm.s32 @!p0 $0x1C01  }
0x2b: {  	[timem:s3], [sflag:s2] =	dma.local @!p0 [hbm:s0], s1  }
0x2c: {  	s0 =	simm.s32 @!p0 $0x1  }
0x2d: {  	_ =	swait.ge @!p0 [sflag:s0], s1  }
0x2e: {  	s1 =	ssub.s32 @!p0 $0x0, s1;
	[sflag:s0] =	ssyncset.done @!p0 $0x0  }
0x2f: {  	[sflag:s0] =	ssyncadd.s32 @!p0 s1  }
0x30: {  	[bflag:$0x3] =	sbarrier.arrive $0xFFFF  }
0x31: {  	_ =	shalt  }

// kernel: kernel.13.cloned.1.call-start
scs
__scs_entry_jumppad:
0x0: {  	(pc) =	sbr.rel $0x88, $3  }
0x1: {  	(tag) =	ssettag $0x0;
	lr =	simm.s32 $0x1  }
0x2: {  	[smem:$0x3F9B] =	sst lr;
	_ =	strace $0xD0000000  }
0x3: {  	_ = 	snop  }
0x4: {  	_ = 	snop  }
0x5: {  	_ = 	snop  }
0x6: {  	_ = 	snop  }
0x7: {  	_ = 	snop  }
__scs_overlays_trampoline_lowered:
0x8: {  	[smem:$0x3FAA] =	sst s0  }
0x9: {  	[smem:$0x3FAB] =	sst s1  }
0xa: {  	[smem:$0x3FAC] =	sst s2  }
0xb: {  	[smem:$0x3FAD] =	sst s3  }
0xc: {  	[smem:$0x3FAE] =	sst s4  }
0xd: {  	[smem:$0x3FAF] =	sst s5  }
0xe: {  	[smem:$0x3FB0] =	sst s6  }
0xf: {  	[smem:$0x3FB1] =	sst s7  }
0x10: {  	[smem:$0x3FB2] =	sst s8  }
0x11: {  	[smem:$0x3FB3] =	sst s9;
	s0 =	simm.s32 @!p0 $0x0  }
0x12: {  	s1 =	sld [smem:$0x3F99];
	s0 =	simm.s32 @p0 $0x1  }
0x13: {  	[smem:$0x3FB4] =	sst s0;
	s0 =	simm.s32 @!p1 $0x0  }
0x14: {  	s2 =	sld [smem:$0x3F98];
	s0 =	simm.s32 @p1 $0x1  }
0x15: {  	[smem:$0x3FB5] =	sst s0;
	s0 =	simm.s32 @!p2 $0x0  }
0x16: {  	s3 =	sld [smem:$0x3FDB];
	s0 =	simm.s32 @p2 $0x1  }
0x17: {  	s4 =	simm.s32 $0x1BF5;
	[smem:$0x3FB7] =	sst s0  }
0x18: {  	s0 =	sld [smem:$0x3F9A];
	_ =	swait.ge [sflag:s4], $0x0  }
0x19: {  	s7 =	sld [smem:$0x3F9B]  }
0x1a: {  	s8 =	sadd.s32 $0xFFFFE003, lr  }
0x1b: {  	s9 =	sadd.s32 $0xFFFFFEF7, lr;
	s5 =	simm.s32 $0xFFFFFFFF;
	p2 =	slt.u32 s8, $0xFFFFF086  }
0x1c: {  	p1 =	slt.u32 s9, $0xF7A;
	s5 =	simm.s32 @!p2 $0x0  }
0x1d: {  	s5 =	simm.s32 @p1 $0x1;
	p0 =	seq.s32 s7, s2  }
0x1e: {  	s7 =	smul.u32 @!p0 $0xF7A, s2;
	p2 =	seq.s32 @!p0 s5, $0x0  }
0x1f: {  	s9 =	smul.u32 $0xF7A, s1;
	s8 =	simm.s32 @!p0 $0x1BF5;
	p2 =	por !p2, p0  }
0x20: {  	[sflag:s8] =	ssyncset.s32 @!p0 $0xFFFFF086;
	s6 =	sadd.s32 @!p0 s3, s7;
	s7 =	simm.s32 @!p0 $0x108  }
0x21: {  	s3 =	sadd.s32 s3, s9;
	s6 =	sadd.s32 @!p0 $0x88, s6;
	s7 =	simm.s32 @p2 $0x1082  }
0x22: {  	[simem:s7], [sflag:s8] =	dma.local @!p0 [hbm:s6], $0xF7A  }
0x23: {  	s9 =	sor.u32 $0xD0000000, s2;
	s6 =	simm.s32 $0x108;
	_ =	swait.ge @!p0 [sflag:s8], $0x0  }
0x24: {  	s3 =	sadd.s32 $0x88, s3;
	s6 =	simm.s32 @!p1 $0x1082;
	[sflag:s4] =	ssyncset.s32 $0xFFFFF086  }
0x25: {  	[simem:s6], [sflag:s4] =	dma.local [hbm:s3], $0xF7A  }
0x26: {  	[smem:$0x3F9B] =	sst s1;
	(tag) =	ssettag s2;
	_ =	strace s9  }
0x27: {  	s1 =	sld [smem:$0x3FAB]  }
0x28: {  	s2 =	sld [smem:$0x3FAC]  }
0x29: {  	s4 =	sld [smem:$0x3FAE]  }
0x2a: {  	p0 =	seq.s32 s5, $0x0;
	s5 =	sld [smem:$0x3FAF]  }
0x2b: {  	s6 =	sld [smem:$0x3FB0]  }
0x2c: {  	s7 =	sld [smem:$0x3FB1]  }
0x2d: {  	s3 =	simm.s32 $0x108;
	s8 =	sld [smem:$0x3FB2]  }
0x2e: {  	s3 =	simm.s32 @!p0 $0x1082;
	s9 =	sld [smem:$0x3FB3]  }
0x2f: {  	lr =	sadd.s32 s0, s3;
	s0 =	sld [smem:$0x3FAA]  }
0x30: {  	s3 =	sld [smem:$0x3FAD]  }
0x31: {  	[smem:$0x3FB6] =	sst s10  }
0x32: {  	s10 =	sld [smem:$0x3FB4];
	_ =	sdelay $0x3  }
0x33: {  	p0 =	seq.s32 s10, $0x1;
	s10 =	sld [smem:$0x3FB6];
	_ =	sdelay $0x3  }
0x34: {  	[smem:$0x3FB6] =	sst s10  }
0x35: {  	s10 =	sld [smem:$0x3FB5];
	_ =	sdelay $0x3  }
0x36: {  	p1 =	seq.s32 s10, $0x1;
	s10 =	sld [smem:$0x3FB6];
	_ =	sdelay $0x3  }
0x37: {  	[smem:$0x3FB6] =	sst s10  }
0x38: {  	s10 =	sld [smem:$0x3FB7]  }
0x39: {  	_ = 	snop;
	(pc) =	sbr.ind lr, $3  }
0x3a: {  	_ = 	snop  }
0x3b: {  	_ = 	snop  }
0x3c: {  	p2 =	seq.s32 s10, $0x1;
	s10 =	sld [smem:$0x3FB6]  }
0x3d: {  	_ =	shalt  }
0x3e: {  	_ =	shalt  }
0x3f: {  	_ =	shalt  }
0x40: {  	_ =	shalt  }
0x41: {  	_ =	shalt  }
0x42: {  	_ =	shalt  }
0x43: {  	_ =	shalt  }
0x44: {  	_ =	shalt  }
0x45: {  	_ =	shalt  }
0x46: {  	_ =	shalt  }
0x47: {  	_ =	shalt  }
0x48: {  	_ =	shalt  }
0x49: {  	_ =	shalt  }
0x4a: {  	_ =	shalt  }
0x4b: {  	_ =	shalt  }
0x4c: {  	_ =	shalt  }
0x4d: {  	_ =	shalt  }
0x4e: {  	_ =	shalt  }
0x4f: {  	_ =	shalt  }
0x50: {  	_ =	shalt  }
0x51: {  	_ =	shalt  }
0x52: {  	_ =	shalt  }
0x53: {  	_ =	shalt  }
0x54: {  	_ =	shalt  }
0x55: {  	_ =	shalt  }
0x56: {  	_ =	shalt  }
0x57: {  	_ =	shalt  }
0x58: {  	_ =	shalt  }
0x59: {  	_ =	shalt  }
0x5a: {  	_ =	shalt  }
0x5b: {  	_ =	shalt  }
0x5c: {  	_ =	shalt  }
0x5d: {  	_ =	shalt  }
0x5e: {  	_ =	shalt  }
0x5f: {  	_ =	shalt  }
0x60: {  	_ =	shalt  }
0x61: {  	_ =	shalt  }
0x62: {  	_ =	shalt  }
0x63: {  	_ =	shalt  }
0x64: {  	_ =	shalt  }
0x65: {  	_ =	shalt  }
0x66: {  	_ =	shalt  }
0x67: {  	_ =	shalt  }
0x68: {  	_ =	shalt  }
0x69: {  	_ =	shalt  }
0x6a: {  	_ =	shalt  }
0x6b: {  	_ =	shalt  }
0x6c: {  	_ =	shalt  }
0x6d: {  	_ =	shalt  }
0x6e: {  	_ =	shalt  }
0x6f: {  	_ =	shalt  }
0x70: {  	_ =	shalt  }
0x71: {  	_ =	shalt  }
0x72: {  	_ =	shalt  }
0x73: {  	_ =	shalt  }
0x74: {  	_ =	shalt  }
0x75: {  	_ =	shalt  }
0x76: {  	_ =	shalt  }
0x77: {  	_ =	shalt  }
0x78: {  	_ =	shalt  }
0x79: {  	_ =	shalt  }
0x7a: {  	_ =	shalt  }
0x7b: {  	_ =	shalt  }
0x7c: {  	_ =	shalt  }
0x7d: {  	_ =	shalt  }
0x7e: {  	_ =	shalt  }
0x7f: {  	_ =	shalt  }
0x80: {  	_ =	shalt  }
0x81: {  	_ =	shalt  }
0x82: {  	_ =	shalt  }
0x83: {  	_ =	shalt  }
0x84: {  	_ =	shalt  }
0x85: {  	_ =	shalt  }
0x86: {  	_ =	shalt  }
0x87: {  	_ =	shalt  }
.Lfunc_end0:
.L_simem_size_0:
called_computation.1_lowered:
.L_overlay_start_0:
0x88: {  	s2 =	sld [smem:$0x3FD9]  }
0x89: {  	s3 =	sld [smem:$0x3FFE];
	_ =	sdelay $0x1  }
0x8a: {  	s1 =	srdreg.scid  }
0x8b: {  	s0 =	sand.u32 $0x1, s1  }
0x8c: {  	s16 =	sshll.u32 s0, $0xA;
	s2 =	sadd.s32 s3, s2  }
0x8d: {  	s2 =	sadd.s32 s2, s16  }
0x8e: {  	[smem:$0x3FC2] =	sst s2  }
0x8f: {  	_ = 	snop  }
0x90: {  	(tm) =	ssettm $0x1  }
0x91: {  	s17 =	sld [smem:$0x3FFB];
	_ =	sdelay $0x3  }
0x92: {  	_ =	strace s17  }
0x93: {  	s2 =	sld [smem:$0x3FFC];
	_ =	sdelay $0x3  }
0x94: {  	_ =	strace s2  }
0x95: {  	s2 =	sld [smem:$0x3FFD];
	_ =	sdelay $0x3  }
0x96: {  	_ =	strace s2  }
0x97: {  	_ =	strace $0x8FFFFFFF  }
0x98: {  	s18 =	sld [smem:$0x3FDB];
	_ =	sdelay $0x1  }
0x99: {  	s19 =	simm.s32 $_scs_section_size  }
0x9a: {  	s4 =	simm.s32 $_size__tile_overlayer_lowered;
	s5 =	simm.s32 $_tile_overlayer_lowered  }
0x9b: {  	s22 =	simm.s32 $0x1BFF;
	s21 =	sshll.u32 s5, $0x1;
	s2 =	sadd.s32 s19, s18  }
0x9c: {  	s6 =	simm.s32 $0x0;
	s20 =	sshll.u32 s4, $0x1;
	s4 =	sadd.s32 s21, s2  }
0x9d: {  	[timem:s6], [sflag:s22] =	dma.local [hbm:s4], s20  }
0x9e: {  	_ =	swait.ge [sflag:s22], s20  }
0x9f: {  	s3 =	ssub.s32 $0x0, s20;
	[sflag:s22] =	ssyncset.done $0x0  }
0xa0: {  	[sflag:s22] =	ssyncadd.s32 s3;
	_ =	sdelay $0x1  }
0xa1: {  	s23 =	simm.s32 $0x1B8B  }
0xa2: {  	_ =	swait.ge [sflag:s23], $0x1  }
0xa3: {  	[sflag:s23] =	ssyncset.done $0x0  }
0xa4: {  	s25 =	simm.s32 $0x1B8E;
	s24 =	sld [smem:$0x3FFE];
	[sflag:s23] =	ssyncadd.s32 $0xFFFFFFFF  }
0xa5: {  	s26 =	simm.s32 $execute0_lowered;
	[smem:$0x3FD2] =	sst s25  }
0xa6: {  	s4 =	sshll.u32 s26, $0x1;
	_ =	strace $0x80000049;
	[dreg:$0x1] =	wrdreg $0xFFFFFFFF  }
0xa7: {  	s28 =	simm.s32 $_size_execute0_lowered;
	s2 =	sadd.s32 s2, s4;
	[dreg:$0x0] =	wrdreg $0x0  }
0xa8: {  	s4 =	sshll.u32 s28, $0x1;
	[dreg:$0x2] =	wrdreg s2  }
0xa9: {  	[dreg:$0x3] =	wrdreg s4  }
0xaa: {  	[dreg:$0x4] =	wrdreg $0xC0  }
0xab: {  	_ =	task [dreg:s6], $0x5FFFF  }
0xac: {  	[dreg:$0x1] =	wrdreg $0xFFFFFFFF  }
0xad: {  	[dreg:$0x0] =	wrdreg $0x60  }
0xae: {  	[dreg:$0x2] =	wrdreg s24  }
0xaf: {  	[dreg:$0x3] =	wrdreg $0x96000  }
0xb0: {  	[dreg:$0x4] =	wrdreg $0x9  }
0xb1: {  	_ =	task.clear_ibuf [dreg:s6], $0x5FFFF;
	_ =	strace $0x90000049  }
0xb2: {  	s29 =	simm.s32 $0x9;
	_ =	strace $0x8000004B  }
0xb3: {  	_ =	swait.ge [sflag:s29], $0x1  }
0xb4: {  	[sflag:s29] =	ssyncadd.s32 $0xFFFFFFFF  }
0xb5: {  	_ =	strace $0x9000004B  }
0xb6: {  	_ =	sfence  }
0xb7: {  	s30 =	sld [smem:$0x0];
	_ =	sdelay $0x2  }
0xb8: {  	s31 =	sshll.u32 s1, $0xD;
	s1 =	sshrl.u32 s1, $0x2  }
0xb9: {  	s3 =	sand.u32 $0x4000, s31;
	s1 =	sadd.s32 s1, s30  }
0xba: {  	s0 =	sor.u32 s3, s0;
	s1 =	sshll.u32 s1, $0x11  }
0xbb: {  	s0 =	sor.u32 s1, s0  }
0xbc: {  	s0 =	sadd.s32 $0x8F2B, s0  }
0xbd: {  	[sflag:s0] =	ssyncadd.remote.s32 $0x1  }
0xbe: {  	_ =	sfence.sel $0xFFFF  }
0xbf: {  	[dreg:$0x0] =	wrdreg $0xFFFFFFFF;
	(pc) =	sbr.abs _section_cstart, $3  }
0xc0: {  	[dreg:$0x1] =	wrdreg $0xFFFFFFFF  }
0xc1: {  	_ =	task.clear_ibuf [dreg:s6], $0x2FFFF;
	_ =	strace $0x9FFFFFFF  }
0xc2: {  	(tm) =	ssettm $0x7FFFFFFF  }
0xc3: {  	_ =	shalt  }
tec
execute0_lowered:
.L_overlay_start_1:
0x0: {  	(tag) =	ssettag $0x1  }
0x1: {  	s0 =	srdreg.scid;
	s9 =	stileid.u32  }
0x2: {  	s1 =	rddreg [dreg:$0x0];
	s5 =	smul.u32 $0x2710, s9  }
0x3: {  	s2 =	rddreg [dreg:$0x1];
	s7 =	smul.u32 $0x14000, s9  }
0x4: {  	s3 =	simm.s32 $0x0;
	s0 =	sand.u32 $0x1, s0;
	s9 =	smul.u32 $0x50000, s9  }
0x5: {  	[smem:$0x7FF] =	sst s3;
	s4 =	smul.u32 $0x27100, s0  }
0x6: {  	s10 =	sadd.s32 $0x3000, s1;
	s6 =	smul.u32 $0x140000, s0;
	s0 =	ssub.s32 $0x2, s0  }
0x7: {  	_ =	strace $0x8000004A;
	s14 =	sshrl.u32 s0, $0x1;
	s17 =	sshrl.u32 s9, $0x2  }
0x8: {  	[dreg:$0x3] =	wrdreg s10;
	s0 =	ssub.s32 s0, s14;
	s14 =	sadd.s32 s17, s2  }
0x9: {  	s20 =	sadd.s32 $0x800, s14;
	[dreg:$0x8] =	wrdreg s14  }
0xa: {  	s5 =	sadd.s32 s5, s4;
	s21 =	sadd.s32 $0x1000, s14;
	[dreg:$0xb] =	wrdreg s20  }
0xb: {  	s4 =	sadd.s32 $0x16C00, s1;
	s22 =	sadd.s32 $0x1800, s14;
	[dreg:$0xc] =	wrdreg s21  }
0xc: {  	s6 =	sadd.s32 s7, s6;
	s23 =	sadd.s32 $0x2000, s14;
	[dreg:$0xd] =	wrdreg s22  }
0xd: {  	s8 =	sshrl.u32 s5, $0x3;
	s24 =	sadd.s32 $0x2800, s14;
	[dreg:$0xe] =	wrdreg s23  }
0xe: {  	s6 =	sshrl.u32 s6, $0x3;
	s25 =	sadd.s32 $0x3000, s14;
	[dreg:$0xf] =	wrdreg s24  }
0xf: {  	s15 =	sadd.s32 $0x28, s5;
	s0 =	smax.u32 s0, $0x1;
	[dreg:$0x10] =	wrdreg s25  }
0x10: {  	s17 =	sadd.s32 $0x4800, s14;
	s13 =	sadd.s32 s8, s1;
	[dreg:$0x12] =	wrdreg s0  }
0x11: {  	s1 =	sadd.s32 s6, s1;
	s8 =	sadd.s32 s10, s8;
	[dreg:$0x1a] =	wrdreg s17  }
0x12: {  	s6 =	sshrl.u32 s15, $0x3;
	s15 =	sadd.s32 $0x3800, s14;
	[dreg:$0x5] =	wrdreg s8  }
0x13: {  	s20 =	sadd.s32 $0x6000, s14;
	[dreg:$0x18] =	wrdreg s15  }
0x14: {  	s21 =	sadd.s32 $0x6800, s14;
	[dreg:$0x1d] =	wrdreg s20  }
0x15: {  	s22 =	sadd.s32 $0x7000, s14;
	[dreg:$0x1e] =	wrdreg s21  }
0x16: {  	s23 =	sadd.s32 $0x7800, s14;
	[dreg:$0x1f] =	wrdreg s22  }
0x17: {  	s24 =	sadd.s32 $0x8000, s14;
	[smem:$0x7E5] =	sst s23  }
0x18: {  	s9 =	sadd.s32 $0xF0, s5;
	s25 =	sadd.s32 $0x8800, s14;
	[smem:$0x7E6] =	sst s24  }
0x19: {  	s12 =	sshrl.u32 s9, $0x3;
	s9 =	sadd.s32 $0xC000, s14;
	[smem:$0x7E7] =	sst s25  }
0x1a: {  	s17 =	sadd.s32 $0xF000, s14;
	[smem:$0x7EE] =	sst s9  }
0x1b: {  	s7 =	sadd.s32 $0xCE00, s13;
	[smem:$0x7F4] =	sst s17  }
0x1c: {  	s6 =	sadd.s32 s10, s6;
	[dreg:$0x4] =	wrdreg s7  }
0x1d: {  	s18 =	sadd.s32 $0xA, s8;
	[dreg:$0x6] =	wrdreg s6  }
0x1e: {  	s19 =	sadd.s32 $0x14, s8;
	[dreg:$0x7] =	wrdreg s18  }
0x1f: {  	s1 =	sadd.s32 $0x3DE00, s1;
	[dreg:$0xa] =	wrdreg s19  }
0x20: {  	s13 =	sadd.s32 $0xC8, s5;
	[dreg:$0x11] =	wrdreg s1  }
0x21: {  	s28 =	simm.s32 $0x6600;
	s15 =	sadd.s32 $0xE000, s14;
	[dreg:$0x17] =	wrdreg s13  }
0x22: {  	s31 =	simm.s32 $0x2980;
	s20 =	sadd.s32 $0x10800, s14;
	[smem:$0x7F2] =	sst s15  }
0x23: {  	s29 =	simm.s32 $0x4;
	s21 =	sadd.s32 $0x11000, s14;
	[smem:$0x7F7] =	sst s20  }
0x24: {  	s30 =	simm.s32 $0x5;
	s22 =	sadd.s32 $0x11800, s14;
	[smem:$0x7F8] =	sst s21  }
0x25: {  	s16 =	sadd.s32 $0x78, s5;
	s23 =	sadd.s32 $0x12000, s14;
	[smem:$0x7F9] =	sst s22  }
0x26: {  	s26 =	sadd.s32 $0x168, s5;
	s24 =	sadd.s32 $0x12800, s14;
	[smem:$0x7FA] =	sst s23  }
0x27: {  	s8 =	sadd.s32 $0x118, s5;
	s25 =	sadd.s32 $0x13000, s14;
	[smem:$0x7FB] =	sst s24  }
0x28: {  	s6 =	sshrl.u32 s16, $0x3;
	s16 =	sadd.s32 $0x4000, s14;
	[smem:$0x7FC] =	sst s25  }
0x29: {  	s17 =	simm.s32 $0x2A00;
	s18 =	sadd.s32 $0x5000, s14;
	[dreg:$0x19] =	wrdreg s16  }
0x2a: {  	s9 =	simm.s32 $0x6;
	s19 =	sadd.s32 $0x5800, s14;
	[dreg:$0x1b] =	wrdreg s18  }
0x2b: {  	s7 =	sadd.s32 $0x140, s5;
	s5 =	sadd.s32 $0xA000, s14;
	[dreg:$0x1c] =	wrdreg s19  }
0x2c: {  	s1 =	sshrl.u32 s8, $0x3;
	s8 =	sadd.s32 $0xB800, s14;
	[smem:$0x7EA] =	sst s5  }
0x2d: {  	s13 =	sadd.s32 $0xD800, s14;
	s15 =	simm.s32 $0x28;
	[smem:$0x7ED] =	sst s8  }
0x2e: {  	s20 =	simm.s32 $0x2880;
	s6 =	sadd.s32 s10, s6;
	[smem:$0x7F1] =	sst s13  }
0x2f: {  	s25 =	simm.s32 $0x5200;
	s11 =	sadd.s32 s1, s10;
	[dreg:$0x9] =	wrdreg s6  }
0x30: {  	s23 =	simm.s32 $0x9;
	s1 =	sadd.s32 $0x9800, s14;
	[dreg:$0x15] =	wrdreg s11  }
0x31: {  	s21 =	simm.s32 $0x3;
	s16 =	sadd.s32 $0xE800, s14;
	[smem:$0x7E9] =	sst s1  }
0x32: {  	s22 =	simm.s32 $0x8;
	s18 =	sadd.s32 $0xF800, s14;
	[smem:$0x7F3] =	sst s16  }
0x33: {  	s19 =	sadd.s32 $0x10000, s14;
	s13 =	simm.s32 $0xC;
	[smem:$0x7F5] =	sst s18  }
0x34: {  	s6 =	sshrl.u32 s26, $0x3;
	s26 =	sadd.s32 $0x9000, s14;
	[smem:$0x7F6] =	sst s19  }
0x35: {  	s8 =	simm.s32 $0x6;
	s11 =	sadd.s32 $0xC800, s14;
	[smem:$0x7E8] =	sst s26  }
0x36: {  	s16 =	simm.s32 $0x2780;
	s0 =	sadd.s32 s6, s10;
	[smem:$0x7EF] =	sst s11  }
0x37: {  	s18 =	simm.s32 $0x2800;
	s6 =	sadd.s32 $0xA800, s14;
	[dreg:$0x13] =	wrdreg s0  }
0x38: {  	s19 =	simm.s32 $0x3E00;
	s26 =	sadd.s32 $0x13800, s14;
	[smem:$0x7EB] =	sst s6  }
0x39: {  	s0 =	sshrl.u32 s7, $0x3;
	s7 =	sadd.s32 $0xB000, s14;
	[smem:$0x7FD] =	sst s26  }
0x3a: {  	s1 =	simm.s32 $0x0;
	s0 =	sadd.s32 s0, s10;
	[smem:$0x7EC] =	sst s7  }
0x3b: {  	s26 =	simm.s32 $0x2900;
	[dreg:$0x14] =	wrdreg s0;
	s0 =	sadd.s32 s12, s10  }
0x3c: {  	s6 =	simm.s32 $0x1;
	s12 =	sadd.s32 $0xD000, s14;
	[dreg:$0x16] =	wrdreg s0  }
0x3d: {  	v0 =	vimm.f32 $0.0e+00;
	[smem:$0x7F0] =	sst s12;
	s0 =	simm.s32 $0x7A00;
	s12 =	simm.s32 $0x2780  }
.LBB2_1:
0x3e: {  	[smem:$0x7E4] =	sst s1  }
0x3f: {  	s5 =	rddreg [dreg:$0x4]  }
0x40: {  	[tilespmem:s3], [sflag:$0xC] =	stream.linear.gather [hbm4b:s5+s3], $0x2710, $0x38;
	[tilespmem:$0x1D600] =	vst v63  }
0x41: {  	_ =	swait.ge [sflag:s13], $0x2710  }
0x42: {  	[sflag:s13] =	ssyncset.done $0x0  }
0x43: {  	s1 =	rddreg [dreg:$0x5];
	[sflag:s13] =	ssyncadd.s32 $0xFFFFD8F0  }
0x44: {  	[tilespmem:s16], [sflag:$0x1] =	stream.linear.gather [hbm4b:s1+s3], $0x28, $0x38;
	[tilespmem:$0x1D600] =	vst v63  }
0x45: {  	_ = 	snop  }
0x46: {  	[tilespmem:s17], [sflag:$0x6] =	stream.indirect.gather [hbm4b:s4+s15], $0x80, s3, s15, $0xb8;
	[tilespmem:$0x1D600] =	vst v63  }
0x47: {  	s7 =	rddreg [dreg:$0x6]  }
0x48: {  	[tilespmem:s18], [sflag:$0x2] =	stream.linear.gather [hbm4b:s7+s3], $0x28, $0x38;
	[tilespmem:$0x1D600] =	vst v63  }
0x49: {  	_ = 	snop  }
0x4a: {  	[tilespmem:s19], [sflag:$0x7] =	stream.indirect.gather [hbm4b:s4+s15], $0x80, s15, s15, $0xb8;
	[tilespmem:$0x1D600] =	vst v63  }
0x4b: {  	s11 =	rddreg [dreg:$0x7]  }
0x4c: {  	[tilespmem:s20], [sflag:$0x3] =	stream.linear.gather [hbm4b:s11+s3], $0x28, $0x38;
	[tilespmem:$0x1D600] =	vst v63  }
0x4d: {  	s24 =	simm.s32 $0x50  }
0x4e: {  	[tilespmem:s25], [sflag:$0x8] =	stream.indirect.gather [hbm4b:s4+s15], $0x80, s24, s15, $0xb8;
	[tilespmem:$0x1D600] =	vst v63  }
0x4f: {  	s1 =	rddreg [dreg:$0x9]  }
0x50: {  	[tilespmem:s26], [sflag:$0x4] =	stream.linear.gather [hbm4b:s1+s3], $0x28, $0x38;
	[tilespmem:$0x1D600] =	vst v63  }
0x51: {  	s7 =	simm.s32 $0x78  }
0x52: {  	[tilespmem:s28], [sflag:$0x9] =	stream.indirect.gather [hbm4b:s4+s15], $0x80, s7, s15, $0xb8;
	[tilespmem:$0x1D600] =	vst v63  }
0x53: {  	s11 =	rddreg [dreg:$0xa]  }
0x54: {  	[tilespmem:s31], [sflag:$0x5] =	stream.linear.gather [hbm4b:s11+s3], $0x28, $0x38;
	[tilespmem:$0x1D600] =	vst v63  }
0x55: {  	s5 =	simm.s32 $0x0;
	s24 =	simm.s32 $0xA0;
	s7 =	simm.s32 $0x200  }
0x56: {  	[tilespmem:s0], [sflag:$0xA] =	stream.indirect.gather [hbm4b:s4+s15], $0x80, s24, s15, $0xb8;
	[tilespmem:$0x1D600] =	vst v63  }
.LBB2_2:
0x57: {  	p0 =	sne.s32 s7, $0x1E00;
	[tilespmem:s5+$0x8E70] =	vst v0  }
0x58: {  	[tilespmem:s5+$0x8E00] =	vst v0  }
0x59: {  	[tilespmem:s5+$0x8E10] =	vst v0  }
.Ltmp0:
0x5a: {  	[tilespmem:s5+$0x8E20] =	vst v0;
	(pc) =	sbr.rel @p0 .LBB2_2-.Ltmp0, $4  }
0x5b: {  	[tilespmem:s5+$0x8E30] =	vst v0  }
0x5c: {  	[tilespmem:s5+$0x8E40] =	vst v0  }
0x5d: {  	[tilespmem:s5+$0x8E50] =	vst v0  }
0x5e: {  	[tilespmem:s5+$0x8E60] =	vst v0;
	s5 =	sshra.s32 s7, $0x2;
	s7 =	sadd.s32 $0x200, s7  }
0x5f: {  	[tilespmem:s5+$0x8E70] =	vst v0  }
0x60: {  	[tilespmem:s5+$0x8E00] =	vst v0  }
0x61: {  	[tilespmem:s5+$0x8E10] =	vst v0  }
0x62: {  	[tilespmem:s5+$0x8E20] =	vst v0  }
0x63: {  	[tilespmem:s5+$0x8E30] =	vst v0  }
0x64: {  	[tilespmem:s5+$0x8E40] =	vst v0  }
0x65: {  	[tilespmem:s5+$0x8E50] =	vst v0  }
0x66: {  	[tilespmem:s5+$0x8E60] =	vst v0;
	s1 =	simm.s32 $0x8E00;
	s11 =	rddreg [dreg:$0xb]  }
0x67: {  	[spmem:s14] =	stream.linear.scatter [tilespmem:s1], [sflag:$0xB], $0x800, $0x38;
	[tilespmem:$0x1D600] =	vst v63  }
0x68: {  	s24 =	rddreg [dreg:$0xd]  }
0x69: {  	[spmem:s11] =	stream.linear.scatter [tilespmem:s1], [sflag:$0xB], $0x800, $0x38;
	[tilespmem:$0x1D600] =	vst v63  }
0x6a: {  	s14 =	rddreg [dreg:$0xc]  }
0x6b: {  	[spmem:s14] =	stream.linear.scatter [tilespmem:s1], [sflag:$0xB], $0x800, $0x38;
	[tilespmem:$0x1D600] =	vst v63  }
0x6c: {  	s7 =	rddreg [dreg:$0xe]  }
0x6d: {  	[spmem:s24] =	stream.linear.scatter [tilespmem:s1], [sflag:$0xB], $0x800, $0x38;
	[tilespmem:$0x1D600] =	vst v63  }
0x6e: {  	s11 =	rddreg [dreg:$0xf]  }
0x6f: {  	[spmem:s7] =	stream.linear.scatter [tilespmem:s1], [sflag:$0xB], $0x800, $0x38;
	[tilespmem:$0x1D600] =	vst v63  }
0x70: {  	s14 =	rddreg [dreg:$0x10]  }
0x71: {  	[spmem:s11] =	stream.linear.scatter [tilespmem:s1], [sflag:$0xB], $0x800, $0x38;
	[tilespmem:$0x1D600] =	vst v63  }
0x72: {  	s24 =	rddreg [dreg:$0x18]  }
0x73: {  	[spmem:s14] =	stream.linear.scatter [tilespmem:s1], [sflag:$0xB], $0x800, $0x38;
	[tilespmem:$0x1D600] =	vst v63  }
0x74: {  	s7 =	rddreg [dreg:$0x19]  }
0x75: {  	[spmem:s24] =	stream.linear.scatter [tilespmem:s1], [sflag:$0xB], $0x800, $0x38;
	[tilespmem:$0x1D600] =	vst v63  }
0x76: {  	s11 =	rddreg [dreg:$0x1a]  }
0x77: {  	[spmem:s7] =	stream.linear.scatter [tilespmem:s1], [sflag:$0xB], $0x800, $0x38;
	[tilespmem:$0x1D600] =	vst v63  }
0x78: {  	s14 =	rddreg [dreg:$0x1b]  }
0x79: {  	[spmem:s11] =	stream.linear.scatter [tilespmem:s1], [sflag:$0xB], $0x800, $0x38;
	[tilespmem:$0x1D600] =	vst v63  }
0x7a: {  	s24 =	rddreg [dreg:$0x1c]  }
0x7b: {  	[spmem:s14] =	stream.linear.scatter [tilespmem:s1], [sflag:$0xB], $0x800, $0x38;
	[tilespmem:$0x1D600] =	vst v63  }
0x7c: {  	s7 =	rddreg [dreg:$0x1d]  }
0x7d: {  	[spmem:s24] =	stream.linear.scatter [tilespmem:s1], [sflag:$0xB], $0x800, $0x38;
	[tilespmem:$0x1D600] =	vst v63  }
0x7e: {  	s11 =	rddreg [dreg:$0x1e]  }
0x7f: {  	[spmem:s7] =	stream.linear.scatter [tilespmem:s1], [sflag:$0xB], $0x800, $0x38;
	[tilespmem:$0x1D600] =	vst v63  }
0x80: {  	s14 =	rddreg [dreg:$0x1f]  }
0x81: {  	[spmem:s11] =	stream.linear.scatter [tilespmem:s1], [sflag:$0xB], $0x800, $0x38;
	[tilespmem:$0x1D600] =	vst v63  }
0x82: {  	s24 =	sld [smem:$0x7E5]  }
0x83: {  	[spmem:s14] =	stream.linear.scatter [tilespmem:s1], [sflag:$0xB], $0x800, $0x38;
	[tilespmem:$0x1D600] =	vst v63  }
0x84: {  	s7 =	sld [smem:$0x7E6]  }
0x85: {  	[spmem:s24] =	stream.linear.scatter [tilespmem:s1], [sflag:$0xB], $0x800, $0x38;
	[tilespmem:$0x1D600] =	vst v63  }
0x86: {  	s11 =	sld [smem:$0x7E7]  }
0x87: {  	[spmem:s7] =	stream.linear.scatter [tilespmem:s1], [sflag:$0xB], $0x800, $0x38;
	[tilespmem:$0x1D600] =	vst v63  }
0x88: {  	s14 =	sld [smem:$0x7E8]  }
0x89: {  	[spmem:s11] =	stream.linear.scatter [tilespmem:s1], [sflag:$0xB], $0x800, $0x38;
	[tilespmem:$0x1D600] =	vst v63  }
0x8a: {  	s24 =	sld [smem:$0x7E9]  }
0x8b: {  	[spmem:s14] =	stream.linear.scatter [tilespmem:s1], [sflag:$0xB], $0x800, $0x38;
	[tilespmem:$0x1D600] =	vst v63  }
0x8c: {  	s7 =	sld [smem:$0x7EA]  }
0x8d: {  	[spmem:s24] =	stream.linear.scatter [tilespmem:s1], [sflag:$0xB], $0x800, $0x38;
	[tilespmem:$0x1D600] =	vst v63  }
0x8e: {  	s11 =	sld [smem:$0x7EB]  }
0x8f: {  	[spmem:s7] =	stream.linear.scatter [tilespmem:s1], [sflag:$0xB], $0x800, $0x38;
	[tilespmem:$0x1D600] =	vst v63  }
0x90: {  	s14 =	sld [smem:$0x7EC]  }
0x91: {  	[spmem:s11] =	stream.linear.scatter [tilespmem:s1], [sflag:$0xB], $0x800, $0x38;
	[tilespmem:$0x1D600] =	vst v63  }
0x92: {  	s24 =	sld [smem:$0x7ED]  }
0x93: {  	[spmem:s14] =	stream.linear.scatter [tilespmem:s1], [sflag:$0xB], $0x800, $0x38;
	[tilespmem:$0x1D600] =	vst v63  }
0x94: {  	s7 =	sld [smem:$0x7EE]  }
0x95: {  	[spmem:s24] =	stream.linear.scatter [tilespmem:s1], [sflag:$0xB], $0x800, $0x38;
	[tilespmem:$0x1D600] =	vst v63  }
0x96: {  	s11 =	sld [smem:$0x7EF]  }
0x97: {  	[spmem:s7] =	stream.linear.scatter [tilespmem:s1], [sflag:$0xB], $0x800, $0x38;
	[tilespmem:$0x1D600] =	vst v63  }
0x98: {  	s14 =	sld [smem:$0x7F0]  }
0x99: {  	[spmem:s11] =	stream.linear.scatter [tilespmem:s1], [sflag:$0xB], $0x800, $0x38;
	[tilespmem:$0x1D600] =	vst v63  }
0x9a: {  	s24 =	sld [smem:$0x7F1]  }
0x9b: {  	[spmem:s14] =	stream.linear.scatter [tilespmem:s1], [sflag:$0xB], $0x800, $0x38;
	[tilespmem:$0x1D600] =	vst v63  }
0x9c: {  	s7 =	sld [smem:$0x7F2]  }
0x9d: {  	[spmem:s24] =	stream.linear.scatter [tilespmem:s1], [sflag:$0xB], $0x800, $0x38;
	[tilespmem:$0x1D600] =	vst v63  }
0x9e: {  	s11 =	sld [smem:$0x7F3]  }
0x9f: {  	[spmem:s7] =	stream.linear.scatter [tilespmem:s1], [sflag:$0xB], $0x800, $0x38;
	[tilespmem:$0x1D600] =	vst v63  }
0xa0: {  	s14 =	sld [smem:$0x7F4]  }
0xa1: {  	[spmem:s11] =	stream.linear.scatter [tilespmem:s1], [sflag:$0xB], $0x800, $0x38;
	[tilespmem:$0x1D600] =	vst v63  }
0xa2: {  	s24 =	sld [smem:$0x7F5]  }
0xa3: {  	[spmem:s14] =	stream.linear.scatter [tilespmem:s1], [sflag:$0xB], $0x800, $0x38;
	[tilespmem:$0x1D600] =	vst v63  }
0xa4: {  	s7 =	sld [smem:$0x7F6]  }
0xa5: {  	[spmem:s24] =	stream.linear.scatter [tilespmem:s1], [sflag:$0xB], $0x800, $0x38;
	[tilespmem:$0x1D600] =	vst v63  }
0xa6: {  	s11 =	sld [smem:$0x7F7]  }
0xa7: {  	[spmem:s7] =	stream.linear.scatter [tilespmem:s1], [sflag:$0xB], $0x800, $0x38;
	[tilespmem:$0x1D600] =	vst v63  }
0xa8: {  	s14 =	sld [smem:$0x7F8]  }
0xa9: {  	[spmem:s11] =	stream.linear.scatter [tilespmem:s1], [sflag:$0xB], $0x800, $0x38;
	[tilespmem:$0x1D600] =	vst v63  }
0xaa: {  	s24 =	sld [smem:$0x7F9]  }
0xab: {  	[spmem:s14] =	stream.linear.scatter [tilespmem:s1], [sflag:$0xB], $0x800, $0x38;
	[tilespmem:$0x1D600] =	vst v63  }
0xac: {  	s7 =	sld [smem:$0x7FA]  }
0xad: {  	[spmem:s24] =	stream.linear.scatter [tilespmem:s1], [sflag:$0xB], $0x800, $0x38;
	[tilespmem:$0x1D600] =	vst v63  }
0xae: {  	s11 =	sld [smem:$0x7FB]  }
0xaf: {  	[spmem:s7] =	stream.linear.scatter [tilespmem:s1], [sflag:$0xB], $0x800, $0x38;
	[tilespmem:$0x1D600] =	vst v63  }
0xb0: {  	s14 =	sld [smem:$0x7FC]  }
0xb1: {  	[spmem:s11] =	stream.linear.scatter [tilespmem:s1], [sflag:$0xB], $0x800, $0x38;
	[tilespmem:$0x1D600] =	vst v63  }
0xb2: {  	s24 =	sld [smem:$0x7FD]  }
0xb3: {  	[spmem:s14] =	stream.linear.scatter [tilespmem:s1], [sflag:$0xB], $0x800, $0x38;
	[tilespmem:$0x1D600] =	vst v63  }
0xb4: {  	s5 =	simm.s32 $0xB  }
0xb5: {  	[spmem:s24] =	stream.linear.scatter [tilespmem:s1], [sflag:$0xB], $0x800, $0x38;
	[tilespmem:$0x1D600] =	vst v63  }
0xb6: {  	_ =	swait.ge [sflag:s5], $0x800  }
0xb7: {  	[sflag:s5] =	ssyncset.done $0x0  }
0xb8: {  	[sflag:s5] =	ssyncadd.s32 $0xFFFFF800  }
0xb9: {  	_ =	swait.ge [sflag:s5], $0x800  }
0xba: {  	[sflag:s5] =	ssyncset.done $0x0  }
0xbb: {  	[sflag:s5] =	ssyncadd.s32 $0xFFFFF800  }
0xbc: {  	_ =	swait.ge [sflag:s5], $0x800  }
0xbd: {  	[sflag:s5] =	ssyncset.done $0x0  }
0xbe: {  	[sflag:s5] =	ssyncadd.s32 $0xFFFFF800  }
0xbf: {  	_ =	swait.ge [sflag:s5], $0x800  }
0xc0: {  	[sflag:s5] =	ssyncset.done $0x0  }
0xc1: {  	[sflag:s5] =	ssyncadd.s32 $0xFFFFF800  }
0xc2: {  	_ =	swait.ge [sflag:s5], $0x800  }
0xc3: {  	[sflag:s5] =	ssyncset.done $0x0  }
0xc4: {  	[sflag:s5] =	ssyncadd.s32 $0xFFFFF800  }
0xc5: {  	_ =	swait.ge [sflag:s5], $0x800  }
0xc6: {  	[sflag:s5] =	ssyncset.done $0x0  }
0xc7: {  	[sflag:s5] =	ssyncadd.s32 $0xFFFFF800  }
0xc8: {  	_ =	swait.ge [sflag:s5], $0x800  }
0xc9: {  	[sflag:s5] =	ssyncset.done $0x0  }
0xca: {  	[sflag:s5] =	ssyncadd.s32 $0xFFFFF800  }
0xcb: {  	_ =	swait.ge [sflag:s5], $0x800  }
0xcc: {  	[sflag:s5] =	ssyncset.done $0x0  }
0xcd: {  	[sflag:s5] =	ssyncadd.s32 $0xFFFFF800  }
0xce: {  	_ =	swait.ge [sflag:s5], $0x800  }
0xcf: {  	[sflag:s5] =	ssyncset.done $0x0  }
0xd0: {  	[sflag:s5] =	ssyncadd.s32 $0xFFFFF800  }
0xd1: {  	_ =	swait.ge [sflag:s5], $0x800  }
0xd2: {  	[sflag:s5] =	ssyncset.done $0x0  }
0xd3: {  	[sflag:s5] =	ssyncadd.s32 $0xFFFFF800  }
0xd4: {  	_ =	swait.ge [sflag:s5], $0x800  }
0xd5: {  	[sflag:s5] =	ssyncset.done $0x0  }
0xd6: {  	[sflag:s5] =	ssyncadd.s32 $0xFFFFF800  }
0xd7: {  	_ =	swait.ge [sflag:s5], $0x800  }
0xd8: {  	[sflag:s5] =	ssyncset.done $0x0  }
0xd9: {  	[sflag:s5] =	ssyncadd.s32 $0xFFFFF800  }
0xda: {  	_ =	swait.ge [sflag:s5], $0x800  }
0xdb: {  	[sflag:s5] =	ssyncset.done $0x0  }
0xdc: {  	[sflag:s5] =	ssyncadd.s32 $0xFFFFF800  }
0xdd: {  	_ =	swait.ge [sflag:s5], $0x800  }
0xde: {  	[sflag:s5] =	ssyncset.done $0x0  }
0xdf: {  	[sflag:s5] =	ssyncadd.s32 $0xFFFFF800  }
0xe0: {  	_ =	swait.ge [sflag:s5], $0x800  }
0xe1: {  	[sflag:s5] =	ssyncset.done $0x0  }
0xe2: {  	[sflag:s5] =	ssyncadd.s32 $0xFFFFF800  }
0xe3: {  	_ =	swait.ge [sflag:s5], $0x800  }
0xe4: {  	[sflag:s5] =	ssyncset.done $0x0  }
0xe5: {  	[sflag:s5] =	ssyncadd.s32 $0xFFFFF800  }
0xe6: {  	_ =	swait.ge [sflag:s5], $0x800  }
0xe7: {  	[sflag:s5] =	ssyncset.done $0x0  }
0xe8: {  	[sflag:s5] =	ssyncadd.s32 $0xFFFFF800  }
0xe9: {  	_ =	swait.ge [sflag:s5], $0x800  }
0xea: {  	[sflag:s5] =	ssyncset.done $0x0  }
0xeb: {  	[sflag:s5] =	ssyncadd.s32 $0xFFFFF800  }
0xec: {  	_ =	swait.ge [sflag:s5], $0x800  }
0xed: {  	[sflag:s5] =	ssyncset.done $0x0  }
0xee: {  	[sflag:s5] =	ssyncadd.s32 $0xFFFFF800  }
0xef: {  	_ =	swait.ge [sflag:s5], $0x800  }
0xf0: {  	[sflag:s5] =	ssyncset.done $0x0  }
0xf1: {  	[sflag:s5] =	ssyncadd.s32 $0xFFFFF800  }
0xf2: {  	_ =	swait.ge [sflag:s5], $0x800  }
0xf3: {  	[sflag:s5] =	ssyncset.done $0x0  }
0xf4: {  	[sflag:s5] =	ssyncadd.s32 $0xFFFFF800  }
0xf5: {  	_ =	swait.ge [sflag:s5], $0x800  }
0xf6: {  	[sflag:s5] =	ssyncset.done $0x0  }
0xf7: {  	[sflag:s5] =	ssyncadd.s32 $0xFFFFF800  }
0xf8: {  	_ =	swait.ge [sflag:s5], $0x800  }
0xf9: {  	[sflag:s5] =	ssyncset.done $0x0  }
0xfa: {  	[sflag:s5] =	ssyncadd.s32 $0xFFFFF800  }
0xfb: {  	_ =	swait.ge [sflag:s5], $0x800  }
0xfc: {  	[sflag:s5] =	ssyncset.done $0x0  }
0xfd: {  	[sflag:s5] =	ssyncadd.s32 $0xFFFFF800  }
0xfe: {  	_ =	swait.ge [sflag:s5], $0x800  }
0xff: {  	[sflag:s5] =	ssyncset.done $0x0  }
0x100: {  	[sflag:s5] =	ssyncadd.s32 $0xFFFFF800  }
0x101: {  	_ =	swait.ge [sflag:s5], $0x800  }
0x102: {  	[sflag:s5] =	ssyncset.done $0x0  }
0x103: {  	[sflag:s5] =	ssyncadd.s32 $0xFFFFF800  }
0x104: {  	_ =	swait.ge [sflag:s5], $0x800  }
0x105: {  	[sflag:s5] =	ssyncset.done $0x0  }
0x106: {  	[sflag:s5] =	ssyncadd.s32 $0xFFFFF800  }
0x107: {  	_ =	swait.ge [sflag:s5], $0x800  }
0x108: {  	[sflag:s5] =	ssyncset.done $0x0  }
0x109: {  	[sflag:s5] =	ssyncadd.s32 $0xFFFFF800  }
0x10a: {  	_ =	swait.ge [sflag:s5], $0x800  }
0x10b: {  	[sflag:s5] =	ssyncset.done $0x0  }
0x10c: {  	[sflag:s5] =	ssyncadd.s32 $0xFFFFF800  }
0x10d: {  	_ =	swait.ge [sflag:s5], $0x800  }
0x10e: {  	[sflag:s5] =	ssyncset.done $0x0  }
0x10f: {  	[sflag:s5] =	ssyncadd.s32 $0xFFFFF800  }
0x110: {  	_ =	swait.ge [sflag:s5], $0x800  }
0x111: {  	[sflag:s5] =	ssyncset.done $0x0  }
0x112: {  	[sflag:s5] =	ssyncadd.s32 $0xFFFFF800  }
0x113: {  	_ =	swait.ge [sflag:s5], $0x800  }
0x114: {  	[sflag:s5] =	ssyncset.done $0x0  }
0x115: {  	[sflag:s5] =	ssyncadd.s32 $0xFFFFF800  }
0x116: {  	_ =	swait.ge [sflag:s5], $0x800  }
0x117: {  	[sflag:s5] =	ssyncset.done $0x0  }
0x118: {  	[sflag:s5] =	ssyncadd.s32 $0xFFFFF800  }
0x119: {  	_ =	swait.ge [sflag:s5], $0x800  }
0x11a: {  	[sflag:s5] =	ssyncset.done $0x0  }
0x11b: {  	[sflag:s5] =	ssyncadd.s32 $0xFFFFF800  }
0x11c: {  	_ =	swait.ge [sflag:s5], $0x800  }
0x11d: {  	[sflag:s5] =	ssyncset.done $0x0  }
0x11e: {  	[sflag:s5] =	ssyncadd.s32 $0xFFFFF800  }
0x11f: {  	_ =	swait.ge [sflag:s5], $0x800  }
0x120: {  	[sflag:s5] =	ssyncset.done $0x0  }
0x121: {  	[sflag:s5] =	ssyncadd.s32 $0xFFFFF800  }
0x122: {  	_ =	swait.ge [sflag:s5], $0x800  }
0x123: {  	[sflag:s5] =	ssyncset.done $0x0  }
0x124: {  	[sflag:s5] =	ssyncadd.s32 $0xFFFFF800  }
0x125: {  	_ =	swait.ge [sflag:s5], $0x800  }
0x126: {  	[sflag:s5] =	ssyncset.done $0x0  }
0x127: {  	[sflag:s5] =	ssyncadd.s32 $0xFFFFF800  }
0x128: {  	_ =	swait.ge [sflag:s5], $0x800  }
0x129: {  	[sflag:s5] =	ssyncset.done $0x0  }
0x12a: {  	[sflag:s5] =	ssyncadd.s32 $0xFFFFF800  }
0x12b: {  	_ =	swait.ge [sflag:s5], $0x800  }
0x12c: {  	[sflag:s5] =	ssyncset.done $0x0  }
0x12d: {  	[sflag:s5] =	ssyncadd.s32 $0xFFFFF800  }
0x12e: {  	[bflag:$0x0] =	sbarrier.arrive $0xFFFF  }
0x12f: {  	_ =	swait.ge [sflag:s6], $0x28  }
0x130: {  	[sflag:s6] =	ssyncset.done $0x0  }
0x131: {  	[sflag:s6] =	ssyncadd.s32 $0xFFFFFFD8  }
0x132: {  	_ =	swait.ge [sflag:s8], $0x1400  }
0x133: {  	[sflag:s8] =	ssyncset.done $0x0  }
0x134: {  	[sflag:s8] =	ssyncadd.s32 $0xFFFFEC00  }
0x135: {  	[spmem:s2] =	stream.indirect.scatter.add.f32 [tilespmem:s17], [sflag:$0xC], $0x80, s16, s15, $0xb8;
	[tilespmem:$0x1D600] =	vst v63  }
0x136: {  	_ =	swait.ge [sflag:s13], $0x1400  }
0x137: {  	s24 =	rddreg [dreg:$0x17]  }
0x138: {  	[sflag:s13] =	ssyncset.done $0x0;
	s7 =	sshrl.u32 s24, $0x3  }
0x139: {  	[sflag:s13] =	ssyncadd.s32 $0xFFFFEC00;
	s5 =	sadd.s32 s10, s7  }
0x13a: {  	[tilespmem:s16], [sflag:$0x1] =	stream.linear.gather [hbm4b:s5+s3], $0x28, $0x38;
	[tilespmem:$0x1D600] =	vst v63  }
0x13b: {  	s11 =	simm.s32 $0x2;
	s10 =	simm.s32 $0xC8  }
0x13c: {  	[tilespmem:s17], [sflag:$0x6] =	stream.indirect.gather [hbm4b:s4+s15], $0x80, s10, s15, $0xb8;
	[tilespmem:$0x1D600] =	vst v63  }
0x13d: {  	_ =	swait.ge [sflag:s11], $0x28  }
0x13e: {  	[sflag:s11] =	ssyncset.done $0x0  }
0x13f: {  	s14 =	simm.s32 $0x7;
	[sflag:s11] =	ssyncadd.s32 $0xFFFFFFD8  }
0x140: {  	_ =	swait.ge [sflag:s14], $0x1400  }
0x141: {  	[sflag:s14] =	ssyncset.done $0x0  }
0x142: {  	[sflag:s14] =	ssyncadd.s32 $0xFFFFEC00  }
0x143: {  	[spmem:s2] =	stream.indirect.scatter.add.f32 [tilespmem:s19], [sflag:$0xC], $0x80, s18, s15, $0xb8;
	[tilespmem:$0x1D600] =	vst v63  }
0x144: {  	_ =	swait.ge [sflag:s13], $0x1400  }
0x145: {  	[sflag:s13] =	ssyncset.done $0x0  }
0x146: {  	s16 =	rddreg [dreg:$0x16];
	[sflag:s13] =	ssyncadd.s32 $0xFFFFEC00  }
0x147: {  	[tilespmem:s18], [sflag:$0x2] =	stream.linear.gather [hbm4b:s16+s3], $0x28, $0x38;
	[tilespmem:$0x1D600] =	vst v63  }
0x148: {  	s18 =	simm.s32 $0xF0  }
0x149: {  	[tilespmem:s19], [sflag:$0x7] =	stream.indirect.gather [hbm4b:s4+s15], $0x80, s18, s15, $0xb8;
	[tilespmem:$0x1D600] =	vst v63  }
0x14a: {  	_ =	swait.ge [sflag:s21], $0x28  }
0x14b: {  	[sflag:s21] =	ssyncset.done $0x0  }
0x14c: {  	[sflag:s21] =	ssyncadd.s32 $0xFFFFFFD8  }
0x14d: {  	_ =	swait.ge [sflag:s22], $0x1400  }
0x14e: {  	[sflag:s22] =	ssyncset.done $0x0  }
0x14f: {  	[sflag:s22] =	ssyncadd.s32 $0xFFFFEC00  }
0x150: {  	[spmem:s2] =	stream.indirect.scatter.add.f32 [tilespmem:s25], [sflag:$0xC], $0x80, s20, s15, $0xb8;
	[tilespmem:$0x1D600] =	vst v63  }
0x151: {  	_ =	swait.ge [sflag:s13], $0x1400  }
0x152: {  	[sflag:s13] =	ssyncset.done $0x0  }
0x153: {  	s7 =	rddreg [dreg:$0x15];
	[sflag:s13] =	ssyncadd.s32 $0xFFFFEC00  }
0x154: {  	[tilespmem:s20], [sflag:$0x3] =	stream.linear.gather [hbm4b:s7+s3], $0x28, $0x38;
	[tilespmem:$0x1D600] =	vst v63  }
0x155: {  	s19 =	simm.s32 $0x118  }
0x156: {  	[tilespmem:s25], [sflag:$0x8] =	stream.indirect.gather [hbm4b:s4+s15], $0x80, s19, s15, $0xb8;
	[tilespmem:$0x1D600] =	vst v63  }
0x157: {  	_ =	swait.ge [sflag:s29], $0x28  }
0x158: {  	[sflag:s29] =	ssyncset.done $0x0  }
0x159: {  	[sflag:s29] =	ssyncadd.s32 $0xFFFFFFD8  }
0x15a: {  	_ =	swait.ge [sflag:s23], $0x1400  }
0x15b: {  	[sflag:s23] =	ssyncset.done $0x0  }
0x15c: {  	[sflag:s23] =	ssyncadd.s32 $0xFFFFEC00  }
0x15d: {  	[spmem:s2] =	stream.indirect.scatter.add.f32 [tilespmem:s28], [sflag:$0xC], $0x80, s26, s15, $0xb8;
	[tilespmem:$0x1D600] =	vst v63  }
0x15e: {  	_ =	swait.ge [sflag:s13], $0x1400  }
0x15f: {  	[sflag:s13] =	ssyncset.done $0x0  }
0x160: {  	s20 =	rddreg [dreg:$0x14];
	[sflag:s13] =	ssyncadd.s32 $0xFFFFEC00  }
0x161: {  	[tilespmem:s26], [sflag:$0x4] =	stream.linear.gather [hbm4b:s20+s3], $0x28, $0x38;
	[tilespmem:$0x1D600] =	vst v63  }
0x162: {  	s26 =	simm.s32 $0x140  }
0x163: {  	[tilespmem:s28], [sflag:$0x9] =	stream.indirect.gather [hbm4b:s4+s15], $0x80, s26, s15, $0xb8;
	[tilespmem:$0x1D600] =	vst v63  }
0x164: {  	_ =	swait.ge [sflag:s30], $0x28  }
0x165: {  	[sflag:s30] =	ssyncset.done $0x0  }
0x166: {  	[sflag:s30] =	ssyncadd.s32 $0xFFFFFFD8;
	s30 =	simm.s32 $0xA  }
0x167: {  	_ =	swait.ge [sflag:s30], $0x1400  }
0x168: {  	s8 =	simm.s32 $0x1;
	s17 =	simm.s32 $0x0;
	[sflag:s30] =	ssyncset.done $0x0  }
0x169: {  	s10 =	sadd.s32 $0xC8, s24;
	s14 =	simm.s32 $0x168;
	[sflag:s30] =	ssyncadd.s32 $0xFFFFEC00  }
0x16a: {  	[spmem:s2] =	stream.indirect.scatter.add.f32 [tilespmem:s0], [sflag:$0xC], $0x80, s31, s15, $0xb8;
	[tilespmem:$0x1D600] =	vst v63  }
0x16b: {  	s24 =	sadd.s32 $0x19, s7;
	s7 =	sadd.s32 $0x19, s16;
	_ =	swait.ge [sflag:s13], $0x1400  }
0x16c: {  	s25 =	simm.s32 $0x320;
	s23 =	simm.s32 $0x4;
	[sflag:s13] =	ssyncset.done $0x0  }
0x16d: {  	s5 =	sadd.s32 $0x19, s20;
	s29 =	rddreg [dreg:$0x13];
	[sflag:s13] =	ssyncadd.s32 $0xFFFFEC00  }
0x16e: {  	[tilespmem:s31], [sflag:$0x5] =	stream.linear.gather [hbm4b:s29+s17], $0x28, $0x38;
	[tilespmem:$0x1D600] =	vst v63  }
0x16f: {  	s3 =	simm.s32 $0x9;
	s0 =	simm.s32 $0x5;
	s31 =	sadd.s32 $0x19, s29  }
.LBB2_4:
0x170: {  	s1 =	simm.s32 $0x7A00  }
0x171: {  	[tilespmem:s1], [sflag:$0xA] =	stream.indirect.gather [hbm4b:s4+s15], $0x80, s14, s15, $0xb8;
	[tilespmem:$0x1D600] =	vst v63  }
0x172: {  	_ =	swait.ge [sflag:s8], $0x28  }
0x173: {  	[sflag:s8] =	ssyncset.done $0x0  }
0x174: {  	[sflag:s8] =	ssyncadd.s32 $0xFFFFFFD8  }
0x175: {  	_ =	swait.ge [sflag:s9], $0x1400  }
0x176: {  	[sflag:s9] =	ssyncset.done $0x0  }
0x177: {  	s18 =	simm.s32 $0x2A00;
	s11 =	simm.s32 $0x2780;
	[sflag:s9] =	ssyncadd.s32 $0xFFFFEC00  }
0x178: {  	[spmem:s2] =	stream.indirect.scatter.add.f32 [tilespmem:s18], [sflag:$0xC], $0x80, s11, s15, $0xb8;
	[tilespmem:$0x1D600] =	vst v63  }
0x179: {  	s29 =	smov.u32 s25;
	_ =	swait.ge [sflag:s13], $0x1400  }
0x17a: {  	s16 =	sshrl.u32 s10, $0x3;
	[sflag:s13] =	ssyncset.done $0x0;
	s6 =	rddreg [dreg:$0x3]  }
0x17b: {  	s14 =	sshra.s32 s29, $0x2;
	[sflag:s13] =	ssyncadd.s32 $0xFFFFEC00;
	s16 =	sadd.s32 s6, s16  }
0x17c: {  	[tilespmem:s11], [sflag:$0x1] =	stream.linear.gather [hbm4b:s16+s17], $0x28, $0x38;
	[tilespmem:$0x1D600] =	vst v63  }
0x17d: {  	s6 =	sadd.s32 $0xC8, s14  }
0x17e: {  	[tilespmem:s18], [sflag:$0x6] =	stream.indirect.gather [hbm4b:s4+s15], $0x80, s6, s15, $0xb8;
	[tilespmem:$0x1D600] =	vst v63  }
0x17f: {  	s18 =	simm.s32 $0x2  }
0x180: {  	_ =	swait.ge [sflag:s18], $0x28  }
0x181: {  	[sflag:s18] =	ssyncset.done $0x0  }
0x182: {  	s19 =	simm.s32 $0x7;
	[sflag:s18] =	ssyncadd.s32 $0xFFFFFFD8  }
0x183: {  	_ =	swait.ge [sflag:s19], $0x1400  }
0x184: {  	[sflag:s19] =	ssyncset.done $0x0  }
0x185: {  	s20 =	simm.s32 $0x3E00;
	s26 =	simm.s32 $0x2800;
	[sflag:s19] =	ssyncadd.s32 $0xFFFFEC00  }
0x186: {  	[spmem:s2] =	stream.indirect.scatter.add.f32 [tilespmem:s20], [sflag:$0xC], $0x80, s26, s15, $0xb8;
	[tilespmem:$0x1D600] =	vst v63  }
0x187: {  	_ =	swait.ge [sflag:s13], $0x1400  }
0x188: {  	[sflag:s13] =	ssyncset.done $0x0  }
0x189: {  	[sflag:s13] =	ssyncadd.s32 $0xFFFFEC00  }
0x18a: {  	[tilespmem:s26], [sflag:$0x2] =	stream.linear.gather [hbm4b:s7+s17], $0x28, $0x38;
	[tilespmem:$0x1D600] =	vst v63  }
0x18b: {  	s29 =	sadd.s32 $0xF0, s14  }
0x18c: {  	[tilespmem:s20], [sflag:$0x7] =	stream.indirect.gather [hbm4b:s4+s15], $0x80, s29, s15, $0xb8;
	[tilespmem:$0x1D600] =	vst v63  }
0x18d: {  	_ =	swait.ge [sflag:s21], $0x28  }
0x18e: {  	[sflag:s21] =	ssyncset.done $0x0  }
0x18f: {  	[sflag:s21] =	ssyncadd.s32 $0xFFFFFFD8  }
0x190: {  	_ =	swait.ge [sflag:s22], $0x1400  }
0x191: {  	[sflag:s22] =	ssyncset.done $0x0  }
0x192: {  	s28 =	simm.s32 $0x5200;
	s20 =	simm.s32 $0x2880;
	[sflag:s22] =	ssyncadd.s32 $0xFFFFEC00  }
0x193: {  	[spmem:s2] =	stream.indirect.scatter.add.f32 [tilespmem:s28], [sflag:$0xC], $0x80, s20, s15, $0xb8;
	[tilespmem:$0x1D600] =	vst v63  }
0x194: {  	_ =	swait.ge [sflag:s13], $0x1400  }
0x195: {  	[sflag:s13] =	ssyncset.done $0x0  }
0x196: {  	[sflag:s13] =	ssyncadd.s32 $0xFFFFEC00  }
0x197: {  	[tilespmem:s20], [sflag:$0x3] =	stream.linear.gather [hbm4b:s24+s17], $0x28, $0x38;
	[tilespmem:$0x1D600] =	vst v63  }
0x198: {  	s29 =	sadd.s32 $0x118, s14  }
0x199: {  	[tilespmem:s28], [sflag:$0x8] =	stream.indirect.gather [hbm4b:s4+s15], $0x80, s29, s15, $0xb8;
	[tilespmem:$0x1D600] =	vst v63  }
0x19a: {  	_ =	swait.ge [sflag:s23], $0x28  }
0x19b: {  	[sflag:s23] =	ssyncset.done $0x0  }
0x19c: {  	[sflag:s23] =	ssyncadd.s32 $0xFFFFFFD8  }
0x19d: {  	_ =	swait.ge [sflag:s3], $0x1400  }
0x19e: {  	[sflag:s3] =	ssyncset.done $0x0  }
0x19f: {  	s16 =	simm.s32 $0x2900;
	s29 =	simm.s32 $0x6600;
	[sflag:s3] =	ssyncadd.s32 $0xFFFFEC00  }
0x1a0: {  	[spmem:s2] =	stream.indirect.scatter.add.f32 [tilespmem:s29], [sflag:$0xC], $0x80, s16, s15, $0xb8;
	[tilespmem:$0x1D600] =	vst v63  }
0x1a1: {  	_ =	swait.ge [sflag:s13], $0x1400  }
0x1a2: {  	[sflag:s13] =	ssyncset.done $0x0  }
0x1a3: {  	[sflag:s13] =	ssyncadd.s32 $0xFFFFEC00  }
0x1a4: {  	[tilespmem:s16], [sflag:$0x4] =	stream.linear.gather [hbm4b:s5+s17], $0x28, $0x38;
	[tilespmem:$0x1D600] =	vst v63  }
0x1a5: {  	s16 =	sadd.s32 $0x140, s14  }
0x1a6: {  	[tilespmem:s29], [sflag:$0x9] =	stream.indirect.gather [hbm4b:s4+s15], $0x80, s16, s15, $0xb8;
	[tilespmem:$0x1D600] =	vst v63  }
0x1a7: {  	_ =	swait.ge [sflag:s0], $0x28  }
0x1a8: {  	p0 =	sne.s32 s25, $0x9600;
	[sflag:s0] =	ssyncset.done $0x0  }
0x1a9: {  	s25 =	sadd.s32 $0x320, s25;
	s10 =	sadd.s32 $0xC8, s10;
	[sflag:s0] =	ssyncadd.s32 $0xFFFFFFD8  }
0x1aa: {  	s11 =	simm.s32 $0x2A00;
	s6 =	simm.s32 $0x2900;
	_ =	swait.ge [sflag:s30], $0x1400  }
0x1ab: {  	s18 =	simm.s32 $0x2800;
	s19 =	simm.s32 $0x3E00;
	[sflag:s30] =	ssyncset.done $0x0  }
0x1ac: {  	s26 =	simm.s32 $0x2880;
	s29 =	simm.s32 $0x2980;
	[sflag:s30] =	ssyncadd.s32 $0xFFFFEC00  }
0x1ad: {  	[spmem:s2] =	stream.indirect.scatter.add.f32 [tilespmem:s1], [sflag:$0xC], $0x80, s29, s15, $0xb8;
	[tilespmem:$0x1D600] =	vst v63  }
.Ltmp1:
0x1ae: {  	s7 =	sadd.s32 $0x19, s7;
	_ =	swait.ge [sflag:s13], $0x1400;
	(pc) =	sbr.rel @p0 .LBB2_4-.Ltmp1, $4  }
0x1af: {  	s20 =	simm.s32 $0x5200;
	s24 =	sadd.s32 $0x19, s24;
	[sflag:s13] =	ssyncset.done $0x0  }
0x1b0: {  	s28 =	simm.s32 $0x6600;
	s14 =	sadd.s32 $0x168, s14;
	[sflag:s13] =	ssyncadd.s32 $0xFFFFEC00  }
0x1b1: {  	[tilespmem:s29], [sflag:$0x5] =	stream.linear.gather [hbm4b:s31+s17], $0x28, $0x38;
	[tilespmem:$0x1D600] =	vst v63  }
0x1b2: {  	s5 =	sadd.s32 $0x19, s5;
	s16 =	simm.s32 $0x2980;
	s31 =	sadd.s32 $0x19, s31  }
0x1b3: {  	s1 =	simm.s32 $0x7A00  }
0x1b4: {  	[tilespmem:s1], [sflag:$0xA] =	stream.indirect.gather [hbm4b:s4+s15], $0x80, s14, s15, $0xb8;
	[tilespmem:$0x1D600] =	vst v63  }
0x1b5: {  	_ =	swait.ge [sflag:s8], $0x28  }
0x1b6: {  	[sflag:s8] =	ssyncset.done $0x0  }
0x1b7: {  	[sflag:s8] =	ssyncadd.s32 $0xFFFFFFD8  }
0x1b8: {  	_ =	swait.ge [sflag:s9], $0x1400  }
0x1b9: {  	[sflag:s9] =	ssyncset.done $0x0  }
0x1ba: {  	[sflag:s9] =	ssyncadd.s32 $0xFFFFEC00  }
0x1bb: {  	[spmem:s2] =	stream.indirect.scatter.add.f32 [tilespmem:s11], [sflag:$0xC], $0x80, s12, s15, $0xb8;
	[tilespmem:$0x1D600] =	vst v63  }
0x1bc: {  	_ =	swait.ge [sflag:s13], $0x1400  }
0x1bd: {  	[sflag:s13] =	ssyncset.done $0x0  }
0x1be: {  	s5 =	simm.s32 $0x2;
	[sflag:s13] =	ssyncadd.s32 $0xFFFFEC00  }
0x1bf: {  	_ =	swait.ge [sflag:s5], $0x28  }
0x1c0: {  	[sflag:s5] =	ssyncset.done $0x0  }
0x1c1: {  	s17 =	simm.s32 $0x7;
	[sflag:s5] =	ssyncadd.s32 $0xFFFFFFD8  }
0x1c2: {  	_ =	swait.ge [sflag:s17], $0x1400  }
0x1c3: {  	[sflag:s17] =	ssyncset.done $0x0  }
0x1c4: {  	[sflag:s17] =	ssyncadd.s32 $0xFFFFEC00  }
0x1c5: {  	[spmem:s2] =	stream.indirect.scatter.add.f32 [tilespmem:s19], [sflag:$0xC], $0x80, s18, s15, $0xb8;
	[tilespmem:$0x1D600] =	vst v63  }
0x1c6: {  	_ =	swait.ge [sflag:s13], $0x1400  }
0x1c7: {  	[sflag:s13] =	ssyncset.done $0x0  }
0x1c8: {  	[sflag:s13] =	ssyncadd.s32 $0xFFFFEC00  }
0x1c9: {  	_ =	swait.ge [sflag:s21], $0x28  }
0x1ca: {  	[sflag:s21] =	ssyncset.done $0x0  }
0x1cb: {  	[sflag:s21] =	ssyncadd.s32 $0xFFFFFFD8  }
0x1cc: {  	_ =	swait.ge [sflag:s22], $0x1400  }
0x1cd: {  	[sflag:s22] =	ssyncset.done $0x0  }
0x1ce: {  	[sflag:s22] =	ssyncadd.s32 $0xFFFFEC00  }
0x1cf: {  	[spmem:s2] =	stream.indirect.scatter.add.f32 [tilespmem:s20], [sflag:$0xC], $0x80, s26, s15, $0xb8;
	[tilespmem:$0x1D600] =	vst v63  }
0x1d0: {  	_ =	swait.ge [sflag:s13], $0x1400  }
0x1d1: {  	[sflag:s13] =	ssyncset.done $0x0  }
0x1d2: {  	[sflag:s13] =	ssyncadd.s32 $0xFFFFEC00  }
0x1d3: {  	_ =	swait.ge [sflag:s23], $0x28  }
0x1d4: {  	[sflag:s23] =	ssyncset.done $0x0  }
0x1d5: {  	[sflag:s23] =	ssyncadd.s32 $0xFFFFFFD8  }
0x1d6: {  	_ =	swait.ge [sflag:s3], $0x1400  }
0x1d7: {  	[sflag:s3] =	ssyncset.done $0x0  }
0x1d8: {  	[sflag:s3] =	ssyncadd.s32 $0xFFFFEC00  }
0x1d9: {  	[spmem:s2] =	stream.indirect.scatter.add.f32 [tilespmem:s28], [sflag:$0xC], $0x80, s6, s15, $0xb8;
	[tilespmem:$0x1D600] =	vst v63  }
0x1da: {  	_ =	swait.ge [sflag:s13], $0x1400  }
0x1db: {  	[sflag:s13] =	ssyncset.done $0x0  }
0x1dc: {  	[sflag:s13] =	ssyncadd.s32 $0xFFFFEC00  }
0x1dd: {  	_ =	swait.ge [sflag:s0], $0x28  }
0x1de: {  	[sflag:s0] =	ssyncset.done $0x0  }
0x1df: {  	[sflag:s0] =	ssyncadd.s32 $0xFFFFFFD8  }
0x1e0: {  	_ =	swait.ge [sflag:s30], $0x1400  }
0x1e1: {  	[sflag:s30] =	ssyncset.done $0x0  }
0x1e2: {  	[sflag:s30] =	ssyncadd.s32 $0xFFFFEC00  }
0x1e3: {  	[spmem:s2] =	stream.indirect.scatter.add.f32 [tilespmem:s1], [sflag:$0xC], $0x80, s16, s15, $0xb8;
	[tilespmem:$0x1D600] =	vst v63  }
0x1e4: {  	_ =	swait.ge [sflag:s13], $0x1400  }
0x1e5: {  	[sflag:s13] =	ssyncset.done $0x0  }
0x1e6: {  	[sflag:s13] =	ssyncadd.s32 $0xFFFFEC00  }
0x1e7: {  	s24 =	stileid.u32;
	[bflag:$0x0] =	sbarrier.arrive $0xFFFF  }
0x1e8: {  	s5 =	sshll.u32 s24, $0x6;
	s14 =	rddreg [dreg:$0x8]  }
0x1e9: {  	s5 =	sor.u32 $0x1C0C, s5;
	s10 =	rddreg [dreg:$0x11];
	s7 =	sshrl.u32 s14, $0x3  }
0x1ea: {  	[hbm:s10], [sflag:s5] =	dma.local [spmem:s7], $0x2800  }
0x1eb: {  	_ =	swait.ge [sflag:s13], $0x2800  }
0x1ec: {  	s25 =	sld [smem:$0x7E4];
	_ =	sdelay $0x1  }
0x1ed: {  	s31 =	simm.s32 $0x2980;
	s29 =	simm.s32 $0x4  }
0x1ee: {  	s8 =	simm.s32 $0x6;
	s26 =	rddreg [dreg:$0x12];
	s1 =	sadd.s32 $0x1, s25  }
0x1ef: {  	s17 =	simm.s32 $0x2A00;
	s18 =	simm.s32 $0x2800;
	p0 =	sne.s32 s1, s26  }
.Ltmp2:
0x1f0: {  	s19 =	simm.s32 $0x3E00;
	s20 =	simm.s32 $0x2880;
	(pc) =	sbr.rel @p0 .LBB2_1-.Ltmp2, $4  }
0x1f1: {  	s23 =	simm.s32 $0x9;
	s3 =	simm.s32 $0x0;
	s28 =	simm.s32 $0x6600  }
0x1f2: {  	s6 =	simm.s32 $0x1;
	s0 =	simm.s32 $0x7A00;
	s30 =	simm.s32 $0x5  }
0x1f3: {  	s16 =	simm.s32 $0x2780;
	[sflag:s13] =	ssyncset.done $0x0;
	s10 =	rddreg [dreg:$0x3]  }
0x1f4: {  	[sflag:s13] =	ssyncadd.s32 $0xFFFFD800;
	s25 =	simm.s32 $0x5200;
	s26 =	simm.s32 $0x2900  }
0x1f5: {  	_ =	sfence.sel $0x180000  }
0x1f6: {  	[bflag:$0x0] =	sbarrier.arrive $0xFFFF  }
0x1f7: {  	_ =	strace $0x9000004A  }
0x1f8: {  	s0 =	stileid.u32;
	[bflag:$0x2] =	sbarrier.arrive $0xFFFF  }
0x1f9: {  	p0 =	sne.s32 s0, $0x0;
	s0 =	rddreg [dreg:$0x2]  }
0x1fa: {  	s0 =	sadd.s32 @!p0 $0x100000, s0  }
0x1fb: {  	[sflag:s0] =	ssyncadd.tile.s32 @!p0 $0x1;
	_ =	shalt  }
.Lfunc_end2:
_tile_overlayer_lowered:
.L_overlay_start_2:
0x1fc: {  	(tag) =	ssettag $0x2  }
0x1fd: {  	s0 =	rddreg [dreg:$0x0];
	s2 =	stileid.u32  }
0x1fe: {  	s1 =	rddreg [dreg:$0x1];
	p0 =	sne.s32 s2, $0x0  }
0x1ff: {  	s3 =	rddreg [dreg:$0x2];
	[bflag:$0x3] =	sbarrier.arrive $0xFFFF;
	s2 =	simm.s32 @!p0 $0x1C0C  }
0x200: {  	[timem:s3], [sflag:s2] =	dma.local @!p0 [hbm:s0], s1  }
0x201: {  	s0 =	simm.s32 @!p0 $0xC  }
0x202: {  	_ =	swait.ge @!p0 [sflag:s0], s1  }
0x203: {  	s1 =	ssub.s32 @!p0 $0x0, s1;
	[sflag:s0] =	ssyncset.done @!p0 $0x0  }
0x204: {  	[sflag:s0] =	ssyncadd.s32 @!p0 s1  }
0x205: {  	[bflag:$0x3] =	sbarrier.arrive $0xFFFF  }
0x206: {  	_ =	shalt  }

// kernel: kernel.16.cloned.1.call-start
scs
__scs_entry_jumppad:
0x0: {  	(pc) =	sbr.rel $0x88, $3  }
0x1: {  	(tag) =	ssettag $0x0;
	lr =	simm.s32 $0x1  }
0x2: {  	[smem:$0x3F9B] =	sst lr;
	_ =	strace $0xD0000000  }
0x3: {  	_ = 	snop  }
0x4: {  	_ = 	snop  }
0x5: {  	_ = 	snop  }
0x6: {  	_ = 	snop  }
0x7: {  	_ = 	snop  }
__scs_overlays_trampoline_lowered:
0x8: {  	[smem:$0x3FAA] =	sst s0  }
0x9: {  	[smem:$0x3FAB] =	sst s1  }
0xa: {  	[smem:$0x3FAC] =	sst s2  }
0xb: {  	[smem:$0x3FAD] =	sst s3  }
0xc: {  	[smem:$0x3FAE] =	sst s4  }
0xd: {  	[smem:$0x3FAF] =	sst s5  }
0xe: {  	[smem:$0x3FB0] =	sst s6  }
0xf: {  	[smem:$0x3FB1] =	sst s7  }
0x10: {  	[smem:$0x3FB2] =	sst s8  }
0x11: {  	[smem:$0x3FB3] =	sst s9;
	s0 =	simm.s32 @!p0 $0x0  }
0x12: {  	s1 =	sld [smem:$0x3F99];
	s0 =	simm.s32 @p0 $0x1  }
0x13: {  	[smem:$0x3FB4] =	sst s0;
	s0 =	simm.s32 @!p1 $0x0  }
0x14: {  	s2 =	sld [smem:$0x3F98];
	s0 =	simm.s32 @p1 $0x1  }
0x15: {  	[smem:$0x3FB5] =	sst s0;
	s0 =	simm.s32 @!p2 $0x0  }
0x16: {  	s3 =	sld [smem:$0x3FDB];
	s0 =	simm.s32 @p2 $0x1  }
0x17: {  	s4 =	simm.s32 $0x1BF5;
	[smem:$0x3FB7] =	sst s0  }
0x18: {  	s0 =	sld [smem:$0x3F9A];
	_ =	swait.ge [sflag:s4], $0x0  }
0x19: {  	s7 =	sld [smem:$0x3F9B]  }
0x1a: {  	s8 =	sadd.s32 $0xFFFFE003, lr  }
0x1b: {  	s9 =	sadd.s32 $0xFFFFFEF7, lr;
	s5 =	simm.s32 $0xFFFFFFFF;
	p2 =	slt.u32 s8, $0xFFFFF086  }
0x1c: {  	p1 =	slt.u32 s9, $0xF7A;
	s5 =	simm.s32 @!p2 $0x0  }
0x1d: {  	s5 =	simm.s32 @p1 $0x1;
	p0 =	seq.s32 s7, s2  }
0x1e: {  	s7 =	smul.u32 @!p0 $0xF7A, s2;
	p2 =	seq.s32 @!p0 s5, $0x0  }
0x1f: {  	s9 =	smul.u32 $0xF7A, s1;
	s8 =	simm.s32 @!p0 $0x1BF5;
	p2 =	por !p2, p0  }
0x20: {  	[sflag:s8] =	ssyncset.s32 @!p0 $0xFFFFF086;
	s6 =	sadd.s32 @!p0 s3, s7;
	s7 =	simm.s32 @!p0 $0x108  }
0x21: {  	s3 =	sadd.s32 s3, s9;
	s6 =	sadd.s32 @!p0 $0x88, s6;
	s7 =	simm.s32 @p2 $0x1082  }
0x22: {  	[simem:s7], [sflag:s8] =	dma.local @!p0 [hbm:s6], $0xF7A  }
0x23: {  	s9 =	sor.u32 $0xD0000000, s2;
	s6 =	simm.s32 $0x108;
	_ =	swait.ge @!p0 [sflag:s8], $0x0  }
0x24: {  	s3 =	sadd.s32 $0x88, s3;
	s6 =	simm.s32 @!p1 $0x1082;
	[sflag:s4] =	ssyncset.s32 $0xFFFFF086  }
0x25: {  	[simem:s6], [sflag:s4] =	dma.local [hbm:s3], $0xF7A  }
0x26: {  	[smem:$0x3F9B] =	sst s1;
	(tag) =	ssettag s2;
	_ =	strace s9  }
0x27: {  	s1 =	sld [smem:$0x3FAB]  }
0x28: {  	s2 =	sld [smem:$0x3FAC]  }
0x29: {  	s4 =	sld [smem:$0x3FAE]  }
0x2a: {  	p0 =	seq.s32 s5, $0x0;
	s5 =	sld [smem:$0x3FAF]  }
0x2b: {  	s6 =	sld [smem:$0x3FB0]  }
0x2c: {  	s7 =	sld [smem:$0x3FB1]  }
0x2d: {  	s3 =	simm.s32 $0x108;
	s8 =	sld [smem:$0x3FB2]  }
0x2e: {  	s3 =	simm.s32 @!p0 $0x1082;
	s9 =	sld [smem:$0x3FB3]  }
0x2f: {  	lr =	sadd.s32 s0, s3;
	s0 =	sld [smem:$0x3FAA]  }
0x30: {  	s3 =	sld [smem:$0x3FAD]  }
0x31: {  	[smem:$0x3FB6] =	sst s10  }
0x32: {  	s10 =	sld [smem:$0x3FB4];
	_ =	sdelay $0x3  }
0x33: {  	p0 =	seq.s32 s10, $0x1;
	s10 =	sld [smem:$0x3FB6];
	_ =	sdelay $0x3  }
0x34: {  	[smem:$0x3FB6] =	sst s10  }
0x35: {  	s10 =	sld [smem:$0x3FB5];
	_ =	sdelay $0x3  }
0x36: {  	p1 =	seq.s32 s10, $0x1;
	s10 =	sld [smem:$0x3FB6];
	_ =	sdelay $0x3  }
0x37: {  	[smem:$0x3FB6] =	sst s10  }
0x38: {  	s10 =	sld [smem:$0x3FB7]  }
0x39: {  	_ = 	snop;
	(pc) =	sbr.ind lr, $3  }
0x3a: {  	_ = 	snop  }
0x3b: {  	_ = 	snop  }
0x3c: {  	p2 =	seq.s32 s10, $0x1;
	s10 =	sld [smem:$0x3FB6]  }
0x3d: {  	_ =	shalt  }
0x3e: {  	_ =	shalt  }
0x3f: {  	_ =	shalt  }
0x40: {  	_ =	shalt  }
0x41: {  	_ =	shalt  }
0x42: {  	_ =	shalt  }
0x43: {  	_ =	shalt  }
0x44: {  	_ =	shalt  }
0x45: {  	_ =	shalt  }
0x46: {  	_ =	shalt  }
0x47: {  	_ =	shalt  }
0x48: {  	_ =	shalt  }
0x49: {  	_ =	shalt  }
0x4a: {  	_ =	shalt  }
0x4b: {  	_ =	shalt  }
0x4c: {  	_ =	shalt  }
0x4d: {  	_ =	shalt  }
0x4e: {  	_ =	shalt  }
0x4f: {  	_ =	shalt  }
0x50: {  	_ =	shalt  }
0x51: {  	_ =	shalt  }
0x52: {  	_ =	shalt  }
0x53: {  	_ =	shalt  }
0x54: {  	_ =	shalt  }
0x55: {  	_ =	shalt  }
0x56: {  	_ =	shalt  }
0x57: {  	_ =	shalt  }
0x58: {  	_ =	shalt  }
0x59: {  	_ =	shalt  }
0x5a: {  	_ =	shalt  }
0x5b: {  	_ =	shalt  }
0x5c: {  	_ =	shalt  }
0x5d: {  	_ =	shalt  }
0x5e: {  	_ =	shalt  }
0x5f: {  	_ =	shalt  }
0x60: {  	_ =	shalt  }
0x61: {  	_ =	shalt  }
0x62: {  	_ =	shalt  }
0x63: {  	_ =	shalt  }
0x64: {  	_ =	shalt  }
0x65: {  	_ =	shalt  }
0x66: {  	_ =	shalt  }
0x67: {  	_ =	shalt  }
0x68: {  	_ =	shalt  }
0x69: {  	_ =	shalt  }
0x6a: {  	_ =	shalt  }
0x6b: {  	_ =	shalt  }
0x6c: {  	_ =	shalt  }
0x6d: {  	_ =	shalt  }
0x6e: {  	_ =	shalt  }
0x6f: {  	_ =	shalt  }
0x70: {  	_ =	shalt  }
0x71: {  	_ =	shalt  }
0x72: {  	_ =	shalt  }
0x73: {  	_ =	shalt  }
0x74: {  	_ =	shalt  }
0x75: {  	_ =	shalt  }
0x76: {  	_ =	shalt  }
0x77: {  	_ =	shalt  }
0x78: {  	_ =	shalt  }
0x79: {  	_ =	shalt  }
0x7a: {  	_ =	shalt  }
0x7b: {  	_ =	shalt  }
0x7c: {  	_ =	shalt  }
0x7d: {  	_ =	shalt  }
0x7e: {  	_ =	shalt  }
0x7f: {  	_ =	shalt  }
0x80: {  	_ =	shalt  }
0x81: {  	_ =	shalt  }
0x82: {  	_ =	shalt  }
0x83: {  	_ =	shalt  }
0x84: {  	_ =	shalt  }
0x85: {  	_ =	shalt  }
0x86: {  	_ =	shalt  }
0x87: {  	_ =	shalt  }
.Lfunc_end0:
.L_simem_size_0:
called_computation.2_lowered:
.L_overlay_start_0:
0x88: {  	s2 =	sld [smem:$0x3FD9]  }
0x89: {  	s3 =	sld [smem:$0x3FFE];
	_ =	sdelay $0x1  }
0x8a: {  	s1 =	srdreg.scid  }
0x8b: {  	s0 =	sand.u32 $0x1, s1  }
0x8c: {  	s16 =	sshll.u32 s0, $0xA;
	s2 =	sadd.s32 s3, s2  }
0x8d: {  	s2 =	sadd.s32 s2, s16  }
0x8e: {  	[smem:$0x3FC2] =	sst s2  }
0x8f: {  	_ = 	snop  }
0x90: {  	(tm) =	ssettm $0x1  }
0x91: {  	s17 =	sld [smem:$0x3FFB];
	_ =	sdelay $0x3  }
0x92: {  	_ =	strace s17  }
0x93: {  	s2 =	sld [smem:$0x3FFC];
	_ =	sdelay $0x3  }
0x94: {  	_ =	strace s2  }
0x95: {  	s2 =	sld [smem:$0x3FFD];
	_ =	sdelay $0x3  }
0x96: {  	_ =	strace s2  }
0x97: {  	_ =	strace $0x8FFFFFFF  }
0x98: {  	s18 =	sld [smem:$0x3FDB];
	_ =	sdelay $0x1  }
0x99: {  	s19 =	simm.s32 $_scs_section_size  }
0x9a: {  	s4 =	simm.s32 $_size__tile_overlayer_lowered;
	s5 =	simm.s32 $_tile_overlayer_lowered  }
0x9b: {  	s22 =	simm.s32 $0x1BFF;
	s21 =	sshll.u32 s5, $0x1;
	s2 =	sadd.s32 s19, s18  }
0x9c: {  	s6 =	simm.s32 $0x0;
	s20 =	sshll.u32 s4, $0x1;
	s4 =	sadd.s32 s21, s2  }
0x9d: {  	[timem:s6], [sflag:s22] =	dma.local [hbm:s4], s20  }
0x9e: {  	_ =	swait.ge [sflag:s22], s20  }
0x9f: {  	s3 =	ssub.s32 $0x0, s20;
	[sflag:s22] =	ssyncset.done $0x0  }
0xa0: {  	[sflag:s22] =	ssyncadd.s32 s3;
	_ =	sdelay $0x1  }
0xa1: {  	s23 =	simm.s32 $0x1B8B  }
0xa2: {  	_ =	swait.ge [sflag:s23], $0x1  }
0xa3: {  	[sflag:s23] =	ssyncset.done $0x0  }
0xa4: {  	s25 =	simm.s32 $0x1B8E;
	s24 =	sld [smem:$0x3FFE];
	[sflag:s23] =	ssyncadd.s32 $0xFFFFFFFF  }
0xa5: {  	s26 =	simm.s32 $execute0_lowered;
	[smem:$0x3FD2] =	sst s25  }
0xa6: {  	s4 =	sshll.u32 s26, $0x1;
	_ =	strace $0x8000004C;
	[dreg:$0x1] =	wrdreg $0xFFFFFFFF  }
0xa7: {  	s28 =	simm.s32 $_size_execute0_lowered;
	s2 =	sadd.s32 s2, s4;
	[dreg:$0x0] =	wrdreg $0x0  }
0xa8: {  	s4 =	sshll.u32 s28, $0x1;
	[dreg:$0x2] =	wrdreg s2  }
0xa9: {  	[dreg:$0x3] =	wrdreg s4  }
0xaa: {  	[dreg:$0x4] =	wrdreg $0xC0  }
0xab: {  	_ =	task [dreg:s6], $0x5FFFF  }
0xac: {  	[dreg:$0x1] =	wrdreg $0xFFFFFFFF  }
0xad: {  	[dreg:$0x0] =	wrdreg $0x60  }
0xae: {  	[dreg:$0x2] =	wrdreg s24  }
0xaf: {  	[dreg:$0x3] =	wrdreg $0x96000  }
0xb0: {  	[dreg:$0x4] =	wrdreg $0x9  }
0xb1: {  	_ =	task.clear_ibuf [dreg:s6], $0x5FFFF;
	_ =	strace $0x9000004C  }
0xb2: {  	s29 =	simm.s32 $0x9;
	_ =	strace $0x8000004E  }
0xb3: {  	_ =	swait.ge [sflag:s29], $0x1  }
0xb4: {  	[sflag:s29] =	ssyncadd.s32 $0xFFFFFFFF  }
0xb5: {  	_ =	strace $0x9000004E  }
0xb6: {  	_ =	sfence  }
0xb7: {  	s30 =	sld [smem:$0x0];
	_ =	sdelay $0x2  }
0xb8: {  	s31 =	sshll.u32 s1, $0xD;
	s1 =	sshrl.u32 s1, $0x2  }
0xb9: {  	s3 =	sand.u32 $0x4000, s31;
	s1 =	sadd.s32 s1, s30  }
0xba: {  	s0 =	sor.u32 s3, s0;
	s1 =	sshll.u32 s1, $0x11  }
0xbb: {  	s0 =	sor.u32 s1, s0  }
0xbc: {  	s0 =	sadd.s32 $0x8F2B, s0  }
0xbd: {  	[sflag:s0] =	ssyncadd.remote.s32 $0x1  }
0xbe: {  	_ =	sfence.sel $0xFFFF  }
0xbf: {  	[dreg:$0x0] =	wrdreg $0xFFFFFFFF;
	(pc) =	sbr.abs _section_cstart, $3  }
0xc0: {  	[dreg:$0x1] =	wrdreg $0xFFFFFFFF  }
0xc1: {  	_ =	task.clear_ibuf [dreg:s6], $0x2FFFF;
	_ =	strace $0x9FFFFFFF  }
0xc2: {  	(tm) =	ssettm $0x7FFFFFFF  }
0xc3: {  	_ =	shalt  }
tec
execute0_lowered:
.L_overlay_start_1:
0x0: {  	(tag) =	ssettag $0x1  }
0x1: {  	s0 =	srdreg.scid;
	s9 =	stileid.u32  }
0x2: {  	s1 =	rddreg [dreg:$0x0];
	s5 =	smul.u32 $0x2710, s9  }
0x3: {  	s2 =	rddreg [dreg:$0x1];
	s7 =	smul.u32 $0x14000, s9  }
0x4: {  	s3 =	simm.s32 $0x0;
	s0 =	sand.u32 $0x1, s0;
	s9 =	smul.u32 $0x50000, s9  }
0x5: {  	[smem:$0x7FF] =	sst s3;
	s4 =	smul.u32 $0x27100, s0  }
0x6: {  	s10 =	sadd.s32 $0x3000, s1;
	s6 =	smul.u32 $0x140000, s0;
	s0 =	ssub.s32 $0x2, s0  }
0x7: {  	_ =	strace $0x8000004D;
	s14 =	sshrl.u32 s0, $0x1;
	s17 =	sshrl.u32 s9, $0x2  }
0x8: {  	[dreg:$0x3] =	wrdreg s10;
	s0 =	ssub.s32 s0, s14;
	s14 =	sadd.s32 s17, s2  }
0x9: {  	s20 =	sadd.s32 $0x800, s14;
	[dreg:$0x8] =	wrdreg s14  }
0xa: {  	s5 =	sadd.s32 s5, s4;
	s21 =	sadd.s32 $0x1000, s14;
	[dreg:$0xb] =	wrdreg s20  }
0xb: {  	s4 =	sadd.s32 $0x16C00, s1;
	s22 =	sadd.s32 $0x1800, s14;
	[dreg:$0xc] =	wrdreg s21  }
0xc: {  	s6 =	sadd.s32 s7, s6;
	s23 =	sadd.s32 $0x2000, s14;
	[dreg:$0xd] =	wrdreg s22  }
0xd: {  	s8 =	sshrl.u32 s5, $0x3;
	s24 =	sadd.s32 $0x2800, s14;
	[dreg:$0xe] =	wrdreg s23  }
0xe: {  	s6 =	sshrl.u32 s6, $0x3;
	s25 =	sadd.s32 $0x3000, s14;
	[dreg:$0xf] =	wrdreg s24  }
0xf: {  	s15 =	sadd.s32 $0x28, s5;
	s0 =	smax.u32 s0, $0x1;
	[dreg:$0x10] =	wrdreg s25  }
0x10: {  	s17 =	sadd.s32 $0x4800, s14;
	s13 =	sadd.s32 s8, s1;
	[dreg:$0x12] =	wrdreg s0  }
0x11: {  	s1 =	sadd.s32 s6, s1;
	s8 =	sadd.s32 s10, s8;
	[dreg:$0x1a] =	wrdreg s17  }
0x12: {  	s6 =	sshrl.u32 s15, $0x3;
	s15 =	sadd.s32 $0x3800, s14;
	[dreg:$0x5] =	wrdreg s8  }
0x13: {  	s20 =	sadd.s32 $0x6000, s14;
	[dreg:$0x18] =	wrdreg s15  }
0x14: {  	s21 =	sadd.s32 $0x6800, s14;
	[dreg:$0x1d] =	wrdreg s20  }
0x15: {  	s22 =	sadd.s32 $0x7000, s14;
	[dreg:$0x1e] =	wrdreg s21  }
0x16: {  	s23 =	sadd.s32 $0x7800, s14;
	[dreg:$0x1f] =	wrdreg s22  }
0x17: {  	s24 =	sadd.s32 $0x8000, s14;
	[smem:$0x7E5] =	sst s23  }
0x18: {  	s9 =	sadd.s32 $0xF0, s5;
	s25 =	sadd.s32 $0x8800, s14;
	[smem:$0x7E6] =	sst s24  }
0x19: {  	s12 =	sshrl.u32 s9, $0x3;
	s9 =	sadd.s32 $0xC000, s14;
	[smem:$0x7E7] =	sst s25  }
0x1a: {  	s17 =	sadd.s32 $0xF000, s14;
	[smem:$0x7EE] =	sst s9  }
0x1b: {  	s7 =	sadd.s32 $0xCE00, s13;
	[smem:$0x7F4] =	sst s17  }
0x1c: {  	s6 =	sadd.s32 s10, s6;
	[dreg:$0x4] =	wrdreg s7  }
0x1d: {  	s18 =	sadd.s32 $0xA, s8;
	[dreg:$0x6] =	wrdreg s6  }
0x1e: {  	s19 =	sadd.s32 $0x14, s8;
	[dreg:$0x7] =	wrdreg s18  }
0x1f: {  	s1 =	sadd.s32 $0x3DE00, s1;
	[dreg:$0xa] =	wrdreg s19  }
0x20: {  	s13 =	sadd.s32 $0xC8, s5;
	[dreg:$0x11] =	wrdreg s1  }
0x21: {  	s28 =	simm.s32 $0x6600;
	s15 =	sadd.s32 $0xE000, s14;
	[dreg:$0x17] =	wrdreg s13  }
0x22: {  	s31 =	simm.s32 $0x2980;
	s20 =	sadd.s32 $0x10800, s14;
	[smem:$0x7F2] =	sst s15  }
0x23: {  	s29 =	simm.s32 $0x4;
	s21 =	sadd.s32 $0x11000, s14;
	[smem:$0x7F7] =	sst s20  }
0x24: {  	s30 =	simm.s32 $0x5;
	s22 =	sadd.s32 $0x11800, s14;
	[smem:$0x7F8] =	sst s21  }
0x25: {  	s16 =	sadd.s32 $0x78, s5;
	s23 =	sadd.s32 $0x12000, s14;
	[smem:$0x7F9] =	sst s22  }
0x26: {  	s26 =	sadd.s32 $0x168, s5;
	s24 =	sadd.s32 $0x12800, s14;
	[smem:$0x7FA] =	sst s23  }
0x27: {  	s8 =	sadd.s32 $0x118, s5;
	s25 =	sadd.s32 $0x13000, s14;
	[smem:$0x7FB] =	sst s24  }
0x28: {  	s6 =	sshrl.u32 s16, $0x3;
	s16 =	sadd.s32 $0x4000, s14;
	[smem:$0x7FC] =	sst s25  }
0x29: {  	s17 =	simm.s32 $0x2A00;
	s18 =	sadd.s32 $0x5000, s14;
	[dreg:$0x19] =	wrdreg s16  }
0x2a: {  	s9 =	simm.s32 $0x6;
	s19 =	sadd.s32 $0x5800, s14;
	[dreg:$0x1b] =	wrdreg s18  }
0x2b: {  	s7 =	sadd.s32 $0x140, s5;
	s5 =	sadd.s32 $0xA000, s14;
	[dreg:$0x1c] =	wrdreg s19  }
0x2c: {  	s1 =	sshrl.u32 s8, $0x3;
	s8 =	sadd.s32 $0xB800, s14;
	[smem:$0x7EA] =	sst s5  }
0x2d: {  	s13 =	sadd.s32 $0xD800, s14;
	s15 =	simm.s32 $0x28;
	[smem:$0x7ED] =	sst s8  }
0x2e: {  	s20 =	simm.s32 $0x2880;
	s6 =	sadd.s32 s10, s6;
	[smem:$0x7F1] =	sst s13  }
0x2f: {  	s25 =	simm.s32 $0x5200;
	s11 =	sadd.s32 s1, s10;
	[dreg:$0x9] =	wrdreg s6  }
0x30: {  	s23 =	simm.s32 $0x9;
	s1 =	sadd.s32 $0x9800, s14;
	[dreg:$0x15] =	wrdreg s11  }
0x31: {  	s21 =	simm.s32 $0x3;
	s16 =	sadd.s32 $0xE800, s14;
	[smem:$0x7E9] =	sst s1  }
0x32: {  	s22 =	simm.s32 $0x8;
	s18 =	sadd.s32 $0xF800, s14;
	[smem:$0x7F3] =	sst s16  }
0x33: {  	s19 =	sadd.s32 $0x10000, s14;
	s13 =	simm.s32 $0xC;
	[smem:$0x7F5] =	sst s18  }
0x34: {  	s6 =	sshrl.u32 s26, $0x3;
	s26 =	sadd.s32 $0x9000, s14;
	[smem:$0x7F6] =	sst s19  }
0x35: {  	s8 =	simm.s32 $0x6;
	s11 =	sadd.s32 $0xC800, s14;
	[smem:$0x7E8] =	sst s26  }
0x36: {  	s16 =	simm.s32 $0x2780;
	s0 =	sadd.s32 s6, s10;
	[smem:$0x7EF] =	sst s11  }
0x37: {  	s18 =	simm.s32 $0x2800;
	s6 =	sadd.s32 $0xA800, s14;
	[dreg:$0x13] =	wrdreg s0  }
0x38: {  	s19 =	simm.s32 $0x3E00;
	s26 =	sadd.s32 $0x13800, s14;
	[smem:$0x7EB] =	sst s6  }
0x39: {  	s0 =	sshrl.u32 s7, $0x3;
	s7 =	sadd.s32 $0xB000, s14;
	[smem:$0x7FD] =	sst s26  }
0x3a: {  	s1 =	simm.s32 $0x0;
	s0 =	sadd.s32 s0, s10;
	[smem:$0x7EC] =	sst s7  }
0x3b: {  	s26 =	simm.s32 $0x2900;
	[dreg:$0x14] =	wrdreg s0;
	s0 =	sadd.s32 s12, s10  }
0x3c: {  	s6 =	simm.s32 $0x1;
	s12 =	sadd.s32 $0xD000, s14;
	[dreg:$0x16] =	wrdreg s0  }
0x3d: {  	v0 =	vimm.f32 $0.0e+00;
	[smem:$0x7F0] =	sst s12;
	s0 =	simm.s32 $0x7A00;
	s12 =	simm.s32 $0x2780  }
.LBB2_1:
0x3e: {  	[smem:$0x7E4] =	sst s1  }
0x3f: {  	s5 =	rddreg [dreg:$0x4]  }
0x40: {  	[tilespmem:s3], [sflag:$0xC] =	stream.linear.gather [hbm4b:s5+s3], $0x2710, $0x38;
	[tilespmem:$0x1D600] =	vst v63  }
0x41: {  	_ =	swait.ge [sflag:s13], $0x2710  }
0x42: {  	[sflag:s13] =	ssyncset.done $0x0  }
0x43: {  	s1 =	rddreg [dreg:$0x5];
	[sflag:s13] =	ssyncadd.s32 $0xFFFFD8F0  }
0x44: {  	[tilespmem:s16], [sflag:$0x1] =	stream.linear.gather [hbm4b:s1+s3], $0x28, $0x38;
	[tilespmem:$0x1D600] =	vst v63  }
0x45: {  	_ = 	snop  }
0x46: {  	[tilespmem:s17], [sflag:$0x6] =	stream.indirect.gather [hbm4b:s4+s15], $0x80, s3, s15, $0xb8;
	[tilespmem:$0x1D600] =	vst v63  }
0x47: {  	s7 =	rddreg [dreg:$0x6]  }
0x48: {  	[tilespmem:s18], [sflag:$0x2] =	stream.linear.gather [hbm4b:s7+s3], $0x28, $0x38;
	[tilespmem:$0x1D600] =	vst v63  }
0x49: {  	_ = 	snop  }
0x4a: {  	[tilespmem:s19], [sflag:$0x7] =	stream.indirect.gather [hbm4b:s4+s15], $0x80, s15, s15, $0xb8;
	[tilespmem:$0x1D600] =	vst v63  }
0x4b: {  	s11 =	rddreg [dreg:$0x7]  }
0x4c: {  	[tilespmem:s20], [sflag:$0x3] =	stream.linear.gather [hbm4b:s11+s3], $0x28, $0x38;
	[tilespmem:$0x1D600] =	vst v63  }
0x4d: {  	s24 =	simm.s32 $0x50  }
0x4e: {  	[tilespmem:s25], [sflag:$0x8] =	stream.indirect.gather [hbm4b:s4+s15], $0x80, s24, s15, $0xb8;
	[tilespmem:$0x1D600] =	vst v63  }
0x4f: {  	s1 =	rddreg [dreg:$0x9]  }
0x50: {  	[tilespmem:s26], [sflag:$0x4] =	stream.linear.gather [hbm4b:s1+s3], $0x28, $0x38;
	[tilespmem:$0x1D600] =	vst v63  }
0x51: {  	s7 =	simm.s32 $0x78  }
0x52: {  	[tilespmem:s28], [sflag:$0x9] =	stream.indirect.gather [hbm4b:s4+s15], $0x80, s7, s15, $0xb8;
	[tilespmem:$0x1D600] =	vst v63  }
0x53: {  	s11 =	rddreg [dreg:$0xa]  }
0x54: {  	[tilespmem:s31], [sflag:$0x5] =	stream.linear.gather [hbm4b:s11+s3], $0x28, $0x38;
	[tilespmem:$0x1D600] =	vst v63  }
0x55: {  	s5 =	simm.s32 $0x0;
	s24 =	simm.s32 $0xA0;
	s7 =	simm.s32 $0x200  }
0x56: {  	[tilespmem:s0], [sflag:$0xA] =	stream.indirect.gather [hbm4b:s4+s15], $0x80, s24, s15, $0xb8;
	[tilespmem:$0x1D600] =	vst v63  }
.LBB2_2:
0x57: {  	p0 =	sne.s32 s7, $0x1E00;
	[tilespmem:s5+$0x8E70] =	vst v0  }
0x58: {  	[tilespmem:s5+$0x8E00] =	vst v0  }
0x59: {  	[tilespmem:s5+$0x8E10] =	vst v0  }
.Ltmp0:
0x5a: {  	[tilespmem:s5+$0x8E20] =	vst v0;
	(pc) =	sbr.rel @p0 .LBB2_2-.Ltmp0, $4  }
0x5b: {  	[tilespmem:s5+$0x8E30] =	vst v0  }
0x5c: {  	[tilespmem:s5+$0x8E40] =	vst v0  }
0x5d: {  	[tilespmem:s5+$0x8E50] =	vst v0  }
0x5e: {  	[tilespmem:s5+$0x8E60] =	vst v0;
	s5 =	sshra.s32 s7, $0x2;
	s7 =	sadd.s32 $0x200, s7  }
0x5f: {  	[tilespmem:s5+$0x8E70] =	vst v0  }
0x60: {  	[tilespmem:s5+$0x8E00] =	vst v0  }
0x61: {  	[tilespmem:s5+$0x8E10] =	vst v0  }
0x62: {  	[tilespmem:s5+$0x8E20] =	vst v0  }
0x63: {  	[tilespmem:s5+$0x8E30] =	vst v0  }
0x64: {  	[tilespmem:s5+$0x8E40] =	vst v0  }
0x65: {  	[tilespmem:s5+$0x8E50] =	vst v0  }
0x66: {  	[tilespmem:s5+$0x8E60] =	vst v0;
	s1 =	simm.s32 $0x8E00;
	s11 =	rddreg [dreg:$0xb]  }
0x67: {  	[spmem:s14] =	stream.linear.scatter [tilespmem:s1], [sflag:$0xB], $0x800, $0x38;
	[tilespmem:$0x1D600] =	vst v63  }
0x68: {  	s24 =	rddreg [dreg:$0xd]  }
0x69: {  	[spmem:s11] =	stream.linear.scatter [tilespmem:s1], [sflag:$0xB], $0x800, $0x38;
	[tilespmem:$0x1D600] =	vst v63  }
0x6a: {  	s14 =	rddreg [dreg:$0xc]  }
0x6b: {  	[spmem:s14] =	stream.linear.scatter [tilespmem:s1], [sflag:$0xB], $0x800, $0x38;
	[tilespmem:$0x1D600] =	vst v63  }
0x6c: {  	s7 =	rddreg [dreg:$0xe]  }
0x6d: {  	[spmem:s24] =	stream.linear.scatter [tilespmem:s1], [sflag:$0xB], $0x800, $0x38;
	[tilespmem:$0x1D600] =	vst v63  }
0x6e: {  	s11 =	rddreg [dreg:$0xf]  }
0x6f: {  	[spmem:s7] =	stream.linear.scatter [tilespmem:s1], [sflag:$0xB], $0x800, $0x38;
	[tilespmem:$0x1D600] =	vst v63  }
0x70: {  	s14 =	rddreg [dreg:$0x10]  }
0x71: {  	[spmem:s11] =	stream.linear.scatter [tilespmem:s1], [sflag:$0xB], $0x800, $0x38;
	[tilespmem:$0x1D600] =	vst v63  }
0x72: {  	s24 =	rddreg [dreg:$0x18]  }
0x73: {  	[spmem:s14] =	stream.linear.scatter [tilespmem:s1], [sflag:$0xB], $0x800, $0x38;
	[tilespmem:$0x1D600] =	vst v63  }
0x74: {  	s7 =	rddreg [dreg:$0x19]  }
0x75: {  	[spmem:s24] =	stream.linear.scatter [tilespmem:s1], [sflag:$0xB], $0x800, $0x38;
	[tilespmem:$0x1D600] =	vst v63  }
0x76: {  	s11 =	rddreg [dreg:$0x1a]  }
0x77: {  	[spmem:s7] =	stream.linear.scatter [tilespmem:s1], [sflag:$0xB], $0x800, $0x38;
	[tilespmem:$0x1D600] =	vst v63  }
0x78: {  	s14 =	rddreg [dreg:$0x1b]  }
0x79: {  	[spmem:s11] =	stream.linear.scatter [tilespmem:s1], [sflag:$0xB], $0x800, $0x38;
	[tilespmem:$0x1D600] =	vst v63  }
0x7a: {  	s24 =	rddreg [dreg:$0x1c]  }
0x7b: {  	[spmem:s14] =	stream.linear.scatter [tilespmem:s1], [sflag:$0xB], $0x800, $0x38;
	[tilespmem:$0x1D600] =	vst v63  }
0x7c: {  	s7 =	rddreg [dreg:$0x1d]  }
0x7d: {  	[spmem:s24] =	stream.linear.scatter [tilespmem:s1], [sflag:$0xB], $0x800, $0x38;
	[tilespmem:$0x1D600] =	vst v63  }
0x7e: {  	s11 =	rddreg [dreg:$0x1e]  }
0x7f: {  	[spmem:s7] =	stream.linear.scatter [tilespmem:s1], [sflag:$0xB], $0x800, $0x38;
	[tilespmem:$0x1D600] =	vst v63  }
0x80: {  	s14 =	rddreg [dreg:$0x1f]  }
0x81: {  	[spmem:s11] =	stream.linear.scatter [tilespmem:s1], [sflag:$0xB], $0x800, $0x38;
	[tilespmem:$0x1D600] =	vst v63  }
0x82: {  	s24 =	sld [smem:$0x7E5]  }
0x83: {  	[spmem:s14] =	stream.linear.scatter [tilespmem:s1], [sflag:$0xB], $0x800, $0x38;
	[tilespmem:$0x1D600] =	vst v63  }
0x84: {  	s7 =	sld [smem:$0x7E6]  }
0x85: {  	[spmem:s24] =	stream.linear.scatter [tilespmem:s1], [sflag:$0xB], $0x800, $0x38;
	[tilespmem:$0x1D600] =	vst v63  }
0x86: {  	s11 =	sld [smem:$0x7E7]  }
0x87: {  	[spmem:s7] =	stream.linear.scatter [tilespmem:s1], [sflag:$0xB], $0x800, $0x38;
	[tilespmem:$0x1D600] =	vst v63  }
0x88: {  	s14 =	sld [smem:$0x7E8]  }
0x89: {  	[spmem:s11] =	stream.linear.scatter [tilespmem:s1], [sflag:$0xB], $0x800, $0x38;
	[tilespmem:$0x1D600] =	vst v63  }
0x8a: {  	s24 =	sld [smem:$0x7E9]  }
0x8b: {  	[spmem:s14] =	stream.linear.scatter [tilespmem:s1], [sflag:$0xB], $0x800, $0x38;
	[tilespmem:$0x1D600] =	vst v63  }
0x8c: {  	s7 =	sld [smem:$0x7EA]  }
0x8d: {  	[spmem:s24] =	stream.linear.scatter [tilespmem:s1], [sflag:$0xB], $0x800, $0x38;
	[tilespmem:$0x1D600] =	vst v63  }
0x8e: {  	s11 =	sld [smem:$0x7EB]  }
0x8f: {  	[spmem:s7] =	stream.linear.scatter [tilespmem:s1], [sflag:$0xB], $0x800, $0x38;
	[tilespmem:$0x1D600] =	vst v63  }
0x90: {  	s14 =	sld [smem:$0x7EC]  }
0x91: {  	[spmem:s11] =	stream.linear.scatter [tilespmem:s1], [sflag:$0xB], $0x800, $0x38;
	[tilespmem:$0x1D600] =	vst v63  }
0x92: {  	s24 =	sld [smem:$0x7ED]  }
0x93: {  	[spmem:s14] =	stream.linear.scatter [tilespmem:s1], [sflag:$0xB], $0x800, $0x38;
	[tilespmem:$0x1D600] =	vst v63  }
0x94: {  	s7 =	sld [smem:$0x7EE]  }
0x95: {  	[spmem:s24] =	stream.linear.scatter [tilespmem:s1], [sflag:$0xB], $0x800, $0x38;
	[tilespmem:$0x1D600] =	vst v63  }
0x96: {  	s11 =	sld [smem:$0x7EF]  }
0x97: {  	[spmem:s7] =	stream.linear.scatter [tilespmem:s1], [sflag:$0xB], $0x800, $0x38;
	[tilespmem:$0x1D600] =	vst v63  }
0x98: {  	s14 =	sld [smem:$0x7F0]  }
0x99: {  	[spmem:s11] =	stream.linear.scatter [tilespmem:s1], [sflag:$0xB], $0x800, $0x38;
	[tilespmem:$0x1D600] =	vst v63  }
0x9a: {  	s24 =	sld [smem:$0x7F1]  }
0x9b: {  	[spmem:s14] =	stream.linear.scatter [tilespmem:s1], [sflag:$0xB], $0x800, $0x38;
	[tilespmem:$0x1D600] =	vst v63  }
0x9c: {  	s7 =	sld [smem:$0x7F2]  }
0x9d: {  	[spmem:s24] =	stream.linear.scatter [tilespmem:s1], [sflag:$0xB], $0x800, $0x38;
	[tilespmem:$0x1D600] =	vst v63  }
0x9e: {  	s11 =	sld [smem:$0x7F3]  }
0x9f: {  	[spmem:s7] =	stream.linear.scatter [tilespmem:s1], [sflag:$0xB], $0x800, $0x38;
	[tilespmem:$0x1D600] =	vst v63  }
0xa0: {  	s14 =	sld [smem:$0x7F4]  }
0xa1: {  	[spmem:s11] =	stream.linear.scatter [tilespmem:s1], [sflag:$0xB], $0x800, $0x38;
	[tilespmem:$0x1D600] =	vst v63  }
0xa2: {  	s24 =	sld [smem:$0x7F5]  }
0xa3: {  	[spmem:s14] =	stream.linear.scatter [tilespmem:s1], [sflag:$0xB], $0x800, $0x38;
	[tilespmem:$0x1D600] =	vst v63  }
0xa4: {  	s7 =	sld [smem:$0x7F6]  }
0xa5: {  	[spmem:s24] =	stream.linear.scatter [tilespmem:s1], [sflag:$0xB], $0x800, $0x38;
	[tilespmem:$0x1D600] =	vst v63  }
0xa6: {  	s11 =	sld [smem:$0x7F7]  }
0xa7: {  	[spmem:s7] =	stream.linear.scatter [tilespmem:s1], [sflag:$0xB], $0x800, $0x38;
	[tilespmem:$0x1D600] =	vst v63  }
0xa8: {  	s14 =	sld [smem:$0x7F8]  }
0xa9: {  	[spmem:s11] =	stream.linear.scatter [tilespmem:s1], [sflag:$0xB], $0x800, $0x38;
	[tilespmem:$0x1D600] =	vst v63  }
0xaa: {  	s24 =	sld [smem:$0x7F9]  }
0xab: {  	[spmem:s14] =	stream.linear.scatter [tilespmem:s1], [sflag:$0xB], $0x800, $0x38;
	[tilespmem:$0x1D600] =	vst v63  }
0xac: {  	s7 =	sld [smem:$0x7FA]  }
0xad: {  	[spmem:s24] =	stream.linear.scatter [tilespmem:s1], [sflag:$0xB], $0x800, $0x38;
	[tilespmem:$0x1D600] =	vst v63  }
0xae: {  	s11 =	sld [smem:$0x7FB]  }
0xaf: {  	[spmem:s7] =	stream.linear.scatter [tilespmem:s1], [sflag:$0xB], $0x800, $0x38;
	[tilespmem:$0x1D600] =	vst v63  }
0xb0: {  	s14 =	sld [smem:$0x7FC]  }
0xb1: {  	[spmem:s11] =	stream.linear.scatter [tilespmem:s1], [sflag:$0xB], $0x800, $0x38;
	[tilespmem:$0x1D600] =	vst v63  }
0xb2: {  	s24 =	sld [smem:$0x7FD]  }
0xb3: {  	[spmem:s14] =	stream.linear.scatter [tilespmem:s1], [sflag:$0xB], $0x800, $0x38;
	[tilespmem:$0x1D600] =	vst v63  }
0xb4: {  	s5 =	simm.s32 $0xB  }
0xb5: {  	[spmem:s24] =	stream.linear.scatter [tilespmem:s1], [sflag:$0xB], $0x800, $0x38;
	[tilespmem:$0x1D600] =	vst v63  }
0xb6: {  	_ =	swait.ge [sflag:s5], $0x800  }
0xb7: {  	[sflag:s5] =	ssyncset.done $0x0  }
0xb8: {  	[sflag:s5] =	ssyncadd.s32 $0xFFFFF800  }
0xb9: {  	_ =	swait.ge [sflag:s5], $0x800  }
0xba: {  	[sflag:s5] =	ssyncset.done $0x0  }
0xbb: {  	[sflag:s5] =	ssyncadd.s32 $0xFFFFF800  }
0xbc: {  	_ =	swait.ge [sflag:s5], $0x800  }
0xbd: {  	[sflag:s5] =	ssyncset.done $0x0  }
0xbe: {  	[sflag:s5] =	ssyncadd.s32 $0xFFFFF800  }
0xbf: {  	_ =	swait.ge [sflag:s5], $0x800  }
0xc0: {  	[sflag:s5] =	ssyncset.done $0x0  }
0xc1: {  	[sflag:s5] =	ssyncadd.s32 $0xFFFFF800  }
0xc2: {  	_ =	swait.ge [sflag:s5], $0x800  }
0xc3: {  	[sflag:s5] =	ssyncset.done $0x0  }
0xc4: {  	[sflag:s5] =	ssyncadd.s32 $0xFFFFF800  }
0xc5: {  	_ =	swait.ge [sflag:s5], $0x800  }
0xc6: {  	[sflag:s5] =	ssyncset.done $0x0  }
0xc7: {  	[sflag:s5] =	ssyncadd.s32 $0xFFFFF800  }
0xc8: {  	_ =	swait.ge [sflag:s5], $0x800  }
0xc9: {  	[sflag:s5] =	ssyncset.done $0x0  }
0xca: {  	[sflag:s5] =	ssyncadd.s32 $0xFFFFF800  }
0xcb: {  	_ =	swait.ge [sflag:s5], $0x800  }
0xcc: {  	[sflag:s5] =	ssyncset.done $0x0  }
0xcd: {  	[sflag:s5] =	ssyncadd.s32 $0xFFFFF800  }
0xce: {  	_ =	swait.ge [sflag:s5], $0x800  }
0xcf: {  	[sflag:s5] =	ssyncset.done $0x0  }
0xd0: {  	[sflag:s5] =	ssyncadd.s32 $0xFFFFF800  }
0xd1: {  	_ =	swait.ge [sflag:s5], $0x800  }
0xd2: {  	[sflag:s5] =	ssyncset.done $0x0  }
0xd3: {  	[sflag:s5] =	ssyncadd.s32 $0xFFFFF800  }
0xd4: {  	_ =	swait.ge [sflag:s5], $0x800  }
0xd5: {  	[sflag:s5] =	ssyncset.done $0x0  }
0xd6: {  	[sflag:s5] =	ssyncadd.s32 $0xFFFFF800  }
0xd7: {  	_ =	swait.ge [sflag:s5], $0x800  }
0xd8: {  	[sflag:s5] =	ssyncset.done $0x0  }
0xd9: {  	[sflag:s5] =	ssyncadd.s32 $0xFFFFF800  }
0xda: {  	_ =	swait.ge [sflag:s5], $0x800  }
0xdb: {  	[sflag:s5] =	ssyncset.done $0x0  }
0xdc: {  	[sflag:s5] =	ssyncadd.s32 $0xFFFFF800  }
0xdd: {  	_ =	swait.ge [sflag:s5], $0x800  }
0xde: {  	[sflag:s5] =	ssyncset.done $0x0  }
0xdf: {  	[sflag:s5] =	ssyncadd.s32 $0xFFFFF800  }
0xe0: {  	_ =	swait.ge [sflag:s5], $0x800  }
0xe1: {  	[sflag:s5] =	ssyncset.done $0x0  }
0xe2: {  	[sflag:s5] =	ssyncadd.s32 $0xFFFFF800  }
0xe3: {  	_ =	swait.ge [sflag:s5], $0x800  }
0xe4: {  	[sflag:s5] =	ssyncset.done $0x0  }
0xe5: {  	[sflag:s5] =	ssyncadd.s32 $0xFFFFF800  }
0xe6: {  	_ =	swait.ge [sflag:s5], $0x800  }
0xe7: {  	[sflag:s5] =	ssyncset.done $0x0  }
0xe8: {  	[sflag:s5] =	ssyncadd.s32 $0xFFFFF800  }
0xe9: {  	_ =	swait.ge [sflag:s5], $0x800  }
0xea: {  	[sflag:s5] =	ssyncset.done $0x0  }
0xeb: {  	[sflag:s5] =	ssyncadd.s32 $0xFFFFF800  }
0xec: {  	_ =	swait.ge [sflag:s5], $0x800  }
0xed: {  	[sflag:s5] =	ssyncset.done $0x0  }
0xee: {  	[sflag:s5] =	ssyncadd.s32 $0xFFFFF800  }
0xef: {  	_ =	swait.ge [sflag:s5], $0x800  }
0xf0: {  	[sflag:s5] =	ssyncset.done $0x0  }
0xf1: {  	[sflag:s5] =	ssyncadd.s32 $0xFFFFF800  }
0xf2: {  	_ =	swait.ge [sflag:s5], $0x800  }
0xf3: {  	[sflag:s5] =	ssyncset.done $0x0  }
0xf4: {  	[sflag:s5] =	ssyncadd.s32 $0xFFFFF800  }
0xf5: {  	_ =	swait.ge [sflag:s5], $0x800  }
0xf6: {  	[sflag:s5] =	ssyncset.done $0x0  }
0xf7: {  	[sflag:s5] =	ssyncadd.s32 $0xFFFFF800  }
0xf8: {  	_ =	swait.ge [sflag:s5], $0x800  }
0xf9: {  	[sflag:s5] =	ssyncset.done $0x0  }
0xfa: {  	[sflag:s5] =	ssyncadd.s32 $0xFFFFF800  }
0xfb: {  	_ =	swait.ge [sflag:s5], $0x800  }
0xfc: {  	[sflag:s5] =	ssyncset.done $0x0  }
0xfd: {  	[sflag:s5] =	ssyncadd.s32 $0xFFFFF800  }
0xfe: {  	_ =	swait.ge [sflag:s5], $0x800  }
0xff: {  	[sflag:s5] =	ssyncset.done $0x0  }
0x100: {  	[sflag:s5] =	ssyncadd.s32 $0xFFFFF800  }
0x101: {  	_ =	swait.ge [sflag:s5], $0x800  }
0x102: {  	[sflag:s5] =	ssyncset.done $0x0  }
0x103: {  	[sflag:s5] =	ssyncadd.s32 $0xFFFFF800  }
0x104: {  	_ =	swait.ge [sflag:s5], $0x800  }
0x105: {  	[sflag:s5] =	ssyncset.done $0x0  }
0x106: {  	[sflag:s5] =	ssyncadd.s32 $0xFFFFF800  }
0x107: {  	_ =	swait.ge [sflag:s5], $0x800  }
0x108: {  	[sflag:s5] =	ssyncset.done $0x0  }
0x109: {  	[sflag:s5] =	ssyncadd.s32 $0xFFFFF800  }
0x10a: {  	_ =	swait.ge [sflag:s5], $0x800  }
0x10b: {  	[sflag:s5] =	ssyncset.done $0x0  }
0x10c: {  	[sflag:s5] =	ssyncadd.s32 $0xFFFFF800  }
0x10d: {  	_ =	swait.ge [sflag:s5], $0x800  }
0x10e: {  	[sflag:s5] =	ssyncset.done $0x0  }
0x10f: {  	[sflag:s5] =	ssyncadd.s32 $0xFFFFF800  }
0x110: {  	_ =	swait.ge [sflag:s5], $0x800  }
0x111: {  	[sflag:s5] =	ssyncset.done $0x0  }
0x112: {  	[sflag:s5] =	ssyncadd.s32 $0xFFFFF800  }
0x113: {  	_ =	swait.ge [sflag:s5], $0x800  }
0x114: {  	[sflag:s5] =	ssyncset.done $0x0  }
0x115: {  	[sflag:s5] =	ssyncadd.s32 $0xFFFFF800  }
0x116: {  	_ =	swait.ge [sflag:s5], $0x800  }
0x117: {  	[sflag:s5] =	ssyncset.done $0x0  }
0x118: {  	[sflag:s5] =	ssyncadd.s32 $0xFFFFF800  }
0x119: {  	_ =	swait.ge [sflag:s5], $0x800  }
0x11a: {  	[sflag:s5] =	ssyncset.done $0x0  }
0x11b: {  	[sflag:s5] =	ssyncadd.s32 $0xFFFFF800  }
0x11c: {  	_ =	swait.ge [sflag:s5], $0x800  }
0x11d: {  	[sflag:s5] =	ssyncset.done $0x0  }
0x11e: {  	[sflag:s5] =	ssyncadd.s32 $0xFFFFF800  }
0x11f: {  	_ =	swait.ge [sflag:s5], $0x800  }
0x120: {  	[sflag:s5] =	ssyncset.done $0x0  }
0x121: {  	[sflag:s5] =	ssyncadd.s32 $0xFFFFF800  }
0x122: {  	_ =	swait.ge [sflag:s5], $0x800  }
0x123: {  	[sflag:s5] =	ssyncset.done $0x0  }
0x124: {  	[sflag:s5] =	ssyncadd.s32 $0xFFFFF800  }
0x125: {  	_ =	swait.ge [sflag:s5], $0x800  }
0x126: {  	[sflag:s5] =	ssyncset.done $0x0  }
0x127: {  	[sflag:s5] =	ssyncadd.s32 $0xFFFFF800  }
0x128: {  	_ =	swait.ge [sflag:s5], $0x800  }
0x129: {  	[sflag:s5] =	ssyncset.done $0x0  }
0x12a: {  	[sflag:s5] =	ssyncadd.s32 $0xFFFFF800  }
0x12b: {  	_ =	swait.ge [sflag:s5], $0x800  }
0x12c: {  	[sflag:s5] =	ssyncset.done $0x0  }
0x12d: {  	[sflag:s5] =	ssyncadd.s32 $0xFFFFF800  }
0x12e: {  	[bflag:$0x0] =	sbarrier.arrive $0xFFFF  }
0x12f: {  	_ =	swait.ge [sflag:s6], $0x28  }
0x130: {  	[sflag:s6] =	ssyncset.done $0x0  }
0x131: {  	[sflag:s6] =	ssyncadd.s32 $0xFFFFFFD8  }
0x132: {  	_ =	swait.ge [sflag:s8], $0x1400  }
0x133: {  	[sflag:s8] =	ssyncset.done $0x0  }
0x134: {  	[sflag:s8] =	ssyncadd.s32 $0xFFFFEC00  }
0x135: {  	[spmem:s2] =	stream.indirect.scatter.add.f32 [tilespmem:s17], [sflag:$0xC], $0x80, s16, s15, $0xb8;
	[tilespmem:$0x1D600] =	vst v63  }
0x136: {  	_ =	swait.ge [sflag:s13], $0x1400  }
0x137: {  	s24 =	rddreg [dreg:$0x17]  }
0x138: {  	[sflag:s13] =	ssyncset.done $0x0;
	s7 =	sshrl.u32 s24, $0x3  }
0x139: {  	[sflag:s13] =	ssyncadd.s32 $0xFFFFEC00;
	s5 =	sadd.s32 s10, s7  }
0x13a: {  	[tilespmem:s16], [sflag:$0x1] =	stream.linear.gather [hbm4b:s5+s3], $0x28, $0x38;
	[tilespmem:$0x1D600] =	vst v63  }
0x13b: {  	s11 =	simm.s32 $0x2;
	s10 =	simm.s32 $0xC8  }
0x13c: {  	[tilespmem:s17], [sflag:$0x6] =	stream.indirect.gather [hbm4b:s4+s15], $0x80, s10, s15, $0xb8;
	[tilespmem:$0x1D600] =	vst v63  }
0x13d: {  	_ =	swait.ge [sflag:s11], $0x28  }
0x13e: {  	[sflag:s11] =	ssyncset.done $0x0  }
0x13f: {  	s14 =	simm.s32 $0x7;
	[sflag:s11] =	ssyncadd.s32 $0xFFFFFFD8  }
0x140: {  	_ =	swait.ge [sflag:s14], $0x1400  }
0x141: {  	[sflag:s14] =	ssyncset.done $0x0  }
0x142: {  	[sflag:s14] =	ssyncadd.s32 $0xFFFFEC00  }
0x143: {  	[spmem:s2] =	stream.indirect.scatter.add.f32 [tilespmem:s19], [sflag:$0xC], $0x80, s18, s15, $0xb8;
	[tilespmem:$0x1D600] =	vst v63  }
0x144: {  	_ =	swait.ge [sflag:s13], $0x1400  }
0x145: {  	[sflag:s13] =	ssyncset.done $0x0  }
0x146: {  	s16 =	rddreg [dreg:$0x16];
	[sflag:s13] =	ssyncadd.s32 $0xFFFFEC00  }
0x147: {  	[tilespmem:s18], [sflag:$0x2] =	stream.linear.gather [hbm4b:s16+s3], $0x28, $0x38;
	[tilespmem:$0x1D600] =	vst v63  }
0x148: {  	s18 =	simm.s32 $0xF0  }
0x149: {  	[tilespmem:s19], [sflag:$0x7] =	stream.indirect.gather [hbm4b:s4+s15], $0x80, s18, s15, $0xb8;
	[tilespmem:$0x1D600] =	vst v63  }
0x14a: {  	_ =	swait.ge [sflag:s21], $0x28  }
0x14b: {  	[sflag:s21] =	ssyncset.done $0x0  }
0x14c: {  	[sflag:s21] =	ssyncadd.s32 $0xFFFFFFD8  }
0x14d: {  	_ =	swait.ge [sflag:s22], $0x1400  }
0x14e: {  	[sflag:s22] =	ssyncset.done $0x0  }
0x14f: {  	[sflag:s22] =	ssyncadd.s32 $0xFFFFEC00  }
0x150: {  	[spmem:s2] =	stream.indirect.scatter.add.f32 [tilespmem:s25], [sflag:$0xC], $0x80, s20, s15, $0xb8;
	[tilespmem:$0x1D600] =	vst v63  }
0x151: {  	_ =	swait.ge [sflag:s13], $0x1400  }
0x152: {  	[sflag:s13] =	ssyncset.done $0x0  }
0x153: {  	s7 =	rddreg [dreg:$0x15];
	[sflag:s13] =	ssyncadd.s32 $0xFFFFEC00  }
0x154: {  	[tilespmem:s20], [sflag:$0x3] =	stream.linear.gather [hbm4b:s7+s3], $0x28, $0x38;
	[tilespmem:$0x1D600] =	vst v63  }
0x155: {  	s19 =	simm.s32 $0x118  }
0x156: {  	[tilespmem:s25], [sflag:$0x8] =	stream.indirect.gather [hbm4b:s4+s15], $0x80, s19, s15, $0xb8;
	[tilespmem:$0x1D600] =	vst v63  }
0x157: {  	_ =	swait.ge [sflag:s29], $0x28  }
0x158: {  	[sflag:s29] =	ssyncset.done $0x0  }
0x159: {  	[sflag:s29] =	ssyncadd.s32 $0xFFFFFFD8  }
0x15a: {  	_ =	swait.ge [sflag:s23], $0x1400  }
0x15b: {  	[sflag:s23] =	ssyncset.done $0x0  }
0x15c: {  	[sflag:s23] =	ssyncadd.s32 $0xFFFFEC00  }
0x15d: {  	[spmem:s2] =	stream.indirect.scatter.add.f32 [tilespmem:s28], [sflag:$0xC], $0x80, s26, s15, $0xb8;
	[tilespmem:$0x1D600] =	vst v63  }
0x15e: {  	_ =	swait.ge [sflag:s13], $0x1400  }
0x15f: {  	[sflag:s13] =	ssyncset.done $0x0  }
0x160: {  	s20 =	rddreg [dreg:$0x14];
	[sflag:s13] =	ssyncadd.s32 $0xFFFFEC00  }
0x161: {  	[tilespmem:s26], [sflag:$0x4] =	stream.linear.gather [hbm4b:s20+s3], $0x28, $0x38;
	[tilespmem:$0x1D600] =	vst v63  }
0x162: {  	s26 =	simm.s32 $0x140  }
0x163: {  	[tilespmem:s28], [sflag:$0x9] =	stream.indirect.gather [hbm4b:s4+s15], $0x80, s26, s15, $0xb8;
	[tilespmem:$0x1D600] =	vst v63  }
0x164: {  	_ =	swait.ge [sflag:s30], $0x28  }
0x165: {  	[sflag:s30] =	ssyncset.done $0x0  }
0x166: {  	[sflag:s30] =	ssyncadd.s32 $0xFFFFFFD8;
	s30 =	simm.s32 $0xA  }
0x167: {  	_ =	swait.ge [sflag:s30], $0x1400  }
0x168: {  	s8 =	simm.s32 $0x1;
	s17 =	simm.s32 $0x0;
	[sflag:s30] =	ssyncset.done $0x0  }
0x169: {  	s10 =	sadd.s32 $0xC8, s24;
	s14 =	simm.s32 $0x168;
	[sflag:s30] =	ssyncadd.s32 $0xFFFFEC00  }
0x16a: {  	[spmem:s2] =	stream.indirect.scatter.add.f32 [tilespmem:s0], [sflag:$0xC], $0x80, s31, s15, $0xb8;
	[tilespmem:$0x1D600] =	vst v63  }
0x16b: {  	s24 =	sadd.s32 $0x19, s7;
	s7 =	sadd.s32 $0x19, s16;
	_ =	swait.ge [sflag:s13], $0x1400  }
0x16c: {  	s25 =	simm.s32 $0x320;
	s23 =	simm.s32 $0x4;
	[sflag:s13] =	ssyncset.done $0x0  }
0x16d: {  	s5 =	sadd.s32 $0x19, s20;
	s29 =	rddreg [dreg:$0x13];
	[sflag:s13] =	ssyncadd.s32 $0xFFFFEC00  }
0x16e: {  	[tilespmem:s31], [sflag:$0x5] =	stream.linear.gather [hbm4b:s29+s17], $0x28, $0x38;
	[tilespmem:$0x1D600] =	vst v63  }
0x16f: {  	s3 =	simm.s32 $0x9;
	s0 =	simm.s32 $0x5;
	s31 =	sadd.s32 $0x19, s29  }
.LBB2_4:
0x170: {  	s1 =	simm.s32 $0x7A00  }
0x171: {  	[tilespmem:s1], [sflag:$0xA] =	stream.indirect.gather [hbm4b:s4+s15], $0x80, s14, s15, $0xb8;
	[tilespmem:$0x1D600] =	vst v63  }
0x172: {  	_ =	swait.ge [sflag:s8], $0x28  }
0x173: {  	[sflag:s8] =	ssyncset.done $0x0  }
0x174: {  	[sflag:s8] =	ssyncadd.s32 $0xFFFFFFD8  }
0x175: {  	_ =	swait.ge [sflag:s9], $0x1400  }
0x176: {  	[sflag:s9] =	ssyncset.done $0x0  }
0x177: {  	s18 =	simm.s32 $0x2A00;
	s11 =	simm.s32 $0x2780;
	[sflag:s9] =	ssyncadd.s32 $0xFFFFEC00  }
0x178: {  	[spmem:s2] =	stream.indirect.scatter.add.f32 [tilespmem:s18], [sflag:$0xC], $0x80, s11, s15, $0xb8;
	[tilespmem:$0x1D600] =	vst v63  }
0x179: {  	s29 =	smov.u32 s25;
	_ =	swait.ge [sflag:s13], $0x1400  }
0x17a: {  	s16 =	sshrl.u32 s10, $0x3;
	[sflag:s13] =	ssyncset.done $0x0;
	s6 =	rddreg [dreg:$0x3]  }
0x17b: {  	s14 =	sshra.s32 s29, $0x2;
	[sflag:s13] =	ssyncadd.s32 $0xFFFFEC00;
	s16 =	sadd.s32 s6, s16  }
0x17c: {  	[tilespmem:s11], [sflag:$0x1] =	stream.linear.gather [hbm4b:s16+s17], $0x28, $0x38;
	[tilespmem:$0x1D600] =	vst v63  }
0x17d: {  	s6 =	sadd.s32 $0xC8, s14  }
0x17e: {  	[tilespmem:s18], [sflag:$0x6] =	stream.indirect.gather [hbm4b:s4+s15], $0x80, s6, s15, $0xb8;
	[tilespmem:$0x1D600] =	vst v63  }
0x17f: {  	s18 =	simm.s32 $0x2  }
0x180: {  	_ =	swait.ge [sflag:s18], $0x28  }
0x181: {  	[sflag:s18] =	ssyncset.done $0x0  }
0x182: {  	s19 =	simm.s32 $0x7;
	[sflag:s18] =	ssyncadd.s32 $0xFFFFFFD8  }
0x183: {  	_ =	swait.ge [sflag:s19], $0x1400  }
0x184: {  	[sflag:s19] =	ssyncset.done $0x0  }
0x185: {  	s20 =	simm.s32 $0x3E00;
	s26 =	simm.s32 $0x2800;
	[sflag:s19] =	ssyncadd.s32 $0xFFFFEC00  }
0x186: {  	[spmem:s2] =	stream.indirect.scatter.add.f32 [tilespmem:s20], [sflag:$0xC], $0x80, s26, s15, $0xb8;
	[tilespmem:$0x1D600] =	vst v63  }
0x187: {  	_ =	swait.ge [sflag:s13], $0x1400  }
0x188: {  	[sflag:s13] =	ssyncset.done $0x0  }
0x189: {  	[sflag:s13] =	ssyncadd.s32 $0xFFFFEC00  }
0x18a: {  	[tilespmem:s26], [sflag:$0x2] =	stream.linear.gather [hbm4b:s7+s17], $0x28, $0x38;
	[tilespmem:$0x1D600] =	vst v63  }
0x18b: {  	s29 =	sadd.s32 $0xF0, s14  }
0x18c: {  	[tilespmem:s20], [sflag:$0x7] =	stream.indirect.gather [hbm4b:s4+s15], $0x80, s29, s15, $0xb8;
	[tilespmem:$0x1D600] =	vst v63  }
0x18d: {  	_ =	swait.ge [sflag:s21], $0x28  }
0x18e: {  	[sflag:s21] =	ssyncset.done $0x0  }
0x18f: {  	[sflag:s21] =	ssyncadd.s32 $0xFFFFFFD8  }
0x190: {  	_ =	swait.ge [sflag:s22], $0x1400  }
0x191: {  	[sflag:s22] =	ssyncset.done $0x0  }
0x192: {  	s28 =	simm.s32 $0x5200;
	s20 =	simm.s32 $0x2880;
	[sflag:s22] =	ssyncadd.s32 $0xFFFFEC00  }
0x193: {  	[spmem:s2] =	stream.indirect.scatter.add.f32 [tilespmem:s28], [sflag:$0xC], $0x80, s20, s15, $0xb8;
	[tilespmem:$0x1D600] =	vst v63  }
0x194: {  	_ =	swait.ge [sflag:s13], $0x1400  }
0x195: {  	[sflag:s13] =	ssyncset.done $0x0  }
0x196: {  	[sflag:s13] =	ssyncadd.s32 $0xFFFFEC00  }
0x197: {  	[tilespmem:s20], [sflag:$0x3] =	stream.linear.gather [hbm4b:s24+s17], $0x28, $0x38;
	[tilespmem:$0x1D600] =	vst v63  }
0x198: {  	s29 =	sadd.s32 $0x118, s14  }
0x199: {  	[tilespmem:s28], [sflag:$0x8] =	stream.indirect.gather [hbm4b:s4+s15], $0x80, s29, s15, $0xb8;
	[tilespmem:$0x1D600] =	vst v63  }
0x19a: {  	_ =	swait.ge [sflag:s23], $0x28  }
0x19b: {  	[sflag:s23] =	ssyncset.done $0x0  }
0x19c: {  	[sflag:s23] =	ssyncadd.s32 $0xFFFFFFD8  }
0x19d: {  	_ =	swait.ge [sflag:s3], $0x1400  }
0x19e: {  	[sflag:s3] =	ssyncset.done $0x0  }
0x19f: {  	s16 =	simm.s32 $0x2900;
	s29 =	simm.s32 $0x6600;
	[sflag:s3] =	ssyncadd.s32 $0xFFFFEC00  }
0x1a0: {  	[spmem:s2] =	stream.indirect.scatter.add.f32 [tilespmem:s29], [sflag:$0xC], $0x80, s16, s15, $0xb8;
	[tilespmem:$0x1D600] =	vst v63  }
0x1a1: {  	_ =	swait.ge [sflag:s13], $0x1400  }
0x1a2: {  	[sflag:s13] =	ssyncset.done $0x0  }
0x1a3: {  	[sflag:s13] =	ssyncadd.s32 $0xFFFFEC00  }
0x1a4: {  	[tilespmem:s16], [sflag:$0x4] =	stream.linear.gather [hbm4b:s5+s17], $0x28, $0x38;
	[tilespmem:$0x1D600] =	vst v63  }
0x1a5: {  	s16 =	sadd.s32 $0x140, s14  }
0x1a6: {  	[tilespmem:s29], [sflag:$0x9] =	stream.indirect.gather [hbm4b:s4+s15], $0x80, s16, s15, $0xb8;
	[tilespmem:$0x1D600] =	vst v63  }
0x1a7: {  	_ =	swait.ge [sflag:s0], $0x28  }
0x1a8: {  	p0 =	sne.s32 s25, $0x9600;
	[sflag:s0] =	ssyncset.done $0x0  }
0x1a9: {  	s25 =	sadd.s32 $0x320, s25;
	s10 =	sadd.s32 $0xC8, s10;
	[sflag:s0] =	ssyncadd.s32 $0xFFFFFFD8  }
0x1aa: {  	s11 =	simm.s32 $0x2A00;
	s6 =	simm.s32 $0x2900;
	_ =	swait.ge [sflag:s30], $0x1400  }
0x1ab: {  	s18 =	simm.s32 $0x2800;
	s19 =	simm.s32 $0x3E00;
	[sflag:s30] =	ssyncset.done $0x0  }
0x1ac: {  	s26 =	simm.s32 $0x2880;
	s29 =	simm.s32 $0x2980;
	[sflag:s30] =	ssyncadd.s32 $0xFFFFEC00  }
0x1ad: {  	[spmem:s2] =	stream.indirect.scatter.add.f32 [tilespmem:s1], [sflag:$0xC], $0x80, s29, s15, $0xb8;
	[tilespmem:$0x1D600] =	vst v63  }
.Ltmp1:
0x1ae: {  	s7 =	sadd.s32 $0x19, s7;
	_ =	swait.ge [sflag:s13], $0x1400;
	(pc) =	sbr.rel @p0 .LBB2_4-.Ltmp1, $4  }
0x1af: {  	s20 =	simm.s32 $0x5200;
	s24 =	sadd.s32 $0x19, s24;
	[sflag:s13] =	ssyncset.done $0x0  }
0x1b0: {  	s28 =	simm.s32 $0x6600;
	s14 =	sadd.s32 $0x168, s14;
	[sflag:s13] =	ssyncadd.s32 $0xFFFFEC00  }
0x1b1: {  	[tilespmem:s29], [sflag:$0x5] =	stream.linear.gather [hbm4b:s31+s17], $0x28, $0x38;
	[tilespmem:$0x1D600] =	vst v63  }
0x1b2: {  	s5 =	sadd.s32 $0x19, s5;
	s16 =	simm.s32 $0x2980;
	s31 =	sadd.s32 $0x19, s31  }
0x1b3: {  	s1 =	simm.s32 $0x7A00  }
0x1b4: {  	[tilespmem:s1], [sflag:$0xA] =	stream.indirect.gather [hbm4b:s4+s15], $0x80, s14, s15, $0xb8;
	[tilespmem:$0x1D600] =	vst v63  }
0x1b5: {  	_ =	swait.ge [sflag:s8], $0x28  }
0x1b6: {  	[sflag:s8] =	ssyncset.done $0x0  }
0x1b7: {  	[sflag:s8] =	ssyncadd.s32 $0xFFFFFFD8  }
0x1b8: {  	_ =	swait.ge [sflag:s9], $0x1400  }
0x1b9: {  	[sflag:s9] =	ssyncset.done $0x0  }
0x1ba: {  	[sflag:s9] =	ssyncadd.s32 $0xFFFFEC00  }
0x1bb: {  	[spmem:s2] =	stream.indirect.scatter.add.f32 [tilespmem:s11], [sflag:$0xC], $0x80, s12, s15, $0xb8;
	[tilespmem:$0x1D600] =	vst v63  }
0x1bc: {  	_ =	swait.ge [sflag:s13], $0x1400  }
0x1bd: {  	[sflag:s13] =	ssyncset.done $0x0  }
0x1be: {  	s5 =	simm.s32 $0x2;
	[sflag:s13] =	ssyncadd.s32 $0xFFFFEC00  }
0x1bf: {  	_ =	swait.ge [sflag:s5], $0x28  }
0x1c0: {  	[sflag:s5] =	ssyncset.done $0x0  }
0x1c1: {  	s17 =	simm.s32 $0x7;
	[sflag:s5] =	ssyncadd.s32 $0xFFFFFFD8  }
0x1c2: {  	_ =	swait.ge [sflag:s17], $0x1400  }
0x1c3: {  	[sflag:s17] =	ssyncset.done $0x0  }
0x1c4: {  	[sflag:s17] =	ssyncadd.s32 $0xFFFFEC00  }
0x1c5: {  	[spmem:s2] =	stream.indirect.scatter.add.f32 [tilespmem:s19], [sflag:$0xC], $0x80, s18, s15, $0xb8;
	[tilespmem:$0x1D600] =	vst v63  }
0x1c6: {  	_ =	swait.ge [sflag:s13], $0x1400  }
0x1c7: {  	[sflag:s13] =	ssyncset.done $0x0  }
0x1c8: {  	[sflag:s13] =	ssyncadd.s32 $0xFFFFEC00  }
0x1c9: {  	_ =	swait.ge [sflag:s21], $0x28  }
0x1ca: {  	[sflag:s21] =	ssyncset.done $0x0  }
0x1cb: {  	[sflag:s21] =	ssyncadd.s32 $0xFFFFFFD8  }
0x1cc: {  	_ =	swait.ge [sflag:s22], $0x1400  }
0x1cd: {  	[sflag:s22] =	ssyncset.done $0x0  }
0x1ce: {  	[sflag:s22] =	ssyncadd.s32 $0xFFFFEC00  }
0x1cf: {  	[spmem:s2] =	stream.indirect.scatter.add.f32 [tilespmem:s20], [sflag:$0xC], $0x80, s26, s15, $0xb8;
	[tilespmem:$0x1D600] =	vst v63  }
0x1d0: {  	_ =	swait.ge [sflag:s13], $0x1400  }
0x1d1: {  	[sflag:s13] =	ssyncset.done $0x0  }
0x1d2: {  	[sflag:s13] =	ssyncadd.s32 $0xFFFFEC00  }
0x1d3: {  	_ =	swait.ge [sflag:s23], $0x28  }
0x1d4: {  	[sflag:s23] =	ssyncset.done $0x0  }
0x1d5: {  	[sflag:s23] =	ssyncadd.s32 $0xFFFFFFD8  }
0x1d6: {  	_ =	swait.ge [sflag:s3], $0x1400  }
0x1d7: {  	[sflag:s3] =	ssyncset.done $0x0  }
0x1d8: {  	[sflag:s3] =	ssyncadd.s32 $0xFFFFEC00  }
0x1d9: {  	[spmem:s2] =	stream.indirect.scatter.add.f32 [tilespmem:s28], [sflag:$0xC], $0x80, s6, s15, $0xb8;
	[tilespmem:$0x1D600] =	vst v63  }
0x1da: {  	_ =	swait.ge [sflag:s13], $0x1400  }
0x1db: {  	[sflag:s13] =	ssyncset.done $0x0  }
0x1dc: {  	[sflag:s13] =	ssyncadd.s32 $0xFFFFEC00  }
0x1dd: {  	_ =	swait.ge [sflag:s0], $0x28  }
0x1de: {  	[sflag:s0] =	ssyncset.done $0x0  }
0x1df: {  	[sflag:s0] =	ssyncadd.s32 $0xFFFFFFD8  }
0x1e0: {  	_ =	swait.ge [sflag:s30], $0x1400  }
0x1e1: {  	[sflag:s30] =	ssyncset.done $0x0  }
0x1e2: {  	[sflag:s30] =	ssyncadd.s32 $0xFFFFEC00  }
0x1e3: {  	[spmem:s2] =	stream.indirect.scatter.add.f32 [tilespmem:s1], [sflag:$0xC], $0x80, s16, s15, $0xb8;
	[tilespmem:$0x1D600] =	vst v63  }
0x1e4: {  	_ =	swait.ge [sflag:s13], $0x1400  }
0x1e5: {  	[sflag:s13] =	ssyncset.done $0x0  }
0x1e6: {  	[sflag:s13] =	ssyncadd.s32 $0xFFFFEC00  }
0x1e7: {  	s24 =	stileid.u32;
	[bflag:$0x0] =	sbarrier.arrive $0xFFFF  }
0x1e8: {  	s5 =	sshll.u32 s24, $0x6;
	s14 =	rddreg [dreg:$0x8]  }
0x1e9: {  	s5 =	sor.u32 $0x1C0C, s5;
	s10 =	rddreg [dreg:$0x11];
	s7 =	sshrl.u32 s14, $0x3  }
0x1ea: {  	[hbm:s10], [sflag:s5] =	dma.local [spmem:s7], $0x2800  }
0x1eb: {  	_ =	swait.ge [sflag:s13], $0x2800  }
0x1ec: {  	s25 =	sld [smem:$0x7E4];
	_ =	sdelay $0x1  }
0x1ed: {  	s31 =	simm.s32 $0x2980;
	s29 =	simm.s32 $0x4  }
0x1ee: {  	s8 =	simm.s32 $0x6;
	s26 =	rddreg [dreg:$0x12];
	s1 =	sadd.s32 $0x1, s25  }
0x1ef: {  	s17 =	simm.s32 $0x2A00;
	s18 =	simm.s32 $0x2800;
	p0 =	sne.s32 s1, s26  }
.Ltmp2:
0x1f0: {  	s19 =	simm.s32 $0x3E00;
	s20 =	simm.s32 $0x2880;
	(pc) =	sbr.rel @p0 .LBB2_1-.Ltmp2, $4  }
0x1f1: {  	s23 =	simm.s32 $0x9;
	s3 =	simm.s32 $0x0;
	s28 =	simm.s32 $0x6600  }
0x1f2: {  	s6 =	simm.s32 $0x1;
	s0 =	simm.s32 $0x7A00;
	s30 =	simm.s32 $0x5  }
0x1f3: {  	s16 =	simm.s32 $0x2780;
	[sflag:s13] =	ssyncset.done $0x0;
	s10 =	rddreg [dreg:$0x3]  }
0x1f4: {  	[sflag:s13] =	ssyncadd.s32 $0xFFFFD800;
	s25 =	simm.s32 $0x5200;
	s26 =	simm.s32 $0x2900  }
0x1f5: {  	_ =	sfence.sel $0x180000  }
0x1f6: {  	[bflag:$0x0] =	sbarrier.arrive $0xFFFF  }
0x1f7: {  	_ =	strace $0x9000004D  }
0x1f8: {  	s0 =	stileid.u32;
	[bflag:$0x2] =	sbarrier.arrive $0xFFFF  }
0x1f9: {  	p0 =	sne.s32 s0, $0x0;
	s0 =	rddreg [dreg:$0x2]  }
0x1fa: {  	s0 =	sadd.s32 @!p0 $0x100000, s0  }
0x1fb: {  	[sflag:s0] =	ssyncadd.tile.s32 @!p0 $0x1;
	_ =	shalt  }
.Lfunc_end2:
_tile_overlayer_lowered:
.L_overlay_start_2:
0x1fc: {  	(tag) =	ssettag $0x2  }
0x1fd: {  	s0 =	rddreg [dreg:$0x0];
	s2 =	stileid.u32  }
0x1fe: {  	s1 =	rddreg [dreg:$0x1];
	p0 =	sne.s32 s2, $0x0  }
0x1ff: {  	s3 =	rddreg [dreg:$0x2];
	[bflag:$0x3] =	sbarrier.arrive $0xFFFF;
	s2 =	simm.s32 @!p0 $0x1C0C  }
0x200: {  	[timem:s3], [sflag:s2] =	dma.local @!p0 [hbm:s0], s1  }
0x201: {  	s0 =	simm.s32 @!p0 $0xC  }
0x202: {  	_ =	swait.ge @!p0 [sflag:s0], s1  }
0x203: {  	s1 =	ssub.s32 @!p0 $0x0, s1;
	[sflag:s0] =	ssyncset.done @!p0 $0x0  }
0x204: {  	[sflag:s0] =	ssyncadd.s32 @!p0 s1  }
0x205: {  	[bflag:$0x3] =	sbarrier.arrive $0xFFFF  }
0x206: {  	_ =	shalt  }

</sc_bundles>
